<compile_context>
chip_gen: v7x
topology: tpu7x:2x2x1
jax: 0.10.2.dev20260603
libtpu: 0.0.44.dev20260713+nightly
codegen_flags: <defaults>
</compile_context>

<pallas_src>
import numpy as np

import jax
import jax.numpy as jnp
from jax import lax
from jax.experimental import pallas as pl
from jax.experimental.pallas import tpu as pltpu
from jax.experimental.pallas import tpu_sc as plsc

N = 10000
D = 128
E = 320000
NC = 2
NS = 16
L = 16
DH = D // NC
CH = 128
NCHUNK = 164
CNTS = [164] * 14 + [124, 92]
EPAD = sum(CNTS) * CH
NP = N + (EPAD - E)
NB = 80
NBLK = N // NB
TAB = 2048

with np.errstate(divide="ignore"):
  _RTAB = (np.arange(TAB, dtype=np.float32) ** np.float32(-0.5)).astype(
      np.float32)


def _body(xh, rowh, colh, rtabh, outh,
          acc_s, tbl_s, deg_s, s_s, u_s,
          gA, gB, gC, gD, ibA, ibB, ibC, ibD, cbA, cbB, cbC, cbD,
          uv, uw, sv, rtab_t,
          semIA, semIB, semIC, semID, semA, semB, semC, semD,
          semSA, semSB, semSC, semSD):
  c = lax.axis_index("c")
  s = lax.axis_index("s")
  nch = (NCHUNK - jnp.where(s == 14, NCHUNK - CNTS[14], 0)
         - jnp.where(s == 15, NCHUNK - CNTS[15], 0))

  zero16 = jnp.zeros((L,), jnp.float32)
  one16 = jnp.ones((L,), jnp.float32)

  pltpu.sync_copy(rtabh, rtab_t)

  dsrc_f = rtabh.at[pl.ds(0, CH)]
  dsrc_i = rowh.at[0, 0]
  dsrc_g = xh.at[0, pl.ds(0, CH)]

  def _zero_rows(ref, nrows):
    def zr(r, carry):
      for j in range(DH // L):
        ref[r, pl.ds(j * L, L)] = zero16
      return carry
    lax.fori_loop(0, nrows, zr, 0)

  _zero_rows(gA, NB)

  def zsv(i, carry):
    sv[pl.ds(i * L, L)] = zero16
    return carry
  lax.fori_loop(0, NB // L, zsv, 0)

  def ouv(i, carry):
    uv[pl.ds(i * L, L)] = one16
    return carry
  lax.fori_loop(0, CH // L, ouv, 0)

  def _for_owned_blocks(fn):
    def blk(b, carry):
      @pl.when(lax.rem(b, NS) == s)
      def _():
        fn(b)
      return carry
    lax.fori_loop(0, NBLK, blk, 0)

  def zshared(b):
    pltpu.sync_copy(gA.at[pl.ds(0, NB)], acc_s.at[pl.ds(b * NB, NB)])
    pltpu.sync_copy(sv, deg_s.at[pl.ds(b * NB, NB)])
    pltpu.sync_copy(sv, s_s.at[pl.ds(b * NB, NB)])
  with jax.named_scope("ph_zero"):
    _for_owned_blocks(zshared)
  plsc.subcore_barrier()

  def degk(g, carry):
    k = 2 * g
    ring2 = ((0, (cbA, semIA, semSA)), (1, (cbB, semIB, semSB)))
    for i, (cb, si, ss) in ring2:
      @pl.when(g > 0)
      def _():
        pltpu.make_async_copy(dsrc_f, uv, ss).wait()
      pltpu.async_copy(colh.at[s, k + i], cb, si)
    for i, (cb, si, ss) in ring2:
      pltpu.make_async_copy(dsrc_i, cb, si).wait()
      pltpu.async_copy(uv, deg_s.at[cb], ss, add=True)
    return carry
  with jax.named_scope("ph_deg"):
    lax.fori_loop(0, nch // 2, degk, 0)
    pltpu.make_async_copy(dsrc_f, uv, semSA).wait()
    pltpu.make_async_copy(dsrc_f, uv, semSB).wait()
  plsc.subcore_barrier()

  def _scale_rows(get_scale):
    def srow(r, carry):
      sc = get_scale(r)
      for j in range(DH // L):
        gA[r, pl.ds(j * L, L)] = gA[r, pl.ds(j * L, L)] * sc
      return carry
    lax.fori_loop(0, NB, srow, 0)

  def _bcast(ref, r):
    return plsc.load_gather(ref, [jnp.full((L,), r, jnp.int32)])

  def ublk(b):
    pltpu.sync_copy(deg_s.at[pl.ds(b * NB, NB)], sv)
    def urow(i, carry):
      dv = sv[pl.ds(i * L, L)]
      di = jnp.minimum(dv.astype(jnp.int32), TAB - 1)
      t = dv * plsc.load_gather(rtab_t, [di])
      for _ in range(8):
        t = 0.5 * (t + dv / t)
      sv[pl.ds(i * L, L)] = t / dv
      return carry
    lax.fori_loop(0, NB // L, urow, 0)
    pltpu.sync_copy(sv, u_s.at[pl.ds(b * NB, NB)])
    pltpu.sync_copy(xh.at[c, pl.ds(b * NB, NB)], gA.at[pl.ds(0, NB)])
    _scale_rows(lambda r: _bcast(sv, r))
    pltpu.sync_copy(gA.at[pl.ds(0, NB)], tbl_s.at[pl.ds(b * NB, NB)])
  with jax.named_scope("ph_u"):
    _for_owned_blocks(ublk)
  plsc.subcore_barrier()

  def sk(g, carry):
    k = 2 * g
    ring2 = ((0, (ibA, cbA, uv, semIA, semA, semSA)),
             (1, (ibB, cbB, uw, semIB, semB, semSB)))
    for i, (ib, cb, vb, si, sg, ss) in ring2:
      @pl.when(g > 0)
      def _():
        pltpu.make_async_copy(dsrc_f, vb, ss).wait()
      pltpu.async_copy(rowh.at[s, k + i], ib, si)
      pltpu.async_copy(colh.at[s, k + i], cb, si)
    for i, (ib, cb, vb, si, sg, ss) in ring2:
      pltpu.make_async_copy(dsrc_i, ib, si).wait()
      pltpu.make_async_copy(dsrc_i, cb, si).wait()
      pltpu.async_copy(u_s.at[ib], vb, sg)
    for i, (ib, cb, vb, si, sg, ss) in ring2:
      pltpu.make_async_copy(dsrc_f, vb, sg).wait()
      pltpu.async_copy(vb, s_s.at[cb], ss, add=True)
    return carry
  with jax.named_scope("ph_S"):
    lax.fori_loop(0, nch // 2, sk, 0)
    pltpu.make_async_copy(dsrc_f, uv, semSA).wait()
    pltpu.make_async_copy(dsrc_f, uw, semSB).wait()

  ring4 = ((0, (gA, ibA, cbA, semIA, semA, semSA)),
           (1, (gB, ibB, cbB, semIB, semB, semSB)),
           (2, (gC, ibC, cbC, semIC, semC, semSC)),
           (3, (gD, ibD, cbD, semID, semD, semSD)))

  def edge_pass():
    def ep(g, carry):
      k = 4 * g
      for i, (gb, ib, cb, si, sg, ss) in ring4:
        @pl.when(g > 0)
        def _():
          pltpu.make_async_copy(dsrc_g, gb, ss).wait()
        pltpu.async_copy(rowh.at[s, k + i], ib, si)
        pltpu.async_copy(colh.at[s, k + i], cb, si)
      for i, (gb, ib, cb, si, sg, ss) in ring4:
        pltpu.make_async_copy(dsrc_i, ib, si).wait()
        pltpu.make_async_copy(dsrc_i, cb, si).wait()
        pltpu.async_copy(tbl_s.at[ib], gb, sg)
      for i, (gb, ib, cb, si, sg, ss) in ring4:
        pltpu.make_async_copy(dsrc_g, gb, sg).wait()
        pltpu.async_copy(gb, acc_s.at[cb], ss, add=True)
      return carry
    lax.fori_loop(0, nch // 4, ep, 0)
    for i, (gb, ib, cb, si, sg, ss) in ring4:
      pltpu.make_async_copy(dsrc_g, gb, ss).wait()

  with jax.named_scope("ph_edge1"):
    edge_pass()
  plsc.subcore_barrier()

  _zero_rows(gB, NB)

  def hblk(b):
    pltpu.sync_copy(acc_s.at[pl.ds(b * NB, NB)], gA.at[pl.ds(0, NB)])
    pltpu.sync_copy(s_s.at[pl.ds(b * NB, NB)], sv)
    pltpu.sync_copy(u_s.at[pl.ds(b * NB, NB)], uv.at[pl.ds(0, NB)])
    def us_scale(r):
      uu = _bcast(uv, r)
      ss = _bcast(sv, r)
      return jnp.where(ss > 0.0, uu / ss, 0.0)
    _scale_rows(us_scale)
    pltpu.sync_copy(gA.at[pl.ds(0, NB)], tbl_s.at[pl.ds(b * NB, NB)])
    pltpu.sync_copy(gB.at[pl.ds(0, NB)], acc_s.at[pl.ds(b * NB, NB)])
  with jax.named_scope("ph_hscale"):
    _for_owned_blocks(hblk)
  plsc.subcore_barrier()

  with jax.named_scope("ph_edge2"):
    edge_pass()
  plsc.subcore_barrier()

  def kblk(b):
    pltpu.sync_copy(acc_s.at[pl.ds(b * NB, NB)], gA.at[pl.ds(0, NB)])
    pltpu.sync_copy(s_s.at[pl.ds(b * NB, NB)], sv)
    def inv_s(r):
      ss = _bcast(sv, r)
      return jnp.where(ss > 0.0, 1.0 / ss, 0.0)
    _scale_rows(inv_s)
    pltpu.sync_copy(gA.at[pl.ds(0, NB)], outh.at[c, pl.ds(b * NB, NB)])
  with jax.named_scope("ph_out"):
    _for_owned_blocks(kblk)


_mesh = plsc.VectorSubcoreMesh(
    core_axis_name="c", subcore_axis_name="s", num_cores=NC, num_subcores=NS)

_gcn2 = pl.kernel(
    _body,
    out_type=[
        jax.ShapeDtypeStruct((NC, N, DH), jnp.float32),
    ],
    mesh=_mesh,
    compiler_params=pltpu.CompilerParams(
        needs_layout_passes=False, use_tc_tiling_on_sc=False),
    scratch_types=[
        pltpu.VMEM_SHARED((NP, DH), jnp.float32),
        pltpu.VMEM_SHARED((N, DH), jnp.float32),
        pltpu.VMEM_SHARED((NP,), jnp.float32),
        pltpu.VMEM_SHARED((NP,), jnp.float32),
        pltpu.VMEM_SHARED((NP,), jnp.float32),
        pltpu.VMEM((CH, DH), jnp.float32),
        pltpu.VMEM((CH, DH), jnp.float32),
        pltpu.VMEM((CH, DH), jnp.float32),
        pltpu.VMEM((CH, DH), jnp.float32),
        pltpu.VMEM((CH,), jnp.int32),
        pltpu.VMEM((CH,), jnp.int32),
        pltpu.VMEM((CH,), jnp.int32),
        pltpu.VMEM((CH,), jnp.int32),
        pltpu.VMEM((CH,), jnp.int32),
        pltpu.VMEM((CH,), jnp.int32),
        pltpu.VMEM((CH,), jnp.int32),
        pltpu.VMEM((CH,), jnp.int32),
        pltpu.VMEM((CH,), jnp.float32),
        pltpu.VMEM((CH,), jnp.float32),
        pltpu.VMEM((NB,), jnp.float32),
        pltpu.VMEM((TAB,), jnp.float32),
    ] + [pltpu.SemaphoreType.DMA] * 12,
)


@jax.jit
def kernel(x, edge_index):
  ei = edge_index.astype(jnp.int32)
  npad = EPAD - E
  row = jnp.concatenate([ei[0], jnp.zeros((npad,), jnp.int32)])
  col = jnp.concatenate([ei[1], N + jnp.arange(npad, dtype=jnp.int32)])
  chrow = row.reshape(-1, CH)
  chcol = col.reshape(-1, CH)
  starts = np.concatenate([[0], np.cumsum(CNTS)])
  def slabs(ch):
    out = []
    for t in range(NS):
      sl = ch[starts[t]:starts[t + 1]]
      out.append(jnp.pad(sl, ((0, NCHUNK - CNTS[t]), (0, 0))))
    return jnp.stack(out)
  row3 = slabs(chrow)
  col3 = slabs(chcol)
  xhalves = jnp.stack([x[:, :DH], x[:, DH:]])
  (outh,) = _gcn2(xhalves, row3, col3, jnp.asarray(_RTAB))
  return jnp.concatenate([outh[0], outh[1]], axis=1)

# --- scband reference (transcript-rebuilt; emitter-appended) ---
"""Pipeline reference for scband-att-gcn-59725815218266 (READ-ONLY COPY).

The authoritative reference and input builder live on the scoring server;
editing this copy changes nothing except your own understanding.
"""

import jax, jax.numpy as jnp
import numpy as np


def gcn_conv(x, edge_index):
    row = edge_index[0]
    col = edge_index[1]
    num_objects = x.shape[0]
    # degree(col, num_objects)
    deg = jnp.bincount(col, length=num_objects).astype(x.dtype)
    deg_inv_sqrt = jnp.power(deg, -0.5)
    norm = deg_inv_sqrt[row] * deg_inv_sqrt[col]
    # weights = scatter(norm, col, reduce='sum')
    weights = jax.ops.segment_sum(norm, col, num_segments=num_objects)
    # norm[i] /= weights[col[i]]  (vectorized form of the python loop)
    norm = norm / weights[col]
    # propagate: message = norm.view(-1,1) * x_j (x_j = x[row]), aggr='add' at col
    msg = norm[:, None] * x[row]
    out = jax.ops.segment_sum(msg, col, num_segments=num_objects)
    return out


def setup_inputs(seed: int = 0) -> dict:
    key = jax.random.key(seed)
    k1, k2 = jax.random.split(key)
    x = jax.random.normal(k1, (10000, 128), dtype=jnp.float32)
    edge_index = jax.random.randint(k2, (2, 320000), 0, 10000).astype(jnp.int64)
    return {"x": x, "edge_index": edge_index}


def reference(x, edge_index):
    x = gcn_conv(x, edge_index)
    x = gcn_conv(x, edge_index)
    return x

if __name__ == "__main__":
    import jax
    _d = setup_inputs()
    print(jax.jit(kernel)(*tuple(_d.values())))

</pallas_src>

<mosaic_0001>
#map = affine_map<(d0, d1) -> (0, 0, 0)>
#map1 = affine_map<(d0, d1) -> (0)>
module attributes {stable_mosaic.version = 14 : i64} {
  func.func @_body(%arg0: i32, %arg1: i32, %arg2: memref<2x10000x64xf32, #tpu.memory_space<hbm>>, %arg3: memref<16x164x128xi32, #tpu.memory_space<hbm>>, %arg4: memref<16x164x128xi32, #tpu.memory_space<hbm>>, %arg5: memref<2048xf32, #tpu.memory_space<hbm>>, %arg6: memref<2x10000x64xf32, #tpu.memory_space<hbm>>, %arg7: memref<11536x64xf32, #tpu.memory_space<vmem_shared>>, %arg8: memref<10000x64xf32, #tpu.memory_space<vmem_shared>>, %arg9: memref<11536xf32, #tpu.memory_space<vmem_shared>>, %arg10: memref<11536xf32, #tpu.memory_space<vmem_shared>>, %arg11: memref<11536xf32, #tpu.memory_space<vmem_shared>>, %arg12: memref<128x64xf32, #tpu.memory_space<vmem>>, %arg13: memref<128x64xf32, #tpu.memory_space<vmem>>, %arg14: memref<128x64xf32, #tpu.memory_space<vmem>>, %arg15: memref<128x64xf32, #tpu.memory_space<vmem>>, %arg16: memref<128xi32, #tpu.memory_space<vmem>>, %arg17: memref<128xi32, #tpu.memory_space<vmem>>, %arg18: memref<128xi32, #tpu.memory_space<vmem>>, %arg19: memref<128xi32, #tpu.memory_space<vmem>>, %arg20: memref<128xi32, #tpu.memory_space<vmem>>, %arg21: memref<128xi32, #tpu.memory_space<vmem>>, %arg22: memref<128xi32, #tpu.memory_space<vmem>>, %arg23: memref<128xi32, #tpu.memory_space<vmem>>, %arg24: memref<128xf32, #tpu.memory_space<vmem>>, %arg25: memref<128xf32, #tpu.memory_space<vmem>>, %arg26: memref<80xf32, #tpu.memory_space<vmem>>, %arg27: memref<2048xf32, #tpu.memory_space<vmem>>, %arg28: memref<!tpu.dma_semaphore, #tpu.memory_space<semaphore_mem>>, %arg29: memref<!tpu.dma_semaphore, #tpu.memory_space<semaphore_mem>>, %arg30: memref<!tpu.dma_semaphore, #tpu.memory_space<semaphore_mem>>, %arg31: memref<!tpu.dma_semaphore, #tpu.memory_space<semaphore_mem>>, %arg32: memref<!tpu.dma_semaphore, #tpu.memory_space<semaphore_mem>>, %arg33: memref<!tpu.dma_semaphore, #tpu.memory_space<semaphore_mem>>, %arg34: memref<!tpu.dma_semaphore, #tpu.memory_space<semaphore_mem>>, %arg35: memref<!tpu.dma_semaphore, #tpu.memory_space<semaphore_mem>>, %arg36: memref<!tpu.dma_semaphore, #tpu.memory_space<semaphore_mem>>, %arg37: memref<!tpu.dma_semaphore, #tpu.memory_space<semaphore_mem>>, %arg38: memref<!tpu.dma_semaphore, #tpu.memory_space<semaphore_mem>>, %arg39: memref<!tpu.dma_semaphore, #tpu.memory_space<semaphore_mem>>) attributes {dimension_semantics = [#tpu.dimension_semantics<core_parallel>, #tpu.dimension_semantics<subcore_parallel>], iteration_bounds = array<i64: 2, 16>, scalar_prefetch = 0 : i64, scratch_operands = 33 : i64, tpu.core_type = #tpu.core_type<sc_vector_subcore>, window_params = [{transform_indices = #map}, {transform_indices = #map}, {transform_indices = #map}, {transform_indices = #map1}, {transform_indices = #map}]} {
    %eq3A = arith.constant 14 : i32
    %eq3A_0 = arith.cmpi eq, %arg1, %eq3A : i32
    %jit3A = arith.constant 40 : i32
    %jit3A_1 = arith.constant 0 : i32
    %select_n3A = arith.select %eq3A_0, %jit3A, %jit3A_1 : i32
    %sub3A = arith.constant 164 : i32
    %sub3A_2 = arith.subi %sub3A, %select_n3A : i32
    %eq3A_3 = arith.constant 15 : i32
    %eq3A_4 = arith.cmpi eq, %arg1, %eq3A_3 : i32
    %jit3A_5 = arith.constant 72 : i32
    %jit3A_6 = arith.constant 0 : i32
    %select_n3A_7 = arith.select %eq3A_4, %jit3A_5, %jit3A_6 : i32
    %sub3A_8 = arith.subi %sub3A_2, %select_n3A_7 : i32
    %broadcast_in_dim3A = arith.constant 0.000000e+00 : f32
    %broadcast_in_dim3A_9 = vector.broadcast %broadcast_in_dim3A : f32 to vector<16xf32>
    %broadcast_in_dim3A_10 = arith.constant 1.000000e+00 : f32
    %broadcast_in_dim3A_11 = vector.broadcast %broadcast_in_dim3A_10 : f32 to vector<16xf32>
    "tpu.region"() ({
      %run_scoped3A = tpu.sem_alloc : memref<!tpu.dma_semaphore, #tpu.memory_space<semaphore_mem>>
      tpu.enqueue_dma source(%arg5 : memref<2048xf32, #tpu.memory_space<hbm>>) target(%arg27 : memref<2048xf32, #tpu.memory_space<vmem>>) target_semaphore(%run_scoped3A : memref<!tpu.dma_semaphore, #tpu.memory_space<semaphore_mem>>)
      tpu.wait_dma2 semaphore(%run_scoped3A : memref<!tpu.dma_semaphore, #tpu.memory_space<semaphore_mem>>) src(%arg5 : memref<2048xf32, #tpu.memory_space<hbm>>) dst(%arg27 : memref<2048xf32, #tpu.memory_space<vmem>>)
      tpu.yield
    }) : () -> ()
    %scan3A = arith.constant 0 : i32
    %scan3A_12 = arith.constant 0 : i32
    %scan3A_13 = arith.constant 80 : i32
    %scan3A_14 = arith.addi %scan3A_12, %scan3A_13 : i32
    %scan3A_15 = arith.constant 1 : i32
    scf.for %scan3A_291 = %scan3A_12 to %scan3A_14 step %scan3A_15  : i32 {
      %swap3A = arith.index_cast %scan3A_291 : i32 to index
      %swap3A_292 = arith.constant 0 : index
      %swap3A_293 = tpu.vector_load %arg12[%swap3A, %swap3A_292] {strides = array<i32>} : memref<128x64xf32, #tpu.memory_space<vmem>>, vector<16xf32>,
      tpu.vector_store %arg12[%swap3A, %swap3A_292], %broadcast_in_dim3A_9 {strides = array<i32>} : memref<128x64xf32, #tpu.memory_space<vmem>>, vector<16xf32>,
      %swap3A_294 = arith.index_cast %scan3A_291 : i32 to index
      %swap3A_295 = arith.constant 16 : index
      %swap3A_296 = tpu.vector_load %arg12[%swap3A_294, %swap3A_295] {strides = array<i32>} : memref<128x64xf32, #tpu.memory_space<vmem>>, vector<16xf32>,
      tpu.vector_store %arg12[%swap3A_294, %swap3A_295], %broadcast_in_dim3A_9 {strides = array<i32>} : memref<128x64xf32, #tpu.memory_space<vmem>>, vector<16xf32>,
      %swap3A_297 = arith.index_cast %scan3A_291 : i32 to index
      %swap3A_298 = arith.constant 32 : index
      %swap3A_299 = tpu.vector_load %arg12[%swap3A_297, %swap3A_298] {strides = array<i32>} : memref<128x64xf32, #tpu.memory_space<vmem>>, vector<16xf32>,
      tpu.vector_store %arg12[%swap3A_297, %swap3A_298], %broadcast_in_dim3A_9 {strides = array<i32>} : memref<128x64xf32, #tpu.memory_space<vmem>>, vector<16xf32>,
      %swap3A_300 = arith.index_cast %scan3A_291 : i32 to index
      %swap3A_301 = arith.constant 48 : index
      %swap3A_302 = tpu.vector_load %arg12[%swap3A_300, %swap3A_301] {strides = array<i32>} : memref<128x64xf32, #tpu.memory_space<vmem>>, vector<16xf32>,
      tpu.vector_store %arg12[%swap3A_300, %swap3A_301], %broadcast_in_dim3A_9 {strides = array<i32>} : memref<128x64xf32, #tpu.memory_space<vmem>>, vector<16xf32>,
    }
    %scan3A_16 = arith.constant 80 : i32
    %scan3A_17 = arith.constant 0 : i32
    %scan3A_18 = arith.constant 0 : i32
    %scan3A_19 = arith.constant 5 : i32
    %scan3A_20 = arith.addi %scan3A_18, %scan3A_19 : i32
    %scan3A_21 = arith.constant 1 : i32
    scf.for %scan3A_291 = %scan3A_18 to %scan3A_20 step %scan3A_21  : i32 {
      %mul3A = arith.constant 16 : i32
      %mul3A_292 = arith.muli %scan3A_291, %mul3A : i32
      %swap3A = arith.index_cast %mul3A_292 : i32 to index
      %swap3A_293 = tpu.vector_load %arg26[%swap3A] {strides = array<i32>} : memref<80xf32, #tpu.memory_space<vmem>>, vector<16xf32>,
      tpu.vector_store %arg26[%swap3A], %broadcast_in_dim3A_9 {strides = array<i32>} : memref<80xf32, #tpu.memory_space<vmem>>, vector<16xf32>,
    }
    %scan3A_22 = arith.constant 5 : i32
    %scan3A_23 = arith.constant 0 : i32
    %scan3A_24 = arith.constant 0 : i32
    %scan3A_25 = arith.constant 8 : i32
    %scan3A_26 = arith.addi %scan3A_24, %scan3A_25 : i32
    %scan3A_27 = arith.constant 1 : i32
    scf.for %scan3A_291 = %scan3A_24 to %scan3A_26 step %scan3A_27  : i32 {
      %mul3A = arith.constant 16 : i32
      %mul3A_292 = arith.muli %scan3A_291, %mul3A : i32
      %swap3A = arith.index_cast %mul3A_292 : i32 to index
      %swap3A_293 = tpu.vector_load %arg24[%swap3A] {strides = array<i32>} : memref<128xf32, #tpu.memory_space<vmem>>, vector<16xf32>,
      tpu.vector_store %arg24[%swap3A], %broadcast_in_dim3A_11 {strides = array<i32>} : memref<128xf32, #tpu.memory_space<vmem>>, vector<16xf32>,
    }
    %scan3A_28 = arith.constant 8 : i32
    "tpu.trace_start"() <{level = 10 : i32, message = "ph_zero"}> : () -> ()
    %scan3A_29 = arith.constant 0 : i32
    %scan3A_30 = arith.constant 0 : i32
    %scan3A_31 = arith.constant 125 : i32
    %scan3A_32 = arith.addi %scan3A_30, %scan3A_31 : i32
    %scan3A_33 = arith.constant 1 : i32
    scf.for %scan3A_291 = %scan3A_30 to %scan3A_32 step %scan3A_33  : i32 {
      %rem3A_292 = arith.constant 16 : i32
      %rem3A_293 = arith.remsi %scan3A_291, %rem3A_292 : i32
      %eq3A_294 = arith.cmpi eq, %rem3A_293, %arg1 : i32
      %convert_element_type3A = arith.extui %eq3A_294 : i1 to i32
      %cond3A = arith.constant 0 : i32
      %cond3A_295 = arith.cmpi ne, %convert_element_type3A, %cond3A : i32
      scf.if %cond3A_295 {
        %mul3A = arith.constant 80 : i32
        %mul3A_296 = arith.muli %scan3A_291, %mul3A : i32
        "tpu.region"() ({
          %run_scoped3A = tpu.sem_alloc : memref<!tpu.dma_semaphore, #tpu.memory_space<semaphore_mem>>
          %dma_start3A = arith.constant 0 : i32
          %dma_start3A_301 = arith.constant 0 : i32
          %dma_start3A_302 = tpu.memref_slice %arg12[%dma_start3A, %dma_start3A_301] : memref<128x64xf32, #tpu.memory_space<vmem>> -> memref<80x64xf32, #tpu.memory_space<vmem>>
          %dma_start3A_303 = arith.constant 0 : i32
          %dma_start3A_304 = tpu.memref_slice %arg7[%mul3A_296, %dma_start3A_303] : memref<11536x64xf32, #tpu.memory_space<vmem_shared>> -> memref<80x64xf32, #tpu.memory_space<vmem_shared>>
          %dma_start3A_305 = arith.constant 0 : i32
          %dma_start3A_306 = tpu.memref_slice %arg7[%mul3A_296, %dma_start3A_305] : memref<11536x64xf32, #tpu.memory_space<vmem_shared>> -> memref<80x64xf32, #tpu.memory_space<vmem_shared>>
          %dma_start3A_307 = arith.constant 0 : i32
          %dma_start3A_308 = arith.constant 0 : i32
          %dma_start3A_309 = tpu.memref_slice %arg12[%dma_start3A_307, %dma_start3A_308] : memref<128x64xf32, #tpu.memory_space<vmem>> -> memref<80x64xf32, #tpu.memory_space<vmem>>
          tpu.enqueue_dma source(%dma_start3A_309 : memref<80x64xf32, #tpu.memory_space<vmem>>) target(%dma_start3A_306 : memref<80x64xf32, #tpu.memory_space<vmem_shared>>) target_semaphore(%run_scoped3A : memref<!tpu.dma_semaphore, #tpu.memory_space<semaphore_mem>>)
          %dma_wait3A_310 = arith.constant 0 : i32
          %dma_wait3A_311 = arith.constant 0 : i32
          %dma_wait3A_312 = tpu.memref_slice %arg12[%dma_wait3A_310, %dma_wait3A_311] : memref<128x64xf32, #tpu.memory_space<vmem>> -> memref<80x64xf32, #tpu.memory_space<vmem>>
          %dma_wait3A_313 = arith.constant 0 : i32
          %dma_wait3A_314 = tpu.memref_slice %arg7[%mul3A_296, %dma_wait3A_313] : memref<11536x64xf32, #tpu.memory_space<vmem_shared>> -> memref<80x64xf32, #tpu.memory_space<vmem_shared>>
          %dma_wait3A_315 = arith.constant 0 : i32
          %dma_wait3A_316 = tpu.memref_slice %arg7[%mul3A_296, %dma_wait3A_315] : memref<11536x64xf32, #tpu.memory_space<vmem_shared>> -> memref<80x64xf32, #tpu.memory_space<vmem_shared>>
          %dma_wait3A_317 = arith.constant 0 : i32
          %dma_wait3A_318 = arith.constant 0 : i32
          %dma_wait3A_319 = tpu.memref_slice %arg12[%dma_wait3A_317, %dma_wait3A_318] : memref<128x64xf32, #tpu.memory_space<vmem>> -> memref<80x64xf32, #tpu.memory_space<vmem>>
          tpu.wait_dma2 semaphore(%run_scoped3A : memref<!tpu.dma_semaphore, #tpu.memory_space<semaphore_mem>>) src(%dma_wait3A_319 : memref<80x64xf32, #tpu.memory_space<vmem>>) dst(%dma_wait3A_316 : memref<80x64xf32, #tpu.memory_space<vmem_shared>>)
          tpu.yield
        }) : () -> ()
        %mul3A_297 = arith.constant 80 : i32
        %mul3A_298 = arith.muli %scan3A_291, %mul3A_297 : i32
        "tpu.region"() ({
          %run_scoped3A = tpu.sem_alloc : memref<!tpu.dma_semaphore, #tpu.memory_space<semaphore_mem>>
          %dma_start3A = tpu.memref_slice %arg9[%mul3A_298] : memref<11536xf32, #tpu.memory_space<vmem_shared>> -> memref<80xf32, #tpu.memory_space<vmem_shared>>
          %dma_start3A_301 = tpu.memref_slice %arg9[%mul3A_298] : memref<11536xf32, #tpu.memory_space<vmem_shared>> -> memref<80xf32, #tpu.memory_space<vmem_shared>>
          tpu.enqueue_dma source(%arg26 : memref<80xf32, #tpu.memory_space<vmem>>) target(%dma_start3A_301 : memref<80xf32, #tpu.memory_space<vmem_shared>>) target_semaphore(%run_scoped3A : memref<!tpu.dma_semaphore, #tpu.memory_space<semaphore_mem>>)
          %dma_wait3A_302 = tpu.memref_slice %arg9[%mul3A_298] : memref<11536xf32, #tpu.memory_space<vmem_shared>> -> memref<80xf32, #tpu.memory_space<vmem_shared>>
          %dma_wait3A_303 = tpu.memref_slice %arg9[%mul3A_298] : memref<11536xf32, #tpu.memory_space<vmem_shared>> -> memref<80xf32, #tpu.memory_space<vmem_shared>>
          tpu.wait_dma2 semaphore(%run_scoped3A : memref<!tpu.dma_semaphore, #tpu.memory_space<semaphore_mem>>) src(%arg26 : memref<80xf32, #tpu.memory_space<vmem>>) dst(%dma_wait3A_303 : memref<80xf32, #tpu.memory_space<vmem_shared>>)
          tpu.yield
        }) : () -> ()
        %mul3A_299 = arith.constant 80 : i32
        %mul3A_300 = arith.muli %scan3A_291, %mul3A_299 : i32
        "tpu.region"() ({
          %run_scoped3A = tpu.sem_alloc : memref<!tpu.dma_semaphore, #tpu.memory_space<semaphore_mem>>
          %dma_start3A = tpu.memref_slice %arg10[%mul3A_300] : memref<11536xf32, #tpu.memory_space<vmem_shared>> -> memref<80xf32, #tpu.memory_space<vmem_shared>>
          %dma_start3A_301 = tpu.memref_slice %arg10[%mul3A_300] : memref<11536xf32, #tpu.memory_space<vmem_shared>> -> memref<80xf32, #tpu.memory_space<vmem_shared>>
          tpu.enqueue_dma source(%arg26 : memref<80xf32, #tpu.memory_space<vmem>>) target(%dma_start3A_301 : memref<80xf32, #tpu.memory_space<vmem_shared>>) target_semaphore(%run_scoped3A : memref<!tpu.dma_semaphore, #tpu.memory_space<semaphore_mem>>)
          %dma_wait3A_302 = tpu.memref_slice %arg10[%mul3A_300] : memref<11536xf32, #tpu.memory_space<vmem_shared>> -> memref<80xf32, #tpu.memory_space<vmem_shared>>
          %dma_wait3A_303 = tpu.memref_slice %arg10[%mul3A_300] : memref<11536xf32, #tpu.memory_space<vmem_shared>> -> memref<80xf32, #tpu.memory_space<vmem_shared>>
          tpu.wait_dma2 semaphore(%run_scoped3A : memref<!tpu.dma_semaphore, #tpu.memory_space<semaphore_mem>>) src(%arg26 : memref<80xf32, #tpu.memory_space<vmem>>) dst(%dma_wait3A_303 : memref<80xf32, #tpu.memory_space<vmem_shared>>)
          tpu.yield
        }) : () -> ()
      } else {
      }
    }
    %scan3A_34 = arith.constant 125 : i32
    "tpu.trace_stop"() : () -> ()
    %barrier3A = arith.constant 0 : index
    tpu.barrier barrier_id(%barrier3A)
    %jit3A_35 = arith.constant 2 : i32
    "tpu.trace_start"() <{level = 10 : i32, message = "ph_deg"}> : () -> ()
    %div3A = arith.divsi %sub3A_8, %jit3A_35 : i32
    %sign3A = arith.constant 0 : i32
    %sign3A_36 = arith.cmpi sgt, %sub3A_8, %sign3A : i32
    %sign3A_37 = arith.extui %sign3A_36 : i1 to i32
    %sign3A_38 = arith.constant 0 : i32
    %sign3A_39 = arith.cmpi slt, %sub3A_8, %sign3A_38 : i32
    %sign3A_40 = arith.extui %sign3A_39 : i1 to i32
    %sign3A_41 = arith.subi %sign3A_37, %sign3A_40 : i32
    %sign3A_42 = arith.constant 0 : i32
    %sign3A_43 = arith.cmpi sgt, %jit3A_35, %sign3A_42 : i32
    %sign3A_44 = arith.extui %sign3A_43 : i1 to i32
    %sign3A_45 = arith.constant 0 : i32
    %sign3A_46 = arith.cmpi slt, %jit3A_35, %sign3A_45 : i32
    %sign3A_47 = arith.extui %sign3A_46 : i1 to i32
    %sign3A_48 = arith.subi %sign3A_44, %sign3A_47 : i32
    %ne3A = arith.cmpi ne, %sign3A_41, %sign3A_48 : i32
    %rem3A = arith.remsi %sub3A_8, %jit3A_35 : i32
    %ne3A_49 = arith.constant 0 : i32
    %ne3A_50 = arith.cmpi ne, %rem3A, %ne3A_49 : i32
    %and3A = arith.andi %ne3A, %ne3A_50 : i1
    %sub3A_51 = arith.constant 1 : i32
    %sub3A_52 = arith.subi %div3A, %sub3A_51 : i32
    %select_n3A_53 = arith.select %and3A, %sub3A_52, %div3A : i32
    %while3A = arith.constant 0 : i32
    %while3A_54 = arith.constant 0 : i32
    %while3A_55 = arith.constant 0 : i32
    %while3A_56 = arith.constant 0 : i32
    %while3A_57 = arith.subi %select_n3A_53, %while3A_56 : i32
    %while3A_58 = arith.addi %while3A_56, %while3A_57 : i32
    %while3A_59 = arith.constant 1 : i32
    %while3A_60 = arith.divsi %while3A_57, %while3A_59 : i32
    %while3A_61 = arith.muli %while3A_60, %while3A_59 : i32
    %while3A_62 = arith.addi %while3A_56, %while3A_61 : i32
    %while3A_63 = arith.constant 1 : i32
    scf.for %while3A_291 = %while3A_56 to %while3A_62 step %while3A_63  : i32 {
      %mul3A = arith.constant 2 : i32
      %mul3A_292 = arith.muli %mul3A, %while3A_291 : i32
      %gt3A = arith.constant 0 : i32
      %gt3A_293 = arith.cmpi sgt, %while3A_291, %gt3A : i32
      %convert_element_type3A = arith.extui %gt3A_293 : i1 to i32
      %cond3A = arith.constant 0 : i32
      %cond3A_294 = arith.cmpi ne, %convert_element_type3A, %cond3A : i32
      scf.if %cond3A_294 {
        %dma_wait3A_330 = arith.constant 0 : i32
        %dma_wait3A_331 = tpu.memref_slice %arg5[%dma_wait3A_330] : memref<2048xf32, #tpu.memory_space<hbm>> -> memref<128xf32, #tpu.memory_space<hbm>>
        %dma_wait3A_332 = arith.constant 0 : i32
        %dma_wait3A_333 = tpu.memref_slice %arg5[%dma_wait3A_332] : memref<2048xf32, #tpu.memory_space<hbm>> -> memref<128xf32, #tpu.memory_space<hbm>>
        tpu.wait_dma2 semaphore(%arg36 : memref<!tpu.dma_semaphore, #tpu.memory_space<semaphore_mem>>) src(%dma_wait3A_333 : memref<128xf32, #tpu.memory_space<hbm>>) dst(%arg24 : memref<128xf32, #tpu.memory_space<vmem>>)
      } else {
      }
      %add3A = arith.constant 0 : i32
      %add3A_295 = arith.addi %mul3A_292, %add3A : i32
      %dma_start3A = arith.constant 0 : i32
      %dma_start3A_296 = tpu.memref_slice %arg4[%arg1, %add3A_295, %dma_start3A] : memref<16x164x128xi32, #tpu.memory_space<hbm>> -> memref<1x1x128xi32, #tpu.memory_space<hbm>>
      %dma_start3A_297 = tpu.memref_squeeze %dma_start3A_296 : memref<1x1x128xi32, #tpu.memory_space<hbm>> -> memref<128xi32, #tpu.memory_space<hbm>>
      %dma_start3A_298 = arith.constant 0 : i32
      %dma_start3A_299 = tpu.memref_slice %arg4[%arg1, %add3A_295, %dma_start3A_298] : memref<16x164x128xi32, #tpu.memory_space<hbm>> -> memref<1x1x128xi32, #tpu.memory_space<hbm>>
      %dma_start3A_300 = tpu.memref_squeeze %dma_start3A_299 : memref<1x1x128xi32, #tpu.memory_space<hbm>> -> memref<128xi32, #tpu.memory_space<hbm>>
      tpu.enqueue_dma source(%dma_start3A_300 : memref<128xi32, #tpu.memory_space<hbm>>) target(%arg20 : memref<128xi32, #tpu.memory_space<vmem>>) target_semaphore(%arg28 : memref<!tpu.dma_semaphore, #tpu.memory_space<semaphore_mem>>)
      %gt3A_301 = arith.constant 0 : i32
      %gt3A_302 = arith.cmpi sgt, %while3A_291, %gt3A_301 : i32
      %convert_element_type3A_303 = arith.extui %gt3A_302 : i1 to i32
      %cond3A_304 = arith.constant 0 : i32
      %cond3A_305 = arith.cmpi ne, %convert_element_type3A_303, %cond3A_304 : i32
      scf.if %cond3A_305 {
        %dma_wait3A_330 = arith.constant 0 : i32
        %dma_wait3A_331 = tpu.memref_slice %arg5[%dma_wait3A_330] : memref<2048xf32, #tpu.memory_space<hbm>> -> memref<128xf32, #tpu.memory_space<hbm>>
        %dma_wait3A_332 = arith.constant 0 : i32
        %dma_wait3A_333 = tpu.memref_slice %arg5[%dma_wait3A_332] : memref<2048xf32, #tpu.memory_space<hbm>> -> memref<128xf32, #tpu.memory_space<hbm>>
        tpu.wait_dma2 semaphore(%arg37 : memref<!tpu.dma_semaphore, #tpu.memory_space<semaphore_mem>>) src(%dma_wait3A_333 : memref<128xf32, #tpu.memory_space<hbm>>) dst(%arg24 : memref<128xf32, #tpu.memory_space<vmem>>)
      } else {
      }
      %add3A_306 = arith.constant 1 : i32
      %add3A_307 = arith.addi %mul3A_292, %add3A_306 : i32
      %dma_start3A_308 = arith.constant 0 : i32
      %dma_start3A_309 = tpu.memref_slice %arg4[%arg1, %add3A_307, %dma_start3A_308] : memref<16x164x128xi32, #tpu.memory_space<hbm>> -> memref<1x1x128xi32, #tpu.memory_space<hbm>>
      %dma_start3A_310 = tpu.memref_squeeze %dma_start3A_309 : memref<1x1x128xi32, #tpu.memory_space<hbm>> -> memref<128xi32, #tpu.memory_space<hbm>>
      %dma_start3A_311 = arith.constant 0 : i32
      %dma_start3A_312 = tpu.memref_slice %arg4[%arg1, %add3A_307, %dma_start3A_311] : memref<16x164x128xi32, #tpu.memory_space<hbm>> -> memref<1x1x128xi32, #tpu.memory_space<hbm>>
      %dma_start3A_313 = tpu.memref_squeeze %dma_start3A_312 : memref<1x1x128xi32, #tpu.memory_space<hbm>> -> memref<128xi32, #tpu.memory_space<hbm>>
      tpu.enqueue_dma source(%dma_start3A_313 : memref<128xi32, #tpu.memory_space<hbm>>) target(%arg21 : memref<128xi32, #tpu.memory_space<vmem>>) target_semaphore(%arg29 : memref<!tpu.dma_semaphore, #tpu.memory_space<semaphore_mem>>)
      %dma_wait3A_314 = arith.constant 0 : i32
      %dma_wait3A_315 = tpu.memref_slice %arg3[%while3A_54, %while3A_55, %dma_wait3A_314] : memref<16x164x128xi32, #tpu.memory_space<hbm>> -> memref<1x1x128xi32, #tpu.memory_space<hbm>>
      %dma_wait3A_316 = tpu.memref_squeeze %dma_wait3A_315 : memref<1x1x128xi32, #tpu.memory_space<hbm>> -> memref<128xi32, #tpu.memory_space<hbm>>
      %dma_wait3A_317 = arith.constant 0 : i32
      %dma_wait3A_318 = tpu.memref_slice %arg3[%while3A_54, %while3A_55, %dma_wait3A_317] : memref<16x164x128xi32, #tpu.memory_space<hbm>> -> memref<1x1x128xi32, #tpu.memory_space<hbm>>
      %dma_wait3A_319 = tpu.memref_squeeze %dma_wait3A_318 : memref<1x1x128xi32, #tpu.memory_space<hbm>> -> memref<128xi32, #tpu.memory_space<hbm>>
      tpu.wait_dma2 semaphore(%arg28 : memref<!tpu.dma_semaphore, #tpu.memory_space<semaphore_mem>>) src(%dma_wait3A_319 : memref<128xi32, #tpu.memory_space<hbm>>) dst(%arg20 : memref<128xi32, #tpu.memory_space<vmem>>)
      %dma_start3A_320 = arith.constant 0 : i32
      %dma_start3A_321 = tpu.memref_slice %arg9[%dma_start3A_320] : memref<11536xf32, #tpu.memory_space<vmem_shared>> -> memref<11536xf32, #tpu.memory_space<vmem_shared>>
      tpu.enqueue_indirect_dma source(%arg24 : memref<128xf32, #tpu.memory_space<vmem>>) target(%dma_start3A_321 : memref<11536xf32, #tpu.memory_space<vmem_shared>>) offsets(%arg20 : memref<128xi32, #tpu.memory_space<vmem>>) semaphore(%arg36 : memref<!tpu.dma_semaphore, #tpu.memory_space<semaphore_mem>>) {add = true}
      %dma_wait3A_322 = arith.constant 0 : i32
      %dma_wait3A_323 = tpu.memref_slice %arg3[%while3A_54, %while3A_55, %dma_wait3A_322] : memref<16x164x128xi32, #tpu.memory_space<hbm>> -> memref<1x1x128xi32, #tpu.memory_space<hbm>>
      %dma_wait3A_324 = tpu.memref_squeeze %dma_wait3A_323 : memref<1x1x128xi32, #tpu.memory_space<hbm>> -> memref<128xi32, #tpu.memory_space<hbm>>
      %dma_wait3A_325 = arith.constant 0 : i32
      %dma_wait3A_326 = tpu.memref_slice %arg3[%while3A_54, %while3A_55, %dma_wait3A_325] : memref<16x164x128xi32, #tpu.memory_space<hbm>> -> memref<1x1x128xi32, #tpu.memory_space<hbm>>
      %dma_wait3A_327 = tpu.memref_squeeze %dma_wait3A_326 : memref<1x1x128xi32, #tpu.memory_space<hbm>> -> memref<128xi32, #tpu.memory_space<hbm>>
      tpu.wait_dma2 semaphore(%arg29 : memref<!tpu.dma_semaphore, #tpu.memory_space<semaphore_mem>>) src(%dma_wait3A_327 : memref<128xi32, #tpu.memory_space<hbm>>) dst(%arg21 : memref<128xi32, #tpu.memory_space<vmem>>)
      %dma_start3A_328 = arith.constant 0 : i32
      %dma_start3A_329 = tpu.memref_slice %arg9[%dma_start3A_328] : memref<11536xf32, #tpu.memory_space<vmem_shared>> -> memref<11536xf32, #tpu.memory_space<vmem_shared>>
      tpu.enqueue_indirect_dma source(%arg24 : memref<128xf32, #tpu.memory_space<vmem>>) target(%dma_start3A_329 : memref<11536xf32, #tpu.memory_space<vmem_shared>>) offsets(%arg21 : memref<128xi32, #tpu.memory_space<vmem>>) semaphore(%arg37 : memref<!tpu.dma_semaphore, #tpu.memory_space<semaphore_mem>>) {add = true}
    }
    %while3A_64 = arith.constant 1 : i32
    scf.for %while3A_291 = %while3A_62 to %while3A_58 step %while3A_64  : i32 {
      %mul3A = arith.constant 2 : i32
      %mul3A_292 = arith.muli %mul3A, %while3A_291 : i32
      %gt3A = arith.constant 0 : i32
      %gt3A_293 = arith.cmpi sgt, %while3A_291, %gt3A : i32
      %convert_element_type3A = arith.extui %gt3A_293 : i1 to i32
      %cond3A = arith.constant 0 : i32
      %cond3A_294 = arith.cmpi ne, %convert_element_type3A, %cond3A : i32
      scf.if %cond3A_294 {
        %dma_wait3A_330 = arith.constant 0 : i32
        %dma_wait3A_331 = tpu.memref_slice %arg5[%dma_wait3A_330] : memref<2048xf32, #tpu.memory_space<hbm>> -> memref<128xf32, #tpu.memory_space<hbm>>
        %dma_wait3A_332 = arith.constant 0 : i32
        %dma_wait3A_333 = tpu.memref_slice %arg5[%dma_wait3A_332] : memref<2048xf32, #tpu.memory_space<hbm>> -> memref<128xf32, #tpu.memory_space<hbm>>
        tpu.wait_dma2 semaphore(%arg36 : memref<!tpu.dma_semaphore, #tpu.memory_space<semaphore_mem>>) src(%dma_wait3A_333 : memref<128xf32, #tpu.memory_space<hbm>>) dst(%arg24 : memref<128xf32, #tpu.memory_space<vmem>>)
      } else {
      }
      %add3A = arith.constant 0 : i32
      %add3A_295 = arith.addi %mul3A_292, %add3A : i32
      %dma_start3A = arith.constant 0 : i32
      %dma_start3A_296 = tpu.memref_slice %arg4[%arg1, %add3A_295, %dma_start3A] : memref<16x164x128xi32, #tpu.memory_space<hbm>> -> memref<1x1x128xi32, #tpu.memory_space<hbm>>
      %dma_start3A_297 = tpu.memref_squeeze %dma_start3A_296 : memref<1x1x128xi32, #tpu.memory_space<hbm>> -> memref<128xi32, #tpu.memory_space<hbm>>
      %dma_start3A_298 = arith.constant 0 : i32
      %dma_start3A_299 = tpu.memref_slice %arg4[%arg1, %add3A_295, %dma_start3A_298] : memref<16x164x128xi32, #tpu.memory_space<hbm>> -> memref<1x1x128xi32, #tpu.memory_space<hbm>>
      %dma_start3A_300 = tpu.memref_squeeze %dma_start3A_299 : memref<1x1x128xi32, #tpu.memory_space<hbm>> -> memref<128xi32, #tpu.memory_space<hbm>>
      tpu.enqueue_dma source(%dma_start3A_300 : memref<128xi32, #tpu.memory_space<hbm>>) target(%arg20 : memref<128xi32, #tpu.memory_space<vmem>>) target_semaphore(%arg28 : memref<!tpu.dma_semaphore, #tpu.memory_space<semaphore_mem>>)
      %gt3A_301 = arith.constant 0 : i32
      %gt3A_302 = arith.cmpi sgt, %while3A_291, %gt3A_301 : i32
      %convert_element_type3A_303 = arith.extui %gt3A_302 : i1 to i32
      %cond3A_304 = arith.constant 0 : i32
      %cond3A_305 = arith.cmpi ne, %convert_element_type3A_303, %cond3A_304 : i32
      scf.if %cond3A_305 {
        %dma_wait3A_330 = arith.constant 0 : i32
        %dma_wait3A_331 = tpu.memref_slice %arg5[%dma_wait3A_330] : memref<2048xf32, #tpu.memory_space<hbm>> -> memref<128xf32, #tpu.memory_space<hbm>>
        %dma_wait3A_332 = arith.constant 0 : i32
        %dma_wait3A_333 = tpu.memref_slice %arg5[%dma_wait3A_332] : memref<2048xf32, #tpu.memory_space<hbm>> -> memref<128xf32, #tpu.memory_space<hbm>>
        tpu.wait_dma2 semaphore(%arg37 : memref<!tpu.dma_semaphore, #tpu.memory_space<semaphore_mem>>) src(%dma_wait3A_333 : memref<128xf32, #tpu.memory_space<hbm>>) dst(%arg24 : memref<128xf32, #tpu.memory_space<vmem>>)
      } else {
      }
      %add3A_306 = arith.constant 1 : i32
      %add3A_307 = arith.addi %mul3A_292, %add3A_306 : i32
      %dma_start3A_308 = arith.constant 0 : i32
      %dma_start3A_309 = tpu.memref_slice %arg4[%arg1, %add3A_307, %dma_start3A_308] : memref<16x164x128xi32, #tpu.memory_space<hbm>> -> memref<1x1x128xi32, #tpu.memory_space<hbm>>
      %dma_start3A_310 = tpu.memref_squeeze %dma_start3A_309 : memref<1x1x128xi32, #tpu.memory_space<hbm>> -> memref<128xi32, #tpu.memory_space<hbm>>
      %dma_start3A_311 = arith.constant 0 : i32
      %dma_start3A_312 = tpu.memref_slice %arg4[%arg1, %add3A_307, %dma_start3A_311] : memref<16x164x128xi32, #tpu.memory_space<hbm>> -> memref<1x1x128xi32, #tpu.memory_space<hbm>>
      %dma_start3A_313 = tpu.memref_squeeze %dma_start3A_312 : memref<1x1x128xi32, #tpu.memory_space<hbm>> -> memref<128xi32, #tpu.memory_space<hbm>>
      tpu.enqueue_dma source(%dma_start3A_313 : memref<128xi32, #tpu.memory_space<hbm>>) target(%arg21 : memref<128xi32, #tpu.memory_space<vmem>>) target_semaphore(%arg29 : memref<!tpu.dma_semaphore, #tpu.memory_space<semaphore_mem>>)
      %dma_wait3A_314 = arith.constant 0 : i32
      %dma_wait3A_315 = tpu.memref_slice %arg3[%while3A_54, %while3A_55, %dma_wait3A_314] : memref<16x164x128xi32, #tpu.memory_space<hbm>> -> memref<1x1x128xi32, #tpu.memory_space<hbm>>
      %dma_wait3A_316 = tpu.memref_squeeze %dma_wait3A_315 : memref<1x1x128xi32, #tpu.memory_space<hbm>> -> memref<128xi32, #tpu.memory_space<hbm>>
      %dma_wait3A_317 = arith.constant 0 : i32
      %dma_wait3A_318 = tpu.memref_slice %arg3[%while3A_54, %while3A_55, %dma_wait3A_317] : memref<16x164x128xi32, #tpu.memory_space<hbm>> -> memref<1x1x128xi32, #tpu.memory_space<hbm>>
      %dma_wait3A_319 = tpu.memref_squeeze %dma_wait3A_318 : memref<1x1x128xi32, #tpu.memory_space<hbm>> -> memref<128xi32, #tpu.memory_space<hbm>>
      tpu.wait_dma2 semaphore(%arg28 : memref<!tpu.dma_semaphore, #tpu.memory_space<semaphore_mem>>) src(%dma_wait3A_319 : memref<128xi32, #tpu.memory_space<hbm>>) dst(%arg20 : memref<128xi32, #tpu.memory_space<vmem>>)
      %dma_start3A_320 = arith.constant 0 : i32
      %dma_start3A_321 = tpu.memref_slice %arg9[%dma_start3A_320] : memref<11536xf32, #tpu.memory_space<vmem_shared>> -> memref<11536xf32, #tpu.memory_space<vmem_shared>>
      tpu.enqueue_indirect_dma source(%arg24 : memref<128xf32, #tpu.memory_space<vmem>>) target(%dma_start3A_321 : memref<11536xf32, #tpu.memory_space<vmem_shared>>) offsets(%arg20 : memref<128xi32, #tpu.memory_space<vmem>>) semaphore(%arg36 : memref<!tpu.dma_semaphore, #tpu.memory_space<semaphore_mem>>) {add = true}
      %dma_wait3A_322 = arith.constant 0 : i32
      %dma_wait3A_323 = tpu.memref_slice %arg3[%while3A_54, %while3A_55, %dma_wait3A_322] : memref<16x164x128xi32, #tpu.memory_space<hbm>> -> memref<1x1x128xi32, #tpu.memory_space<hbm>>
      %dma_wait3A_324 = tpu.memref_squeeze %dma_wait3A_323 : memref<1x1x128xi32, #tpu.memory_space<hbm>> -> memref<128xi32, #tpu.memory_space<hbm>>
      %dma_wait3A_325 = arith.constant 0 : i32
      %dma_wait3A_326 = tpu.memref_slice %arg3[%while3A_54, %while3A_55, %dma_wait3A_325] : memref<16x164x128xi32, #tpu.memory_space<hbm>> -> memref<1x1x128xi32, #tpu.memory_space<hbm>>
      %dma_wait3A_327 = tpu.memref_squeeze %dma_wait3A_326 : memref<1x1x128xi32, #tpu.memory_space<hbm>> -> memref<128xi32, #tpu.memory_space<hbm>>
      tpu.wait_dma2 semaphore(%arg29 : memref<!tpu.dma_semaphore, #tpu.memory_space<semaphore_mem>>) src(%dma_wait3A_327 : memref<128xi32, #tpu.memory_space<hbm>>) dst(%arg21 : memref<128xi32, #tpu.memory_space<vmem>>)
      %dma_start3A_328 = arith.constant 0 : i32
      %dma_start3A_329 = tpu.memref_slice %arg9[%dma_start3A_328] : memref<11536xf32, #tpu.memory_space<vmem_shared>> -> memref<11536xf32, #tpu.memory_space<vmem_shared>>
      tpu.enqueue_indirect_dma source(%arg24 : memref<128xf32, #tpu.memory_space<vmem>>) target(%dma_start3A_329 : memref<11536xf32, #tpu.memory_space<vmem_shared>>) offsets(%arg21 : memref<128xi32, #tpu.memory_space<vmem>>) semaphore(%arg37 : memref<!tpu.dma_semaphore, #tpu.memory_space<semaphore_mem>>) {add = true}
    }
    %dma_wait3A = arith.constant 0 : i32
    %dma_wait3A_65 = tpu.memref_slice %arg5[%dma_wait3A] : memref<2048xf32, #tpu.memory_space<hbm>> -> memref<128xf32, #tpu.memory_space<hbm>>
    %dma_wait3A_66 = arith.constant 0 : i32
    %dma_wait3A_67 = tpu.memref_slice %arg5[%dma_wait3A_66] : memref<2048xf32, #tpu.memory_space<hbm>> -> memref<128xf32, #tpu.memory_space<hbm>>
    tpu.wait_dma2 semaphore(%arg36 : memref<!tpu.dma_semaphore, #tpu.memory_space<semaphore_mem>>) src(%dma_wait3A_67 : memref<128xf32, #tpu.memory_space<hbm>>) dst(%arg24 : memref<128xf32, #tpu.memory_space<vmem>>)
    %dma_wait3A_68 = arith.constant 0 : i32
    %dma_wait3A_69 = tpu.memref_slice %arg5[%dma_wait3A_68] : memref<2048xf32, #tpu.memory_space<hbm>> -> memref<128xf32, #tpu.memory_space<hbm>>
    %dma_wait3A_70 = arith.constant 0 : i32
    %dma_wait3A_71 = tpu.memref_slice %arg5[%dma_wait3A_70] : memref<2048xf32, #tpu.memory_space<hbm>> -> memref<128xf32, #tpu.memory_space<hbm>>
    tpu.wait_dma2 semaphore(%arg37 : memref<!tpu.dma_semaphore, #tpu.memory_space<semaphore_mem>>) src(%dma_wait3A_71 : memref<128xf32, #tpu.memory_space<hbm>>) dst(%arg24 : memref<128xf32, #tpu.memory_space<vmem>>)
    "tpu.trace_stop"() : () -> ()
    %barrier3A_72 = arith.constant 0 : index
    tpu.barrier barrier_id(%barrier3A_72)
    "tpu.trace_start"() <{level = 10 : i32, message = "ph_u"}> : () -> ()
    %scan3A_73 = arith.constant 0 : i32
    %scan3A_74 = arith.constant 0 : i32
    %scan3A_75 = arith.constant 125 : i32
    %scan3A_76 = arith.addi %scan3A_74, %scan3A_75 : i32
    %scan3A_77 = arith.constant 1 : i32
    scf.for %scan3A_291 = %scan3A_74 to %scan3A_76 step %scan3A_77  : i32 {
      %rem3A_292 = arith.constant 16 : i32
      %rem3A_293 = arith.remsi %scan3A_291, %rem3A_292 : i32
      %eq3A_294 = arith.cmpi eq, %rem3A_293, %arg1 : i32
      %convert_element_type3A = arith.extui %eq3A_294 : i1 to i32
      %cond3A = arith.constant 0 : i32
      %cond3A_295 = arith.cmpi ne, %convert_element_type3A, %cond3A : i32
      scf.if %cond3A_295 {
        %mul3A = arith.constant 80 : i32
        %mul3A_296 = arith.muli %scan3A_291, %mul3A : i32
        "tpu.region"() ({
          %run_scoped3A = tpu.sem_alloc : memref<!tpu.dma_semaphore, #tpu.memory_space<semaphore_mem>>
          %dma_start3A = tpu.memref_slice %arg9[%mul3A_296] : memref<11536xf32, #tpu.memory_space<vmem_shared>> -> memref<80xf32, #tpu.memory_space<vmem_shared>>
          %dma_start3A_315 = tpu.memref_slice %arg9[%mul3A_296] : memref<11536xf32, #tpu.memory_space<vmem_shared>> -> memref<80xf32, #tpu.memory_space<vmem_shared>>
          tpu.enqueue_dma source(%dma_start3A_315 : memref<80xf32, #tpu.memory_space<vmem_shared>>) target(%arg26 : memref<80xf32, #tpu.memory_space<vmem>>) target_semaphore(%run_scoped3A : memref<!tpu.dma_semaphore, #tpu.memory_space<semaphore_mem>>)
          %dma_wait3A_316 = tpu.memref_slice %arg9[%mul3A_296] : memref<11536xf32, #tpu.memory_space<vmem_shared>> -> memref<80xf32, #tpu.memory_space<vmem_shared>>
          %dma_wait3A_317 = tpu.memref_slice %arg9[%mul3A_296] : memref<11536xf32, #tpu.memory_space<vmem_shared>> -> memref<80xf32, #tpu.memory_space<vmem_shared>>
          tpu.wait_dma2 semaphore(%run_scoped3A : memref<!tpu.dma_semaphore, #tpu.memory_space<semaphore_mem>>) src(%dma_wait3A_317 : memref<80xf32, #tpu.memory_space<vmem_shared>>) dst(%arg26 : memref<80xf32, #tpu.memory_space<vmem>>)
          tpu.yield
        }) : () -> ()
        %scan3A_297 = arith.constant 0 : i32
        %scan3A_298 = arith.constant 0 : i32
        %scan3A_299 = arith.constant 5 : i32
        %scan3A_300 = arith.addi %scan3A_298, %scan3A_299 : i32
        %scan3A_301 = arith.constant 1 : i32
        scf.for %scan3A_315 = %scan3A_298 to %scan3A_300 step %scan3A_301  : i32 {
          %mul3A_316 = arith.constant 16 : i32
          %mul3A_317 = arith.muli %scan3A_315, %mul3A_316 : i32
          %get3A = arith.index_cast %mul3A_317 : i32 to index
          %get3A_318 = tpu.vector_load %arg26[%get3A] {strides = array<i32>} : memref<80xf32, #tpu.memory_space<vmem>>, vector<16xf32>,
          %convert_element_type3A_319 = arith.fptosi %get3A_318 : vector<16xf32> to vector<16xi32>
          %min3A = arith.constant 2047 : i32
          %min3A_320 = vector.broadcast %min3A : i32 to vector<16xi32>
          %min3A_321 = arith.minsi %convert_element_type3A_319, %min3A_320 : vector<16xi32>
          %gather3A = tpu.vector_load_idx %arg27[%min3A_321] : memref<2048xf32, #tpu.memory_space<vmem>>[vector<16xi32>], vector<16xf32>,
          %mul3A_322 = arith.mulf %get3A_318, %gather3A : vector<16xf32>
          %div3A_323 = arith.divf %get3A_318, %mul3A_322 : vector<16xf32>
          %add3A = arith.addf %mul3A_322, %div3A_323 : vector<16xf32>
          %mul3A_324 = arith.constant 5.000000e-01 : f32
          %mul3A_325 = vector.broadcast %mul3A_324 : f32 to vector<16xf32>
          %mul3A_326 = arith.mulf %mul3A_325, %add3A : vector<16xf32>
          %div3A_327 = arith.divf %get3A_318, %mul3A_326 : vector<16xf32>
          %add3A_328 = arith.addf %mul3A_326, %div3A_327 : vector<16xf32>
          %mul3A_329 = arith.constant 5.000000e-01 : f32
          %mul3A_330 = vector.broadcast %mul3A_329 : f32 to vector<16xf32>
          %mul3A_331 = arith.mulf %mul3A_330, %add3A_328 : vector<16xf32>
          %div3A_332 = arith.divf %get3A_318, %mul3A_331 : vector<16xf32>
          %add3A_333 = arith.addf %mul3A_331, %div3A_332 : vector<16xf32>
          %mul3A_334 = arith.constant 5.000000e-01 : f32
          %mul3A_335 = vector.broadcast %mul3A_334 : f32 to vector<16xf32>
          %mul3A_336 = arith.mulf %mul3A_335, %add3A_333 : vector<16xf32>
          %div3A_337 = arith.divf %get3A_318, %mul3A_336 : vector<16xf32>
          %add3A_338 = arith.addf %mul3A_336, %div3A_337 : vector<16xf32>
          %mul3A_339 = arith.constant 5.000000e-01 : f32
          %mul3A_340 = vector.broadcast %mul3A_339 : f32 to vector<16xf32>
          %mul3A_341 = arith.mulf %mul3A_340, %add3A_338 : vector<16xf32>
          %div3A_342 = arith.divf %get3A_318, %mul3A_341 : vector<16xf32>
          %add3A_343 = arith.addf %mul3A_341, %div3A_342 : vector<16xf32>
          %mul3A_344 = arith.constant 5.000000e-01 : f32
          %mul3A_345 = vector.broadcast %mul3A_344 : f32 to vector<16xf32>
          %mul3A_346 = arith.mulf %mul3A_345, %add3A_343 : vector<16xf32>
          %div3A_347 = arith.divf %get3A_318, %mul3A_346 : vector<16xf32>
          %add3A_348 = arith.addf %mul3A_346, %div3A_347 : vector<16xf32>
          %mul3A_349 = arith.constant 5.000000e-01 : f32
          %mul3A_350 = vector.broadcast %mul3A_349 : f32 to vector<16xf32>
          %mul3A_351 = arith.mulf %mul3A_350, %add3A_348 : vector<16xf32>
          %div3A_352 = arith.divf %get3A_318, %mul3A_351 : vector<16xf32>
          %add3A_353 = arith.addf %mul3A_351, %div3A_352 : vector<16xf32>
          %mul3A_354 = arith.constant 5.000000e-01 : f32
          %mul3A_355 = vector.broadcast %mul3A_354 : f32 to vector<16xf32>
          %mul3A_356 = arith.mulf %mul3A_355, %add3A_353 : vector<16xf32>
          %div3A_357 = arith.divf %get3A_318, %mul3A_356 : vector<16xf32>
          %add3A_358 = arith.addf %mul3A_356, %div3A_357 : vector<16xf32>
          %mul3A_359 = arith.constant 5.000000e-01 : f32
          %mul3A_360 = vector.broadcast %mul3A_359 : f32 to vector<16xf32>
          %mul3A_361 = arith.mulf %mul3A_360, %add3A_358 : vector<16xf32>
          %div3A_362 = arith.divf %mul3A_361, %get3A_318 : vector<16xf32>
          %mul3A_363 = arith.constant 16 : i32
          %mul3A_364 = arith.muli %scan3A_315, %mul3A_363 : i32
          %swap3A = arith.index_cast %mul3A_364 : i32 to index
          %swap3A_365 = tpu.vector_load %arg26[%swap3A] {strides = array<i32>} : memref<80xf32, #tpu.memory_space<vmem>>, vector<16xf32>,
          tpu.vector_store %arg26[%swap3A], %div3A_362 {strides = array<i32>} : memref<80xf32, #tpu.memory_space<vmem>>, vector<16xf32>,
        }
        %scan3A_302 = arith.constant 5 : i32
        %mul3A_303 = arith.constant 80 : i32
        %mul3A_304 = arith.muli %scan3A_291, %mul3A_303 : i32
        "tpu.region"() ({
          %run_scoped3A = tpu.sem_alloc : memref<!tpu.dma_semaphore, #tpu.memory_space<semaphore_mem>>
          %dma_start3A = tpu.memref_slice %arg11[%mul3A_304] : memref<11536xf32, #tpu.memory_space<vmem_shared>> -> memref<80xf32, #tpu.memory_space<vmem_shared>>
          %dma_start3A_315 = tpu.memref_slice %arg11[%mul3A_304] : memref<11536xf32, #tpu.memory_space<vmem_shared>> -> memref<80xf32, #tpu.memory_space<vmem_shared>>
          tpu.enqueue_dma source(%arg26 : memref<80xf32, #tpu.memory_space<vmem>>) target(%dma_start3A_315 : memref<80xf32, #tpu.memory_space<vmem_shared>>) target_semaphore(%run_scoped3A : memref<!tpu.dma_semaphore, #tpu.memory_space<semaphore_mem>>)
          %dma_wait3A_316 = tpu.memref_slice %arg11[%mul3A_304] : memref<11536xf32, #tpu.memory_space<vmem_shared>> -> memref<80xf32, #tpu.memory_space<vmem_shared>>
          %dma_wait3A_317 = tpu.memref_slice %arg11[%mul3A_304] : memref<11536xf32, #tpu.memory_space<vmem_shared>> -> memref<80xf32, #tpu.memory_space<vmem_shared>>
          tpu.wait_dma2 semaphore(%run_scoped3A : memref<!tpu.dma_semaphore, #tpu.memory_space<semaphore_mem>>) src(%arg26 : memref<80xf32, #tpu.memory_space<vmem>>) dst(%dma_wait3A_317 : memref<80xf32, #tpu.memory_space<vmem_shared>>)
          tpu.yield
        }) : () -> ()
        %mul3A_305 = arith.constant 80 : i32
        %mul3A_306 = arith.muli %scan3A_291, %mul3A_305 : i32
        "tpu.region"() ({
          %run_scoped3A = tpu.sem_alloc : memref<!tpu.dma_semaphore, #tpu.memory_space<semaphore_mem>>
          %dma_start3A = arith.constant 0 : i32
          %dma_start3A_315 = arith.constant 0 : i32
          %dma_start3A_316 = tpu.memref_slice %arg12[%dma_start3A, %dma_start3A_315] : memref<128x64xf32, #tpu.memory_space<vmem>> -> memref<80x64xf32, #tpu.memory_space<vmem>>
          %dma_start3A_317 = arith.constant 0 : i32
          %dma_start3A_318 = tpu.memref_slice %arg2[%arg0, %mul3A_306, %dma_start3A_317] : memref<2x10000x64xf32, #tpu.memory_space<hbm>> -> memref<1x80x64xf32, #tpu.memory_space<hbm>>
          %dma_start3A_319 = tpu.memref_squeeze %dma_start3A_318 : memref<1x80x64xf32, #tpu.memory_space<hbm>> -> memref<80x64xf32, #tpu.memory_space<hbm>>
          %dma_start3A_320 = arith.constant 0 : i32
          %dma_start3A_321 = arith.constant 0 : i32
          %dma_start3A_322 = tpu.memref_slice %arg12[%dma_start3A_320, %dma_start3A_321] : memref<128x64xf32, #tpu.memory_space<vmem>> -> memref<80x64xf32, #tpu.memory_space<vmem>>
          %dma_start3A_323 = arith.constant 0 : i32
          %dma_start3A_324 = tpu.memref_slice %arg2[%arg0, %mul3A_306, %dma_start3A_323] : memref<2x10000x64xf32, #tpu.memory_space<hbm>> -> memref<1x80x64xf32, #tpu.memory_space<hbm>>
          %dma_start3A_325 = tpu.memref_squeeze %dma_start3A_324 : memref<1x80x64xf32, #tpu.memory_space<hbm>> -> memref<80x64xf32, #tpu.memory_space<hbm>>
          tpu.enqueue_dma source(%dma_start3A_325 : memref<80x64xf32, #tpu.memory_space<hbm>>) target(%dma_start3A_322 : memref<80x64xf32, #tpu.memory_space<vmem>>) target_semaphore(%run_scoped3A : memref<!tpu.dma_semaphore, #tpu.memory_space<semaphore_mem>>)
          %dma_wait3A_326 = arith.constant 0 : i32
          %dma_wait3A_327 = arith.constant 0 : i32
          %dma_wait3A_328 = tpu.memref_slice %arg12[%dma_wait3A_326, %dma_wait3A_327] : memref<128x64xf32, #tpu.memory_space<vmem>> -> memref<80x64xf32, #tpu.memory_space<vmem>>
          %dma_wait3A_329 = arith.constant 0 : i32
          %dma_wait3A_330 = tpu.memref_slice %arg2[%arg0, %mul3A_306, %dma_wait3A_329] : memref<2x10000x64xf32, #tpu.memory_space<hbm>> -> memref<1x80x64xf32, #tpu.memory_space<hbm>>
          %dma_wait3A_331 = tpu.memref_squeeze %dma_wait3A_330 : memref<1x80x64xf32, #tpu.memory_space<hbm>> -> memref<80x64xf32, #tpu.memory_space<hbm>>
          %dma_wait3A_332 = arith.constant 0 : i32
          %dma_wait3A_333 = arith.constant 0 : i32
          %dma_wait3A_334 = tpu.memref_slice %arg12[%dma_wait3A_332, %dma_wait3A_333] : memref<128x64xf32, #tpu.memory_space<vmem>> -> memref<80x64xf32, #tpu.memory_space<vmem>>
          %dma_wait3A_335 = arith.constant 0 : i32
          %dma_wait3A_336 = tpu.memref_slice %arg2[%arg0, %mul3A_306, %dma_wait3A_335] : memref<2x10000x64xf32, #tpu.memory_space<hbm>> -> memref<1x80x64xf32, #tpu.memory_space<hbm>>
          %dma_wait3A_337 = tpu.memref_squeeze %dma_wait3A_336 : memref<1x80x64xf32, #tpu.memory_space<hbm>> -> memref<80x64xf32, #tpu.memory_space<hbm>>
          tpu.wait_dma2 semaphore(%run_scoped3A : memref<!tpu.dma_semaphore, #tpu.memory_space<semaphore_mem>>) src(%dma_wait3A_337 : memref<80x64xf32, #tpu.memory_space<hbm>>) dst(%dma_wait3A_334 : memref<80x64xf32, #tpu.memory_space<vmem>>)
          tpu.yield
        }) : () -> ()
        %scan3A_307 = arith.constant 0 : i32
        %scan3A_308 = arith.constant 0 : i32
        %scan3A_309 = arith.constant 80 : i32
        %scan3A_310 = arith.addi %scan3A_308, %scan3A_309 : i32
        %scan3A_311 = arith.constant 1 : i32
        scf.for %scan3A_315 = %scan3A_308 to %scan3A_310 step %scan3A_311  : i32 {
          %broadcast_in_dim3A_316 = vector.broadcast %scan3A_315 : i32 to vector<16xi32>
          %gather3A = tpu.vector_load_idx %arg26[%broadcast_in_dim3A_316] : memref<80xf32, #tpu.memory_space<vmem>>[vector<16xi32>], vector<16xf32>,
          %get3A = arith.index_cast %scan3A_315 : i32 to index
          %get3A_317 = arith.constant 0 : index
          %get3A_318 = tpu.vector_load %arg12[%get3A, %get3A_317] {strides = array<i32>} : memref<128x64xf32, #tpu.memory_space<vmem>>, vector<16xf32>,
          %mul3A_319 = arith.mulf %get3A_318, %gather3A : vector<16xf32>
          %swap3A = arith.index_cast %scan3A_315 : i32 to index
          %swap3A_320 = arith.constant 0 : index
          %swap3A_321 = tpu.vector_load %arg12[%swap3A, %swap3A_320] {strides = array<i32>} : memref<128x64xf32, #tpu.memory_space<vmem>>, vector<16xf32>,
          tpu.vector_store %arg12[%swap3A, %swap3A_320], %mul3A_319 {strides = array<i32>} : memref<128x64xf32, #tpu.memory_space<vmem>>, vector<16xf32>,
          %get3A_322 = arith.index_cast %scan3A_315 : i32 to index
          %get3A_323 = arith.constant 16 : index
          %get3A_324 = tpu.vector_load %arg12[%get3A_322, %get3A_323] {strides = array<i32>} : memref<128x64xf32, #tpu.memory_space<vmem>>, vector<16xf32>,
          %mul3A_325 = arith.mulf %get3A_324, %gather3A : vector<16xf32>
          %swap3A_326 = arith.index_cast %scan3A_315 : i32 to index
          %swap3A_327 = arith.constant 16 : index
          %swap3A_328 = tpu.vector_load %arg12[%swap3A_326, %swap3A_327] {strides = array<i32>} : memref<128x64xf32, #tpu.memory_space<vmem>>, vector<16xf32>,
          tpu.vector_store %arg12[%swap3A_326, %swap3A_327], %mul3A_325 {strides = array<i32>} : memref<128x64xf32, #tpu.memory_space<vmem>>, vector<16xf32>,
          %get3A_329 = arith.index_cast %scan3A_315 : i32 to index
          %get3A_330 = arith.constant 32 : index
          %get3A_331 = tpu.vector_load %arg12[%get3A_329, %get3A_330] {strides = array<i32>} : memref<128x64xf32, #tpu.memory_space<vmem>>, vector<16xf32>,
          %mul3A_332 = arith.mulf %get3A_331, %gather3A : vector<16xf32>
          %swap3A_333 = arith.index_cast %scan3A_315 : i32 to index
          %swap3A_334 = arith.constant 32 : index
          %swap3A_335 = tpu.vector_load %arg12[%swap3A_333, %swap3A_334] {strides = array<i32>} : memref<128x64xf32, #tpu.memory_space<vmem>>, vector<16xf32>,
          tpu.vector_store %arg12[%swap3A_333, %swap3A_334], %mul3A_332 {strides = array<i32>} : memref<128x64xf32, #tpu.memory_space<vmem>>, vector<16xf32>,
          %get3A_336 = arith.index_cast %scan3A_315 : i32 to index
          %get3A_337 = arith.constant 48 : index
          %get3A_338 = tpu.vector_load %arg12[%get3A_336, %get3A_337] {strides = array<i32>} : memref<128x64xf32, #tpu.memory_space<vmem>>, vector<16xf32>,
          %mul3A_339 = arith.mulf %get3A_338, %gather3A : vector<16xf32>
          %swap3A_340 = arith.index_cast %scan3A_315 : i32 to index
          %swap3A_341 = arith.constant 48 : index
          %swap3A_342 = tpu.vector_load %arg12[%swap3A_340, %swap3A_341] {strides = array<i32>} : memref<128x64xf32, #tpu.memory_space<vmem>>, vector<16xf32>,
          tpu.vector_store %arg12[%swap3A_340, %swap3A_341], %mul3A_339 {strides = array<i32>} : memref<128x64xf32, #tpu.memory_space<vmem>>, vector<16xf32>,
        }
        %scan3A_312 = arith.constant 80 : i32
        %mul3A_313 = arith.constant 80 : i32
        %mul3A_314 = arith.muli %scan3A_291, %mul3A_313 : i32
        "tpu.region"() ({
          %run_scoped3A = tpu.sem_alloc : memref<!tpu.dma_semaphore, #tpu.memory_space<semaphore_mem>>
          %dma_start3A = arith.constant 0 : i32
          %dma_start3A_315 = arith.constant 0 : i32
          %dma_start3A_316 = tpu.memref_slice %arg12[%dma_start3A, %dma_start3A_315] : memref<128x64xf32, #tpu.memory_space<vmem>> -> memref<80x64xf32, #tpu.memory_space<vmem>>
          %dma_start3A_317 = arith.constant 0 : i32
          %dma_start3A_318 = tpu.memref_slice %arg8[%mul3A_314, %dma_start3A_317] : memref<10000x64xf32, #tpu.memory_space<vmem_shared>> -> memref<80x64xf32, #tpu.memory_space<vmem_shared>>
          %dma_start3A_319 = arith.constant 0 : i32
          %dma_start3A_320 = tpu.memref_slice %arg8[%mul3A_314, %dma_start3A_319] : memref<10000x64xf32, #tpu.memory_space<vmem_shared>> -> memref<80x64xf32, #tpu.memory_space<vmem_shared>>
          %dma_start3A_321 = arith.constant 0 : i32
          %dma_start3A_322 = arith.constant 0 : i32
          %dma_start3A_323 = tpu.memref_slice %arg12[%dma_start3A_321, %dma_start3A_322] : memref<128x64xf32, #tpu.memory_space<vmem>> -> memref<80x64xf32, #tpu.memory_space<vmem>>
          tpu.enqueue_dma source(%dma_start3A_323 : memref<80x64xf32, #tpu.memory_space<vmem>>) target(%dma_start3A_320 : memref<80x64xf32, #tpu.memory_space<vmem_shared>>) target_semaphore(%run_scoped3A : memref<!tpu.dma_semaphore, #tpu.memory_space<semaphore_mem>>)
          %dma_wait3A_324 = arith.constant 0 : i32
          %dma_wait3A_325 = arith.constant 0 : i32
          %dma_wait3A_326 = tpu.memref_slice %arg12[%dma_wait3A_324, %dma_wait3A_325] : memref<128x64xf32, #tpu.memory_space<vmem>> -> memref<80x64xf32, #tpu.memory_space<vmem>>
          %dma_wait3A_327 = arith.constant 0 : i32
          %dma_wait3A_328 = tpu.memref_slice %arg8[%mul3A_314, %dma_wait3A_327] : memref<10000x64xf32, #tpu.memory_space<vmem_shared>> -> memref<80x64xf32, #tpu.memory_space<vmem_shared>>
          %dma_wait3A_329 = arith.constant 0 : i32
          %dma_wait3A_330 = tpu.memref_slice %arg8[%mul3A_314, %dma_wait3A_329] : memref<10000x64xf32, #tpu.memory_space<vmem_shared>> -> memref<80x64xf32, #tpu.memory_space<vmem_shared>>
          %dma_wait3A_331 = arith.constant 0 : i32
          %dma_wait3A_332 = arith.constant 0 : i32
          %dma_wait3A_333 = tpu.memref_slice %arg12[%dma_wait3A_331, %dma_wait3A_332] : memref<128x64xf32, #tpu.memory_space<vmem>> -> memref<80x64xf32, #tpu.memory_space<vmem>>
          tpu.wait_dma2 semaphore(%run_scoped3A : memref<!tpu.dma_semaphore, #tpu.memory_space<semaphore_mem>>) src(%dma_wait3A_333 : memref<80x64xf32, #tpu.memory_space<vmem>>) dst(%dma_wait3A_330 : memref<80x64xf32, #tpu.memory_space<vmem_shared>>)
          tpu.yield
        }) : () -> ()
      } else {
      }
    }
    %scan3A_78 = arith.constant 125 : i32
    "tpu.trace_stop"() : () -> ()
    %barrier3A_79 = arith.constant 0 : index
    tpu.barrier barrier_id(%barrier3A_79)
    %jit3A_80 = arith.constant 2 : i32
    "tpu.trace_start"() <{level = 10 : i32, message = "ph_S"}> : () -> ()
    %div3A_81 = arith.divsi %sub3A_8, %jit3A_80 : i32
    %sign3A_82 = arith.constant 0 : i32
    %sign3A_83 = arith.cmpi sgt, %sub3A_8, %sign3A_82 : i32
    %sign3A_84 = arith.extui %sign3A_83 : i1 to i32
    %sign3A_85 = arith.constant 0 : i32
    %sign3A_86 = arith.cmpi slt, %sub3A_8, %sign3A_85 : i32
    %sign3A_87 = arith.extui %sign3A_86 : i1 to i32
    %sign3A_88 = arith.subi %sign3A_84, %sign3A_87 : i32
    %sign3A_89 = arith.constant 0 : i32
    %sign3A_90 = arith.cmpi sgt, %jit3A_80, %sign3A_89 : i32
    %sign3A_91 = arith.extui %sign3A_90 : i1 to i32
    %sign3A_92 = arith.constant 0 : i32
    %sign3A_93 = arith.cmpi slt, %jit3A_80, %sign3A_92 : i32
    %sign3A_94 = arith.extui %sign3A_93 : i1 to i32
    %sign3A_95 = arith.subi %sign3A_91, %sign3A_94 : i32
    %ne3A_96 = arith.cmpi ne, %sign3A_88, %sign3A_95 : i32
    %rem3A_97 = arith.remsi %sub3A_8, %jit3A_80 : i32
    %ne3A_98 = arith.constant 0 : i32
    %ne3A_99 = arith.cmpi ne, %rem3A_97, %ne3A_98 : i32
    %and3A_100 = arith.andi %ne3A_96, %ne3A_99 : i1
    %sub3A_101 = arith.constant 1 : i32
    %sub3A_102 = arith.subi %div3A_81, %sub3A_101 : i32
    %select_n3A_103 = arith.select %and3A_100, %sub3A_102, %div3A_81 : i32
    %while3A_104 = arith.constant 0 : i32
    %while3A_105 = arith.constant 0 : i32
    %while3A_106 = arith.constant 0 : i32
    %while3A_107 = arith.constant 0 : i32
    %while3A_108 = arith.subi %select_n3A_103, %while3A_107 : i32
    %while3A_109 = arith.addi %while3A_107, %while3A_108 : i32
    %while3A_110 = arith.constant 1 : i32
    %while3A_111 = arith.divsi %while3A_108, %while3A_110 : i32
    %while3A_112 = arith.muli %while3A_111, %while3A_110 : i32
    %while3A_113 = arith.addi %while3A_107, %while3A_112 : i32
    %while3A_114 = arith.constant 1 : i32
    scf.for %while3A_291 = %while3A_107 to %while3A_113 step %while3A_114  : i32 {
      %mul3A = arith.constant 2 : i32
      %mul3A_292 = arith.muli %mul3A, %while3A_291 : i32
      %gt3A = arith.constant 0 : i32
      %gt3A_293 = arith.cmpi sgt, %while3A_291, %gt3A : i32
      %convert_element_type3A = arith.extui %gt3A_293 : i1 to i32
      %cond3A = arith.constant 0 : i32
      %cond3A_294 = arith.cmpi ne, %convert_element_type3A, %cond3A : i32
      scf.if %cond3A_294 {
        %dma_wait3A_370 = arith.constant 0 : i32
        %dma_wait3A_371 = tpu.memref_slice %arg5[%dma_wait3A_370] : memref<2048xf32, #tpu.memory_space<hbm>> -> memref<128xf32, #tpu.memory_space<hbm>>
        %dma_wait3A_372 = arith.constant 0 : i32
        %dma_wait3A_373 = tpu.memref_slice %arg5[%dma_wait3A_372] : memref<2048xf32, #tpu.memory_space<hbm>> -> memref<128xf32, #tpu.memory_space<hbm>>
        tpu.wait_dma2 semaphore(%arg36 : memref<!tpu.dma_semaphore, #tpu.memory_space<semaphore_mem>>) src(%dma_wait3A_373 : memref<128xf32, #tpu.memory_space<hbm>>) dst(%arg24 : memref<128xf32, #tpu.memory_space<vmem>>)
      } else {
      }
      %add3A = arith.constant 0 : i32
      %add3A_295 = arith.addi %mul3A_292, %add3A : i32
      %dma_start3A = arith.constant 0 : i32
      %dma_start3A_296 = tpu.memref_slice %arg3[%arg1, %add3A_295, %dma_start3A] : memref<16x164x128xi32, #tpu.memory_space<hbm>> -> memref<1x1x128xi32, #tpu.memory_space<hbm>>
      %dma_start3A_297 = tpu.memref_squeeze %dma_start3A_296 : memref<1x1x128xi32, #tpu.memory_space<hbm>> -> memref<128xi32, #tpu.memory_space<hbm>>
      %dma_start3A_298 = arith.constant 0 : i32
      %dma_start3A_299 = tpu.memref_slice %arg3[%arg1, %add3A_295, %dma_start3A_298] : memref<16x164x128xi32, #tpu.memory_space<hbm>> -> memref<1x1x128xi32, #tpu.memory_space<hbm>>
      %dma_start3A_300 = tpu.memref_squeeze %dma_start3A_299 : memref<1x1x128xi32, #tpu.memory_space<hbm>> -> memref<128xi32, #tpu.memory_space<hbm>>
      tpu.enqueue_dma source(%dma_start3A_300 : memref<128xi32, #tpu.memory_space<hbm>>) target(%arg16 : memref<128xi32, #tpu.memory_space<vmem>>) target_semaphore(%arg28 : memref<!tpu.dma_semaphore, #tpu.memory_space<semaphore_mem>>)
      %add3A_301 = arith.constant 0 : i32
      %add3A_302 = arith.addi %mul3A_292, %add3A_301 : i32
      %dma_start3A_303 = arith.constant 0 : i32
      %dma_start3A_304 = tpu.memref_slice %arg4[%arg1, %add3A_302, %dma_start3A_303] : memref<16x164x128xi32, #tpu.memory_space<hbm>> -> memref<1x1x128xi32, #tpu.memory_space<hbm>>
      %dma_start3A_305 = tpu.memref_squeeze %dma_start3A_304 : memref<1x1x128xi32, #tpu.memory_space<hbm>> -> memref<128xi32, #tpu.memory_space<hbm>>
      %dma_start3A_306 = arith.constant 0 : i32
      %dma_start3A_307 = tpu.memref_slice %arg4[%arg1, %add3A_302, %dma_start3A_306] : memref<16x164x128xi32, #tpu.memory_space<hbm>> -> memref<1x1x128xi32, #tpu.memory_space<hbm>>
      %dma_start3A_308 = tpu.memref_squeeze %dma_start3A_307 : memref<1x1x128xi32, #tpu.memory_space<hbm>> -> memref<128xi32, #tpu.memory_space<hbm>>
      tpu.enqueue_dma source(%dma_start3A_308 : memref<128xi32, #tpu.memory_space<hbm>>) target(%arg20 : memref<128xi32, #tpu.memory_space<vmem>>) target_semaphore(%arg28 : memref<!tpu.dma_semaphore, #tpu.memory_space<semaphore_mem>>)
      %gt3A_309 = arith.constant 0 : i32
      %gt3A_310 = arith.cmpi sgt, %while3A_291, %gt3A_309 : i32
      %convert_element_type3A_311 = arith.extui %gt3A_310 : i1 to i32
      %cond3A_312 = arith.constant 0 : i32
      %cond3A_313 = arith.cmpi ne, %convert_element_type3A_311, %cond3A_312 : i32
      scf.if %cond3A_313 {
        %dma_wait3A_370 = arith.constant 0 : i32
        %dma_wait3A_371 = tpu.memref_slice %arg5[%dma_wait3A_370] : memref<2048xf32, #tpu.memory_space<hbm>> -> memref<128xf32, #tpu.memory_space<hbm>>
        %dma_wait3A_372 = arith.constant 0 : i32
        %dma_wait3A_373 = tpu.memref_slice %arg5[%dma_wait3A_372] : memref<2048xf32, #tpu.memory_space<hbm>> -> memref<128xf32, #tpu.memory_space<hbm>>
        tpu.wait_dma2 semaphore(%arg37 : memref<!tpu.dma_semaphore, #tpu.memory_space<semaphore_mem>>) src(%dma_wait3A_373 : memref<128xf32, #tpu.memory_space<hbm>>) dst(%arg25 : memref<128xf32, #tpu.memory_space<vmem>>)
      } else {
      }
      %add3A_314 = arith.constant 1 : i32
      %add3A_315 = arith.addi %mul3A_292, %add3A_314 : i32
      %dma_start3A_316 = arith.constant 0 : i32
      %dma_start3A_317 = tpu.memref_slice %arg3[%arg1, %add3A_315, %dma_start3A_316] : memref<16x164x128xi32, #tpu.memory_space<hbm>> -> memref<1x1x128xi32, #tpu.memory_space<hbm>>
      %dma_start3A_318 = tpu.memref_squeeze %dma_start3A_317 : memref<1x1x128xi32, #tpu.memory_space<hbm>> -> memref<128xi32, #tpu.memory_space<hbm>>
      %dma_start3A_319 = arith.constant 0 : i32
      %dma_start3A_320 = tpu.memref_slice %arg3[%arg1, %add3A_315, %dma_start3A_319] : memref<16x164x128xi32, #tpu.memory_space<hbm>> -> memref<1x1x128xi32, #tpu.memory_space<hbm>>
      %dma_start3A_321 = tpu.memref_squeeze %dma_start3A_320 : memref<1x1x128xi32, #tpu.memory_space<hbm>> -> memref<128xi32, #tpu.memory_space<hbm>>
      tpu.enqueue_dma source(%dma_start3A_321 : memref<128xi32, #tpu.memory_space<hbm>>) target(%arg17 : memref<128xi32, #tpu.memory_space<vmem>>) target_semaphore(%arg29 : memref<!tpu.dma_semaphore, #tpu.memory_space<semaphore_mem>>)
      %add3A_322 = arith.constant 1 : i32
      %add3A_323 = arith.addi %mul3A_292, %add3A_322 : i32
      %dma_start3A_324 = arith.constant 0 : i32
      %dma_start3A_325 = tpu.memref_slice %arg4[%arg1, %add3A_323, %dma_start3A_324] : memref<16x164x128xi32, #tpu.memory_space<hbm>> -> memref<1x1x128xi32, #tpu.memory_space<hbm>>
      %dma_start3A_326 = tpu.memref_squeeze %dma_start3A_325 : memref<1x1x128xi32, #tpu.memory_space<hbm>> -> memref<128xi32, #tpu.memory_space<hbm>>
      %dma_start3A_327 = arith.constant 0 : i32
      %dma_start3A_328 = tpu.memref_slice %arg4[%arg1, %add3A_323, %dma_start3A_327] : memref<16x164x128xi32, #tpu.memory_space<hbm>> -> memref<1x1x128xi32, #tpu.memory_space<hbm>>
      %dma_start3A_329 = tpu.memref_squeeze %dma_start3A_328 : memref<1x1x128xi32, #tpu.memory_space<hbm>> -> memref<128xi32, #tpu.memory_space<hbm>>
      tpu.enqueue_dma source(%dma_start3A_329 : memref<128xi32, #tpu.memory_space<hbm>>) target(%arg21 : memref<128xi32, #tpu.memory_space<vmem>>) target_semaphore(%arg29 : memref<!tpu.dma_semaphore, #tpu.memory_space<semaphore_mem>>)
      %dma_wait3A_330 = arith.constant 0 : i32
      %dma_wait3A_331 = tpu.memref_slice %arg3[%while3A_105, %while3A_106, %dma_wait3A_330] : memref<16x164x128xi32, #tpu.memory_space<hbm>> -> memref<1x1x128xi32, #tpu.memory_space<hbm>>
      %dma_wait3A_332 = tpu.memref_squeeze %dma_wait3A_331 : memref<1x1x128xi32, #tpu.memory_space<hbm>> -> memref<128xi32, #tpu.memory_space<hbm>>
      %dma_wait3A_333 = arith.constant 0 : i32
      %dma_wait3A_334 = tpu.memref_slice %arg3[%while3A_105, %while3A_106, %dma_wait3A_333] : memref<16x164x128xi32, #tpu.memory_space<hbm>> -> memref<1x1x128xi32, #tpu.memory_space<hbm>>
      %dma_wait3A_335 = tpu.memref_squeeze %dma_wait3A_334 : memref<1x1x128xi32, #tpu.memory_space<hbm>> -> memref<128xi32, #tpu.memory_space<hbm>>
      tpu.wait_dma2 semaphore(%arg28 : memref<!tpu.dma_semaphore, #tpu.memory_space<semaphore_mem>>) src(%dma_wait3A_335 : memref<128xi32, #tpu.memory_space<hbm>>) dst(%arg16 : memref<128xi32, #tpu.memory_space<vmem>>)
      %dma_wait3A_336 = arith.constant 0 : i32
      %dma_wait3A_337 = tpu.memref_slice %arg3[%while3A_105, %while3A_106, %dma_wait3A_336] : memref<16x164x128xi32, #tpu.memory_space<hbm>> -> memref<1x1x128xi32, #tpu.memory_space<hbm>>
      %dma_wait3A_338 = tpu.memref_squeeze %dma_wait3A_337 : memref<1x1x128xi32, #tpu.memory_space<hbm>> -> memref<128xi32, #tpu.memory_space<hbm>>
      %dma_wait3A_339 = arith.constant 0 : i32
      %dma_wait3A_340 = tpu.memref_slice %arg3[%while3A_105, %while3A_106, %dma_wait3A_339] : memref<16x164x128xi32, #tpu.memory_space<hbm>> -> memref<1x1x128xi32, #tpu.memory_space<hbm>>
      %dma_wait3A_341 = tpu.memref_squeeze %dma_wait3A_340 : memref<1x1x128xi32, #tpu.memory_space<hbm>> -> memref<128xi32, #tpu.memory_space<hbm>>
      tpu.wait_dma2 semaphore(%arg28 : memref<!tpu.dma_semaphore, #tpu.memory_space<semaphore_mem>>) src(%dma_wait3A_341 : memref<128xi32, #tpu.memory_space<hbm>>) dst(%arg20 : memref<128xi32, #tpu.memory_space<vmem>>)
      %dma_start3A_342 = arith.constant 0 : i32
      %dma_start3A_343 = tpu.memref_slice %arg11[%dma_start3A_342] : memref<11536xf32, #tpu.memory_space<vmem_shared>> -> memref<11536xf32, #tpu.memory_space<vmem_shared>>
      tpu.enqueue_indirect_dma source(%dma_start3A_343 : memref<11536xf32, #tpu.memory_space<vmem_shared>>) target(%arg24 : memref<128xf32, #tpu.memory_space<vmem>>) offsets(%arg16 : memref<128xi32, #tpu.memory_space<vmem>>) semaphore(%arg32 : memref<!tpu.dma_semaphore, #tpu.memory_space<semaphore_mem>>)
      %dma_wait3A_344 = arith.constant 0 : i32
      %dma_wait3A_345 = tpu.memref_slice %arg3[%while3A_105, %while3A_106, %dma_wait3A_344] : memref<16x164x128xi32, #tpu.memory_space<hbm>> -> memref<1x1x128xi32, #tpu.memory_space<hbm>>
      %dma_wait3A_346 = tpu.memref_squeeze %dma_wait3A_345 : memref<1x1x128xi32, #tpu.memory_space<hbm>> -> memref<128xi32, #tpu.memory_space<hbm>>
      %dma_wait3A_347 = arith.constant 0 : i32
      %dma_wait3A_348 = tpu.memref_slice %arg3[%while3A_105, %while3A_106, %dma_wait3A_347] : memref<16x164x128xi32, #tpu.memory_space<hbm>> -> memref<1x1x128xi32, #tpu.memory_space<hbm>>
      %dma_wait3A_349 = tpu.memref_squeeze %dma_wait3A_348 : memref<1x1x128xi32, #tpu.memory_space<hbm>> -> memref<128xi32, #tpu.memory_space<hbm>>
      tpu.wait_dma2 semaphore(%arg29 : memref<!tpu.dma_semaphore, #tpu.memory_space<semaphore_mem>>) src(%dma_wait3A_349 : memref<128xi32, #tpu.memory_space<hbm>>) dst(%arg17 : memref<128xi32, #tpu.memory_space<vmem>>)
      %dma_wait3A_350 = arith.constant 0 : i32
      %dma_wait3A_351 = tpu.memref_slice %arg3[%while3A_105, %while3A_106, %dma_wait3A_350] : memref<16x164x128xi32, #tpu.memory_space<hbm>> -> memref<1x1x128xi32, #tpu.memory_space<hbm>>
      %dma_wait3A_352 = tpu.memref_squeeze %dma_wait3A_351 : memref<1x1x128xi32, #tpu.memory_space<hbm>> -> memref<128xi32, #tpu.memory_space<hbm>>
      %dma_wait3A_353 = arith.constant 0 : i32
      %dma_wait3A_354 = tpu.memref_slice %arg3[%while3A_105, %while3A_106, %dma_wait3A_353] : memref<16x164x128xi32, #tpu.memory_space<hbm>> -> memref<1x1x128xi32, #tpu.memory_space<hbm>>
      %dma_wait3A_355 = tpu.memref_squeeze %dma_wait3A_354 : memref<1x1x128xi32, #tpu.memory_space<hbm>> -> memref<128xi32, #tpu.memory_space<hbm>>
      tpu.wait_dma2 semaphore(%arg29 : memref<!tpu.dma_semaphore, #tpu.memory_space<semaphore_mem>>) src(%dma_wait3A_355 : memref<128xi32, #tpu.memory_space<hbm>>) dst(%arg21 : memref<128xi32, #tpu.memory_space<vmem>>)
      %dma_start3A_356 = arith.constant 0 : i32
      %dma_start3A_357 = tpu.memref_slice %arg11[%dma_start3A_356] : memref<11536xf32, #tpu.memory_space<vmem_shared>> -> memref<11536xf32, #tpu.memory_space<vmem_shared>>
      tpu.enqueue_indirect_dma source(%dma_start3A_357 : memref<11536xf32, #tpu.memory_space<vmem_shared>>) target(%arg25 : memref<128xf32, #tpu.memory_space<vmem>>) offsets(%arg17 : memref<128xi32, #tpu.memory_space<vmem>>) semaphore(%arg33 : memref<!tpu.dma_semaphore, #tpu.memory_space<semaphore_mem>>)
      %dma_wait3A_358 = arith.constant 0 : i32
      %dma_wait3A_359 = tpu.memref_slice %arg5[%dma_wait3A_358] : memref<2048xf32, #tpu.memory_space<hbm>> -> memref<128xf32, #tpu.memory_space<hbm>>
      %dma_wait3A_360 = arith.constant 0 : i32
      %dma_wait3A_361 = tpu.memref_slice %arg5[%dma_wait3A_360] : memref<2048xf32, #tpu.memory_space<hbm>> -> memref<128xf32, #tpu.memory_space<hbm>>
      tpu.wait_dma2 semaphore(%arg32 : memref<!tpu.dma_semaphore, #tpu.memory_space<semaphore_mem>>) src(%dma_wait3A_361 : memref<128xf32, #tpu.memory_space<hbm>>) dst(%arg24 : memref<128xf32, #tpu.memory_space<vmem>>)
      %dma_start3A_362 = arith.constant 0 : i32
      %dma_start3A_363 = tpu.memref_slice %arg10[%dma_start3A_362] : memref<11536xf32, #tpu.memory_space<vmem_shared>> -> memref<11536xf32, #tpu.memory_space<vmem_shared>>
      tpu.enqueue_indirect_dma source(%arg24 : memref<128xf32, #tpu.memory_space<vmem>>) target(%dma_start3A_363 : memref<11536xf32, #tpu.memory_space<vmem_shared>>) offsets(%arg20 : memref<128xi32, #tpu.memory_space<vmem>>) semaphore(%arg36 : memref<!tpu.dma_semaphore, #tpu.memory_space<semaphore_mem>>) {add = true}
      %dma_wait3A_364 = arith.constant 0 : i32
      %dma_wait3A_365 = tpu.memref_slice %arg5[%dma_wait3A_364] : memref<2048xf32, #tpu.memory_space<hbm>> -> memref<128xf32, #tpu.memory_space<hbm>>
      %dma_wait3A_366 = arith.constant 0 : i32
      %dma_wait3A_367 = tpu.memref_slice %arg5[%dma_wait3A_366] : memref<2048xf32, #tpu.memory_space<hbm>> -> memref<128xf32, #tpu.memory_space<hbm>>
      tpu.wait_dma2 semaphore(%arg33 : memref<!tpu.dma_semaphore, #tpu.memory_space<semaphore_mem>>) src(%dma_wait3A_367 : memref<128xf32, #tpu.memory_space<hbm>>) dst(%arg25 : memref<128xf32, #tpu.memory_space<vmem>>)
      %dma_start3A_368 = arith.constant 0 : i32
      %dma_start3A_369 = tpu.memref_slice %arg10[%dma_start3A_368] : memref<11536xf32, #tpu.memory_space<vmem_shared>> -> memref<11536xf32, #tpu.memory_space<vmem_shared>>
      tpu.enqueue_indirect_dma source(%arg25 : memref<128xf32, #tpu.memory_space<vmem>>) target(%dma_start3A_369 : memref<11536xf32, #tpu.memory_space<vmem_shared>>) offsets(%arg21 : memref<128xi32, #tpu.memory_space<vmem>>) semaphore(%arg37 : memref<!tpu.dma_semaphore, #tpu.memory_space<semaphore_mem>>) {add = true}
    }
    %while3A_115 = arith.constant 1 : i32
    scf.for %while3A_291 = %while3A_113 to %while3A_109 step %while3A_115  : i32 {
      %mul3A = arith.constant 2 : i32
      %mul3A_292 = arith.muli %mul3A, %while3A_291 : i32
      %gt3A = arith.constant 0 : i32
      %gt3A_293 = arith.cmpi sgt, %while3A_291, %gt3A : i32
      %convert_element_type3A = arith.extui %gt3A_293 : i1 to i32
      %cond3A = arith.constant 0 : i32
      %cond3A_294 = arith.cmpi ne, %convert_element_type3A, %cond3A : i32
      scf.if %cond3A_294 {
        %dma_wait3A_370 = arith.constant 0 : i32
        %dma_wait3A_371 = tpu.memref_slice %arg5[%dma_wait3A_370] : memref<2048xf32, #tpu.memory_space<hbm>> -> memref<128xf32, #tpu.memory_space<hbm>>
        %dma_wait3A_372 = arith.constant 0 : i32
        %dma_wait3A_373 = tpu.memref_slice %arg5[%dma_wait3A_372] : memref<2048xf32, #tpu.memory_space<hbm>> -> memref<128xf32, #tpu.memory_space<hbm>>
        tpu.wait_dma2 semaphore(%arg36 : memref<!tpu.dma_semaphore, #tpu.memory_space<semaphore_mem>>) src(%dma_wait3A_373 : memref<128xf32, #tpu.memory_space<hbm>>) dst(%arg24 : memref<128xf32, #tpu.memory_space<vmem>>)
      } else {
      }
      %add3A = arith.constant 0 : i32
      %add3A_295 = arith.addi %mul3A_292, %add3A : i32
      %dma_start3A = arith.constant 0 : i32
      %dma_start3A_296 = tpu.memref_slice %arg3[%arg1, %add3A_295, %dma_start3A] : memref<16x164x128xi32, #tpu.memory_space<hbm>> -> memref<1x1x128xi32, #tpu.memory_space<hbm>>
      %dma_start3A_297 = tpu.memref_squeeze %dma_start3A_296 : memref<1x1x128xi32, #tpu.memory_space<hbm>> -> memref<128xi32, #tpu.memory_space<hbm>>
      %dma_start3A_298 = arith.constant 0 : i32
      %dma_start3A_299 = tpu.memref_slice %arg3[%arg1, %add3A_295, %dma_start3A_298] : memref<16x164x128xi32, #tpu.memory_space<hbm>> -> memref<1x1x128xi32, #tpu.memory_space<hbm>>
      %dma_start3A_300 = tpu.memref_squeeze %dma_start3A_299 : memref<1x1x128xi32, #tpu.memory_space<hbm>> -> memref<128xi32, #tpu.memory_space<hbm>>
      tpu.enqueue_dma source(%dma_start3A_300 : memref<128xi32, #tpu.memory_space<hbm>>) target(%arg16 : memref<128xi32, #tpu.memory_space<vmem>>) target_semaphore(%arg28 : memref<!tpu.dma_semaphore, #tpu.memory_space<semaphore_mem>>)
      %add3A_301 = arith.constant 0 : i32
      %add3A_302 = arith.addi %mul3A_292, %add3A_301 : i32
      %dma_start3A_303 = arith.constant 0 : i32
      %dma_start3A_304 = tpu.memref_slice %arg4[%arg1, %add3A_302, %dma_start3A_303] : memref<16x164x128xi32, #tpu.memory_space<hbm>> -> memref<1x1x128xi32, #tpu.memory_space<hbm>>
      %dma_start3A_305 = tpu.memref_squeeze %dma_start3A_304 : memref<1x1x128xi32, #tpu.memory_space<hbm>> -> memref<128xi32, #tpu.memory_space<hbm>>
      %dma_start3A_306 = arith.constant 0 : i32
      %dma_start3A_307 = tpu.memref_slice %arg4[%arg1, %add3A_302, %dma_start3A_306] : memref<16x164x128xi32, #tpu.memory_space<hbm>> -> memref<1x1x128xi32, #tpu.memory_space<hbm>>
      %dma_start3A_308 = tpu.memref_squeeze %dma_start3A_307 : memref<1x1x128xi32, #tpu.memory_space<hbm>> -> memref<128xi32, #tpu.memory_space<hbm>>
      tpu.enqueue_dma source(%dma_start3A_308 : memref<128xi32, #tpu.memory_space<hbm>>) target(%arg20 : memref<128xi32, #tpu.memory_space<vmem>>) target_semaphore(%arg28 : memref<!tpu.dma_semaphore, #tpu.memory_space<semaphore_mem>>)
      %gt3A_309 = arith.constant 0 : i32
      %gt3A_310 = arith.cmpi sgt, %while3A_291, %gt3A_309 : i32
      %convert_element_type3A_311 = arith.extui %gt3A_310 : i1 to i32
      %cond3A_312 = arith.constant 0 : i32
      %cond3A_313 = arith.cmpi ne, %convert_element_type3A_311, %cond3A_312 : i32
      scf.if %cond3A_313 {
        %dma_wait3A_370 = arith.constant 0 : i32
        %dma_wait3A_371 = tpu.memref_slice %arg5[%dma_wait3A_370] : memref<2048xf32, #tpu.memory_space<hbm>> -> memref<128xf32, #tpu.memory_space<hbm>>
        %dma_wait3A_372 = arith.constant 0 : i32
        %dma_wait3A_373 = tpu.memref_slice %arg5[%dma_wait3A_372] : memref<2048xf32, #tpu.memory_space<hbm>> -> memref<128xf32, #tpu.memory_space<hbm>>
        tpu.wait_dma2 semaphore(%arg37 : memref<!tpu.dma_semaphore, #tpu.memory_space<semaphore_mem>>) src(%dma_wait3A_373 : memref<128xf32, #tpu.memory_space<hbm>>) dst(%arg25 : memref<128xf32, #tpu.memory_space<vmem>>)
      } else {
      }
      %add3A_314 = arith.constant 1 : i32
      %add3A_315 = arith.addi %mul3A_292, %add3A_314 : i32
      %dma_start3A_316 = arith.constant 0 : i32
      %dma_start3A_317 = tpu.memref_slice %arg3[%arg1, %add3A_315, %dma_start3A_316] : memref<16x164x128xi32, #tpu.memory_space<hbm>> -> memref<1x1x128xi32, #tpu.memory_space<hbm>>
      %dma_start3A_318 = tpu.memref_squeeze %dma_start3A_317 : memref<1x1x128xi32, #tpu.memory_space<hbm>> -> memref<128xi32, #tpu.memory_space<hbm>>
      %dma_start3A_319 = arith.constant 0 : i32
      %dma_start3A_320 = tpu.memref_slice %arg3[%arg1, %add3A_315, %dma_start3A_319] : memref<16x164x128xi32, #tpu.memory_space<hbm>> -> memref<1x1x128xi32, #tpu.memory_space<hbm>>
      %dma_start3A_321 = tpu.memref_squeeze %dma_start3A_320 : memref<1x1x128xi32, #tpu.memory_space<hbm>> -> memref<128xi32, #tpu.memory_space<hbm>>
      tpu.enqueue_dma source(%dma_start3A_321 : memref<128xi32, #tpu.memory_space<hbm>>) target(%arg17 : memref<128xi32, #tpu.memory_space<vmem>>) target_semaphore(%arg29 : memref<!tpu.dma_semaphore, #tpu.memory_space<semaphore_mem>>)
      %add3A_322 = arith.constant 1 : i32
      %add3A_323 = arith.addi %mul3A_292, %add3A_322 : i32
      %dma_start3A_324 = arith.constant 0 : i32
      %dma_start3A_325 = tpu.memref_slice %arg4[%arg1, %add3A_323, %dma_start3A_324] : memref<16x164x128xi32, #tpu.memory_space<hbm>> -> memref<1x1x128xi32, #tpu.memory_space<hbm>>
      %dma_start3A_326 = tpu.memref_squeeze %dma_start3A_325 : memref<1x1x128xi32, #tpu.memory_space<hbm>> -> memref<128xi32, #tpu.memory_space<hbm>>
      %dma_start3A_327 = arith.constant 0 : i32
      %dma_start3A_328 = tpu.memref_slice %arg4[%arg1, %add3A_323, %dma_start3A_327] : memref<16x164x128xi32, #tpu.memory_space<hbm>> -> memref<1x1x128xi32, #tpu.memory_space<hbm>>
      %dma_start3A_329 = tpu.memref_squeeze %dma_start3A_328 : memref<1x1x128xi32, #tpu.memory_space<hbm>> -> memref<128xi32, #tpu.memory_space<hbm>>
      tpu.enqueue_dma source(%dma_start3A_329 : memref<128xi32, #tpu.memory_space<hbm>>) target(%arg21 : memref<128xi32, #tpu.memory_space<vmem>>) target_semaphore(%arg29 : memref<!tpu.dma_semaphore, #tpu.memory_space<semaphore_mem>>)
      %dma_wait3A_330 = arith.constant 0 : i32
      %dma_wait3A_331 = tpu.memref_slice %arg3[%while3A_105, %while3A_106, %dma_wait3A_330] : memref<16x164x128xi32, #tpu.memory_space<hbm>> -> memref<1x1x128xi32, #tpu.memory_space<hbm>>
      %dma_wait3A_332 = tpu.memref_squeeze %dma_wait3A_331 : memref<1x1x128xi32, #tpu.memory_space<hbm>> -> memref<128xi32, #tpu.memory_space<hbm>>
      %dma_wait3A_333 = arith.constant 0 : i32
      %dma_wait3A_334 = tpu.memref_slice %arg3[%while3A_105, %while3A_106, %dma_wait3A_333] : memref<16x164x128xi32, #tpu.memory_space<hbm>> -> memref<1x1x128xi32, #tpu.memory_space<hbm>>
      %dma_wait3A_335 = tpu.memref_squeeze %dma_wait3A_334 : memref<1x1x128xi32, #tpu.memory_space<hbm>> -> memref<128xi32, #tpu.memory_space<hbm>>
      tpu.wait_dma2 semaphore(%arg28 : memref<!tpu.dma_semaphore, #tpu.memory_space<semaphore_mem>>) src(%dma_wait3A_335 : memref<128xi32, #tpu.memory_space<hbm>>) dst(%arg16 : memref<128xi32, #tpu.memory_space<vmem>>)
      %dma_wait3A_336 = arith.constant 0 : i32
      %dma_wait3A_337 = tpu.memref_slice %arg3[%while3A_105, %while3A_106, %dma_wait3A_336] : memref<16x164x128xi32, #tpu.memory_space<hbm>> -> memref<1x1x128xi32, #tpu.memory_space<hbm>>
      %dma_wait3A_338 = tpu.memref_squeeze %dma_wait3A_337 : memref<1x1x128xi32, #tpu.memory_space<hbm>> -> memref<128xi32, #tpu.memory_space<hbm>>
      %dma_wait3A_339 = arith.constant 0 : i32
      %dma_wait3A_340 = tpu.memref_slice %arg3[%while3A_105, %while3A_106, %dma_wait3A_339] : memref<16x164x128xi32, #tpu.memory_space<hbm>> -> memref<1x1x128xi32, #tpu.memory_space<hbm>>
      %dma_wait3A_341 = tpu.memref_squeeze %dma_wait3A_340 : memref<1x1x128xi32, #tpu.memory_space<hbm>> -> memref<128xi32, #tpu.memory_space<hbm>>
      tpu.wait_dma2 semaphore(%arg28 : memref<!tpu.dma_semaphore, #tpu.memory_space<semaphore_mem>>) src(%dma_wait3A_341 : memref<128xi32, #tpu.memory_space<hbm>>) dst(%arg20 : memref<128xi32, #tpu.memory_space<vmem>>)
      %dma_start3A_342 = arith.constant 0 : i32
      %dma_start3A_343 = tpu.memref_slice %arg11[%dma_start3A_342] : memref<11536xf32, #tpu.memory_space<vmem_shared>> -> memref<11536xf32, #tpu.memory_space<vmem_shared>>
      tpu.enqueue_indirect_dma source(%dma_start3A_343 : memref<11536xf32, #tpu.memory_space<vmem_shared>>) target(%arg24 : memref<128xf32, #tpu.memory_space<vmem>>) offsets(%arg16 : memref<128xi32, #tpu.memory_space<vmem>>) semaphore(%arg32 : memref<!tpu.dma_semaphore, #tpu.memory_space<semaphore_mem>>)
      %dma_wait3A_344 = arith.constant 0 : i32
      %dma_wait3A_345 = tpu.memref_slice %arg3[%while3A_105, %while3A_106, %dma_wait3A_344] : memref<16x164x128xi32, #tpu.memory_space<hbm>> -> memref<1x1x128xi32, #tpu.memory_space<hbm>>
      %dma_wait3A_346 = tpu.memref_squeeze %dma_wait3A_345 : memref<1x1x128xi32, #tpu.memory_space<hbm>> -> memref<128xi32, #tpu.memory_space<hbm>>
      %dma_wait3A_347 = arith.constant 0 : i32
      %dma_wait3A_348 = tpu.memref_slice %arg3[%while3A_105, %while3A_106, %dma_wait3A_347] : memref<16x164x128xi32, #tpu.memory_space<hbm>> -> memref<1x1x128xi32, #tpu.memory_space<hbm>>
      %dma_wait3A_349 = tpu.memref_squeeze %dma_wait3A_348 : memref<1x1x128xi32, #tpu.memory_space<hbm>> -> memref<128xi32, #tpu.memory_space<hbm>>
      tpu.wait_dma2 semaphore(%arg29 : memref<!tpu.dma_semaphore, #tpu.memory_space<semaphore_mem>>) src(%dma_wait3A_349 : memref<128xi32, #tpu.memory_space<hbm>>) dst(%arg17 : memref<128xi32, #tpu.memory_space<vmem>>)
      %dma_wait3A_350 = arith.constant 0 : i32
      %dma_wait3A_351 = tpu.memref_slice %arg3[%while3A_105, %while3A_106, %dma_wait3A_350] : memref<16x164x128xi32, #tpu.memory_space<hbm>> -> memref<1x1x128xi32, #tpu.memory_space<hbm>>
      %dma_wait3A_352 = tpu.memref_squeeze %dma_wait3A_351 : memref<1x1x128xi32, #tpu.memory_space<hbm>> -> memref<128xi32, #tpu.memory_space<hbm>>
      %dma_wait3A_353 = arith.constant 0 : i32
      %dma_wait3A_354 = tpu.memref_slice %arg3[%while3A_105, %while3A_106, %dma_wait3A_353] : memref<16x164x128xi32, #tpu.memory_space<hbm>> -> memref<1x1x128xi32, #tpu.memory_space<hbm>>
      %dma_wait3A_355 = tpu.memref_squeeze %dma_wait3A_354 : memref<1x1x128xi32, #tpu.memory_space<hbm>> -> memref<128xi32, #tpu.memory_space<hbm>>
      tpu.wait_dma2 semaphore(%arg29 : memref<!tpu.dma_semaphore, #tpu.memory_space<semaphore_mem>>) src(%dma_wait3A_355 : memref<128xi32, #tpu.memory_space<hbm>>) dst(%arg21 : memref<128xi32, #tpu.memory_space<vmem>>)
      %dma_start3A_356 = arith.constant 0 : i32
      %dma_start3A_357 = tpu.memref_slice %arg11[%dma_start3A_356] : memref<11536xf32, #tpu.memory_space<vmem_shared>> -> memref<11536xf32, #tpu.memory_space<vmem_shared>>
      tpu.enqueue_indirect_dma source(%dma_start3A_357 : memref<11536xf32, #tpu.memory_space<vmem_shared>>) target(%arg25 : memref<128xf32, #tpu.memory_space<vmem>>) offsets(%arg17 : memref<128xi32, #tpu.memory_space<vmem>>) semaphore(%arg33 : memref<!tpu.dma_semaphore, #tpu.memory_space<semaphore_mem>>)
      %dma_wait3A_358 = arith.constant 0 : i32
      %dma_wait3A_359 = tpu.memref_slice %arg5[%dma_wait3A_358] : memref<2048xf32, #tpu.memory_space<hbm>> -> memref<128xf32, #tpu.memory_space<hbm>>
      %dma_wait3A_360 = arith.constant 0 : i32
      %dma_wait3A_361 = tpu.memref_slice %arg5[%dma_wait3A_360] : memref<2048xf32, #tpu.memory_space<hbm>> -> memref<128xf32, #tpu.memory_space<hbm>>
      tpu.wait_dma2 semaphore(%arg32 : memref<!tpu.dma_semaphore, #tpu.memory_space<semaphore_mem>>) src(%dma_wait3A_361 : memref<128xf32, #tpu.memory_space<hbm>>) dst(%arg24 : memref<128xf32, #tpu.memory_space<vmem>>)
      %dma_start3A_362 = arith.constant 0 : i32
      %dma_start3A_363 = tpu.memref_slice %arg10[%dma_start3A_362] : memref<11536xf32, #tpu.memory_space<vmem_shared>> -> memref<11536xf32, #tpu.memory_space<vmem_shared>>
      tpu.enqueue_indirect_dma source(%arg24 : memref<128xf32, #tpu.memory_space<vmem>>) target(%dma_start3A_363 : memref<11536xf32, #tpu.memory_space<vmem_shared>>) offsets(%arg20 : memref<128xi32, #tpu.memory_space<vmem>>) semaphore(%arg36 : memref<!tpu.dma_semaphore, #tpu.memory_space<semaphore_mem>>) {add = true}
      %dma_wait3A_364 = arith.constant 0 : i32
      %dma_wait3A_365 = tpu.memref_slice %arg5[%dma_wait3A_364] : memref<2048xf32, #tpu.memory_space<hbm>> -> memref<128xf32, #tpu.memory_space<hbm>>
      %dma_wait3A_366 = arith.constant 0 : i32
      %dma_wait3A_367 = tpu.memref_slice %arg5[%dma_wait3A_366] : memref<2048xf32, #tpu.memory_space<hbm>> -> memref<128xf32, #tpu.memory_space<hbm>>
      tpu.wait_dma2 semaphore(%arg33 : memref<!tpu.dma_semaphore, #tpu.memory_space<semaphore_mem>>) src(%dma_wait3A_367 : memref<128xf32, #tpu.memory_space<hbm>>) dst(%arg25 : memref<128xf32, #tpu.memory_space<vmem>>)
      %dma_start3A_368 = arith.constant 0 : i32
      %dma_start3A_369 = tpu.memref_slice %arg10[%dma_start3A_368] : memref<11536xf32, #tpu.memory_space<vmem_shared>> -> memref<11536xf32, #tpu.memory_space<vmem_shared>>
      tpu.enqueue_indirect_dma source(%arg25 : memref<128xf32, #tpu.memory_space<vmem>>) target(%dma_start3A_369 : memref<11536xf32, #tpu.memory_space<vmem_shared>>) offsets(%arg21 : memref<128xi32, #tpu.memory_space<vmem>>) semaphore(%arg37 : memref<!tpu.dma_semaphore, #tpu.memory_space<semaphore_mem>>) {add = true}
    }
    %dma_wait3A_116 = arith.constant 0 : i32
    %dma_wait3A_117 = tpu.memref_slice %arg5[%dma_wait3A_116] : memref<2048xf32, #tpu.memory_space<hbm>> -> memref<128xf32, #tpu.memory_space<hbm>>
    %dma_wait3A_118 = arith.constant 0 : i32
    %dma_wait3A_119 = tpu.memref_slice %arg5[%dma_wait3A_118] : memref<2048xf32, #tpu.memory_space<hbm>> -> memref<128xf32, #tpu.memory_space<hbm>>
    tpu.wait_dma2 semaphore(%arg36 : memref<!tpu.dma_semaphore, #tpu.memory_space<semaphore_mem>>) src(%dma_wait3A_119 : memref<128xf32, #tpu.memory_space<hbm>>) dst(%arg24 : memref<128xf32, #tpu.memory_space<vmem>>)
    %dma_wait3A_120 = arith.constant 0 : i32
    %dma_wait3A_121 = tpu.memref_slice %arg5[%dma_wait3A_120] : memref<2048xf32, #tpu.memory_space<hbm>> -> memref<128xf32, #tpu.memory_space<hbm>>
    %dma_wait3A_122 = arith.constant 0 : i32
    %dma_wait3A_123 = tpu.memref_slice %arg5[%dma_wait3A_122] : memref<2048xf32, #tpu.memory_space<hbm>> -> memref<128xf32, #tpu.memory_space<hbm>>
    tpu.wait_dma2 semaphore(%arg37 : memref<!tpu.dma_semaphore, #tpu.memory_space<semaphore_mem>>) src(%dma_wait3A_123 : memref<128xf32, #tpu.memory_space<hbm>>) dst(%arg25 : memref<128xf32, #tpu.memory_space<vmem>>)
    %jit3A_124 = arith.constant 4 : i32
    "tpu.trace_stop"() : () -> ()
    "tpu.trace_start"() <{level = 10 : i32, message = "ph_edge1"}> : () -> ()
    %div3A_125 = arith.divsi %sub3A_8, %jit3A_124 : i32
    %sign3A_126 = arith.constant 0 : i32
    %sign3A_127 = arith.cmpi sgt, %sub3A_8, %sign3A_126 : i32
    %sign3A_128 = arith.extui %sign3A_127 : i1 to i32
    %sign3A_129 = arith.constant 0 : i32
    %sign3A_130 = arith.cmpi slt, %sub3A_8, %sign3A_129 : i32
    %sign3A_131 = arith.extui %sign3A_130 : i1 to i32
    %sign3A_132 = arith.subi %sign3A_128, %sign3A_131 : i32
    %sign3A_133 = arith.constant 0 : i32
    %sign3A_134 = arith.cmpi sgt, %jit3A_124, %sign3A_133 : i32
    %sign3A_135 = arith.extui %sign3A_134 : i1 to i32
    %sign3A_136 = arith.constant 0 : i32
    %sign3A_137 = arith.cmpi slt, %jit3A_124, %sign3A_136 : i32
    %sign3A_138 = arith.extui %sign3A_137 : i1 to i32
    %sign3A_139 = arith.subi %sign3A_135, %sign3A_138 : i32
    %ne3A_140 = arith.cmpi ne, %sign3A_132, %sign3A_139 : i32
    %rem3A_141 = arith.remsi %sub3A_8, %jit3A_124 : i32
    %ne3A_142 = arith.constant 0 : i32
    %ne3A_143 = arith.cmpi ne, %rem3A_141, %ne3A_142 : i32
    %and3A_144 = arith.andi %ne3A_140, %ne3A_143 : i1
    %sub3A_145 = arith.constant 1 : i32
    %sub3A_146 = arith.subi %div3A_125, %sub3A_145 : i32
    %select_n3A_147 = arith.select %and3A_144, %sub3A_146, %div3A_125 : i32
    %while3A_148 = arith.constant 0 : i32
    %while3A_149 = arith.constant 0 : i32
    %while3A_150 = arith.constant 0 : i32
    %while3A_151 = arith.constant 0 : i32
    %while3A_152 = arith.constant 0 : i32
    %while3A_153 = arith.subi %select_n3A_147, %while3A_152 : i32
    %while3A_154 = arith.addi %while3A_152, %while3A_153 : i32
    %while3A_155 = arith.constant 1 : i32
    %while3A_156 = arith.divsi %while3A_153, %while3A_155 : i32
    %while3A_157 = arith.muli %while3A_156, %while3A_155 : i32
    %while3A_158 = arith.addi %while3A_152, %while3A_157 : i32
    %while3A_159 = arith.constant 1 : i32
    scf.for %while3A_291 = %while3A_152 to %while3A_158 step %while3A_159  : i32 {
      %mul3A = arith.constant 4 : i32
      %mul3A_292 = arith.muli %mul3A, %while3A_291 : i32
      %gt3A = arith.constant 0 : i32
      %gt3A_293 = arith.cmpi sgt, %while3A_291, %gt3A : i32
      %convert_element_type3A = arith.extui %gt3A_293 : i1 to i32
      %cond3A = arith.constant 0 : i32
      %cond3A_294 = arith.cmpi ne, %convert_element_type3A, %cond3A : i32
      scf.if %cond3A_294 {
        %dma_wait3A_476 = arith.constant 0 : i32
        %dma_wait3A_477 = arith.constant 0 : i32
        %dma_wait3A_478 = tpu.memref_slice %arg2[%while3A_149, %dma_wait3A_476, %dma_wait3A_477] : memref<2x10000x64xf32, #tpu.memory_space<hbm>> -> memref<1x128x64xf32, #tpu.memory_space<hbm>>
        %dma_wait3A_479 = tpu.memref_squeeze %dma_wait3A_478 : memref<1x128x64xf32, #tpu.memory_space<hbm>> -> memref<128x64xf32, #tpu.memory_space<hbm>>
        %dma_wait3A_480 = arith.constant 0 : i32
        %dma_wait3A_481 = arith.constant 0 : i32
        %dma_wait3A_482 = tpu.memref_slice %arg2[%while3A_149, %dma_wait3A_480, %dma_wait3A_481] : memref<2x10000x64xf32, #tpu.memory_space<hbm>> -> memref<1x128x64xf32, #tpu.memory_space<hbm>>
        %dma_wait3A_483 = tpu.memref_squeeze %dma_wait3A_482 : memref<1x128x64xf32, #tpu.memory_space<hbm>> -> memref<128x64xf32, #tpu.memory_space<hbm>>
        tpu.wait_dma2 semaphore(%arg36 : memref<!tpu.dma_semaphore, #tpu.memory_space<semaphore_mem>>) src(%dma_wait3A_483 : memref<128x64xf32, #tpu.memory_space<hbm>>) dst(%arg12 : memref<128x64xf32, #tpu.memory_space<vmem>>)
      } else {
      }
      %add3A = arith.constant 0 : i32
      %add3A_295 = arith.addi %mul3A_292, %add3A : i32
      %dma_start3A = arith.constant 0 : i32
      %dma_start3A_296 = tpu.memref_slice %arg3[%arg1, %add3A_295, %dma_start3A] : memref<16x164x128xi32, #tpu.memory_space<hbm>> -> memref<1x1x128xi32, #tpu.memory_space<hbm>>
      %dma_start3A_297 = tpu.memref_squeeze %dma_start3A_296 : memref<1x1x128xi32, #tpu.memory_space<hbm>> -> memref<128xi32, #tpu.memory_space<hbm>>
      %dma_start3A_298 = arith.constant 0 : i32
      %dma_start3A_299 = tpu.memref_slice %arg3[%arg1, %add3A_295, %dma_start3A_298] : memref<16x164x128xi32, #tpu.memory_space<hbm>> -> memref<1x1x128xi32, #tpu.memory_space<hbm>>
      %dma_start3A_300 = tpu.memref_squeeze %dma_start3A_299 : memref<1x1x128xi32, #tpu.memory_space<hbm>> -> memref<128xi32, #tpu.memory_space<hbm>>
      tpu.enqueue_dma source(%dma_start3A_300 : memref<128xi32, #tpu.memory_space<hbm>>) target(%arg16 : memref<128xi32, #tpu.memory_space<vmem>>) target_semaphore(%arg28 : memref<!tpu.dma_semaphore, #tpu.memory_space<semaphore_mem>>)
      %add3A_301 = arith.constant 0 : i32
      %add3A_302 = arith.addi %mul3A_292, %add3A_301 : i32
      %dma_start3A_303 = arith.constant 0 : i32
      %dma_start3A_304 = tpu.memref_slice %arg4[%arg1, %add3A_302, %dma_start3A_303] : memref<16x164x128xi32, #tpu.memory_space<hbm>> -> memref<1x1x128xi32, #tpu.memory_space<hbm>>
      %dma_start3A_305 = tpu.memref_squeeze %dma_start3A_304 : memref<1x1x128xi32, #tpu.memory_space<hbm>> -> memref<128xi32, #tpu.memory_space<hbm>>
      %dma_start3A_306 = arith.constant 0 : i32
      %dma_start3A_307 = tpu.memref_slice %arg4[%arg1, %add3A_302, %dma_start3A_306] : memref<16x164x128xi32, #tpu.memory_space<hbm>> -> memref<1x1x128xi32, #tpu.memory_space<hbm>>
      %dma_start3A_308 = tpu.memref_squeeze %dma_start3A_307 : memref<1x1x128xi32, #tpu.memory_space<hbm>> -> memref<128xi32, #tpu.memory_space<hbm>>
      tpu.enqueue_dma source(%dma_start3A_308 : memref<128xi32, #tpu.memory_space<hbm>>) target(%arg20 : memref<128xi32, #tpu.memory_space<vmem>>) target_semaphore(%arg28 : memref<!tpu.dma_semaphore, #tpu.memory_space<semaphore_mem>>)
      %gt3A_309 = arith.constant 0 : i32
      %gt3A_310 = arith.cmpi sgt, %while3A_291, %gt3A_309 : i32
      %convert_element_type3A_311 = arith.extui %gt3A_310 : i1 to i32
      %cond3A_312 = arith.constant 0 : i32
      %cond3A_313 = arith.cmpi ne, %convert_element_type3A_311, %cond3A_312 : i32
      scf.if %cond3A_313 {
        %dma_wait3A_476 = arith.constant 0 : i32
        %dma_wait3A_477 = arith.constant 0 : i32
        %dma_wait3A_478 = tpu.memref_slice %arg2[%while3A_149, %dma_wait3A_476, %dma_wait3A_477] : memref<2x10000x64xf32, #tpu.memory_space<hbm>> -> memref<1x128x64xf32, #tpu.memory_space<hbm>>
        %dma_wait3A_479 = tpu.memref_squeeze %dma_wait3A_478 : memref<1x128x64xf32, #tpu.memory_space<hbm>> -> memref<128x64xf32, #tpu.memory_space<hbm>>
        %dma_wait3A_480 = arith.constant 0 : i32
        %dma_wait3A_481 = arith.constant 0 : i32
        %dma_wait3A_482 = tpu.memref_slice %arg2[%while3A_149, %dma_wait3A_480, %dma_wait3A_481] : memref<2x10000x64xf32, #tpu.memory_space<hbm>> -> memref<1x128x64xf32, #tpu.memory_space<hbm>>
        %dma_wait3A_483 = tpu.memref_squeeze %dma_wait3A_482 : memref<1x128x64xf32, #tpu.memory_space<hbm>> -> memref<128x64xf32, #tpu.memory_space<hbm>>
        tpu.wait_dma2 semaphore(%arg37 : memref<!tpu.dma_semaphore, #tpu.memory_space<semaphore_mem>>) src(%dma_wait3A_483 : memref<128x64xf32, #tpu.memory_space<hbm>>) dst(%arg13 : memref<128x64xf32, #tpu.memory_space<vmem>>)
      } else {
      }
      %add3A_314 = arith.constant 1 : i32
      %add3A_315 = arith.addi %mul3A_292, %add3A_314 : i32
      %dma_start3A_316 = arith.constant 0 : i32
      %dma_start3A_317 = tpu.memref_slice %arg3[%arg1, %add3A_315, %dma_start3A_316] : memref<16x164x128xi32, #tpu.memory_space<hbm>> -> memref<1x1x128xi32, #tpu.memory_space<hbm>>
      %dma_start3A_318 = tpu.memref_squeeze %dma_start3A_317 : memref<1x1x128xi32, #tpu.memory_space<hbm>> -> memref<128xi32, #tpu.memory_space<hbm>>
      %dma_start3A_319 = arith.constant 0 : i32
      %dma_start3A_320 = tpu.memref_slice %arg3[%arg1, %add3A_315, %dma_start3A_319] : memref<16x164x128xi32, #tpu.memory_space<hbm>> -> memref<1x1x128xi32, #tpu.memory_space<hbm>>
      %dma_start3A_321 = tpu.memref_squeeze %dma_start3A_320 : memref<1x1x128xi32, #tpu.memory_space<hbm>> -> memref<128xi32, #tpu.memory_space<hbm>>
      tpu.enqueue_dma source(%dma_start3A_321 : memref<128xi32, #tpu.memory_space<hbm>>) target(%arg17 : memref<128xi32, #tpu.memory_space<vmem>>) target_semaphore(%arg29 : memref<!tpu.dma_semaphore, #tpu.memory_space<semaphore_mem>>)
      %add3A_322 = arith.constant 1 : i32
      %add3A_323 = arith.addi %mul3A_292, %add3A_322 : i32
      %dma_start3A_324 = arith.constant 0 : i32
      %dma_start3A_325 = tpu.memref_slice %arg4[%arg1, %add3A_323, %dma_start3A_324] : memref<16x164x128xi32, #tpu.memory_space<hbm>> -> memref<1x1x128xi32, #tpu.memory_space<hbm>>
      %dma_start3A_326 = tpu.memref_squeeze %dma_start3A_325 : memref<1x1x128xi32, #tpu.memory_space<hbm>> -> memref<128xi32, #tpu.memory_space<hbm>>
      %dma_start3A_327 = arith.constant 0 : i32
      %dma_start3A_328 = tpu.memref_slice %arg4[%arg1, %add3A_323, %dma_start3A_327] : memref<16x164x128xi32, #tpu.memory_space<hbm>> -> memref<1x1x128xi32, #tpu.memory_space<hbm>>
      %dma_start3A_329 = tpu.memref_squeeze %dma_start3A_328 : memref<1x1x128xi32, #tpu.memory_space<hbm>> -> memref<128xi32, #tpu.memory_space<hbm>>
      tpu.enqueue_dma source(%dma_start3A_329 : memref<128xi32, #tpu.memory_space<hbm>>) target(%arg21 : memref<128xi32, #tpu.memory_space<vmem>>) target_semaphore(%arg29 : memref<!tpu.dma_semaphore, #tpu.memory_space<semaphore_mem>>)
      %gt3A_330 = arith.constant 0 : i32
      %gt3A_331 = arith.cmpi sgt, %while3A_291, %gt3A_330 : i32
      %convert_element_type3A_332 = arith.extui %gt3A_331 : i1 to i32
      %cond3A_333 = arith.constant 0 : i32
      %cond3A_334 = arith.cmpi ne, %convert_element_type3A_332, %cond3A_333 : i32
      scf.if %cond3A_334 {
        %dma_wait3A_476 = arith.constant 0 : i32
        %dma_wait3A_477 = arith.constant 0 : i32
        %dma_wait3A_478 = tpu.memref_slice %arg2[%while3A_149, %dma_wait3A_476, %dma_wait3A_477] : memref<2x10000x64xf32, #tpu.memory_space<hbm>> -> memref<1x128x64xf32, #tpu.memory_space<hbm>>
        %dma_wait3A_479 = tpu.memref_squeeze %dma_wait3A_478 : memref<1x128x64xf32, #tpu.memory_space<hbm>> -> memref<128x64xf32, #tpu.memory_space<hbm>>
        %dma_wait3A_480 = arith.constant 0 : i32
        %dma_wait3A_481 = arith.constant 0 : i32
        %dma_wait3A_482 = tpu.memref_slice %arg2[%while3A_149, %dma_wait3A_480, %dma_wait3A_481] : memref<2x10000x64xf32, #tpu.memory_space<hbm>> -> memref<1x128x64xf32, #tpu.memory_space<hbm>>
        %dma_wait3A_483 = tpu.memref_squeeze %dma_wait3A_482 : memref<1x128x64xf32, #tpu.memory_space<hbm>> -> memref<128x64xf32, #tpu.memory_space<hbm>>
        tpu.wait_dma2 semaphore(%arg38 : memref<!tpu.dma_semaphore, #tpu.memory_space<semaphore_mem>>) src(%dma_wait3A_483 : memref<128x64xf32, #tpu.memory_space<hbm>>) dst(%arg14 : memref<128x64xf32, #tpu.memory_space<vmem>>)
      } else {
      }
      %add3A_335 = arith.constant 2 : i32
      %add3A_336 = arith.addi %mul3A_292, %add3A_335 : i32
      %dma_start3A_337 = arith.constant 0 : i32
      %dma_start3A_338 = tpu.memref_slice %arg3[%arg1, %add3A_336, %dma_start3A_337] : memref<16x164x128xi32, #tpu.memory_space<hbm>> -> memref<1x1x128xi32, #tpu.memory_space<hbm>>
      %dma_start3A_339 = tpu.memref_squeeze %dma_start3A_338 : memref<1x1x128xi32, #tpu.memory_space<hbm>> -> memref<128xi32, #tpu.memory_space<hbm>>
      %dma_start3A_340 = arith.constant 0 : i32
      %dma_start3A_341 = tpu.memref_slice %arg3[%arg1, %add3A_336, %dma_start3A_340] : memref<16x164x128xi32, #tpu.memory_space<hbm>> -> memref<1x1x128xi32, #tpu.memory_space<hbm>>
      %dma_start3A_342 = tpu.memref_squeeze %dma_start3A_341 : memref<1x1x128xi32, #tpu.memory_space<hbm>> -> memref<128xi32, #tpu.memory_space<hbm>>
      tpu.enqueue_dma source(%dma_start3A_342 : memref<128xi32, #tpu.memory_space<hbm>>) target(%arg18 : memref<128xi32, #tpu.memory_space<vmem>>) target_semaphore(%arg30 : memref<!tpu.dma_semaphore, #tpu.memory_space<semaphore_mem>>)
      %add3A_343 = arith.constant 2 : i32
      %add3A_344 = arith.addi %mul3A_292, %add3A_343 : i32
      %dma_start3A_345 = arith.constant 0 : i32
      %dma_start3A_346 = tpu.memref_slice %arg4[%arg1, %add3A_344, %dma_start3A_345] : memref<16x164x128xi32, #tpu.memory_space<hbm>> -> memref<1x1x128xi32, #tpu.memory_space<hbm>>
      %dma_start3A_347 = tpu.memref_squeeze %dma_start3A_346 : memref<1x1x128xi32, #tpu.memory_space<hbm>> -> memref<128xi32, #tpu.memory_space<hbm>>
      %dma_start3A_348 = arith.constant 0 : i32
      %dma_start3A_349 = tpu.memref_slice %arg4[%arg1, %add3A_344, %dma_start3A_348] : memref<16x164x128xi32, #tpu.memory_space<hbm>> -> memref<1x1x128xi32, #tpu.memory_space<hbm>>
      %dma_start3A_350 = tpu.memref_squeeze %dma_start3A_349 : memref<1x1x128xi32, #tpu.memory_space<hbm>> -> memref<128xi32, #tpu.memory_space<hbm>>
      tpu.enqueue_dma source(%dma_start3A_350 : memref<128xi32, #tpu.memory_space<hbm>>) target(%arg22 : memref<128xi32, #tpu.memory_space<vmem>>) target_semaphore(%arg30 : memref<!tpu.dma_semaphore, #tpu.memory_space<semaphore_mem>>)
      %gt3A_351 = arith.constant 0 : i32
      %gt3A_352 = arith.cmpi sgt, %while3A_291, %gt3A_351 : i32
      %convert_element_type3A_353 = arith.extui %gt3A_352 : i1 to i32
      %cond3A_354 = arith.constant 0 : i32
      %cond3A_355 = arith.cmpi ne, %convert_element_type3A_353, %cond3A_354 : i32
      scf.if %cond3A_355 {
        %dma_wait3A_476 = arith.constant 0 : i32
        %dma_wait3A_477 = arith.constant 0 : i32
        %dma_wait3A_478 = tpu.memref_slice %arg2[%while3A_149, %dma_wait3A_476, %dma_wait3A_477] : memref<2x10000x64xf32, #tpu.memory_space<hbm>> -> memref<1x128x64xf32, #tpu.memory_space<hbm>>
        %dma_wait3A_479 = tpu.memref_squeeze %dma_wait3A_478 : memref<1x128x64xf32, #tpu.memory_space<hbm>> -> memref<128x64xf32, #tpu.memory_space<hbm>>
        %dma_wait3A_480 = arith.constant 0 : i32
        %dma_wait3A_481 = arith.constant 0 : i32
        %dma_wait3A_482 = tpu.memref_slice %arg2[%while3A_149, %dma_wait3A_480, %dma_wait3A_481] : memref<2x10000x64xf32, #tpu.memory_space<hbm>> -> memref<1x128x64xf32, #tpu.memory_space<hbm>>
        %dma_wait3A_483 = tpu.memref_squeeze %dma_wait3A_482 : memref<1x128x64xf32, #tpu.memory_space<hbm>> -> memref<128x64xf32, #tpu.memory_space<hbm>>
        tpu.wait_dma2 semaphore(%arg39 : memref<!tpu.dma_semaphore, #tpu.memory_space<semaphore_mem>>) src(%dma_wait3A_483 : memref<128x64xf32, #tpu.memory_space<hbm>>) dst(%arg15 : memref<128x64xf32, #tpu.memory_space<vmem>>)
      } else {
      }
      %add3A_356 = arith.constant 3 : i32
      %add3A_357 = arith.addi %mul3A_292, %add3A_356 : i32
      %dma_start3A_358 = arith.constant 0 : i32
      %dma_start3A_359 = tpu.memref_slice %arg3[%arg1, %add3A_357, %dma_start3A_358] : memref<16x164x128xi32, #tpu.memory_space<hbm>> -> memref<1x1x128xi32, #tpu.memory_space<hbm>>
      %dma_start3A_360 = tpu.memref_squeeze %dma_start3A_359 : memref<1x1x128xi32, #tpu.memory_space<hbm>> -> memref<128xi32, #tpu.memory_space<hbm>>
      %dma_start3A_361 = arith.constant 0 : i32
      %dma_start3A_362 = tpu.memref_slice %arg3[%arg1, %add3A_357, %dma_start3A_361] : memref<16x164x128xi32, #tpu.memory_space<hbm>> -> memref<1x1x128xi32, #tpu.memory_space<hbm>>
      %dma_start3A_363 = tpu.memref_squeeze %dma_start3A_362 : memref<1x1x128xi32, #tpu.memory_space<hbm>> -> memref<128xi32, #tpu.memory_space<hbm>>
      tpu.enqueue_dma source(%dma_start3A_363 : memref<128xi32, #tpu.memory_space<hbm>>) target(%arg19 : memref<128xi32, #tpu.memory_space<vmem>>) target_semaphore(%arg31 : memref<!tpu.dma_semaphore, #tpu.memory_space<semaphore_mem>>)
      %add3A_364 = arith.constant 3 : i32
      %add3A_365 = arith.addi %mul3A_292, %add3A_364 : i32
      %dma_start3A_366 = arith.constant 0 : i32
      %dma_start3A_367 = tpu.memref_slice %arg4[%arg1, %add3A_365, %dma_start3A_366] : memref<16x164x128xi32, #tpu.memory_space<hbm>> -> memref<1x1x128xi32, #tpu.memory_space<hbm>>
      %dma_start3A_368 = tpu.memref_squeeze %dma_start3A_367 : memref<1x1x128xi32, #tpu.memory_space<hbm>> -> memref<128xi32, #tpu.memory_space<hbm>>
      %dma_start3A_369 = arith.constant 0 : i32
      %dma_start3A_370 = tpu.memref_slice %arg4[%arg1, %add3A_365, %dma_start3A_369] : memref<16x164x128xi32, #tpu.memory_space<hbm>> -> memref<1x1x128xi32, #tpu.memory_space<hbm>>
      %dma_start3A_371 = tpu.memref_squeeze %dma_start3A_370 : memref<1x1x128xi32, #tpu.memory_space<hbm>> -> memref<128xi32, #tpu.memory_space<hbm>>
      tpu.enqueue_dma source(%dma_start3A_371 : memref<128xi32, #tpu.memory_space<hbm>>) target(%arg23 : memref<128xi32, #tpu.memory_space<vmem>>) target_semaphore(%arg31 : memref<!tpu.dma_semaphore, #tpu.memory_space<semaphore_mem>>)
      %dma_wait3A_372 = arith.constant 0 : i32
      %dma_wait3A_373 = tpu.memref_slice %arg3[%while3A_150, %while3A_151, %dma_wait3A_372] : memref<16x164x128xi32, #tpu.memory_space<hbm>> -> memref<1x1x128xi32, #tpu.memory_space<hbm>>
      %dma_wait3A_374 = tpu.memref_squeeze %dma_wait3A_373 : memref<1x1x128xi32, #tpu.memory_space<hbm>> -> memref<128xi32, #tpu.memory_space<hbm>>
      %dma_wait3A_375 = arith.constant 0 : i32
      %dma_wait3A_376 = tpu.memref_slice %arg3[%while3A_150, %while3A_151, %dma_wait3A_375] : memref<16x164x128xi32, #tpu.memory_space<hbm>> -> memref<1x1x128xi32, #tpu.memory_space<hbm>>
      %dma_wait3A_377 = tpu.memref_squeeze %dma_wait3A_376 : memref<1x1x128xi32, #tpu.memory_space<hbm>> -> memref<128xi32, #tpu.memory_space<hbm>>
      tpu.wait_dma2 semaphore(%arg28 : memref<!tpu.dma_semaphore, #tpu.memory_space<semaphore_mem>>) src(%dma_wait3A_377 : memref<128xi32, #tpu.memory_space<hbm>>) dst(%arg16 : memref<128xi32, #tpu.memory_space<vmem>>)
      %dma_wait3A_378 = arith.constant 0 : i32
      %dma_wait3A_379 = tpu.memref_slice %arg3[%while3A_150, %while3A_151, %dma_wait3A_378] : memref<16x164x128xi32, #tpu.memory_space<hbm>> -> memref<1x1x128xi32, #tpu.memory_space<hbm>>
      %dma_wait3A_380 = tpu.memref_squeeze %dma_wait3A_379 : memref<1x1x128xi32, #tpu.memory_space<hbm>> -> memref<128xi32, #tpu.memory_space<hbm>>
      %dma_wait3A_381 = arith.constant 0 : i32
      %dma_wait3A_382 = tpu.memref_slice %arg3[%while3A_150, %while3A_151, %dma_wait3A_381] : memref<16x164x128xi32, #tpu.memory_space<hbm>> -> memref<1x1x128xi32, #tpu.memory_space<hbm>>
      %dma_wait3A_383 = tpu.memref_squeeze %dma_wait3A_382 : memref<1x1x128xi32, #tpu.memory_space<hbm>> -> memref<128xi32, #tpu.memory_space<hbm>>
      tpu.wait_dma2 semaphore(%arg28 : memref<!tpu.dma_semaphore, #tpu.memory_space<semaphore_mem>>) src(%dma_wait3A_383 : memref<128xi32, #tpu.memory_space<hbm>>) dst(%arg20 : memref<128xi32, #tpu.memory_space<vmem>>)
      %dma_start3A_384 = arith.constant 0 : i32
      %dma_start3A_385 = arith.constant 0 : i32
      %dma_start3A_386 = tpu.memref_slice %arg8[%dma_start3A_384, %dma_start3A_385] : memref<10000x64xf32, #tpu.memory_space<vmem_shared>> -> memref<10000x64xf32, #tpu.memory_space<vmem_shared>>
      tpu.enqueue_indirect_dma source(%dma_start3A_386 : memref<10000x64xf32, #tpu.memory_space<vmem_shared>>) target(%arg12 : memref<128x64xf32, #tpu.memory_space<vmem>>) offsets(%arg16 : memref<128xi32, #tpu.memory_space<vmem>>) semaphore(%arg32 : memref<!tpu.dma_semaphore, #tpu.memory_space<semaphore_mem>>)
      %dma_wait3A_387 = arith.constant 0 : i32
      %dma_wait3A_388 = tpu.memref_slice %arg3[%while3A_150, %while3A_151, %dma_wait3A_387] : memref<16x164x128xi32, #tpu.memory_space<hbm>> -> memref<1x1x128xi32, #tpu.memory_space<hbm>>
      %dma_wait3A_389 = tpu.memref_squeeze %dma_wait3A_388 : memref<1x1x128xi32, #tpu.memory_space<hbm>> -> memref<128xi32, #tpu.memory_space<hbm>>
      %dma_wait3A_390 = arith.constant 0 : i32
      %dma_wait3A_391 = tpu.memref_slice %arg3[%while3A_150, %while3A_151, %dma_wait3A_390] : memref<16x164x128xi32, #tpu.memory_space<hbm>> -> memref<1x1x128xi32, #tpu.memory_space<hbm>>
      %dma_wait3A_392 = tpu.memref_squeeze %dma_wait3A_391 : memref<1x1x128xi32, #tpu.memory_space<hbm>> -> memref<128xi32, #tpu.memory_space<hbm>>
      tpu.wait_dma2 semaphore(%arg29 : memref<!tpu.dma_semaphore, #tpu.memory_space<semaphore_mem>>) src(%dma_wait3A_392 : memref<128xi32, #tpu.memory_space<hbm>>) dst(%arg17 : memref<128xi32, #tpu.memory_space<vmem>>)
      %dma_wait3A_393 = arith.constant 0 : i32
      %dma_wait3A_394 = tpu.memref_slice %arg3[%while3A_150, %while3A_151, %dma_wait3A_393] : memref<16x164x128xi32, #tpu.memory_space<hbm>> -> memref<1x1x128xi32, #tpu.memory_space<hbm>>
      %dma_wait3A_395 = tpu.memref_squeeze %dma_wait3A_394 : memref<1x1x128xi32, #tpu.memory_space<hbm>> -> memref<128xi32, #tpu.memory_space<hbm>>
      %dma_wait3A_396 = arith.constant 0 : i32
      %dma_wait3A_397 = tpu.memref_slice %arg3[%while3A_150, %while3A_151, %dma_wait3A_396] : memref<16x164x128xi32, #tpu.memory_space<hbm>> -> memref<1x1x128xi32, #tpu.memory_space<hbm>>
      %dma_wait3A_398 = tpu.memref_squeeze %dma_wait3A_397 : memref<1x1x128xi32, #tpu.memory_space<hbm>> -> memref<128xi32, #tpu.memory_space<hbm>>
      tpu.wait_dma2 semaphore(%arg29 : memref<!tpu.dma_semaphore, #tpu.memory_space<semaphore_mem>>) src(%dma_wait3A_398 : memref<128xi32, #tpu.memory_space<hbm>>) dst(%arg21 : memref<128xi32, #tpu.memory_space<vmem>>)
      %dma_start3A_399 = arith.constant 0 : i32
      %dma_start3A_400 = arith.constant 0 : i32
      %dma_start3A_401 = tpu.memref_slice %arg8[%dma_start3A_399, %dma_start3A_400] : memref<10000x64xf32, #tpu.memory_space<vmem_shared>> -> memref<10000x64xf32, #tpu.memory_space<vmem_shared>>
      tpu.enqueue_indirect_dma source(%dma_start3A_401 : memref<10000x64xf32, #tpu.memory_space<vmem_shared>>) target(%arg13 : memref<128x64xf32, #tpu.memory_space<vmem>>) offsets(%arg17 : memref<128xi32, #tpu.memory_space<vmem>>) semaphore(%arg33 : memref<!tpu.dma_semaphore, #tpu.memory_space<semaphore_mem>>)
      %dma_wait3A_402 = arith.constant 0 : i32
      %dma_wait3A_403 = tpu.memref_slice %arg3[%while3A_150, %while3A_151, %dma_wait3A_402] : memref<16x164x128xi32, #tpu.memory_space<hbm>> -> memref<1x1x128xi32, #tpu.memory_space<hbm>>
      %dma_wait3A_404 = tpu.memref_squeeze %dma_wait3A_403 : memref<1x1x128xi32, #tpu.memory_space<hbm>> -> memref<128xi32, #tpu.memory_space<hbm>>
      %dma_wait3A_405 = arith.constant 0 : i32
      %dma_wait3A_406 = tpu.memref_slice %arg3[%while3A_150, %while3A_151, %dma_wait3A_405] : memref<16x164x128xi32, #tpu.memory_space<hbm>> -> memref<1x1x128xi32, #tpu.memory_space<hbm>>
      %dma_wait3A_407 = tpu.memref_squeeze %dma_wait3A_406 : memref<1x1x128xi32, #tpu.memory_space<hbm>> -> memref<128xi32, #tpu.memory_space<hbm>>
      tpu.wait_dma2 semaphore(%arg30 : memref<!tpu.dma_semaphore, #tpu.memory_space<semaphore_mem>>) src(%dma_wait3A_407 : memref<128xi32, #tpu.memory_space<hbm>>) dst(%arg18 : memref<128xi32, #tpu.memory_space<vmem>>)
      %dma_wait3A_408 = arith.constant 0 : i32
      %dma_wait3A_409 = tpu.memref_slice %arg3[%while3A_150, %while3A_151, %dma_wait3A_408] : memref<16x164x128xi32, #tpu.memory_space<hbm>> -> memref<1x1x128xi32, #tpu.memory_space<hbm>>
      %dma_wait3A_410 = tpu.memref_squeeze %dma_wait3A_409 : memref<1x1x128xi32, #tpu.memory_space<hbm>> -> memref<128xi32, #tpu.memory_space<hbm>>
      %dma_wait3A_411 = arith.constant 0 : i32
      %dma_wait3A_412 = tpu.memref_slice %arg3[%while3A_150, %while3A_151, %dma_wait3A_411] : memref<16x164x128xi32, #tpu.memory_space<hbm>> -> memref<1x1x128xi32, #tpu.memory_space<hbm>>
      %dma_wait3A_413 = tpu.memref_squeeze %dma_wait3A_412 : memref<1x1x128xi32, #tpu.memory_space<hbm>> -> memref<128xi32, #tpu.memory_space<hbm>>
      tpu.wait_dma2 semaphore(%arg30 : memref<!tpu.dma_semaphore, #tpu.memory_space<semaphore_mem>>) src(%dma_wait3A_413 : memref<128xi32, #tpu.memory_space<hbm>>) dst(%arg22 : memref<128xi32, #tpu.memory_space<vmem>>)
      %dma_start3A_414 = arith.constant 0 : i32
      %dma_start3A_415 = arith.constant 0 : i32
      %dma_start3A_416 = tpu.memref_slice %arg8[%dma_start3A_414, %dma_start3A_415] : memref<10000x64xf32, #tpu.memory_space<vmem_shared>> -> memref<10000x64xf32, #tpu.memory_space<vmem_shared>>
      tpu.enqueue_indirect_dma source(%dma_start3A_416 : memref<10000x64xf32, #tpu.memory_space<vmem_shared>>) target(%arg14 : memref<128x64xf32, #tpu.memory_space<vmem>>) offsets(%arg18 : memref<128xi32, #tpu.memory_space<vmem>>) semaphore(%arg34 : memref<!tpu.dma_semaphore, #tpu.memory_space<semaphore_mem>>)
      %dma_wait3A_417 = arith.constant 0 : i32
      %dma_wait3A_418 = tpu.memref_slice %arg3[%while3A_150, %while3A_151, %dma_wait3A_417] : memref<16x164x128xi32, #tpu.memory_space<hbm>> -> memref<1x1x128xi32, #tpu.memory_space<hbm>>
      %dma_wait3A_419 = tpu.memref_squeeze %dma_wait3A_418 : memref<1x1x128xi32, #tpu.memory_space<hbm>> -> memref<128xi32, #tpu.memory_space<hbm>>
      %dma_wait3A_420 = arith.constant 0 : i32
      %dma_wait3A_421 = tpu.memref_slice %arg3[%while3A_150, %while3A_151, %dma_wait3A_420] : memref<16x164x128xi32, #tpu.memory_space<hbm>> -> memref<1x1x128xi32, #tpu.memory_space<hbm>>
      %dma_wait3A_422 = tpu.memref_squeeze %dma_wait3A_421 : memref<1x1x128xi32, #tpu.memory_space<hbm>> -> memref<128xi32, #tpu.memory_space<hbm>>
      tpu.wait_dma2 semaphore(%arg31 : memref<!tpu.dma_semaphore, #tpu.memory_space<semaphore_mem>>) src(%dma_wait3A_422 : memref<128xi32, #tpu.memory_space<hbm>>) dst(%arg19 : memref<128xi32, #tpu.memory_space<vmem>>)
      %dma_wait3A_423 = arith.constant 0 : i32
      %dma_wait3A_424 = tpu.memref_slice %arg3[%while3A_150, %while3A_151, %dma_wait3A_423] : memref<16x164x128xi32, #tpu.memory_space<hbm>> -> memref<1x1x128xi32, #tpu.memory_space<hbm>>
      %dma_wait3A_425 = tpu.memref_squeeze %dma_wait3A_424 : memref<1x1x128xi32, #tpu.memory_space<hbm>> -> memref<128xi32, #tpu.memory_space<hbm>>
      %dma_wait3A_426 = arith.constant 0 : i32
      %dma_wait3A_427 = tpu.memref_slice %arg3[%while3A_150, %while3A_151, %dma_wait3A_426] : memref<16x164x128xi32, #tpu.memory_space<hbm>> -> memref<1x1x128xi32, #tpu.memory_space<hbm>>
      %dma_wait3A_428 = tpu.memref_squeeze %dma_wait3A_427 : memref<1x1x128xi32, #tpu.memory_space<hbm>> -> memref<128xi32, #tpu.memory_space<hbm>>
      tpu.wait_dma2 semaphore(%arg31 : memref<!tpu.dma_semaphore, #tpu.memory_space<semaphore_mem>>) src(%dma_wait3A_428 : memref<128xi32, #tpu.memory_space<hbm>>) dst(%arg23 : memref<128xi32, #tpu.memory_space<vmem>>)
      %dma_start3A_429 = arith.constant 0 : i32
      %dma_start3A_430 = arith.constant 0 : i32
      %dma_start3A_431 = tpu.memref_slice %arg8[%dma_start3A_429, %dma_start3A_430] : memref<10000x64xf32, #tpu.memory_space<vmem_shared>> -> memref<10000x64xf32, #tpu.memory_space<vmem_shared>>
      tpu.enqueue_indirect_dma source(%dma_start3A_431 : memref<10000x64xf32, #tpu.memory_space<vmem_shared>>) target(%arg15 : memref<128x64xf32, #tpu.memory_space<vmem>>) offsets(%arg19 : memref<128xi32, #tpu.memory_space<vmem>>) semaphore(%arg35 : memref<!tpu.dma_semaphore, #tpu.memory_space<semaphore_mem>>)
      %dma_wait3A_432 = arith.constant 0 : i32
      %dma_wait3A_433 = arith.constant 0 : i32
      %dma_wait3A_434 = tpu.memref_slice %arg2[%while3A_149, %dma_wait3A_432, %dma_wait3A_433] : memref<2x10000x64xf32, #tpu.memory_space<hbm>> -> memref<1x128x64xf32, #tpu.memory_space<hbm>>
      %dma_wait3A_435 = tpu.memref_squeeze %dma_wait3A_434 : memref<1x128x64xf32, #tpu.memory_space<hbm>> -> memref<128x64xf32, #tpu.memory_space<hbm>>
      %dma_wait3A_436 = arith.constant 0 : i32
      %dma_wait3A_437 = arith.constant 0 : i32
      %dma_wait3A_438 = tpu.memref_slice %arg2[%while3A_149, %dma_wait3A_436, %dma_wait3A_437] : memref<2x10000x64xf32, #tpu.memory_space<hbm>> -> memref<1x128x64xf32, #tpu.memory_space<hbm>>
      %dma_wait3A_439 = tpu.memref_squeeze %dma_wait3A_438 : memref<1x128x64xf32, #tpu.memory_space<hbm>> -> memref<128x64xf32, #tpu.memory_space<hbm>>
      tpu.wait_dma2 semaphore(%arg32 : memref<!tpu.dma_semaphore, #tpu.memory_space<semaphore_mem>>) src(%dma_wait3A_439 : memref<128x64xf32, #tpu.memory_space<hbm>>) dst(%arg12 : memref<128x64xf32, #tpu.memory_space<vmem>>)
      %dma_start3A_440 = arith.constant 0 : i32
      %dma_start3A_441 = arith.constant 0 : i32
      %dma_start3A_442 = tpu.memref_slice %arg7[%dma_start3A_440, %dma_start3A_441] : memref<11536x64xf32, #tpu.memory_space<vmem_shared>> -> memref<11536x64xf32, #tpu.memory_space<vmem_shared>>
      tpu.enqueue_indirect_dma source(%arg12 : memref<128x64xf32, #tpu.memory_space<vmem>>) target(%dma_start3A_442 : memref<11536x64xf32, #tpu.memory_space<vmem_shared>>) offsets(%arg20 : memref<128xi32, #tpu.memory_space<vmem>>) semaphore(%arg36 : memref<!tpu.dma_semaphore, #tpu.memory_space<semaphore_mem>>) {add = true}
      %dma_wait3A_443 = arith.constant 0 : i32
      %dma_wait3A_444 = arith.constant 0 : i32
      %dma_wait3A_445 = tpu.memref_slice %arg2[%while3A_149, %dma_wait3A_443, %dma_wait3A_444] : memref<2x10000x64xf32, #tpu.memory_space<hbm>> -> memref<1x128x64xf32, #tpu.memory_space<hbm>>
      %dma_wait3A_446 = tpu.memref_squeeze %dma_wait3A_445 : memref<1x128x64xf32, #tpu.memory_space<hbm>> -> memref<128x64xf32, #tpu.memory_space<hbm>>
      %dma_wait3A_447 = arith.constant 0 : i32
      %dma_wait3A_448 = arith.constant 0 : i32
      %dma_wait3A_449 = tpu.memref_slice %arg2[%while3A_149, %dma_wait3A_447, %dma_wait3A_448] : memref<2x10000x64xf32, #tpu.memory_space<hbm>> -> memref<1x128x64xf32, #tpu.memory_space<hbm>>
      %dma_wait3A_450 = tpu.memref_squeeze %dma_wait3A_449 : memref<1x128x64xf32, #tpu.memory_space<hbm>> -> memref<128x64xf32, #tpu.memory_space<hbm>>
      tpu.wait_dma2 semaphore(%arg33 : memref<!tpu.dma_semaphore, #tpu.memory_space<semaphore_mem>>) src(%dma_wait3A_450 : memref<128x64xf32, #tpu.memory_space<hbm>>) dst(%arg13 : memref<128x64xf32, #tpu.memory_space<vmem>>)
      %dma_start3A_451 = arith.constant 0 : i32
      %dma_start3A_452 = arith.constant 0 : i32
      %dma_start3A_453 = tpu.memref_slice %arg7[%dma_start3A_451, %dma_start3A_452] : memref<11536x64xf32, #tpu.memory_space<vmem_shared>> -> memref<11536x64xf32, #tpu.memory_space<vmem_shared>>
      tpu.enqueue_indirect_dma source(%arg13 : memref<128x64xf32, #tpu.memory_space<vmem>>) target(%dma_start3A_453 : memref<11536x64xf32, #tpu.memory_space<vmem_shared>>) offsets(%arg21 : memref<128xi32, #tpu.memory_space<vmem>>) semaphore(%arg37 : memref<!tpu.dma_semaphore, #tpu.memory_space<semaphore_mem>>) {add = true}
      %dma_wait3A_454 = arith.constant 0 : i32
      %dma_wait3A_455 = arith.constant 0 : i32
      %dma_wait3A_456 = tpu.memref_slice %arg2[%while3A_149, %dma_wait3A_454, %dma_wait3A_455] : memref<2x10000x64xf32, #tpu.memory_space<hbm>> -> memref<1x128x64xf32, #tpu.memory_space<hbm>>
      %dma_wait3A_457 = tpu.memref_squeeze %dma_wait3A_456 : memref<1x128x64xf32, #tpu.memory_space<hbm>> -> memref<128x64xf32, #tpu.memory_space<hbm>>
      %dma_wait3A_458 = arith.constant 0 : i32
      %dma_wait3A_459 = arith.constant 0 : i32
      %dma_wait3A_460 = tpu.memref_slice %arg2[%while3A_149, %dma_wait3A_458, %dma_wait3A_459] : memref<2x10000x64xf32, #tpu.memory_space<hbm>> -> memref<1x128x64xf32, #tpu.memory_space<hbm>>
      %dma_wait3A_461 = tpu.memref_squeeze %dma_wait3A_460 : memref<1x128x64xf32, #tpu.memory_space<hbm>> -> memref<128x64xf32, #tpu.memory_space<hbm>>
      tpu.wait_dma2 semaphore(%arg34 : memref<!tpu.dma_semaphore, #tpu.memory_space<semaphore_mem>>) src(%dma_wait3A_461 : memref<128x64xf32, #tpu.memory_space<hbm>>) dst(%arg14 : memref<128x64xf32, #tpu.memory_space<vmem>>)
      %dma_start3A_462 = arith.constant 0 : i32
      %dma_start3A_463 = arith.constant 0 : i32
      %dma_start3A_464 = tpu.memref_slice %arg7[%dma_start3A_462, %dma_start3A_463] : memref<11536x64xf32, #tpu.memory_space<vmem_shared>> -> memref<11536x64xf32, #tpu.memory_space<vmem_shared>>
      tpu.enqueue_indirect_dma source(%arg14 : memref<128x64xf32, #tpu.memory_space<vmem>>) target(%dma_start3A_464 : memref<11536x64xf32, #tpu.memory_space<vmem_shared>>) offsets(%arg22 : memref<128xi32, #tpu.memory_space<vmem>>) semaphore(%arg38 : memref<!tpu.dma_semaphore, #tpu.memory_space<semaphore_mem>>) {add = true}
      %dma_wait3A_465 = arith.constant 0 : i32
      %dma_wait3A_466 = arith.constant 0 : i32
      %dma_wait3A_467 = tpu.memref_slice %arg2[%while3A_149, %dma_wait3A_465, %dma_wait3A_466] : memref<2x10000x64xf32, #tpu.memory_space<hbm>> -> memref<1x128x64xf32, #tpu.memory_space<hbm>>
      %dma_wait3A_468 = tpu.memref_squeeze %dma_wait3A_467 : memref<1x128x64xf32, #tpu.memory_space<hbm>> -> memref<128x64xf32, #tpu.memory_space<hbm>>
      %dma_wait3A_469 = arith.constant 0 : i32
      %dma_wait3A_470 = arith.constant 0 : i32
      %dma_wait3A_471 = tpu.memref_slice %arg2[%while3A_149, %dma_wait3A_469, %dma_wait3A_470] : memref<2x10000x64xf32, #tpu.memory_space<hbm>> -> memref<1x128x64xf32, #tpu.memory_space<hbm>>
      %dma_wait3A_472 = tpu.memref_squeeze %dma_wait3A_471 : memref<1x128x64xf32, #tpu.memory_space<hbm>> -> memref<128x64xf32, #tpu.memory_space<hbm>>
      tpu.wait_dma2 semaphore(%arg35 : memref<!tpu.dma_semaphore, #tpu.memory_space<semaphore_mem>>) src(%dma_wait3A_472 : memref<128x64xf32, #tpu.memory_space<hbm>>) dst(%arg15 : memref<128x64xf32, #tpu.memory_space<vmem>>)
      %dma_start3A_473 = arith.constant 0 : i32
      %dma_start3A_474 = arith.constant 0 : i32
      %dma_start3A_475 = tpu.memref_slice %arg7[%dma_start3A_473, %dma_start3A_474] : memref<11536x64xf32, #tpu.memory_space<vmem_shared>> -> memref<11536x64xf32, #tpu.memory_space<vmem_shared>>
      tpu.enqueue_indirect_dma source(%arg15 : memref<128x64xf32, #tpu.memory_space<vmem>>) target(%dma_start3A_475 : memref<11536x64xf32, #tpu.memory_space<vmem_shared>>) offsets(%arg23 : memref<128xi32, #tpu.memory_space<vmem>>) semaphore(%arg39 : memref<!tpu.dma_semaphore, #tpu.memory_space<semaphore_mem>>) {add = true}
    }
    %while3A_160 = arith.constant 1 : i32
    scf.for %while3A_291 = %while3A_158 to %while3A_154 step %while3A_160  : i32 {
      %mul3A = arith.constant 4 : i32
      %mul3A_292 = arith.muli %mul3A, %while3A_291 : i32
      %gt3A = arith.constant 0 : i32
      %gt3A_293 = arith.cmpi sgt, %while3A_291, %gt3A : i32
      %convert_element_type3A = arith.extui %gt3A_293 : i1 to i32
      %cond3A = arith.constant 0 : i32
      %cond3A_294 = arith.cmpi ne, %convert_element_type3A, %cond3A : i32
      scf.if %cond3A_294 {
        %dma_wait3A_476 = arith.constant 0 : i32
        %dma_wait3A_477 = arith.constant 0 : i32
        %dma_wait3A_478 = tpu.memref_slice %arg2[%while3A_149, %dma_wait3A_476, %dma_wait3A_477] : memref<2x10000x64xf32, #tpu.memory_space<hbm>> -> memref<1x128x64xf32, #tpu.memory_space<hbm>>
        %dma_wait3A_479 = tpu.memref_squeeze %dma_wait3A_478 : memref<1x128x64xf32, #tpu.memory_space<hbm>> -> memref<128x64xf32, #tpu.memory_space<hbm>>
        %dma_wait3A_480 = arith.constant 0 : i32
        %dma_wait3A_481 = arith.constant 0 : i32
        %dma_wait3A_482 = tpu.memref_slice %arg2[%while3A_149, %dma_wait3A_480, %dma_wait3A_481] : memref<2x10000x64xf32, #tpu.memory_space<hbm>> -> memref<1x128x64xf32, #tpu.memory_space<hbm>>
        %dma_wait3A_483 = tpu.memref_squeeze %dma_wait3A_482 : memref<1x128x64xf32, #tpu.memory_space<hbm>> -> memref<128x64xf32, #tpu.memory_space<hbm>>
        tpu.wait_dma2 semaphore(%arg36 : memref<!tpu.dma_semaphore, #tpu.memory_space<semaphore_mem>>) src(%dma_wait3A_483 : memref<128x64xf32, #tpu.memory_space<hbm>>) dst(%arg12 : memref<128x64xf32, #tpu.memory_space<vmem>>)
      } else {
      }
      %add3A = arith.constant 0 : i32
      %add3A_295 = arith.addi %mul3A_292, %add3A : i32
      %dma_start3A = arith.constant 0 : i32
      %dma_start3A_296 = tpu.memref_slice %arg3[%arg1, %add3A_295, %dma_start3A] : memref<16x164x128xi32, #tpu.memory_space<hbm>> -> memref<1x1x128xi32, #tpu.memory_space<hbm>>
      %dma_start3A_297 = tpu.memref_squeeze %dma_start3A_296 : memref<1x1x128xi32, #tpu.memory_space<hbm>> -> memref<128xi32, #tpu.memory_space<hbm>>
      %dma_start3A_298 = arith.constant 0 : i32
      %dma_start3A_299 = tpu.memref_slice %arg3[%arg1, %add3A_295, %dma_start3A_298] : memref<16x164x128xi32, #tpu.memory_space<hbm>> -> memref<1x1x128xi32, #tpu.memory_space<hbm>>
      %dma_start3A_300 = tpu.memref_squeeze %dma_start3A_299 : memref<1x1x128xi32, #tpu.memory_space<hbm>> -> memref<128xi32, #tpu.memory_space<hbm>>
      tpu.enqueue_dma source(%dma_start3A_300 : memref<128xi32, #tpu.memory_space<hbm>>) target(%arg16 : memref<128xi32, #tpu.memory_space<vmem>>) target_semaphore(%arg28 : memref<!tpu.dma_semaphore, #tpu.memory_space<semaphore_mem>>)
      %add3A_301 = arith.constant 0 : i32
      %add3A_302 = arith.addi %mul3A_292, %add3A_301 : i32
      %dma_start3A_303 = arith.constant 0 : i32
      %dma_start3A_304 = tpu.memref_slice %arg4[%arg1, %add3A_302, %dma_start3A_303] : memref<16x164x128xi32, #tpu.memory_space<hbm>> -> memref<1x1x128xi32, #tpu.memory_space<hbm>>
      %dma_start3A_305 = tpu.memref_squeeze %dma_start3A_304 : memref<1x1x128xi32, #tpu.memory_space<hbm>> -> memref<128xi32, #tpu.memory_space<hbm>>
      %dma_start3A_306 = arith.constant 0 : i32
      %dma_start3A_307 = tpu.memref_slice %arg4[%arg1, %add3A_302, %dma_start3A_306] : memref<16x164x128xi32, #tpu.memory_space<hbm>> -> memref<1x1x128xi32, #tpu.memory_space<hbm>>
      %dma_start3A_308 = tpu.memref_squeeze %dma_start3A_307 : memref<1x1x128xi32, #tpu.memory_space<hbm>> -> memref<128xi32, #tpu.memory_space<hbm>>
      tpu.enqueue_dma source(%dma_start3A_308 : memref<128xi32, #tpu.memory_space<hbm>>) target(%arg20 : memref<128xi32, #tpu.memory_space<vmem>>) target_semaphore(%arg28 : memref<!tpu.dma_semaphore, #tpu.memory_space<semaphore_mem>>)
      %gt3A_309 = arith.constant 0 : i32
      %gt3A_310 = arith.cmpi sgt, %while3A_291, %gt3A_309 : i32
      %convert_element_type3A_311 = arith.extui %gt3A_310 : i1 to i32
      %cond3A_312 = arith.constant 0 : i32
      %cond3A_313 = arith.cmpi ne, %convert_element_type3A_311, %cond3A_312 : i32
      scf.if %cond3A_313 {
        %dma_wait3A_476 = arith.constant 0 : i32
        %dma_wait3A_477 = arith.constant 0 : i32
        %dma_wait3A_478 = tpu.memref_slice %arg2[%while3A_149, %dma_wait3A_476, %dma_wait3A_477] : memref<2x10000x64xf32, #tpu.memory_space<hbm>> -> memref<1x128x64xf32, #tpu.memory_space<hbm>>
        %dma_wait3A_479 = tpu.memref_squeeze %dma_wait3A_478 : memref<1x128x64xf32, #tpu.memory_space<hbm>> -> memref<128x64xf32, #tpu.memory_space<hbm>>
        %dma_wait3A_480 = arith.constant 0 : i32
        %dma_wait3A_481 = arith.constant 0 : i32
        %dma_wait3A_482 = tpu.memref_slice %arg2[%while3A_149, %dma_wait3A_480, %dma_wait3A_481] : memref<2x10000x64xf32, #tpu.memory_space<hbm>> -> memref<1x128x64xf32, #tpu.memory_space<hbm>>
        %dma_wait3A_483 = tpu.memref_squeeze %dma_wait3A_482 : memref<1x128x64xf32, #tpu.memory_space<hbm>> -> memref<128x64xf32, #tpu.memory_space<hbm>>
        tpu.wait_dma2 semaphore(%arg37 : memref<!tpu.dma_semaphore, #tpu.memory_space<semaphore_mem>>) src(%dma_wait3A_483 : memref<128x64xf32, #tpu.memory_space<hbm>>) dst(%arg13 : memref<128x64xf32, #tpu.memory_space<vmem>>)
      } else {
      }
      %add3A_314 = arith.constant 1 : i32
      %add3A_315 = arith.addi %mul3A_292, %add3A_314 : i32
      %dma_start3A_316 = arith.constant 0 : i32
      %dma_start3A_317 = tpu.memref_slice %arg3[%arg1, %add3A_315, %dma_start3A_316] : memref<16x164x128xi32, #tpu.memory_space<hbm>> -> memref<1x1x128xi32, #tpu.memory_space<hbm>>
      %dma_start3A_318 = tpu.memref_squeeze %dma_start3A_317 : memref<1x1x128xi32, #tpu.memory_space<hbm>> -> memref<128xi32, #tpu.memory_space<hbm>>
      %dma_start3A_319 = arith.constant 0 : i32
      %dma_start3A_320 = tpu.memref_slice %arg3[%arg1, %add3A_315, %dma_start3A_319] : memref<16x164x128xi32, #tpu.memory_space<hbm>> -> memref<1x1x128xi32, #tpu.memory_space<hbm>>
      %dma_start3A_321 = tpu.memref_squeeze %dma_start3A_320 : memref<1x1x128xi32, #tpu.memory_space<hbm>> -> memref<128xi32, #tpu.memory_space<hbm>>
      tpu.enqueue_dma source(%dma_start3A_321 : memref<128xi32, #tpu.memory_space<hbm>>) target(%arg17 : memref<128xi32, #tpu.memory_space<vmem>>) target_semaphore(%arg29 : memref<!tpu.dma_semaphore, #tpu.memory_space<semaphore_mem>>)
      %add3A_322 = arith.constant 1 : i32
      %add3A_323 = arith.addi %mul3A_292, %add3A_322 : i32
      %dma_start3A_324 = arith.constant 0 : i32
      %dma_start3A_325 = tpu.memref_slice %arg4[%arg1, %add3A_323, %dma_start3A_324] : memref<16x164x128xi32, #tpu.memory_space<hbm>> -> memref<1x1x128xi32, #tpu.memory_space<hbm>>
      %dma_start3A_326 = tpu.memref_squeeze %dma_start3A_325 : memref<1x1x128xi32, #tpu.memory_space<hbm>> -> memref<128xi32, #tpu.memory_space<hbm>>
      %dma_start3A_327 = arith.constant 0 : i32
      %dma_start3A_328 = tpu.memref_slice %arg4[%arg1, %add3A_323, %dma_start3A_327] : memref<16x164x128xi32, #tpu.memory_space<hbm>> -> memref<1x1x128xi32, #tpu.memory_space<hbm>>
      %dma_start3A_329 = tpu.memref_squeeze %dma_start3A_328 : memref<1x1x128xi32, #tpu.memory_space<hbm>> -> memref<128xi32, #tpu.memory_space<hbm>>
      tpu.enqueue_dma source(%dma_start3A_329 : memref<128xi32, #tpu.memory_space<hbm>>) target(%arg21 : memref<128xi32, #tpu.memory_space<vmem>>) target_semaphore(%arg29 : memref<!tpu.dma_semaphore, #tpu.memory_space<semaphore_mem>>)
      %gt3A_330 = arith.constant 0 : i32
      %gt3A_331 = arith.cmpi sgt, %while3A_291, %gt3A_330 : i32
      %convert_element_type3A_332 = arith.extui %gt3A_331 : i1 to i32
      %cond3A_333 = arith.constant 0 : i32
      %cond3A_334 = arith.cmpi ne, %convert_element_type3A_332, %cond3A_333 : i32
      scf.if %cond3A_334 {
        %dma_wait3A_476 = arith.constant 0 : i32
        %dma_wait3A_477 = arith.constant 0 : i32
        %dma_wait3A_478 = tpu.memref_slice %arg2[%while3A_149, %dma_wait3A_476, %dma_wait3A_477] : memref<2x10000x64xf32, #tpu.memory_space<hbm>> -> memref<1x128x64xf32, #tpu.memory_space<hbm>>
        %dma_wait3A_479 = tpu.memref_squeeze %dma_wait3A_478 : memref<1x128x64xf32, #tpu.memory_space<hbm>> -> memref<128x64xf32, #tpu.memory_space<hbm>>
        %dma_wait3A_480 = arith.constant 0 : i32
        %dma_wait3A_481 = arith.constant 0 : i32
        %dma_wait3A_482 = tpu.memref_slice %arg2[%while3A_149, %dma_wait3A_480, %dma_wait3A_481] : memref<2x10000x64xf32, #tpu.memory_space<hbm>> -> memref<1x128x64xf32, #tpu.memory_space<hbm>>
        %dma_wait3A_483 = tpu.memref_squeeze %dma_wait3A_482 : memref<1x128x64xf32, #tpu.memory_space<hbm>> -> memref<128x64xf32, #tpu.memory_space<hbm>>
        tpu.wait_dma2 semaphore(%arg38 : memref<!tpu.dma_semaphore, #tpu.memory_space<semaphore_mem>>) src(%dma_wait3A_483 : memref<128x64xf32, #tpu.memory_space<hbm>>) dst(%arg14 : memref<128x64xf32, #tpu.memory_space<vmem>>)
      } else {
      }
      %add3A_335 = arith.constant 2 : i32
      %add3A_336 = arith.addi %mul3A_292, %add3A_335 : i32
      %dma_start3A_337 = arith.constant 0 : i32
      %dma_start3A_338 = tpu.memref_slice %arg3[%arg1, %add3A_336, %dma_start3A_337] : memref<16x164x128xi32, #tpu.memory_space<hbm>> -> memref<1x1x128xi32, #tpu.memory_space<hbm>>
      %dma_start3A_339 = tpu.memref_squeeze %dma_start3A_338 : memref<1x1x128xi32, #tpu.memory_space<hbm>> -> memref<128xi32, #tpu.memory_space<hbm>>
      %dma_start3A_340 = arith.constant 0 : i32
      %dma_start3A_341 = tpu.memref_slice %arg3[%arg1, %add3A_336, %dma_start3A_340] : memref<16x164x128xi32, #tpu.memory_space<hbm>> -> memref<1x1x128xi32, #tpu.memory_space<hbm>>
      %dma_start3A_342 = tpu.memref_squeeze %dma_start3A_341 : memref<1x1x128xi32, #tpu.memory_space<hbm>> -> memref<128xi32, #tpu.memory_space<hbm>>
      tpu.enqueue_dma source(%dma_start3A_342 : memref<128xi32, #tpu.memory_space<hbm>>) target(%arg18 : memref<128xi32, #tpu.memory_space<vmem>>) target_semaphore(%arg30 : memref<!tpu.dma_semaphore, #tpu.memory_space<semaphore_mem>>)
      %add3A_343 = arith.constant 2 : i32
      %add3A_344 = arith.addi %mul3A_292, %add3A_343 : i32
      %dma_start3A_345 = arith.constant 0 : i32
      %dma_start3A_346 = tpu.memref_slice %arg4[%arg1, %add3A_344, %dma_start3A_345] : memref<16x164x128xi32, #tpu.memory_space<hbm>> -> memref<1x1x128xi32, #tpu.memory_space<hbm>>
      %dma_start3A_347 = tpu.memref_squeeze %dma_start3A_346 : memref<1x1x128xi32, #tpu.memory_space<hbm>> -> memref<128xi32, #tpu.memory_space<hbm>>
      %dma_start3A_348 = arith.constant 0 : i32
      %dma_start3A_349 = tpu.memref_slice %arg4[%arg1, %add3A_344, %dma_start3A_348] : memref<16x164x128xi32, #tpu.memory_space<hbm>> -> memref<1x1x128xi32, #tpu.memory_space<hbm>>
      %dma_start3A_350 = tpu.memref_squeeze %dma_start3A_349 : memref<1x1x128xi32, #tpu.memory_space<hbm>> -> memref<128xi32, #tpu.memory_space<hbm>>
      tpu.enqueue_dma source(%dma_start3A_350 : memref<128xi32, #tpu.memory_space<hbm>>) target(%arg22 : memref<128xi32, #tpu.memory_space<vmem>>) target_semaphore(%arg30 : memref<!tpu.dma_semaphore, #tpu.memory_space<semaphore_mem>>)
      %gt3A_351 = arith.constant 0 : i32
      %gt3A_352 = arith.cmpi sgt, %while3A_291, %gt3A_351 : i32
      %convert_element_type3A_353 = arith.extui %gt3A_352 : i1 to i32
      %cond3A_354 = arith.constant 0 : i32
      %cond3A_355 = arith.cmpi ne, %convert_element_type3A_353, %cond3A_354 : i32
      scf.if %cond3A_355 {
        %dma_wait3A_476 = arith.constant 0 : i32
        %dma_wait3A_477 = arith.constant 0 : i32
        %dma_wait3A_478 = tpu.memref_slice %arg2[%while3A_149, %dma_wait3A_476, %dma_wait3A_477] : memref<2x10000x64xf32, #tpu.memory_space<hbm>> -> memref<1x128x64xf32, #tpu.memory_space<hbm>>
        %dma_wait3A_479 = tpu.memref_squeeze %dma_wait3A_478 : memref<1x128x64xf32, #tpu.memory_space<hbm>> -> memref<128x64xf32, #tpu.memory_space<hbm>>
        %dma_wait3A_480 = arith.constant 0 : i32
        %dma_wait3A_481 = arith.constant 0 : i32
        %dma_wait3A_482 = tpu.memref_slice %arg2[%while3A_149, %dma_wait3A_480, %dma_wait3A_481] : memref<2x10000x64xf32, #tpu.memory_space<hbm>> -> memref<1x128x64xf32, #tpu.memory_space<hbm>>
        %dma_wait3A_483 = tpu.memref_squeeze %dma_wait3A_482 : memref<1x128x64xf32, #tpu.memory_space<hbm>> -> memref<128x64xf32, #tpu.memory_space<hbm>>
        tpu.wait_dma2 semaphore(%arg39 : memref<!tpu.dma_semaphore, #tpu.memory_space<semaphore_mem>>) src(%dma_wait3A_483 : memref<128x64xf32, #tpu.memory_space<hbm>>) dst(%arg15 : memref<128x64xf32, #tpu.memory_space<vmem>>)
      } else {
      }
      %add3A_356 = arith.constant 3 : i32
      %add3A_357 = arith.addi %mul3A_292, %add3A_356 : i32
      %dma_start3A_358 = arith.constant 0 : i32
      %dma_start3A_359 = tpu.memref_slice %arg3[%arg1, %add3A_357, %dma_start3A_358] : memref<16x164x128xi32, #tpu.memory_space<hbm>> -> memref<1x1x128xi32, #tpu.memory_space<hbm>>
      %dma_start3A_360 = tpu.memref_squeeze %dma_start3A_359 : memref<1x1x128xi32, #tpu.memory_space<hbm>> -> memref<128xi32, #tpu.memory_space<hbm>>
      %dma_start3A_361 = arith.constant 0 : i32
      %dma_start3A_362 = tpu.memref_slice %arg3[%arg1, %add3A_357, %dma_start3A_361] : memref<16x164x128xi32, #tpu.memory_space<hbm>> -> memref<1x1x128xi32, #tpu.memory_space<hbm>>
      %dma_start3A_363 = tpu.memref_squeeze %dma_start3A_362 : memref<1x1x128xi32, #tpu.memory_space<hbm>> -> memref<128xi32, #tpu.memory_space<hbm>>
      tpu.enqueue_dma source(%dma_start3A_363 : memref<128xi32, #tpu.memory_space<hbm>>) target(%arg19 : memref<128xi32, #tpu.memory_space<vmem>>) target_semaphore(%arg31 : memref<!tpu.dma_semaphore, #tpu.memory_space<semaphore_mem>>)
      %add3A_364 = arith.constant 3 : i32
      %add3A_365 = arith.addi %mul3A_292, %add3A_364 : i32
      %dma_start3A_366 = arith.constant 0 : i32
      %dma_start3A_367 = tpu.memref_slice %arg4[%arg1, %add3A_365, %dma_start3A_366] : memref<16x164x128xi32, #tpu.memory_space<hbm>> -> memref<1x1x128xi32, #tpu.memory_space<hbm>>
      %dma_start3A_368 = tpu.memref_squeeze %dma_start3A_367 : memref<1x1x128xi32, #tpu.memory_space<hbm>> -> memref<128xi32, #tpu.memory_space<hbm>>
      %dma_start3A_369 = arith.constant 0 : i32
      %dma_start3A_370 = tpu.memref_slice %arg4[%arg1, %add3A_365, %dma_start3A_369] : memref<16x164x128xi32, #tpu.memory_space<hbm>> -> memref<1x1x128xi32, #tpu.memory_space<hbm>>
      %dma_start3A_371 = tpu.memref_squeeze %dma_start3A_370 : memref<1x1x128xi32, #tpu.memory_space<hbm>> -> memref<128xi32, #tpu.memory_space<hbm>>
      tpu.enqueue_dma source(%dma_start3A_371 : memref<128xi32, #tpu.memory_space<hbm>>) target(%arg23 : memref<128xi32, #tpu.memory_space<vmem>>) target_semaphore(%arg31 : memref<!tpu.dma_semaphore, #tpu.memory_space<semaphore_mem>>)
      %dma_wait3A_372 = arith.constant 0 : i32
      %dma_wait3A_373 = tpu.memref_slice %arg3[%while3A_150, %while3A_151, %dma_wait3A_372] : memref<16x164x128xi32, #tpu.memory_space<hbm>> -> memref<1x1x128xi32, #tpu.memory_space<hbm>>
      %dma_wait3A_374 = tpu.memref_squeeze %dma_wait3A_373 : memref<1x1x128xi32, #tpu.memory_space<hbm>> -> memref<128xi32, #tpu.memory_space<hbm>>
      %dma_wait3A_375 = arith.constant 0 : i32
      %dma_wait3A_376 = tpu.memref_slice %arg3[%while3A_150, %while3A_151, %dma_wait3A_375] : memref<16x164x128xi32, #tpu.memory_space<hbm>> -> memref<1x1x128xi32, #tpu.memory_space<hbm>>
      %dma_wait3A_377 = tpu.memref_squeeze %dma_wait3A_376 : memref<1x1x128xi32, #tpu.memory_space<hbm>> -> memref<128xi32, #tpu.memory_space<hbm>>
      tpu.wait_dma2 semaphore(%arg28 : memref<!tpu.dma_semaphore, #tpu.memory_space<semaphore_mem>>) src(%dma_wait3A_377 : memref<128xi32, #tpu.memory_space<hbm>>) dst(%arg16 : memref<128xi32, #tpu.memory_space<vmem>>)
      %dma_wait3A_378 = arith.constant 0 : i32
      %dma_wait3A_379 = tpu.memref_slice %arg3[%while3A_150, %while3A_151, %dma_wait3A_378] : memref<16x164x128xi32, #tpu.memory_space<hbm>> -> memref<1x1x128xi32, #tpu.memory_space<hbm>>
      %dma_wait3A_380 = tpu.memref_squeeze %dma_wait3A_379 : memref<1x1x128xi32, #tpu.memory_space<hbm>> -> memref<128xi32, #tpu.memory_space<hbm>>
      %dma_wait3A_381 = arith.constant 0 : i32
      %dma_wait3A_382 = tpu.memref_slice %arg3[%while3A_150, %while3A_151, %dma_wait3A_381] : memref<16x164x128xi32, #tpu.memory_space<hbm>> -> memref<1x1x128xi32, #tpu.memory_space<hbm>>
      %dma_wait3A_383 = tpu.memref_squeeze %dma_wait3A_382 : memref<1x1x128xi32, #tpu.memory_space<hbm>> -> memref<128xi32, #tpu.memory_space<hbm>>
      tpu.wait_dma2 semaphore(%arg28 : memref<!tpu.dma_semaphore, #tpu.memory_space<semaphore_mem>>) src(%dma_wait3A_383 : memref<128xi32, #tpu.memory_space<hbm>>) dst(%arg20 : memref<128xi32, #tpu.memory_space<vmem>>)
      %dma_start3A_384 = arith.constant 0 : i32
      %dma_start3A_385 = arith.constant 0 : i32
      %dma_start3A_386 = tpu.memref_slice %arg8[%dma_start3A_384, %dma_start3A_385] : memref<10000x64xf32, #tpu.memory_space<vmem_shared>> -> memref<10000x64xf32, #tpu.memory_space<vmem_shared>>
      tpu.enqueue_indirect_dma source(%dma_start3A_386 : memref<10000x64xf32, #tpu.memory_space<vmem_shared>>) target(%arg12 : memref<128x64xf32, #tpu.memory_space<vmem>>) offsets(%arg16 : memref<128xi32, #tpu.memory_space<vmem>>) semaphore(%arg32 : memref<!tpu.dma_semaphore, #tpu.memory_space<semaphore_mem>>)
      %dma_wait3A_387 = arith.constant 0 : i32
      %dma_wait3A_388 = tpu.memref_slice %arg3[%while3A_150, %while3A_151, %dma_wait3A_387] : memref<16x164x128xi32, #tpu.memory_space<hbm>> -> memref<1x1x128xi32, #tpu.memory_space<hbm>>
      %dma_wait3A_389 = tpu.memref_squeeze %dma_wait3A_388 : memref<1x1x128xi32, #tpu.memory_space<hbm>> -> memref<128xi32, #tpu.memory_space<hbm>>
      %dma_wait3A_390 = arith.constant 0 : i32
      %dma_wait3A_391 = tpu.memref_slice %arg3[%while3A_150, %while3A_151, %dma_wait3A_390] : memref<16x164x128xi32, #tpu.memory_space<hbm>> -> memref<1x1x128xi32, #tpu.memory_space<hbm>>
      %dma_wait3A_392 = tpu.memref_squeeze %dma_wait3A_391 : memref<1x1x128xi32, #tpu.memory_space<hbm>> -> memref<128xi32, #tpu.memory_space<hbm>>
      tpu.wait_dma2 semaphore(%arg29 : memref<!tpu.dma_semaphore, #tpu.memory_space<semaphore_mem>>) src(%dma_wait3A_392 : memref<128xi32, #tpu.memory_space<hbm>>) dst(%arg17 : memref<128xi32, #tpu.memory_space<vmem>>)
      %dma_wait3A_393 = arith.constant 0 : i32
      %dma_wait3A_394 = tpu.memref_slice %arg3[%while3A_150, %while3A_151, %dma_wait3A_393] : memref<16x164x128xi32, #tpu.memory_space<hbm>> -> memref<1x1x128xi32, #tpu.memory_space<hbm>>
      %dma_wait3A_395 = tpu.memref_squeeze %dma_wait3A_394 : memref<1x1x128xi32, #tpu.memory_space<hbm>> -> memref<128xi32, #tpu.memory_space<hbm>>
      %dma_wait3A_396 = arith.constant 0 : i32
      %dma_wait3A_397 = tpu.memref_slice %arg3[%while3A_150, %while3A_151, %dma_wait3A_396] : memref<16x164x128xi32, #tpu.memory_space<hbm>> -> memref<1x1x128xi32, #tpu.memory_space<hbm>>
      %dma_wait3A_398 = tpu.memref_squeeze %dma_wait3A_397 : memref<1x1x128xi32, #tpu.memory_space<hbm>> -> memref<128xi32, #tpu.memory_space<hbm>>
      tpu.wait_dma2 semaphore(%arg29 : memref<!tpu.dma_semaphore, #tpu.memory_space<semaphore_mem>>) src(%dma_wait3A_398 : memref<128xi32, #tpu.memory_space<hbm>>) dst(%arg21 : memref<128xi32, #tpu.memory_space<vmem>>)
      %dma_start3A_399 = arith.constant 0 : i32
      %dma_start3A_400 = arith.constant 0 : i32
      %dma_start3A_401 = tpu.memref_slice %arg8[%dma_start3A_399, %dma_start3A_400] : memref<10000x64xf32, #tpu.memory_space<vmem_shared>> -> memref<10000x64xf32, #tpu.memory_space<vmem_shared>>
      tpu.enqueue_indirect_dma source(%dma_start3A_401 : memref<10000x64xf32, #tpu.memory_space<vmem_shared>>) target(%arg13 : memref<128x64xf32, #tpu.memory_space<vmem>>) offsets(%arg17 : memref<128xi32, #tpu.memory_space<vmem>>) semaphore(%arg33 : memref<!tpu.dma_semaphore, #tpu.memory_space<semaphore_mem>>)
      %dma_wait3A_402 = arith.constant 0 : i32
      %dma_wait3A_403 = tpu.memref_slice %arg3[%while3A_150, %while3A_151, %dma_wait3A_402] : memref<16x164x128xi32, #tpu.memory_space<hbm>> -> memref<1x1x128xi32, #tpu.memory_space<hbm>>
      %dma_wait3A_404 = tpu.memref_squeeze %dma_wait3A_403 : memref<1x1x128xi32, #tpu.memory_space<hbm>> -> memref<128xi32, #tpu.memory_space<hbm>>
      %dma_wait3A_405 = arith.constant 0 : i32
      %dma_wait3A_406 = tpu.memref_slice %arg3[%while3A_150, %while3A_151, %dma_wait3A_405] : memref<16x164x128xi32, #tpu.memory_space<hbm>> -> memref<1x1x128xi32, #tpu.memory_space<hbm>>
      %dma_wait3A_407 = tpu.memref_squeeze %dma_wait3A_406 : memref<1x1x128xi32, #tpu.memory_space<hbm>> -> memref<128xi32, #tpu.memory_space<hbm>>
      tpu.wait_dma2 semaphore(%arg30 : memref<!tpu.dma_semaphore, #tpu.memory_space<semaphore_mem>>) src(%dma_wait3A_407 : memref<128xi32, #tpu.memory_space<hbm>>) dst(%arg18 : memref<128xi32, #tpu.memory_space<vmem>>)
      %dma_wait3A_408 = arith.constant 0 : i32
      %dma_wait3A_409 = tpu.memref_slice %arg3[%while3A_150, %while3A_151, %dma_wait3A_408] : memref<16x164x128xi32, #tpu.memory_space<hbm>> -> memref<1x1x128xi32, #tpu.memory_space<hbm>>
      %dma_wait3A_410 = tpu.memref_squeeze %dma_wait3A_409 : memref<1x1x128xi32, #tpu.memory_space<hbm>> -> memref<128xi32, #tpu.memory_space<hbm>>
      %dma_wait3A_411 = arith.constant 0 : i32
      %dma_wait3A_412 = tpu.memref_slice %arg3[%while3A_150, %while3A_151, %dma_wait3A_411] : memref<16x164x128xi32, #tpu.memory_space<hbm>> -> memref<1x1x128xi32, #tpu.memory_space<hbm>>
      %dma_wait3A_413 = tpu.memref_squeeze %dma_wait3A_412 : memref<1x1x128xi32, #tpu.memory_space<hbm>> -> memref<128xi32, #tpu.memory_space<hbm>>
      tpu.wait_dma2 semaphore(%arg30 : memref<!tpu.dma_semaphore, #tpu.memory_space<semaphore_mem>>) src(%dma_wait3A_413 : memref<128xi32, #tpu.memory_space<hbm>>) dst(%arg22 : memref<128xi32, #tpu.memory_space<vmem>>)
      %dma_start3A_414 = arith.constant 0 : i32
      %dma_start3A_415 = arith.constant 0 : i32
      %dma_start3A_416 = tpu.memref_slice %arg8[%dma_start3A_414, %dma_start3A_415] : memref<10000x64xf32, #tpu.memory_space<vmem_shared>> -> memref<10000x64xf32, #tpu.memory_space<vmem_shared>>
      tpu.enqueue_indirect_dma source(%dma_start3A_416 : memref<10000x64xf32, #tpu.memory_space<vmem_shared>>) target(%arg14 : memref<128x64xf32, #tpu.memory_space<vmem>>) offsets(%arg18 : memref<128xi32, #tpu.memory_space<vmem>>) semaphore(%arg34 : memref<!tpu.dma_semaphore, #tpu.memory_space<semaphore_mem>>)
      %dma_wait3A_417 = arith.constant 0 : i32
      %dma_wait3A_418 = tpu.memref_slice %arg3[%while3A_150, %while3A_151, %dma_wait3A_417] : memref<16x164x128xi32, #tpu.memory_space<hbm>> -> memref<1x1x128xi32, #tpu.memory_space<hbm>>
      %dma_wait3A_419 = tpu.memref_squeeze %dma_wait3A_418 : memref<1x1x128xi32, #tpu.memory_space<hbm>> -> memref<128xi32, #tpu.memory_space<hbm>>
      %dma_wait3A_420 = arith.constant 0 : i32
      %dma_wait3A_421 = tpu.memref_slice %arg3[%while3A_150, %while3A_151, %dma_wait3A_420] : memref<16x164x128xi32, #tpu.memory_space<hbm>> -> memref<1x1x128xi32, #tpu.memory_space<hbm>>
      %dma_wait3A_422 = tpu.memref_squeeze %dma_wait3A_421 : memref<1x1x128xi32, #tpu.memory_space<hbm>> -> memref<128xi32, #tpu.memory_space<hbm>>
      tpu.wait_dma2 semaphore(%arg31 : memref<!tpu.dma_semaphore, #tpu.memory_space<semaphore_mem>>) src(%dma_wait3A_422 : memref<128xi32, #tpu.memory_space<hbm>>) dst(%arg19 : memref<128xi32, #tpu.memory_space<vmem>>)
      %dma_wait3A_423 = arith.constant 0 : i32
      %dma_wait3A_424 = tpu.memref_slice %arg3[%while3A_150, %while3A_151, %dma_wait3A_423] : memref<16x164x128xi32, #tpu.memory_space<hbm>> -> memref<1x1x128xi32, #tpu.memory_space<hbm>>
      %dma_wait3A_425 = tpu.memref_squeeze %dma_wait3A_424 : memref<1x1x128xi32, #tpu.memory_space<hbm>> -> memref<128xi32, #tpu.memory_space<hbm>>
      %dma_wait3A_426 = arith.constant 0 : i32
      %dma_wait3A_427 = tpu.memref_slice %arg3[%while3A_150, %while3A_151, %dma_wait3A_426] : memref<16x164x128xi32, #tpu.memory_space<hbm>> -> memref<1x1x128xi32, #tpu.memory_space<hbm>>
      %dma_wait3A_428 = tpu.memref_squeeze %dma_wait3A_427 : memref<1x1x128xi32, #tpu.memory_space<hbm>> -> memref<128xi32, #tpu.memory_space<hbm>>
      tpu.wait_dma2 semaphore(%arg31 : memref<!tpu.dma_semaphore, #tpu.memory_space<semaphore_mem>>) src(%dma_wait3A_428 : memref<128xi32, #tpu.memory_space<hbm>>) dst(%arg23 : memref<128xi32, #tpu.memory_space<vmem>>)
      %dma_start3A_429 = arith.constant 0 : i32
      %dma_start3A_430 = arith.constant 0 : i32
      %dma_start3A_431 = tpu.memref_slice %arg8[%dma_start3A_429, %dma_start3A_430] : memref<10000x64xf32, #tpu.memory_space<vmem_shared>> -> memref<10000x64xf32, #tpu.memory_space<vmem_shared>>
      tpu.enqueue_indirect_dma source(%dma_start3A_431 : memref<10000x64xf32, #tpu.memory_space<vmem_shared>>) target(%arg15 : memref<128x64xf32, #tpu.memory_space<vmem>>) offsets(%arg19 : memref<128xi32, #tpu.memory_space<vmem>>) semaphore(%arg35 : memref<!tpu.dma_semaphore, #tpu.memory_space<semaphore_mem>>)
      %dma_wait3A_432 = arith.constant 0 : i32
      %dma_wait3A_433 = arith.constant 0 : i32
      %dma_wait3A_434 = tpu.memref_slice %arg2[%while3A_149, %dma_wait3A_432, %dma_wait3A_433] : memref<2x10000x64xf32, #tpu.memory_space<hbm>> -> memref<1x128x64xf32, #tpu.memory_space<hbm>>
      %dma_wait3A_435 = tpu.memref_squeeze %dma_wait3A_434 : memref<1x128x64xf32, #tpu.memory_space<hbm>> -> memref<128x64xf32, #tpu.memory_space<hbm>>
      %dma_wait3A_436 = arith.constant 0 : i32
      %dma_wait3A_437 = arith.constant 0 : i32
      %dma_wait3A_438 = tpu.memref_slice %arg2[%while3A_149, %dma_wait3A_436, %dma_wait3A_437] : memref<2x10000x64xf32, #tpu.memory_space<hbm>> -> memref<1x128x64xf32, #tpu.memory_space<hbm>>
      %dma_wait3A_439 = tpu.memref_squeeze %dma_wait3A_438 : memref<1x128x64xf32, #tpu.memory_space<hbm>> -> memref<128x64xf32, #tpu.memory_space<hbm>>
      tpu.wait_dma2 semaphore(%arg32 : memref<!tpu.dma_semaphore, #tpu.memory_space<semaphore_mem>>) src(%dma_wait3A_439 : memref<128x64xf32, #tpu.memory_space<hbm>>) dst(%arg12 : memref<128x64xf32, #tpu.memory_space<vmem>>)
      %dma_start3A_440 = arith.constant 0 : i32
      %dma_start3A_441 = arith.constant 0 : i32
      %dma_start3A_442 = tpu.memref_slice %arg7[%dma_start3A_440, %dma_start3A_441] : memref<11536x64xf32, #tpu.memory_space<vmem_shared>> -> memref<11536x64xf32, #tpu.memory_space<vmem_shared>>
      tpu.enqueue_indirect_dma source(%arg12 : memref<128x64xf32, #tpu.memory_space<vmem>>) target(%dma_start3A_442 : memref<11536x64xf32, #tpu.memory_space<vmem_shared>>) offsets(%arg20 : memref<128xi32, #tpu.memory_space<vmem>>) semaphore(%arg36 : memref<!tpu.dma_semaphore, #tpu.memory_space<semaphore_mem>>) {add = true}
      %dma_wait3A_443 = arith.constant 0 : i32
      %dma_wait3A_444 = arith.constant 0 : i32
      %dma_wait3A_445 = tpu.memref_slice %arg2[%while3A_149, %dma_wait3A_443, %dma_wait3A_444] : memref<2x10000x64xf32, #tpu.memory_space<hbm>> -> memref<1x128x64xf32, #tpu.memory_space<hbm>>
      %dma_wait3A_446 = tpu.memref_squeeze %dma_wait3A_445 : memref<1x128x64xf32, #tpu.memory_space<hbm>> -> memref<128x64xf32, #tpu.memory_space<hbm>>
      %dma_wait3A_447 = arith.constant 0 : i32
      %dma_wait3A_448 = arith.constant 0 : i32
      %dma_wait3A_449 = tpu.memref_slice %arg2[%while3A_149, %dma_wait3A_447, %dma_wait3A_448] : memref<2x10000x64xf32, #tpu.memory_space<hbm>> -> memref<1x128x64xf32, #tpu.memory_space<hbm>>
      %dma_wait3A_450 = tpu.memref_squeeze %dma_wait3A_449 : memref<1x128x64xf32, #tpu.memory_space<hbm>> -> memref<128x64xf32, #tpu.memory_space<hbm>>
      tpu.wait_dma2 semaphore(%arg33 : memref<!tpu.dma_semaphore, #tpu.memory_space<semaphore_mem>>) src(%dma_wait3A_450 : memref<128x64xf32, #tpu.memory_space<hbm>>) dst(%arg13 : memref<128x64xf32, #tpu.memory_space<vmem>>)
      %dma_start3A_451 = arith.constant 0 : i32
      %dma_start3A_452 = arith.constant 0 : i32
      %dma_start3A_453 = tpu.memref_slice %arg7[%dma_start3A_451, %dma_start3A_452] : memref<11536x64xf32, #tpu.memory_space<vmem_shared>> -> memref<11536x64xf32, #tpu.memory_space<vmem_shared>>
      tpu.enqueue_indirect_dma source(%arg13 : memref<128x64xf32, #tpu.memory_space<vmem>>) target(%dma_start3A_453 : memref<11536x64xf32, #tpu.memory_space<vmem_shared>>) offsets(%arg21 : memref<128xi32, #tpu.memory_space<vmem>>) semaphore(%arg37 : memref<!tpu.dma_semaphore, #tpu.memory_space<semaphore_mem>>) {add = true}
      %dma_wait3A_454 = arith.constant 0 : i32
      %dma_wait3A_455 = arith.constant 0 : i32
      %dma_wait3A_456 = tpu.memref_slice %arg2[%while3A_149, %dma_wait3A_454, %dma_wait3A_455] : memref<2x10000x64xf32, #tpu.memory_space<hbm>> -> memref<1x128x64xf32, #tpu.memory_space<hbm>>
      %dma_wait3A_457 = tpu.memref_squeeze %dma_wait3A_456 : memref<1x128x64xf32, #tpu.memory_space<hbm>> -> memref<128x64xf32, #tpu.memory_space<hbm>>
      %dma_wait3A_458 = arith.constant 0 : i32
      %dma_wait3A_459 = arith.constant 0 : i32
      %dma_wait3A_460 = tpu.memref_slice %arg2[%while3A_149, %dma_wait3A_458, %dma_wait3A_459] : memref<2x10000x64xf32, #tpu.memory_space<hbm>> -> memref<1x128x64xf32, #tpu.memory_space<hbm>>
      %dma_wait3A_461 = tpu.memref_squeeze %dma_wait3A_460 : memref<1x128x64xf32, #tpu.memory_space<hbm>> -> memref<128x64xf32, #tpu.memory_space<hbm>>
      tpu.wait_dma2 semaphore(%arg34 : memref<!tpu.dma_semaphore, #tpu.memory_space<semaphore_mem>>) src(%dma_wait3A_461 : memref<128x64xf32, #tpu.memory_space<hbm>>) dst(%arg14 : memref<128x64xf32, #tpu.memory_space<vmem>>)
      %dma_start3A_462 = arith.constant 0 : i32
      %dma_start3A_463 = arith.constant 0 : i32
      %dma_start3A_464 = tpu.memref_slice %arg7[%dma_start3A_462, %dma_start3A_463] : memref<11536x64xf32, #tpu.memory_space<vmem_shared>> -> memref<11536x64xf32, #tpu.memory_space<vmem_shared>>
      tpu.enqueue_indirect_dma source(%arg14 : memref<128x64xf32, #tpu.memory_space<vmem>>) target(%dma_start3A_464 : memref<11536x64xf32, #tpu.memory_space<vmem_shared>>) offsets(%arg22 : memref<128xi32, #tpu.memory_space<vmem>>) semaphore(%arg38 : memref<!tpu.dma_semaphore, #tpu.memory_space<semaphore_mem>>) {add = true}
      %dma_wait3A_465 = arith.constant 0 : i32
      %dma_wait3A_466 = arith.constant 0 : i32
      %dma_wait3A_467 = tpu.memref_slice %arg2[%while3A_149, %dma_wait3A_465, %dma_wait3A_466] : memref<2x10000x64xf32, #tpu.memory_space<hbm>> -> memref<1x128x64xf32, #tpu.memory_space<hbm>>
      %dma_wait3A_468 = tpu.memref_squeeze %dma_wait3A_467 : memref<1x128x64xf32, #tpu.memory_space<hbm>> -> memref<128x64xf32, #tpu.memory_space<hbm>>
      %dma_wait3A_469 = arith.constant 0 : i32
      %dma_wait3A_470 = arith.constant 0 : i32
      %dma_wait3A_471 = tpu.memref_slice %arg2[%while3A_149, %dma_wait3A_469, %dma_wait3A_470] : memref<2x10000x64xf32, #tpu.memory_space<hbm>> -> memref<1x128x64xf32, #tpu.memory_space<hbm>>
      %dma_wait3A_472 = tpu.memref_squeeze %dma_wait3A_471 : memref<1x128x64xf32, #tpu.memory_space<hbm>> -> memref<128x64xf32, #tpu.memory_space<hbm>>
      tpu.wait_dma2 semaphore(%arg35 : memref<!tpu.dma_semaphore, #tpu.memory_space<semaphore_mem>>) src(%dma_wait3A_472 : memref<128x64xf32, #tpu.memory_space<hbm>>) dst(%arg15 : memref<128x64xf32, #tpu.memory_space<vmem>>)
      %dma_start3A_473 = arith.constant 0 : i32
      %dma_start3A_474 = arith.constant 0 : i32
      %dma_start3A_475 = tpu.memref_slice %arg7[%dma_start3A_473, %dma_start3A_474] : memref<11536x64xf32, #tpu.memory_space<vmem_shared>> -> memref<11536x64xf32, #tpu.memory_space<vmem_shared>>
      tpu.enqueue_indirect_dma source(%arg15 : memref<128x64xf32, #tpu.memory_space<vmem>>) target(%dma_start3A_475 : memref<11536x64xf32, #tpu.memory_space<vmem_shared>>) offsets(%arg23 : memref<128xi32, #tpu.memory_space<vmem>>) semaphore(%arg39 : memref<!tpu.dma_semaphore, #tpu.memory_space<semaphore_mem>>) {add = true}
    }
    %dma_wait3A_161 = arith.constant 0 : i32
    %dma_wait3A_162 = arith.constant 0 : i32
    %dma_wait3A_163 = arith.constant 0 : i32
    %dma_wait3A_164 = tpu.memref_slice %arg2[%dma_wait3A_161, %dma_wait3A_162, %dma_wait3A_163] : memref<2x10000x64xf32, #tpu.memory_space<hbm>> -> memref<1x128x64xf32, #tpu.memory_space<hbm>>
    %dma_wait3A_165 = tpu.memref_squeeze %dma_wait3A_164 : memref<1x128x64xf32, #tpu.memory_space<hbm>> -> memref<128x64xf32, #tpu.memory_space<hbm>>
    %dma_wait3A_166 = arith.constant 0 : i32
    %dma_wait3A_167 = arith.constant 0 : i32
    %dma_wait3A_168 = tpu.memref_slice %arg2[%dma_wait3A_161, %dma_wait3A_166, %dma_wait3A_167] : memref<2x10000x64xf32, #tpu.memory_space<hbm>> -> memref<1x128x64xf32, #tpu.memory_space<hbm>>
    %dma_wait3A_169 = tpu.memref_squeeze %dma_wait3A_168 : memref<1x128x64xf32, #tpu.memory_space<hbm>> -> memref<128x64xf32, #tpu.memory_space<hbm>>
    tpu.wait_dma2 semaphore(%arg36 : memref<!tpu.dma_semaphore, #tpu.memory_space<semaphore_mem>>) src(%dma_wait3A_169 : memref<128x64xf32, #tpu.memory_space<hbm>>) dst(%arg12 : memref<128x64xf32, #tpu.memory_space<vmem>>)
    %dma_wait3A_170 = arith.constant 0 : i32
    %dma_wait3A_171 = arith.constant 0 : i32
    %dma_wait3A_172 = arith.constant 0 : i32
    %dma_wait3A_173 = tpu.memref_slice %arg2[%dma_wait3A_170, %dma_wait3A_171, %dma_wait3A_172] : memref<2x10000x64xf32, #tpu.memory_space<hbm>> -> memref<1x128x64xf32, #tpu.memory_space<hbm>>
    %dma_wait3A_174 = tpu.memref_squeeze %dma_wait3A_173 : memref<1x128x64xf32, #tpu.memory_space<hbm>> -> memref<128x64xf32, #tpu.memory_space<hbm>>
    %dma_wait3A_175 = arith.constant 0 : i32
    %dma_wait3A_176 = arith.constant 0 : i32
    %dma_wait3A_177 = tpu.memref_slice %arg2[%dma_wait3A_170, %dma_wait3A_175, %dma_wait3A_176] : memref<2x10000x64xf32, #tpu.memory_space<hbm>> -> memref<1x128x64xf32, #tpu.memory_space<hbm>>
    %dma_wait3A_178 = tpu.memref_squeeze %dma_wait3A_177 : memref<1x128x64xf32, #tpu.memory_space<hbm>> -> memref<128x64xf32, #tpu.memory_space<hbm>>
    tpu.wait_dma2 semaphore(%arg37 : memref<!tpu.dma_semaphore, #tpu.memory_space<semaphore_mem>>) src(%dma_wait3A_178 : memref<128x64xf32, #tpu.memory_space<hbm>>) dst(%arg13 : memref<128x64xf32, #tpu.memory_space<vmem>>)
    %dma_wait3A_179 = arith.constant 0 : i32
    %dma_wait3A_180 = arith.constant 0 : i32
    %dma_wait3A_181 = arith.constant 0 : i32
    %dma_wait3A_182 = tpu.memref_slice %arg2[%dma_wait3A_179, %dma_wait3A_180, %dma_wait3A_181] : memref<2x10000x64xf32, #tpu.memory_space<hbm>> -> memref<1x128x64xf32, #tpu.memory_space<hbm>>
    %dma_wait3A_183 = tpu.memref_squeeze %dma_wait3A_182 : memref<1x128x64xf32, #tpu.memory_space<hbm>> -> memref<128x64xf32, #tpu.memory_space<hbm>>
    %dma_wait3A_184 = arith.constant 0 : i32
    %dma_wait3A_185 = arith.constant 0 : i32
    %dma_wait3A_186 = tpu.memref_slice %arg2[%dma_wait3A_179, %dma_wait3A_184, %dma_wait3A_185] : memref<2x10000x64xf32, #tpu.memory_space<hbm>> -> memref<1x128x64xf32, #tpu.memory_space<hbm>>
    %dma_wait3A_187 = tpu.memref_squeeze %dma_wait3A_186 : memref<1x128x64xf32, #tpu.memory_space<hbm>> -> memref<128x64xf32, #tpu.memory_space<hbm>>
    tpu.wait_dma2 semaphore(%arg38 : memref<!tpu.dma_semaphore, #tpu.memory_space<semaphore_mem>>) src(%dma_wait3A_187 : memref<128x64xf32, #tpu.memory_space<hbm>>) dst(%arg14 : memref<128x64xf32, #tpu.memory_space<vmem>>)
    %dma_wait3A_188 = arith.constant 0 : i32
    %dma_wait3A_189 = arith.constant 0 : i32
    %dma_wait3A_190 = arith.constant 0 : i32
    %dma_wait3A_191 = tpu.memref_slice %arg2[%dma_wait3A_188, %dma_wait3A_189, %dma_wait3A_190] : memref<2x10000x64xf32, #tpu.memory_space<hbm>> -> memref<1x128x64xf32, #tpu.memory_space<hbm>>
    %dma_wait3A_192 = tpu.memref_squeeze %dma_wait3A_191 : memref<1x128x64xf32, #tpu.memory_space<hbm>> -> memref<128x64xf32, #tpu.memory_space<hbm>>
    %dma_wait3A_193 = arith.constant 0 : i32
    %dma_wait3A_194 = arith.constant 0 : i32
    %dma_wait3A_195 = tpu.memref_slice %arg2[%dma_wait3A_188, %dma_wait3A_193, %dma_wait3A_194] : memref<2x10000x64xf32, #tpu.memory_space<hbm>> -> memref<1x128x64xf32, #tpu.memory_space<hbm>>
    %dma_wait3A_196 = tpu.memref_squeeze %dma_wait3A_195 : memref<1x128x64xf32, #tpu.memory_space<hbm>> -> memref<128x64xf32, #tpu.memory_space<hbm>>
    tpu.wait_dma2 semaphore(%arg39 : memref<!tpu.dma_semaphore, #tpu.memory_space<semaphore_mem>>) src(%dma_wait3A_196 : memref<128x64xf32, #tpu.memory_space<hbm>>) dst(%arg15 : memref<128x64xf32, #tpu.memory_space<vmem>>)
    "tpu.trace_stop"() : () -> ()
    %barrier3A_197 = arith.constant 0 : index
    tpu.barrier barrier_id(%barrier3A_197)
    %scan3A_198 = arith.constant 0 : i32
    %scan3A_199 = arith.constant 0 : i32
    %scan3A_200 = arith.constant 80 : i32
    %scan3A_201 = arith.addi %scan3A_199, %scan3A_200 : i32
    %scan3A_202 = arith.constant 1 : i32
    scf.for %scan3A_291 = %scan3A_199 to %scan3A_201 step %scan3A_202  : i32 {
      %swap3A = arith.index_cast %scan3A_291 : i32 to index
      %swap3A_292 = arith.constant 0 : index
      %swap3A_293 = tpu.vector_load %arg13[%swap3A, %swap3A_292] {strides = array<i32>} : memref<128x64xf32, #tpu.memory_space<vmem>>, vector<16xf32>,
      tpu.vector_store %arg13[%swap3A, %swap3A_292], %broadcast_in_dim3A_9 {strides = array<i32>} : memref<128x64xf32, #tpu.memory_space<vmem>>, vector<16xf32>,
      %swap3A_294 = arith.index_cast %scan3A_291 : i32 to index
      %swap3A_295 = arith.constant 16 : index
      %swap3A_296 = tpu.vector_load %arg13[%swap3A_294, %swap3A_295] {strides = array<i32>} : memref<128x64xf32, #tpu.memory_space<vmem>>, vector<16xf32>,
      tpu.vector_store %arg13[%swap3A_294, %swap3A_295], %broadcast_in_dim3A_9 {strides = array<i32>} : memref<128x64xf32, #tpu.memory_space<vmem>>, vector<16xf32>,
      %swap3A_297 = arith.index_cast %scan3A_291 : i32 to index
      %swap3A_298 = arith.constant 32 : index
      %swap3A_299 = tpu.vector_load %arg13[%swap3A_297, %swap3A_298] {strides = array<i32>} : memref<128x64xf32, #tpu.memory_space<vmem>>, vector<16xf32>,
      tpu.vector_store %arg13[%swap3A_297, %swap3A_298], %broadcast_in_dim3A_9 {strides = array<i32>} : memref<128x64xf32, #tpu.memory_space<vmem>>, vector<16xf32>,
      %swap3A_300 = arith.index_cast %scan3A_291 : i32 to index
      %swap3A_301 = arith.constant 48 : index
      %swap3A_302 = tpu.vector_load %arg13[%swap3A_300, %swap3A_301] {strides = array<i32>} : memref<128x64xf32, #tpu.memory_space<vmem>>, vector<16xf32>,
      tpu.vector_store %arg13[%swap3A_300, %swap3A_301], %broadcast_in_dim3A_9 {strides = array<i32>} : memref<128x64xf32, #tpu.memory_space<vmem>>, vector<16xf32>,
    }
    %scan3A_203 = arith.constant 80 : i32
    "tpu.trace_start"() <{level = 10 : i32, message = "ph_hscale"}> : () -> ()
    %scan3A_204 = arith.constant 0 : i32
    %scan3A_205 = arith.constant 0 : i32
    %scan3A_206 = arith.constant 125 : i32
    %scan3A_207 = arith.addi %scan3A_205, %scan3A_206 : i32
    %scan3A_208 = arith.constant 1 : i32
    scf.for %scan3A_291 = %scan3A_205 to %scan3A_207 step %scan3A_208  : i32 {
      %rem3A_292 = arith.constant 16 : i32
      %rem3A_293 = arith.remsi %scan3A_291, %rem3A_292 : i32
      %eq3A_294 = arith.cmpi eq, %rem3A_293, %arg1 : i32
      %convert_element_type3A = arith.extui %eq3A_294 : i1 to i32
      %cond3A = arith.constant 0 : i32
      %cond3A_295 = arith.cmpi ne, %convert_element_type3A, %cond3A : i32
      scf.if %cond3A_295 {
        %mul3A = arith.constant 80 : i32
        %mul3A_296 = arith.muli %scan3A_291, %mul3A : i32
        "tpu.region"() ({
          %run_scoped3A = tpu.sem_alloc : memref<!tpu.dma_semaphore, #tpu.memory_space<semaphore_mem>>
          %dma_start3A = arith.constant 0 : i32
          %dma_start3A_311 = arith.constant 0 : i32
          %dma_start3A_312 = tpu.memref_slice %arg12[%dma_start3A, %dma_start3A_311] : memref<128x64xf32, #tpu.memory_space<vmem>> -> memref<80x64xf32, #tpu.memory_space<vmem>>
          %dma_start3A_313 = arith.constant 0 : i32
          %dma_start3A_314 = tpu.memref_slice %arg7[%mul3A_296, %dma_start3A_313] : memref<11536x64xf32, #tpu.memory_space<vmem_shared>> -> memref<80x64xf32, #tpu.memory_space<vmem_shared>>
          %dma_start3A_315 = arith.constant 0 : i32
          %dma_start3A_316 = arith.constant 0 : i32
          %dma_start3A_317 = tpu.memref_slice %arg12[%dma_start3A_315, %dma_start3A_316] : memref<128x64xf32, #tpu.memory_space<vmem>> -> memref<80x64xf32, #tpu.memory_space<vmem>>
          %dma_start3A_318 = arith.constant 0 : i32
          %dma_start3A_319 = tpu.memref_slice %arg7[%mul3A_296, %dma_start3A_318] : memref<11536x64xf32, #tpu.memory_space<vmem_shared>> -> memref<80x64xf32, #tpu.memory_space<vmem_shared>>
          tpu.enqueue_dma source(%dma_start3A_319 : memref<80x64xf32, #tpu.memory_space<vmem_shared>>) target(%dma_start3A_317 : memref<80x64xf32, #tpu.memory_space<vmem>>) target_semaphore(%run_scoped3A : memref<!tpu.dma_semaphore, #tpu.memory_space<semaphore_mem>>)
          %dma_wait3A_320 = arith.constant 0 : i32
          %dma_wait3A_321 = arith.constant 0 : i32
          %dma_wait3A_322 = tpu.memref_slice %arg12[%dma_wait3A_320, %dma_wait3A_321] : memref<128x64xf32, #tpu.memory_space<vmem>> -> memref<80x64xf32, #tpu.memory_space<vmem>>
          %dma_wait3A_323 = arith.constant 0 : i32
          %dma_wait3A_324 = tpu.memref_slice %arg7[%mul3A_296, %dma_wait3A_323] : memref<11536x64xf32, #tpu.memory_space<vmem_shared>> -> memref<80x64xf32, #tpu.memory_space<vmem_shared>>
          %dma_wait3A_325 = arith.constant 0 : i32
          %dma_wait3A_326 = arith.constant 0 : i32
          %dma_wait3A_327 = tpu.memref_slice %arg12[%dma_wait3A_325, %dma_wait3A_326] : memref<128x64xf32, #tpu.memory_space<vmem>> -> memref<80x64xf32, #tpu.memory_space<vmem>>
          %dma_wait3A_328 = arith.constant 0 : i32
          %dma_wait3A_329 = tpu.memref_slice %arg7[%mul3A_296, %dma_wait3A_328] : memref<11536x64xf32, #tpu.memory_space<vmem_shared>> -> memref<80x64xf32, #tpu.memory_space<vmem_shared>>
          tpu.wait_dma2 semaphore(%run_scoped3A : memref<!tpu.dma_semaphore, #tpu.memory_space<semaphore_mem>>) src(%dma_wait3A_329 : memref<80x64xf32, #tpu.memory_space<vmem_shared>>) dst(%dma_wait3A_327 : memref<80x64xf32, #tpu.memory_space<vmem>>)
          tpu.yield
        }) : () -> ()
        %mul3A_297 = arith.constant 80 : i32
        %mul3A_298 = arith.muli %scan3A_291, %mul3A_297 : i32
        "tpu.region"() ({
          %run_scoped3A = tpu.sem_alloc : memref<!tpu.dma_semaphore, #tpu.memory_space<semaphore_mem>>
          %dma_start3A = tpu.memref_slice %arg10[%mul3A_298] : memref<11536xf32, #tpu.memory_space<vmem_shared>> -> memref<80xf32, #tpu.memory_space<vmem_shared>>
          %dma_start3A_311 = tpu.memref_slice %arg10[%mul3A_298] : memref<11536xf32, #tpu.memory_space<vmem_shared>> -> memref<80xf32, #tpu.memory_space<vmem_shared>>
          tpu.enqueue_dma source(%dma_start3A_311 : memref<80xf32, #tpu.memory_space<vmem_shared>>) target(%arg26 : memref<80xf32, #tpu.memory_space<vmem>>) target_semaphore(%run_scoped3A : memref<!tpu.dma_semaphore, #tpu.memory_space<semaphore_mem>>)
          %dma_wait3A_312 = tpu.memref_slice %arg10[%mul3A_298] : memref<11536xf32, #tpu.memory_space<vmem_shared>> -> memref<80xf32, #tpu.memory_space<vmem_shared>>
          %dma_wait3A_313 = tpu.memref_slice %arg10[%mul3A_298] : memref<11536xf32, #tpu.memory_space<vmem_shared>> -> memref<80xf32, #tpu.memory_space<vmem_shared>>
          tpu.wait_dma2 semaphore(%run_scoped3A : memref<!tpu.dma_semaphore, #tpu.memory_space<semaphore_mem>>) src(%dma_wait3A_313 : memref<80xf32, #tpu.memory_space<vmem_shared>>) dst(%arg26 : memref<80xf32, #tpu.memory_space<vmem>>)
          tpu.yield
        }) : () -> ()
        %mul3A_299 = arith.constant 80 : i32
        %mul3A_300 = arith.muli %scan3A_291, %mul3A_299 : i32
        "tpu.region"() ({
          %run_scoped3A = tpu.sem_alloc : memref<!tpu.dma_semaphore, #tpu.memory_space<semaphore_mem>>
          %dma_start3A = arith.constant 0 : i32
          %dma_start3A_311 = tpu.memref_slice %arg24[%dma_start3A] : memref<128xf32, #tpu.memory_space<vmem>> -> memref<80xf32, #tpu.memory_space<vmem>>
          %dma_start3A_312 = tpu.memref_slice %arg11[%mul3A_300] : memref<11536xf32, #tpu.memory_space<vmem_shared>> -> memref<80xf32, #tpu.memory_space<vmem_shared>>
          %dma_start3A_313 = arith.constant 0 : i32
          %dma_start3A_314 = tpu.memref_slice %arg24[%dma_start3A_313] : memref<128xf32, #tpu.memory_space<vmem>> -> memref<80xf32, #tpu.memory_space<vmem>>
          %dma_start3A_315 = tpu.memref_slice %arg11[%mul3A_300] : memref<11536xf32, #tpu.memory_space<vmem_shared>> -> memref<80xf32, #tpu.memory_space<vmem_shared>>
          tpu.enqueue_dma source(%dma_start3A_315 : memref<80xf32, #tpu.memory_space<vmem_shared>>) target(%dma_start3A_314 : memref<80xf32, #tpu.memory_space<vmem>>) target_semaphore(%run_scoped3A : memref<!tpu.dma_semaphore, #tpu.memory_space<semaphore_mem>>)
          %dma_wait3A_316 = arith.constant 0 : i32
          %dma_wait3A_317 = tpu.memref_slice %arg24[%dma_wait3A_316] : memref<128xf32, #tpu.memory_space<vmem>> -> memref<80xf32, #tpu.memory_space<vmem>>
          %dma_wait3A_318 = tpu.memref_slice %arg11[%mul3A_300] : memref<11536xf32, #tpu.memory_space<vmem_shared>> -> memref<80xf32, #tpu.memory_space<vmem_shared>>
          %dma_wait3A_319 = arith.constant 0 : i32
          %dma_wait3A_320 = tpu.memref_slice %arg24[%dma_wait3A_319] : memref<128xf32, #tpu.memory_space<vmem>> -> memref<80xf32, #tpu.memory_space<vmem>>
          %dma_wait3A_321 = tpu.memref_slice %arg11[%mul3A_300] : memref<11536xf32, #tpu.memory_space<vmem_shared>> -> memref<80xf32, #tpu.memory_space<vmem_shared>>
          tpu.wait_dma2 semaphore(%run_scoped3A : memref<!tpu.dma_semaphore, #tpu.memory_space<semaphore_mem>>) src(%dma_wait3A_321 : memref<80xf32, #tpu.memory_space<vmem_shared>>) dst(%dma_wait3A_320 : memref<80xf32, #tpu.memory_space<vmem>>)
          tpu.yield
        }) : () -> ()
        %scan3A_301 = arith.constant 0 : i32
        %scan3A_302 = arith.constant 0 : i32
        %scan3A_303 = arith.constant 80 : i32
        %scan3A_304 = arith.addi %scan3A_302, %scan3A_303 : i32
        %scan3A_305 = arith.constant 1 : i32
        scf.for %scan3A_311 = %scan3A_302 to %scan3A_304 step %scan3A_305  : i32 {
          %broadcast_in_dim3A_312 = vector.broadcast %scan3A_311 : i32 to vector<16xi32>
          %gather3A = tpu.vector_load_idx %arg24[%broadcast_in_dim3A_312] : memref<128xf32, #tpu.memory_space<vmem>>[vector<16xi32>], vector<16xf32>,
          %broadcast_in_dim3A_313 = vector.broadcast %scan3A_311 : i32 to vector<16xi32>
          %gather3A_314 = tpu.vector_load_idx %arg26[%broadcast_in_dim3A_313] : memref<80xf32, #tpu.memory_space<vmem>>[vector<16xi32>], vector<16xf32>,
          %gt3A = arith.constant 0.000000e+00 : f32
          %gt3A_315 = vector.broadcast %gt3A : f32 to vector<16xf32>
          %gt3A_316 = arith.cmpf ogt, %gather3A_314, %gt3A_315 : vector<16xf32>
          %div3A_317 = arith.divf %gather3A, %gather3A_314 : vector<16xf32>
          %jit3A_318 = arith.constant 0.000000e+00 : f32
          %broadcast_in_dim3A_319 = vector.broadcast %jit3A_318 : f32 to vector<16xf32>
          %select_n3A_320 = arith.select %gt3A_316, %div3A_317, %broadcast_in_dim3A_319 : vector<16xi1>, vector<16xf32>
          %get3A = arith.index_cast %scan3A_311 : i32 to index
          %get3A_321 = arith.constant 0 : index
          %get3A_322 = tpu.vector_load %arg12[%get3A, %get3A_321] {strides = array<i32>} : memref<128x64xf32, #tpu.memory_space<vmem>>, vector<16xf32>,
          %mul3A_323 = arith.mulf %get3A_322, %select_n3A_320 : vector<16xf32>
          %swap3A = arith.index_cast %scan3A_311 : i32 to index
          %swap3A_324 = arith.constant 0 : index
          %swap3A_325 = tpu.vector_load %arg12[%swap3A, %swap3A_324] {strides = array<i32>} : memref<128x64xf32, #tpu.memory_space<vmem>>, vector<16xf32>,
          tpu.vector_store %arg12[%swap3A, %swap3A_324], %mul3A_323 {strides = array<i32>} : memref<128x64xf32, #tpu.memory_space<vmem>>, vector<16xf32>,
          %get3A_326 = arith.index_cast %scan3A_311 : i32 to index
          %get3A_327 = arith.constant 16 : index
          %get3A_328 = tpu.vector_load %arg12[%get3A_326, %get3A_327] {strides = array<i32>} : memref<128x64xf32, #tpu.memory_space<vmem>>, vector<16xf32>,
          %mul3A_329 = arith.mulf %get3A_328, %select_n3A_320 : vector<16xf32>
          %swap3A_330 = arith.index_cast %scan3A_311 : i32 to index
          %swap3A_331 = arith.constant 16 : index
          %swap3A_332 = tpu.vector_load %arg12[%swap3A_330, %swap3A_331] {strides = array<i32>} : memref<128x64xf32, #tpu.memory_space<vmem>>, vector<16xf32>,
          tpu.vector_store %arg12[%swap3A_330, %swap3A_331], %mul3A_329 {strides = array<i32>} : memref<128x64xf32, #tpu.memory_space<vmem>>, vector<16xf32>,
          %get3A_333 = arith.index_cast %scan3A_311 : i32 to index
          %get3A_334 = arith.constant 32 : index
          %get3A_335 = tpu.vector_load %arg12[%get3A_333, %get3A_334] {strides = array<i32>} : memref<128x64xf32, #tpu.memory_space<vmem>>, vector<16xf32>,
          %mul3A_336 = arith.mulf %get3A_335, %select_n3A_320 : vector<16xf32>
          %swap3A_337 = arith.index_cast %scan3A_311 : i32 to index
          %swap3A_338 = arith.constant 32 : index
          %swap3A_339 = tpu.vector_load %arg12[%swap3A_337, %swap3A_338] {strides = array<i32>} : memref<128x64xf32, #tpu.memory_space<vmem>>, vector<16xf32>,
          tpu.vector_store %arg12[%swap3A_337, %swap3A_338], %mul3A_336 {strides = array<i32>} : memref<128x64xf32, #tpu.memory_space<vmem>>, vector<16xf32>,
          %get3A_340 = arith.index_cast %scan3A_311 : i32 to index
          %get3A_341 = arith.constant 48 : index
          %get3A_342 = tpu.vector_load %arg12[%get3A_340, %get3A_341] {strides = array<i32>} : memref<128x64xf32, #tpu.memory_space<vmem>>, vector<16xf32>,
          %mul3A_343 = arith.mulf %get3A_342, %select_n3A_320 : vector<16xf32>
          %swap3A_344 = arith.index_cast %scan3A_311 : i32 to index
          %swap3A_345 = arith.constant 48 : index
          %swap3A_346 = tpu.vector_load %arg12[%swap3A_344, %swap3A_345] {strides = array<i32>} : memref<128x64xf32, #tpu.memory_space<vmem>>, vector<16xf32>,
          tpu.vector_store %arg12[%swap3A_344, %swap3A_345], %mul3A_343 {strides = array<i32>} : memref<128x64xf32, #tpu.memory_space<vmem>>, vector<16xf32>,
        }
        %scan3A_306 = arith.constant 80 : i32
        %mul3A_307 = arith.constant 80 : i32
        %mul3A_308 = arith.muli %scan3A_291, %mul3A_307 : i32
        "tpu.region"() ({
          %run_scoped3A = tpu.sem_alloc : memref<!tpu.dma_semaphore, #tpu.memory_space<semaphore_mem>>
          %dma_start3A = arith.constant 0 : i32
          %dma_start3A_311 = arith.constant 0 : i32
          %dma_start3A_312 = tpu.memref_slice %arg12[%dma_start3A, %dma_start3A_311] : memref<128x64xf32, #tpu.memory_space<vmem>> -> memref<80x64xf32, #tpu.memory_space<vmem>>
          %dma_start3A_313 = arith.constant 0 : i32
          %dma_start3A_314 = tpu.memref_slice %arg8[%mul3A_308, %dma_start3A_313] : memref<10000x64xf32, #tpu.memory_space<vmem_shared>> -> memref<80x64xf32, #tpu.memory_space<vmem_shared>>
          %dma_start3A_315 = arith.constant 0 : i32
          %dma_start3A_316 = tpu.memref_slice %arg8[%mul3A_308, %dma_start3A_315] : memref<10000x64xf32, #tpu.memory_space<vmem_shared>> -> memref<80x64xf32, #tpu.memory_space<vmem_shared>>
          %dma_start3A_317 = arith.constant 0 : i32
          %dma_start3A_318 = arith.constant 0 : i32
          %dma_start3A_319 = tpu.memref_slice %arg12[%dma_start3A_317, %dma_start3A_318] : memref<128x64xf32, #tpu.memory_space<vmem>> -> memref<80x64xf32, #tpu.memory_space<vmem>>
          tpu.enqueue_dma source(%dma_start3A_319 : memref<80x64xf32, #tpu.memory_space<vmem>>) target(%dma_start3A_316 : memref<80x64xf32, #tpu.memory_space<vmem_shared>>) target_semaphore(%run_scoped3A : memref<!tpu.dma_semaphore, #tpu.memory_space<semaphore_mem>>)
          %dma_wait3A_320 = arith.constant 0 : i32
          %dma_wait3A_321 = arith.constant 0 : i32
          %dma_wait3A_322 = tpu.memref_slice %arg12[%dma_wait3A_320, %dma_wait3A_321] : memref<128x64xf32, #tpu.memory_space<vmem>> -> memref<80x64xf32, #tpu.memory_space<vmem>>
          %dma_wait3A_323 = arith.constant 0 : i32
          %dma_wait3A_324 = tpu.memref_slice %arg8[%mul3A_308, %dma_wait3A_323] : memref<10000x64xf32, #tpu.memory_space<vmem_shared>> -> memref<80x64xf32, #tpu.memory_space<vmem_shared>>
          %dma_wait3A_325 = arith.constant 0 : i32
          %dma_wait3A_326 = tpu.memref_slice %arg8[%mul3A_308, %dma_wait3A_325] : memref<10000x64xf32, #tpu.memory_space<vmem_shared>> -> memref<80x64xf32, #tpu.memory_space<vmem_shared>>
          %dma_wait3A_327 = arith.constant 0 : i32
          %dma_wait3A_328 = arith.constant 0 : i32
          %dma_wait3A_329 = tpu.memref_slice %arg12[%dma_wait3A_327, %dma_wait3A_328] : memref<128x64xf32, #tpu.memory_space<vmem>> -> memref<80x64xf32, #tpu.memory_space<vmem>>
          tpu.wait_dma2 semaphore(%run_scoped3A : memref<!tpu.dma_semaphore, #tpu.memory_space<semaphore_mem>>) src(%dma_wait3A_329 : memref<80x64xf32, #tpu.memory_space<vmem>>) dst(%dma_wait3A_326 : memref<80x64xf32, #tpu.memory_space<vmem_shared>>)
          tpu.yield
        }) : () -> ()
        %mul3A_309 = arith.constant 80 : i32
        %mul3A_310 = arith.muli %scan3A_291, %mul3A_309 : i32
        "tpu.region"() ({
          %run_scoped3A = tpu.sem_alloc : memref<!tpu.dma_semaphore, #tpu.memory_space<semaphore_mem>>
          %dma_start3A = arith.constant 0 : i32
          %dma_start3A_311 = arith.constant 0 : i32
          %dma_start3A_312 = tpu.memref_slice %arg13[%dma_start3A, %dma_start3A_311] : memref<128x64xf32, #tpu.memory_space<vmem>> -> memref<80x64xf32, #tpu.memory_space<vmem>>
          %dma_start3A_313 = arith.constant 0 : i32
          %dma_start3A_314 = tpu.memref_slice %arg7[%mul3A_310, %dma_start3A_313] : memref<11536x64xf32, #tpu.memory_space<vmem_shared>> -> memref<80x64xf32, #tpu.memory_space<vmem_shared>>
          %dma_start3A_315 = arith.constant 0 : i32
          %dma_start3A_316 = tpu.memref_slice %arg7[%mul3A_310, %dma_start3A_315] : memref<11536x64xf32, #tpu.memory_space<vmem_shared>> -> memref<80x64xf32, #tpu.memory_space<vmem_shared>>
          %dma_start3A_317 = arith.constant 0 : i32
          %dma_start3A_318 = arith.constant 0 : i32
          %dma_start3A_319 = tpu.memref_slice %arg13[%dma_start3A_317, %dma_start3A_318] : memref<128x64xf32, #tpu.memory_space<vmem>> -> memref<80x64xf32, #tpu.memory_space<vmem>>
          tpu.enqueue_dma source(%dma_start3A_319 : memref<80x64xf32, #tpu.memory_space<vmem>>) target(%dma_start3A_316 : memref<80x64xf32, #tpu.memory_space<vmem_shared>>) target_semaphore(%run_scoped3A : memref<!tpu.dma_semaphore, #tpu.memory_space<semaphore_mem>>)
          %dma_wait3A_320 = arith.constant 0 : i32
          %dma_wait3A_321 = arith.constant 0 : i32
          %dma_wait3A_322 = tpu.memref_slice %arg13[%dma_wait3A_320, %dma_wait3A_321] : memref<128x64xf32, #tpu.memory_space<vmem>> -> memref<80x64xf32, #tpu.memory_space<vmem>>
          %dma_wait3A_323 = arith.constant 0 : i32
          %dma_wait3A_324 = tpu.memref_slice %arg7[%mul3A_310, %dma_wait3A_323] : memref<11536x64xf32, #tpu.memory_space<vmem_shared>> -> memref<80x64xf32, #tpu.memory_space<vmem_shared>>
          %dma_wait3A_325 = arith.constant 0 : i32
          %dma_wait3A_326 = tpu.memref_slice %arg7[%mul3A_310, %dma_wait3A_325] : memref<11536x64xf32, #tpu.memory_space<vmem_shared>> -> memref<80x64xf32, #tpu.memory_space<vmem_shared>>
          %dma_wait3A_327 = arith.constant 0 : i32
          %dma_wait3A_328 = arith.constant 0 : i32
          %dma_wait3A_329 = tpu.memref_slice %arg13[%dma_wait3A_327, %dma_wait3A_328] : memref<128x64xf32, #tpu.memory_space<vmem>> -> memref<80x64xf32, #tpu.memory_space<vmem>>
          tpu.wait_dma2 semaphore(%run_scoped3A : memref<!tpu.dma_semaphore, #tpu.memory_space<semaphore_mem>>) src(%dma_wait3A_329 : memref<80x64xf32, #tpu.memory_space<vmem>>) dst(%dma_wait3A_326 : memref<80x64xf32, #tpu.memory_space<vmem_shared>>)
          tpu.yield
        }) : () -> ()
      } else {
      }
    }
    %scan3A_209 = arith.constant 125 : i32
    "tpu.trace_stop"() : () -> ()
    %barrier3A_210 = arith.constant 0 : index
    tpu.barrier barrier_id(%barrier3A_210)
    %jit3A_211 = arith.constant 4 : i32
    "tpu.trace_start"() <{level = 10 : i32, message = "ph_edge2"}> : () -> ()
    %div3A_212 = arith.divsi %sub3A_8, %jit3A_211 : i32
    %sign3A_213 = arith.constant 0 : i32
    %sign3A_214 = arith.cmpi sgt, %sub3A_8, %sign3A_213 : i32
    %sign3A_215 = arith.extui %sign3A_214 : i1 to i32
    %sign3A_216 = arith.constant 0 : i32
    %sign3A_217 = arith.cmpi slt, %sub3A_8, %sign3A_216 : i32
    %sign3A_218 = arith.extui %sign3A_217 : i1 to i32
    %sign3A_219 = arith.subi %sign3A_215, %sign3A_218 : i32
    %sign3A_220 = arith.constant 0 : i32
    %sign3A_221 = arith.cmpi sgt, %jit3A_211, %sign3A_220 : i32
    %sign3A_222 = arith.extui %sign3A_221 : i1 to i32
    %sign3A_223 = arith.constant 0 : i32
    %sign3A_224 = arith.cmpi slt, %jit3A_211, %sign3A_223 : i32
    %sign3A_225 = arith.extui %sign3A_224 : i1 to i32
    %sign3A_226 = arith.subi %sign3A_222, %sign3A_225 : i32
    %ne3A_227 = arith.cmpi ne, %sign3A_219, %sign3A_226 : i32
    %rem3A_228 = arith.remsi %sub3A_8, %jit3A_211 : i32
    %ne3A_229 = arith.constant 0 : i32
    %ne3A_230 = arith.cmpi ne, %rem3A_228, %ne3A_229 : i32
    %and3A_231 = arith.andi %ne3A_227, %ne3A_230 : i1
    %sub3A_232 = arith.constant 1 : i32
    %sub3A_233 = arith.subi %div3A_212, %sub3A_232 : i32
    %select_n3A_234 = arith.select %and3A_231, %sub3A_233, %div3A_212 : i32
    %while3A_235 = arith.constant 0 : i32
    %while3A_236 = arith.constant 0 : i32
    %while3A_237 = arith.constant 0 : i32
    %while3A_238 = arith.constant 0 : i32
    %while3A_239 = arith.constant 0 : i32
    %while3A_240 = arith.subi %select_n3A_234, %while3A_239 : i32
    %while3A_241 = arith.addi %while3A_239, %while3A_240 : i32
    %while3A_242 = arith.constant 1 : i32
    %while3A_243 = arith.divsi %while3A_240, %while3A_242 : i32
    %while3A_244 = arith.muli %while3A_243, %while3A_242 : i32
    %while3A_245 = arith.addi %while3A_239, %while3A_244 : i32
    %while3A_246 = arith.constant 1 : i32
    scf.for %while3A_291 = %while3A_239 to %while3A_245 step %while3A_246  : i32 {
      %mul3A = arith.constant 4 : i32
      %mul3A_292 = arith.muli %mul3A, %while3A_291 : i32
      %gt3A = arith.constant 0 : i32
      %gt3A_293 = arith.cmpi sgt, %while3A_291, %gt3A : i32
      %convert_element_type3A = arith.extui %gt3A_293 : i1 to i32
      %cond3A = arith.constant 0 : i32
      %cond3A_294 = arith.cmpi ne, %convert_element_type3A, %cond3A : i32
      scf.if %cond3A_294 {
        %dma_wait3A_476 = arith.constant 0 : i32
        %dma_wait3A_477 = arith.constant 0 : i32
        %dma_wait3A_478 = tpu.memref_slice %arg2[%while3A_236, %dma_wait3A_476, %dma_wait3A_477] : memref<2x10000x64xf32, #tpu.memory_space<hbm>> -> memref<1x128x64xf32, #tpu.memory_space<hbm>>
        %dma_wait3A_479 = tpu.memref_squeeze %dma_wait3A_478 : memref<1x128x64xf32, #tpu.memory_space<hbm>> -> memref<128x64xf32, #tpu.memory_space<hbm>>
        %dma_wait3A_480 = arith.constant 0 : i32
        %dma_wait3A_481 = arith.constant 0 : i32
        %dma_wait3A_482 = tpu.memref_slice %arg2[%while3A_236, %dma_wait3A_480, %dma_wait3A_481] : memref<2x10000x64xf32, #tpu.memory_space<hbm>> -> memref<1x128x64xf32, #tpu.memory_space<hbm>>
        %dma_wait3A_483 = tpu.memref_squeeze %dma_wait3A_482 : memref<1x128x64xf32, #tpu.memory_space<hbm>> -> memref<128x64xf32, #tpu.memory_space<hbm>>
        tpu.wait_dma2 semaphore(%arg36 : memref<!tpu.dma_semaphore, #tpu.memory_space<semaphore_mem>>) src(%dma_wait3A_483 : memref<128x64xf32, #tpu.memory_space<hbm>>) dst(%arg12 : memref<128x64xf32, #tpu.memory_space<vmem>>)
      } else {
      }
      %add3A = arith.constant 0 : i32
      %add3A_295 = arith.addi %mul3A_292, %add3A : i32
      %dma_start3A = arith.constant 0 : i32
      %dma_start3A_296 = tpu.memref_slice %arg3[%arg1, %add3A_295, %dma_start3A] : memref<16x164x128xi32, #tpu.memory_space<hbm>> -> memref<1x1x128xi32, #tpu.memory_space<hbm>>
      %dma_start3A_297 = tpu.memref_squeeze %dma_start3A_296 : memref<1x1x128xi32, #tpu.memory_space<hbm>> -> memref<128xi32, #tpu.memory_space<hbm>>
      %dma_start3A_298 = arith.constant 0 : i32
      %dma_start3A_299 = tpu.memref_slice %arg3[%arg1, %add3A_295, %dma_start3A_298] : memref<16x164x128xi32, #tpu.memory_space<hbm>> -> memref<1x1x128xi32, #tpu.memory_space<hbm>>
      %dma_start3A_300 = tpu.memref_squeeze %dma_start3A_299 : memref<1x1x128xi32, #tpu.memory_space<hbm>> -> memref<128xi32, #tpu.memory_space<hbm>>
      tpu.enqueue_dma source(%dma_start3A_300 : memref<128xi32, #tpu.memory_space<hbm>>) target(%arg16 : memref<128xi32, #tpu.memory_space<vmem>>) target_semaphore(%arg28 : memref<!tpu.dma_semaphore, #tpu.memory_space<semaphore_mem>>)
      %add3A_301 = arith.constant 0 : i32
      %add3A_302 = arith.addi %mul3A_292, %add3A_301 : i32
      %dma_start3A_303 = arith.constant 0 : i32
      %dma_start3A_304 = tpu.memref_slice %arg4[%arg1, %add3A_302, %dma_start3A_303] : memref<16x164x128xi32, #tpu.memory_space<hbm>> -> memref<1x1x128xi32, #tpu.memory_space<hbm>>
      %dma_start3A_305 = tpu.memref_squeeze %dma_start3A_304 : memref<1x1x128xi32, #tpu.memory_space<hbm>> -> memref<128xi32, #tpu.memory_space<hbm>>
      %dma_start3A_306 = arith.constant 0 : i32
      %dma_start3A_307 = tpu.memref_slice %arg4[%arg1, %add3A_302, %dma_start3A_306] : memref<16x164x128xi32, #tpu.memory_space<hbm>> -> memref<1x1x128xi32, #tpu.memory_space<hbm>>
      %dma_start3A_308 = tpu.memref_squeeze %dma_start3A_307 : memref<1x1x128xi32, #tpu.memory_space<hbm>> -> memref<128xi32, #tpu.memory_space<hbm>>
      tpu.enqueue_dma source(%dma_start3A_308 : memref<128xi32, #tpu.memory_space<hbm>>) target(%arg20 : memref<128xi32, #tpu.memory_space<vmem>>) target_semaphore(%arg28 : memref<!tpu.dma_semaphore, #tpu.memory_space<semaphore_mem>>)
      %gt3A_309 = arith.constant 0 : i32
      %gt3A_310 = arith.cmpi sgt, %while3A_291, %gt3A_309 : i32
      %convert_element_type3A_311 = arith.extui %gt3A_310 : i1 to i32
      %cond3A_312 = arith.constant 0 : i32
      %cond3A_313 = arith.cmpi ne, %convert_element_type3A_311, %cond3A_312 : i32
      scf.if %cond3A_313 {
        %dma_wait3A_476 = arith.constant 0 : i32
        %dma_wait3A_477 = arith.constant 0 : i32
        %dma_wait3A_478 = tpu.memref_slice %arg2[%while3A_236, %dma_wait3A_476, %dma_wait3A_477] : memref<2x10000x64xf32, #tpu.memory_space<hbm>> -> memref<1x128x64xf32, #tpu.memory_space<hbm>>
        %dma_wait3A_479 = tpu.memref_squeeze %dma_wait3A_478 : memref<1x128x64xf32, #tpu.memory_space<hbm>> -> memref<128x64xf32, #tpu.memory_space<hbm>>
        %dma_wait3A_480 = arith.constant 0 : i32
        %dma_wait3A_481 = arith.constant 0 : i32
        %dma_wait3A_482 = tpu.memref_slice %arg2[%while3A_236, %dma_wait3A_480, %dma_wait3A_481] : memref<2x10000x64xf32, #tpu.memory_space<hbm>> -> memref<1x128x64xf32, #tpu.memory_space<hbm>>
        %dma_wait3A_483 = tpu.memref_squeeze %dma_wait3A_482 : memref<1x128x64xf32, #tpu.memory_space<hbm>> -> memref<128x64xf32, #tpu.memory_space<hbm>>
        tpu.wait_dma2 semaphore(%arg37 : memref<!tpu.dma_semaphore, #tpu.memory_space<semaphore_mem>>) src(%dma_wait3A_483 : memref<128x64xf32, #tpu.memory_space<hbm>>) dst(%arg13 : memref<128x64xf32, #tpu.memory_space<vmem>>)
      } else {
      }
      %add3A_314 = arith.constant 1 : i32
      %add3A_315 = arith.addi %mul3A_292, %add3A_314 : i32
      %dma_start3A_316 = arith.constant 0 : i32
      %dma_start3A_317 = tpu.memref_slice %arg3[%arg1, %add3A_315, %dma_start3A_316] : memref<16x164x128xi32, #tpu.memory_space<hbm>> -> memref<1x1x128xi32, #tpu.memory_space<hbm>>
      %dma_start3A_318 = tpu.memref_squeeze %dma_start3A_317 : memref<1x1x128xi32, #tpu.memory_space<hbm>> -> memref<128xi32, #tpu.memory_space<hbm>>
      %dma_start3A_319 = arith.constant 0 : i32
      %dma_start3A_320 = tpu.memref_slice %arg3[%arg1, %add3A_315, %dma_start3A_319] : memref<16x164x128xi32, #tpu.memory_space<hbm>> -> memref<1x1x128xi32, #tpu.memory_space<hbm>>
      %dma_start3A_321 = tpu.memref_squeeze %dma_start3A_320 : memref<1x1x128xi32, #tpu.memory_space<hbm>> -> memref<128xi32, #tpu.memory_space<hbm>>
      tpu.enqueue_dma source(%dma_start3A_321 : memref<128xi32, #tpu.memory_space<hbm>>) target(%arg17 : memref<128xi32, #tpu.memory_space<vmem>>) target_semaphore(%arg29 : memref<!tpu.dma_semaphore, #tpu.memory_space<semaphore_mem>>)
      %add3A_322 = arith.constant 1 : i32
      %add3A_323 = arith.addi %mul3A_292, %add3A_322 : i32
      %dma_start3A_324 = arith.constant 0 : i32
      %dma_start3A_325 = tpu.memref_slice %arg4[%arg1, %add3A_323, %dma_start3A_324] : memref<16x164x128xi32, #tpu.memory_space<hbm>> -> memref<1x1x128xi32, #tpu.memory_space<hbm>>
      %dma_start3A_326 = tpu.memref_squeeze %dma_start3A_325 : memref<1x1x128xi32, #tpu.memory_space<hbm>> -> memref<128xi32, #tpu.memory_space<hbm>>
      %dma_start3A_327 = arith.constant 0 : i32
      %dma_start3A_328 = tpu.memref_slice %arg4[%arg1, %add3A_323, %dma_start3A_327] : memref<16x164x128xi32, #tpu.memory_space<hbm>> -> memref<1x1x128xi32, #tpu.memory_space<hbm>>
      %dma_start3A_329 = tpu.memref_squeeze %dma_start3A_328 : memref<1x1x128xi32, #tpu.memory_space<hbm>> -> memref<128xi32, #tpu.memory_space<hbm>>
      tpu.enqueue_dma source(%dma_start3A_329 : memref<128xi32, #tpu.memory_space<hbm>>) target(%arg21 : memref<128xi32, #tpu.memory_space<vmem>>) target_semaphore(%arg29 : memref<!tpu.dma_semaphore, #tpu.memory_space<semaphore_mem>>)
      %gt3A_330 = arith.constant 0 : i32
      %gt3A_331 = arith.cmpi sgt, %while3A_291, %gt3A_330 : i32
      %convert_element_type3A_332 = arith.extui %gt3A_331 : i1 to i32
      %cond3A_333 = arith.constant 0 : i32
      %cond3A_334 = arith.cmpi ne, %convert_element_type3A_332, %cond3A_333 : i32
      scf.if %cond3A_334 {
        %dma_wait3A_476 = arith.constant 0 : i32
        %dma_wait3A_477 = arith.constant 0 : i32
        %dma_wait3A_478 = tpu.memref_slice %arg2[%while3A_236, %dma_wait3A_476, %dma_wait3A_477] : memref<2x10000x64xf32, #tpu.memory_space<hbm>> -> memref<1x128x64xf32, #tpu.memory_space<hbm>>
        %dma_wait3A_479 = tpu.memref_squeeze %dma_wait3A_478 : memref<1x128x64xf32, #tpu.memory_space<hbm>> -> memref<128x64xf32, #tpu.memory_space<hbm>>
        %dma_wait3A_480 = arith.constant 0 : i32
        %dma_wait3A_481 = arith.constant 0 : i32
        %dma_wait3A_482 = tpu.memref_slice %arg2[%while3A_236, %dma_wait3A_480, %dma_wait3A_481] : memref<2x10000x64xf32, #tpu.memory_space<hbm>> -> memref<1x128x64xf32, #tpu.memory_space<hbm>>
        %dma_wait3A_483 = tpu.memref_squeeze %dma_wait3A_482 : memref<1x128x64xf32, #tpu.memory_space<hbm>> -> memref<128x64xf32, #tpu.memory_space<hbm>>
        tpu.wait_dma2 semaphore(%arg38 : memref<!tpu.dma_semaphore, #tpu.memory_space<semaphore_mem>>) src(%dma_wait3A_483 : memref<128x64xf32, #tpu.memory_space<hbm>>) dst(%arg14 : memref<128x64xf32, #tpu.memory_space<vmem>>)
      } else {
      }
      %add3A_335 = arith.constant 2 : i32
      %add3A_336 = arith.addi %mul3A_292, %add3A_335 : i32
      %dma_start3A_337 = arith.constant 0 : i32
      %dma_start3A_338 = tpu.memref_slice %arg3[%arg1, %add3A_336, %dma_start3A_337] : memref<16x164x128xi32, #tpu.memory_space<hbm>> -> memref<1x1x128xi32, #tpu.memory_space<hbm>>
      %dma_start3A_339 = tpu.memref_squeeze %dma_start3A_338 : memref<1x1x128xi32, #tpu.memory_space<hbm>> -> memref<128xi32, #tpu.memory_space<hbm>>
      %dma_start3A_340 = arith.constant 0 : i32
      %dma_start3A_341 = tpu.memref_slice %arg3[%arg1, %add3A_336, %dma_start3A_340] : memref<16x164x128xi32, #tpu.memory_space<hbm>> -> memref<1x1x128xi32, #tpu.memory_space<hbm>>
      %dma_start3A_342 = tpu.memref_squeeze %dma_start3A_341 : memref<1x1x128xi32, #tpu.memory_space<hbm>> -> memref<128xi32, #tpu.memory_space<hbm>>
      tpu.enqueue_dma source(%dma_start3A_342 : memref<128xi32, #tpu.memory_space<hbm>>) target(%arg18 : memref<128xi32, #tpu.memory_space<vmem>>) target_semaphore(%arg30 : memref<!tpu.dma_semaphore, #tpu.memory_space<semaphore_mem>>)
      %add3A_343 = arith.constant 2 : i32
      %add3A_344 = arith.addi %mul3A_292, %add3A_343 : i32
      %dma_start3A_345 = arith.constant 0 : i32
      %dma_start3A_346 = tpu.memref_slice %arg4[%arg1, %add3A_344, %dma_start3A_345] : memref<16x164x128xi32, #tpu.memory_space<hbm>> -> memref<1x1x128xi32, #tpu.memory_space<hbm>>
      %dma_start3A_347 = tpu.memref_squeeze %dma_start3A_346 : memref<1x1x128xi32, #tpu.memory_space<hbm>> -> memref<128xi32, #tpu.memory_space<hbm>>
      %dma_start3A_348 = arith.constant 0 : i32
      %dma_start3A_349 = tpu.memref_slice %arg4[%arg1, %add3A_344, %dma_start3A_348] : memref<16x164x128xi32, #tpu.memory_space<hbm>> -> memref<1x1x128xi32, #tpu.memory_space<hbm>>
      %dma_start3A_350 = tpu.memref_squeeze %dma_start3A_349 : memref<1x1x128xi32, #tpu.memory_space<hbm>> -> memref<128xi32, #tpu.memory_space<hbm>>
      tpu.enqueue_dma source(%dma_start3A_350 : memref<128xi32, #tpu.memory_space<hbm>>) target(%arg22 : memref<128xi32, #tpu.memory_space<vmem>>) target_semaphore(%arg30 : memref<!tpu.dma_semaphore, #tpu.memory_space<semaphore_mem>>)
      %gt3A_351 = arith.constant 0 : i32
      %gt3A_352 = arith.cmpi sgt, %while3A_291, %gt3A_351 : i32
      %convert_element_type3A_353 = arith.extui %gt3A_352 : i1 to i32
      %cond3A_354 = arith.constant 0 : i32
      %cond3A_355 = arith.cmpi ne, %convert_element_type3A_353, %cond3A_354 : i32
      scf.if %cond3A_355 {
        %dma_wait3A_476 = arith.constant 0 : i32
        %dma_wait3A_477 = arith.constant 0 : i32
        %dma_wait3A_478 = tpu.memref_slice %arg2[%while3A_236, %dma_wait3A_476, %dma_wait3A_477] : memref<2x10000x64xf32, #tpu.memory_space<hbm>> -> memref<1x128x64xf32, #tpu.memory_space<hbm>>
        %dma_wait3A_479 = tpu.memref_squeeze %dma_wait3A_478 : memref<1x128x64xf32, #tpu.memory_space<hbm>> -> memref<128x64xf32, #tpu.memory_space<hbm>>
        %dma_wait3A_480 = arith.constant 0 : i32
        %dma_wait3A_481 = arith.constant 0 : i32
        %dma_wait3A_482 = tpu.memref_slice %arg2[%while3A_236, %dma_wait3A_480, %dma_wait3A_481] : memref<2x10000x64xf32, #tpu.memory_space<hbm>> -> memref<1x128x64xf32, #tpu.memory_space<hbm>>
        %dma_wait3A_483 = tpu.memref_squeeze %dma_wait3A_482 : memref<1x128x64xf32, #tpu.memory_space<hbm>> -> memref<128x64xf32, #tpu.memory_space<hbm>>
        tpu.wait_dma2 semaphore(%arg39 : memref<!tpu.dma_semaphore, #tpu.memory_space<semaphore_mem>>) src(%dma_wait3A_483 : memref<128x64xf32, #tpu.memory_space<hbm>>) dst(%arg15 : memref<128x64xf32, #tpu.memory_space<vmem>>)
      } else {
      }
      %add3A_356 = arith.constant 3 : i32
      %add3A_357 = arith.addi %mul3A_292, %add3A_356 : i32
      %dma_start3A_358 = arith.constant 0 : i32
      %dma_start3A_359 = tpu.memref_slice %arg3[%arg1, %add3A_357, %dma_start3A_358] : memref<16x164x128xi32, #tpu.memory_space<hbm>> -> memref<1x1x128xi32, #tpu.memory_space<hbm>>
      %dma_start3A_360 = tpu.memref_squeeze %dma_start3A_359 : memref<1x1x128xi32, #tpu.memory_space<hbm>> -> memref<128xi32, #tpu.memory_space<hbm>>
      %dma_start3A_361 = arith.constant 0 : i32
      %dma_start3A_362 = tpu.memref_slice %arg3[%arg1, %add3A_357, %dma_start3A_361] : memref<16x164x128xi32, #tpu.memory_space<hbm>> -> memref<1x1x128xi32, #tpu.memory_space<hbm>>
      %dma_start3A_363 = tpu.memref_squeeze %dma_start3A_362 : memref<1x1x128xi32, #tpu.memory_space<hbm>> -> memref<128xi32, #tpu.memory_space<hbm>>
      tpu.enqueue_dma source(%dma_start3A_363 : memref<128xi32, #tpu.memory_space<hbm>>) target(%arg19 : memref<128xi32, #tpu.memory_space<vmem>>) target_semaphore(%arg31 : memref<!tpu.dma_semaphore, #tpu.memory_space<semaphore_mem>>)
      %add3A_364 = arith.constant 3 : i32
      %add3A_365 = arith.addi %mul3A_292, %add3A_364 : i32
      %dma_start3A_366 = arith.constant 0 : i32
      %dma_start3A_367 = tpu.memref_slice %arg4[%arg1, %add3A_365, %dma_start3A_366] : memref<16x164x128xi32, #tpu.memory_space<hbm>> -> memref<1x1x128xi32, #tpu.memory_space<hbm>>
      %dma_start3A_368 = tpu.memref_squeeze %dma_start3A_367 : memref<1x1x128xi32, #tpu.memory_space<hbm>> -> memref<128xi32, #tpu.memory_space<hbm>>
      %dma_start3A_369 = arith.constant 0 : i32
      %dma_start3A_370 = tpu.memref_slice %arg4[%arg1, %add3A_365, %dma_start3A_369] : memref<16x164x128xi32, #tpu.memory_space<hbm>> -> memref<1x1x128xi32, #tpu.memory_space<hbm>>
      %dma_start3A_371 = tpu.memref_squeeze %dma_start3A_370 : memref<1x1x128xi32, #tpu.memory_space<hbm>> -> memref<128xi32, #tpu.memory_space<hbm>>
      tpu.enqueue_dma source(%dma_start3A_371 : memref<128xi32, #tpu.memory_space<hbm>>) target(%arg23 : memref<128xi32, #tpu.memory_space<vmem>>) target_semaphore(%arg31 : memref<!tpu.dma_semaphore, #tpu.memory_space<semaphore_mem>>)
      %dma_wait3A_372 = arith.constant 0 : i32
      %dma_wait3A_373 = tpu.memref_slice %arg3[%while3A_237, %while3A_238, %dma_wait3A_372] : memref<16x164x128xi32, #tpu.memory_space<hbm>> -> memref<1x1x128xi32, #tpu.memory_space<hbm>>
      %dma_wait3A_374 = tpu.memref_squeeze %dma_wait3A_373 : memref<1x1x128xi32, #tpu.memory_space<hbm>> -> memref<128xi32, #tpu.memory_space<hbm>>
      %dma_wait3A_375 = arith.constant 0 : i32
      %dma_wait3A_376 = tpu.memref_slice %arg3[%while3A_237, %while3A_238, %dma_wait3A_375] : memref<16x164x128xi32, #tpu.memory_space<hbm>> -> memref<1x1x128xi32, #tpu.memory_space<hbm>>
      %dma_wait3A_377 = tpu.memref_squeeze %dma_wait3A_376 : memref<1x1x128xi32, #tpu.memory_space<hbm>> -> memref<128xi32, #tpu.memory_space<hbm>>
      tpu.wait_dma2 semaphore(%arg28 : memref<!tpu.dma_semaphore, #tpu.memory_space<semaphore_mem>>) src(%dma_wait3A_377 : memref<128xi32, #tpu.memory_space<hbm>>) dst(%arg16 : memref<128xi32, #tpu.memory_space<vmem>>)
      %dma_wait3A_378 = arith.constant 0 : i32
      %dma_wait3A_379 = tpu.memref_slice %arg3[%while3A_237, %while3A_238, %dma_wait3A_378] : memref<16x164x128xi32, #tpu.memory_space<hbm>> -> memref<1x1x128xi32, #tpu.memory_space<hbm>>
      %dma_wait3A_380 = tpu.memref_squeeze %dma_wait3A_379 : memref<1x1x128xi32, #tpu.memory_space<hbm>> -> memref<128xi32, #tpu.memory_space<hbm>>
      %dma_wait3A_381 = arith.constant 0 : i32
      %dma_wait3A_382 = tpu.memref_slice %arg3[%while3A_237, %while3A_238, %dma_wait3A_381] : memref<16x164x128xi32, #tpu.memory_space<hbm>> -> memref<1x1x128xi32, #tpu.memory_space<hbm>>
      %dma_wait3A_383 = tpu.memref_squeeze %dma_wait3A_382 : memref<1x1x128xi32, #tpu.memory_space<hbm>> -> memref<128xi32, #tpu.memory_space<hbm>>
      tpu.wait_dma2 semaphore(%arg28 : memref<!tpu.dma_semaphore, #tpu.memory_space<semaphore_mem>>) src(%dma_wait3A_383 : memref<128xi32, #tpu.memory_space<hbm>>) dst(%arg20 : memref<128xi32, #tpu.memory_space<vmem>>)
      %dma_start3A_384 = arith.constant 0 : i32
      %dma_start3A_385 = arith.constant 0 : i32
      %dma_start3A_386 = tpu.memref_slice %arg8[%dma_start3A_384, %dma_start3A_385] : memref<10000x64xf32, #tpu.memory_space<vmem_shared>> -> memref<10000x64xf32, #tpu.memory_space<vmem_shared>>
      tpu.enqueue_indirect_dma source(%dma_start3A_386 : memref<10000x64xf32, #tpu.memory_space<vmem_shared>>) target(%arg12 : memref<128x64xf32, #tpu.memory_space<vmem>>) offsets(%arg16 : memref<128xi32, #tpu.memory_space<vmem>>) semaphore(%arg32 : memref<!tpu.dma_semaphore, #tpu.memory_space<semaphore_mem>>)
      %dma_wait3A_387 = arith.constant 0 : i32
      %dma_wait3A_388 = tpu.memref_slice %arg3[%while3A_237, %while3A_238, %dma_wait3A_387] : memref<16x164x128xi32, #tpu.memory_space<hbm>> -> memref<1x1x128xi32, #tpu.memory_space<hbm>>
      %dma_wait3A_389 = tpu.memref_squeeze %dma_wait3A_388 : memref<1x1x128xi32, #tpu.memory_space<hbm>> -> memref<128xi32, #tpu.memory_space<hbm>>
      %dma_wait3A_390 = arith.constant 0 : i32
      %dma_wait3A_391 = tpu.memref_slice %arg3[%while3A_237, %while3A_238, %dma_wait3A_390] : memref<16x164x128xi32, #tpu.memory_space<hbm>> -> memref<1x1x128xi32, #tpu.memory_space<hbm>>
      %dma_wait3A_392 = tpu.memref_squeeze %dma_wait3A_391 : memref<1x1x128xi32, #tpu.memory_space<hbm>> -> memref<128xi32, #tpu.memory_space<hbm>>
      tpu.wait_dma2 semaphore(%arg29 : memref<!tpu.dma_semaphore, #tpu.memory_space<semaphore_mem>>) src(%dma_wait3A_392 : memref<128xi32, #tpu.memory_space<hbm>>) dst(%arg17 : memref<128xi32, #tpu.memory_space<vmem>>)
      %dma_wait3A_393 = arith.constant 0 : i32
      %dma_wait3A_394 = tpu.memref_slice %arg3[%while3A_237, %while3A_238, %dma_wait3A_393] : memref<16x164x128xi32, #tpu.memory_space<hbm>> -> memref<1x1x128xi32, #tpu.memory_space<hbm>>
      %dma_wait3A_395 = tpu.memref_squeeze %dma_wait3A_394 : memref<1x1x128xi32, #tpu.memory_space<hbm>> -> memref<128xi32, #tpu.memory_space<hbm>>
      %dma_wait3A_396 = arith.constant 0 : i32
      %dma_wait3A_397 = tpu.memref_slice %arg3[%while3A_237, %while3A_238, %dma_wait3A_396] : memref<16x164x128xi32, #tpu.memory_space<hbm>> -> memref<1x1x128xi32, #tpu.memory_space<hbm>>
      %dma_wait3A_398 = tpu.memref_squeeze %dma_wait3A_397 : memref<1x1x128xi32, #tpu.memory_space<hbm>> -> memref<128xi32, #tpu.memory_space<hbm>>
      tpu.wait_dma2 semaphore(%arg29 : memref<!tpu.dma_semaphore, #tpu.memory_space<semaphore_mem>>) src(%dma_wait3A_398 : memref<128xi32, #tpu.memory_space<hbm>>) dst(%arg21 : memref<128xi32, #tpu.memory_space<vmem>>)
      %dma_start3A_399 = arith.constant 0 : i32
      %dma_start3A_400 = arith.constant 0 : i32
      %dma_start3A_401 = tpu.memref_slice %arg8[%dma_start3A_399, %dma_start3A_400] : memref<10000x64xf32, #tpu.memory_space<vmem_shared>> -> memref<10000x64xf32, #tpu.memory_space<vmem_shared>>
      tpu.enqueue_indirect_dma source(%dma_start3A_401 : memref<10000x64xf32, #tpu.memory_space<vmem_shared>>) target(%arg13 : memref<128x64xf32, #tpu.memory_space<vmem>>) offsets(%arg17 : memref<128xi32, #tpu.memory_space<vmem>>) semaphore(%arg33 : memref<!tpu.dma_semaphore, #tpu.memory_space<semaphore_mem>>)
      %dma_wait3A_402 = arith.constant 0 : i32
      %dma_wait3A_403 = tpu.memref_slice %arg3[%while3A_237, %while3A_238, %dma_wait3A_402] : memref<16x164x128xi32, #tpu.memory_space<hbm>> -> memref<1x1x128xi32, #tpu.memory_space<hbm>>
      %dma_wait3A_404 = tpu.memref_squeeze %dma_wait3A_403 : memref<1x1x128xi32, #tpu.memory_space<hbm>> -> memref<128xi32, #tpu.memory_space<hbm>>
      %dma_wait3A_405 = arith.constant 0 : i32
      %dma_wait3A_406 = tpu.memref_slice %arg3[%while3A_237, %while3A_238, %dma_wait3A_405] : memref<16x164x128xi32, #tpu.memory_space<hbm>> -> memref<1x1x128xi32, #tpu.memory_space<hbm>>
      %dma_wait3A_407 = tpu.memref_squeeze %dma_wait3A_406 : memref<1x1x128xi32, #tpu.memory_space<hbm>> -> memref<128xi32, #tpu.memory_space<hbm>>
      tpu.wait_dma2 semaphore(%arg30 : memref<!tpu.dma_semaphore, #tpu.memory_space<semaphore_mem>>) src(%dma_wait3A_407 : memref<128xi32, #tpu.memory_space<hbm>>) dst(%arg18 : memref<128xi32, #tpu.memory_space<vmem>>)
      %dma_wait3A_408 = arith.constant 0 : i32
      %dma_wait3A_409 = tpu.memref_slice %arg3[%while3A_237, %while3A_238, %dma_wait3A_408] : memref<16x164x128xi32, #tpu.memory_space<hbm>> -> memref<1x1x128xi32, #tpu.memory_space<hbm>>
      %dma_wait3A_410 = tpu.memref_squeeze %dma_wait3A_409 : memref<1x1x128xi32, #tpu.memory_space<hbm>> -> memref<128xi32, #tpu.memory_space<hbm>>
      %dma_wait3A_411 = arith.constant 0 : i32
      %dma_wait3A_412 = tpu.memref_slice %arg3[%while3A_237, %while3A_238, %dma_wait3A_411] : memref<16x164x128xi32, #tpu.memory_space<hbm>> -> memref<1x1x128xi32, #tpu.memory_space<hbm>>
      %dma_wait3A_413 = tpu.memref_squeeze %dma_wait3A_412 : memref<1x1x128xi32, #tpu.memory_space<hbm>> -> memref<128xi32, #tpu.memory_space<hbm>>
      tpu.wait_dma2 semaphore(%arg30 : memref<!tpu.dma_semaphore, #tpu.memory_space<semaphore_mem>>) src(%dma_wait3A_413 : memref<128xi32, #tpu.memory_space<hbm>>) dst(%arg22 : memref<128xi32, #tpu.memory_space<vmem>>)
      %dma_start3A_414 = arith.constant 0 : i32
      %dma_start3A_415 = arith.constant 0 : i32
      %dma_start3A_416 = tpu.memref_slice %arg8[%dma_start3A_414, %dma_start3A_415] : memref<10000x64xf32, #tpu.memory_space<vmem_shared>> -> memref<10000x64xf32, #tpu.memory_space<vmem_shared>>
      tpu.enqueue_indirect_dma source(%dma_start3A_416 : memref<10000x64xf32, #tpu.memory_space<vmem_shared>>) target(%arg14 : memref<128x64xf32, #tpu.memory_space<vmem>>) offsets(%arg18 : memref<128xi32, #tpu.memory_space<vmem>>) semaphore(%arg34 : memref<!tpu.dma_semaphore, #tpu.memory_space<semaphore_mem>>)
      %dma_wait3A_417 = arith.constant 0 : i32
      %dma_wait3A_418 = tpu.memref_slice %arg3[%while3A_237, %while3A_238, %dma_wait3A_417] : memref<16x164x128xi32, #tpu.memory_space<hbm>> -> memref<1x1x128xi32, #tpu.memory_space<hbm>>
      %dma_wait3A_419 = tpu.memref_squeeze %dma_wait3A_418 : memref<1x1x128xi32, #tpu.memory_space<hbm>> -> memref<128xi32, #tpu.memory_space<hbm>>
      %dma_wait3A_420 = arith.constant 0 : i32
      %dma_wait3A_421 = tpu.memref_slice %arg3[%while3A_237, %while3A_238, %dma_wait3A_420] : memref<16x164x128xi32, #tpu.memory_space<hbm>> -> memref<1x1x128xi32, #tpu.memory_space<hbm>>
      %dma_wait3A_422 = tpu.memref_squeeze %dma_wait3A_421 : memref<1x1x128xi32, #tpu.memory_space<hbm>> -> memref<128xi32, #tpu.memory_space<hbm>>
      tpu.wait_dma2 semaphore(%arg31 : memref<!tpu.dma_semaphore, #tpu.memory_space<semaphore_mem>>) src(%dma_wait3A_422 : memref<128xi32, #tpu.memory_space<hbm>>) dst(%arg19 : memref<128xi32, #tpu.memory_space<vmem>>)
      %dma_wait3A_423 = arith.constant 0 : i32
      %dma_wait3A_424 = tpu.memref_slice %arg3[%while3A_237, %while3A_238, %dma_wait3A_423] : memref<16x164x128xi32, #tpu.memory_space<hbm>> -> memref<1x1x128xi32, #tpu.memory_space<hbm>>
      %dma_wait3A_425 = tpu.memref_squeeze %dma_wait3A_424 : memref<1x1x128xi32, #tpu.memory_space<hbm>> -> memref<128xi32, #tpu.memory_space<hbm>>
      %dma_wait3A_426 = arith.constant 0 : i32
      %dma_wait3A_427 = tpu.memref_slice %arg3[%while3A_237, %while3A_238, %dma_wait3A_426] : memref<16x164x128xi32, #tpu.memory_space<hbm>> -> memref<1x1x128xi32, #tpu.memory_space<hbm>>
      %dma_wait3A_428 = tpu.memref_squeeze %dma_wait3A_427 : memref<1x1x128xi32, #tpu.memory_space<hbm>> -> memref<128xi32, #tpu.memory_space<hbm>>
      tpu.wait_dma2 semaphore(%arg31 : memref<!tpu.dma_semaphore, #tpu.memory_space<semaphore_mem>>) src(%dma_wait3A_428 : memref<128xi32, #tpu.memory_space<hbm>>) dst(%arg23 : memref<128xi32, #tpu.memory_space<vmem>>)
      %dma_start3A_429 = arith.constant 0 : i32
      %dma_start3A_430 = arith.constant 0 : i32
      %dma_start3A_431 = tpu.memref_slice %arg8[%dma_start3A_429, %dma_start3A_430] : memref<10000x64xf32, #tpu.memory_space<vmem_shared>> -> memref<10000x64xf32, #tpu.memory_space<vmem_shared>>
      tpu.enqueue_indirect_dma source(%dma_start3A_431 : memref<10000x64xf32, #tpu.memory_space<vmem_shared>>) target(%arg15 : memref<128x64xf32, #tpu.memory_space<vmem>>) offsets(%arg19 : memref<128xi32, #tpu.memory_space<vmem>>) semaphore(%arg35 : memref<!tpu.dma_semaphore, #tpu.memory_space<semaphore_mem>>)
      %dma_wait3A_432 = arith.constant 0 : i32
      %dma_wait3A_433 = arith.constant 0 : i32
      %dma_wait3A_434 = tpu.memref_slice %arg2[%while3A_236, %dma_wait3A_432, %dma_wait3A_433] : memref<2x10000x64xf32, #tpu.memory_space<hbm>> -> memref<1x128x64xf32, #tpu.memory_space<hbm>>
      %dma_wait3A_435 = tpu.memref_squeeze %dma_wait3A_434 : memref<1x128x64xf32, #tpu.memory_space<hbm>> -> memref<128x64xf32, #tpu.memory_space<hbm>>
      %dma_wait3A_436 = arith.constant 0 : i32
      %dma_wait3A_437 = arith.constant 0 : i32
      %dma_wait3A_438 = tpu.memref_slice %arg2[%while3A_236, %dma_wait3A_436, %dma_wait3A_437] : memref<2x10000x64xf32, #tpu.memory_space<hbm>> -> memref<1x128x64xf32, #tpu.memory_space<hbm>>
      %dma_wait3A_439 = tpu.memref_squeeze %dma_wait3A_438 : memref<1x128x64xf32, #tpu.memory_space<hbm>> -> memref<128x64xf32, #tpu.memory_space<hbm>>
      tpu.wait_dma2 semaphore(%arg32 : memref<!tpu.dma_semaphore, #tpu.memory_space<semaphore_mem>>) src(%dma_wait3A_439 : memref<128x64xf32, #tpu.memory_space<hbm>>) dst(%arg12 : memref<128x64xf32, #tpu.memory_space<vmem>>)
      %dma_start3A_440 = arith.constant 0 : i32
      %dma_start3A_441 = arith.constant 0 : i32
      %dma_start3A_442 = tpu.memref_slice %arg7[%dma_start3A_440, %dma_start3A_441] : memref<11536x64xf32, #tpu.memory_space<vmem_shared>> -> memref<11536x64xf32, #tpu.memory_space<vmem_shared>>
      tpu.enqueue_indirect_dma source(%arg12 : memref<128x64xf32, #tpu.memory_space<vmem>>) target(%dma_start3A_442 : memref<11536x64xf32, #tpu.memory_space<vmem_shared>>) offsets(%arg20 : memref<128xi32, #tpu.memory_space<vmem>>) semaphore(%arg36 : memref<!tpu.dma_semaphore, #tpu.memory_space<semaphore_mem>>) {add = true}
      %dma_wait3A_443 = arith.constant 0 : i32
      %dma_wait3A_444 = arith.constant 0 : i32
      %dma_wait3A_445 = tpu.memref_slice %arg2[%while3A_236, %dma_wait3A_443, %dma_wait3A_444] : memref<2x10000x64xf32, #tpu.memory_space<hbm>> -> memref<1x128x64xf32, #tpu.memory_space<hbm>>
      %dma_wait3A_446 = tpu.memref_squeeze %dma_wait3A_445 : memref<1x128x64xf32, #tpu.memory_space<hbm>> -> memref<128x64xf32, #tpu.memory_space<hbm>>
      %dma_wait3A_447 = arith.constant 0 : i32
      %dma_wait3A_448 = arith.constant 0 : i32
      %dma_wait3A_449 = tpu.memref_slice %arg2[%while3A_236, %dma_wait3A_447, %dma_wait3A_448] : memref<2x10000x64xf32, #tpu.memory_space<hbm>> -> memref<1x128x64xf32, #tpu.memory_space<hbm>>
      %dma_wait3A_450 = tpu.memref_squeeze %dma_wait3A_449 : memref<1x128x64xf32, #tpu.memory_space<hbm>> -> memref<128x64xf32, #tpu.memory_space<hbm>>
      tpu.wait_dma2 semaphore(%arg33 : memref<!tpu.dma_semaphore, #tpu.memory_space<semaphore_mem>>) src(%dma_wait3A_450 : memref<128x64xf32, #tpu.memory_space<hbm>>) dst(%arg13 : memref<128x64xf32, #tpu.memory_space<vmem>>)
      %dma_start3A_451 = arith.constant 0 : i32
      %dma_start3A_452 = arith.constant 0 : i32
      %dma_start3A_453 = tpu.memref_slice %arg7[%dma_start3A_451, %dma_start3A_452] : memref<11536x64xf32, #tpu.memory_space<vmem_shared>> -> memref<11536x64xf32, #tpu.memory_space<vmem_shared>>
      tpu.enqueue_indirect_dma source(%arg13 : memref<128x64xf32, #tpu.memory_space<vmem>>) target(%dma_start3A_453 : memref<11536x64xf32, #tpu.memory_space<vmem_shared>>) offsets(%arg21 : memref<128xi32, #tpu.memory_space<vmem>>) semaphore(%arg37 : memref<!tpu.dma_semaphore, #tpu.memory_space<semaphore_mem>>) {add = true}
      %dma_wait3A_454 = arith.constant 0 : i32
      %dma_wait3A_455 = arith.constant 0 : i32
      %dma_wait3A_456 = tpu.memref_slice %arg2[%while3A_236, %dma_wait3A_454, %dma_wait3A_455] : memref<2x10000x64xf32, #tpu.memory_space<hbm>> -> memref<1x128x64xf32, #tpu.memory_space<hbm>>
      %dma_wait3A_457 = tpu.memref_squeeze %dma_wait3A_456 : memref<1x128x64xf32, #tpu.memory_space<hbm>> -> memref<128x64xf32, #tpu.memory_space<hbm>>
      %dma_wait3A_458 = arith.constant 0 : i32
      %dma_wait3A_459 = arith.constant 0 : i32
      %dma_wait3A_460 = tpu.memref_slice %arg2[%while3A_236, %dma_wait3A_458, %dma_wait3A_459] : memref<2x10000x64xf32, #tpu.memory_space<hbm>> -> memref<1x128x64xf32, #tpu.memory_space<hbm>>
      %dma_wait3A_461 = tpu.memref_squeeze %dma_wait3A_460 : memref<1x128x64xf32, #tpu.memory_space<hbm>> -> memref<128x64xf32, #tpu.memory_space<hbm>>
      tpu.wait_dma2 semaphore(%arg34 : memref<!tpu.dma_semaphore, #tpu.memory_space<semaphore_mem>>) src(%dma_wait3A_461 : memref<128x64xf32, #tpu.memory_space<hbm>>) dst(%arg14 : memref<128x64xf32, #tpu.memory_space<vmem>>)
      %dma_start3A_462 = arith.constant 0 : i32
      %dma_start3A_463 = arith.constant 0 : i32
      %dma_start3A_464 = tpu.memref_slice %arg7[%dma_start3A_462, %dma_start3A_463] : memref<11536x64xf32, #tpu.memory_space<vmem_shared>> -> memref<11536x64xf32, #tpu.memory_space<vmem_shared>>
      tpu.enqueue_indirect_dma source(%arg14 : memref<128x64xf32, #tpu.memory_space<vmem>>) target(%dma_start3A_464 : memref<11536x64xf32, #tpu.memory_space<vmem_shared>>) offsets(%arg22 : memref<128xi32, #tpu.memory_space<vmem>>) semaphore(%arg38 : memref<!tpu.dma_semaphore, #tpu.memory_space<semaphore_mem>>) {add = true}
      %dma_wait3A_465 = arith.constant 0 : i32
      %dma_wait3A_466 = arith.constant 0 : i32
      %dma_wait3A_467 = tpu.memref_slice %arg2[%while3A_236, %dma_wait3A_465, %dma_wait3A_466] : memref<2x10000x64xf32, #tpu.memory_space<hbm>> -> memref<1x128x64xf32, #tpu.memory_space<hbm>>
      %dma_wait3A_468 = tpu.memref_squeeze %dma_wait3A_467 : memref<1x128x64xf32, #tpu.memory_space<hbm>> -> memref<128x64xf32, #tpu.memory_space<hbm>>
      %dma_wait3A_469 = arith.constant 0 : i32
      %dma_wait3A_470 = arith.constant 0 : i32
      %dma_wait3A_471 = tpu.memref_slice %arg2[%while3A_236, %dma_wait3A_469, %dma_wait3A_470] : memref<2x10000x64xf32, #tpu.memory_space<hbm>> -> memref<1x128x64xf32, #tpu.memory_space<hbm>>
      %dma_wait3A_472 = tpu.memref_squeeze %dma_wait3A_471 : memref<1x128x64xf32, #tpu.memory_space<hbm>> -> memref<128x64xf32, #tpu.memory_space<hbm>>
      tpu.wait_dma2 semaphore(%arg35 : memref<!tpu.dma_semaphore, #tpu.memory_space<semaphore_mem>>) src(%dma_wait3A_472 : memref<128x64xf32, #tpu.memory_space<hbm>>) dst(%arg15 : memref<128x64xf32, #tpu.memory_space<vmem>>)
      %dma_start3A_473 = arith.constant 0 : i32
      %dma_start3A_474 = arith.constant 0 : i32
      %dma_start3A_475 = tpu.memref_slice %arg7[%dma_start3A_473, %dma_start3A_474] : memref<11536x64xf32, #tpu.memory_space<vmem_shared>> -> memref<11536x64xf32, #tpu.memory_space<vmem_shared>>
      tpu.enqueue_indirect_dma source(%arg15 : memref<128x64xf32, #tpu.memory_space<vmem>>) target(%dma_start3A_475 : memref<11536x64xf32, #tpu.memory_space<vmem_shared>>) offsets(%arg23 : memref<128xi32, #tpu.memory_space<vmem>>) semaphore(%arg39 : memref<!tpu.dma_semaphore, #tpu.memory_space<semaphore_mem>>) {add = true}
    }
    %while3A_247 = arith.constant 1 : i32
    scf.for %while3A_291 = %while3A_245 to %while3A_241 step %while3A_247  : i32 {
      %mul3A = arith.constant 4 : i32
      %mul3A_292 = arith.muli %mul3A, %while3A_291 : i32
      %gt3A = arith.constant 0 : i32
      %gt3A_293 = arith.cmpi sgt, %while3A_291, %gt3A : i32
      %convert_element_type3A = arith.extui %gt3A_293 : i1 to i32
      %cond3A = arith.constant 0 : i32
      %cond3A_294 = arith.cmpi ne, %convert_element_type3A, %cond3A : i32
      scf.if %cond3A_294 {
        %dma_wait3A_476 = arith.constant 0 : i32
        %dma_wait3A_477 = arith.constant 0 : i32
        %dma_wait3A_478 = tpu.memref_slice %arg2[%while3A_236, %dma_wait3A_476, %dma_wait3A_477] : memref<2x10000x64xf32, #tpu.memory_space<hbm>> -> memref<1x128x64xf32, #tpu.memory_space<hbm>>
        %dma_wait3A_479 = tpu.memref_squeeze %dma_wait3A_478 : memref<1x128x64xf32, #tpu.memory_space<hbm>> -> memref<128x64xf32, #tpu.memory_space<hbm>>
        %dma_wait3A_480 = arith.constant 0 : i32
        %dma_wait3A_481 = arith.constant 0 : i32
        %dma_wait3A_482 = tpu.memref_slice %arg2[%while3A_236, %dma_wait3A_480, %dma_wait3A_481] : memref<2x10000x64xf32, #tpu.memory_space<hbm>> -> memref<1x128x64xf32, #tpu.memory_space<hbm>>
        %dma_wait3A_483 = tpu.memref_squeeze %dma_wait3A_482 : memref<1x128x64xf32, #tpu.memory_space<hbm>> -> memref<128x64xf32, #tpu.memory_space<hbm>>
        tpu.wait_dma2 semaphore(%arg36 : memref<!tpu.dma_semaphore, #tpu.memory_space<semaphore_mem>>) src(%dma_wait3A_483 : memref<128x64xf32, #tpu.memory_space<hbm>>) dst(%arg12 : memref<128x64xf32, #tpu.memory_space<vmem>>)
      } else {
      }
      %add3A = arith.constant 0 : i32
      %add3A_295 = arith.addi %mul3A_292, %add3A : i32
      %dma_start3A = arith.constant 0 : i32
      %dma_start3A_296 = tpu.memref_slice %arg3[%arg1, %add3A_295, %dma_start3A] : memref<16x164x128xi32, #tpu.memory_space<hbm>> -> memref<1x1x128xi32, #tpu.memory_space<hbm>>
      %dma_start3A_297 = tpu.memref_squeeze %dma_start3A_296 : memref<1x1x128xi32, #tpu.memory_space<hbm>> -> memref<128xi32, #tpu.memory_space<hbm>>
      %dma_start3A_298 = arith.constant 0 : i32
      %dma_start3A_299 = tpu.memref_slice %arg3[%arg1, %add3A_295, %dma_start3A_298] : memref<16x164x128xi32, #tpu.memory_space<hbm>> -> memref<1x1x128xi32, #tpu.memory_space<hbm>>
      %dma_start3A_300 = tpu.memref_squeeze %dma_start3A_299 : memref<1x1x128xi32, #tpu.memory_space<hbm>> -> memref<128xi32, #tpu.memory_space<hbm>>
      tpu.enqueue_dma source(%dma_start3A_300 : memref<128xi32, #tpu.memory_space<hbm>>) target(%arg16 : memref<128xi32, #tpu.memory_space<vmem>>) target_semaphore(%arg28 : memref<!tpu.dma_semaphore, #tpu.memory_space<semaphore_mem>>)
      %add3A_301 = arith.constant 0 : i32
      %add3A_302 = arith.addi %mul3A_292, %add3A_301 : i32
      %dma_start3A_303 = arith.constant 0 : i32
      %dma_start3A_304 = tpu.memref_slice %arg4[%arg1, %add3A_302, %dma_start3A_303] : memref<16x164x128xi32, #tpu.memory_space<hbm>> -> memref<1x1x128xi32, #tpu.memory_space<hbm>>
      %dma_start3A_305 = tpu.memref_squeeze %dma_start3A_304 : memref<1x1x128xi32, #tpu.memory_space<hbm>> -> memref<128xi32, #tpu.memory_space<hbm>>
      %dma_start3A_306 = arith.constant 0 : i32
      %dma_start3A_307 = tpu.memref_slice %arg4[%arg1, %add3A_302, %dma_start3A_306] : memref<16x164x128xi32, #tpu.memory_space<hbm>> -> memref<1x1x128xi32, #tpu.memory_space<hbm>>
      %dma_start3A_308 = tpu.memref_squeeze %dma_start3A_307 : memref<1x1x128xi32, #tpu.memory_space<hbm>> -> memref<128xi32, #tpu.memory_space<hbm>>
      tpu.enqueue_dma source(%dma_start3A_308 : memref<128xi32, #tpu.memory_space<hbm>>) target(%arg20 : memref<128xi32, #tpu.memory_space<vmem>>) target_semaphore(%arg28 : memref<!tpu.dma_semaphore, #tpu.memory_space<semaphore_mem>>)
      %gt3A_309 = arith.constant 0 : i32
      %gt3A_310 = arith.cmpi sgt, %while3A_291, %gt3A_309 : i32
      %convert_element_type3A_311 = arith.extui %gt3A_310 : i1 to i32
      %cond3A_312 = arith.constant 0 : i32
      %cond3A_313 = arith.cmpi ne, %convert_element_type3A_311, %cond3A_312 : i32
      scf.if %cond3A_313 {
        %dma_wait3A_476 = arith.constant 0 : i32
        %dma_wait3A_477 = arith.constant 0 : i32
        %dma_wait3A_478 = tpu.memref_slice %arg2[%while3A_236, %dma_wait3A_476, %dma_wait3A_477] : memref<2x10000x64xf32, #tpu.memory_space<hbm>> -> memref<1x128x64xf32, #tpu.memory_space<hbm>>
        %dma_wait3A_479 = tpu.memref_squeeze %dma_wait3A_478 : memref<1x128x64xf32, #tpu.memory_space<hbm>> -> memref<128x64xf32, #tpu.memory_space<hbm>>
        %dma_wait3A_480 = arith.constant 0 : i32
        %dma_wait3A_481 = arith.constant 0 : i32
        %dma_wait3A_482 = tpu.memref_slice %arg2[%while3A_236, %dma_wait3A_480, %dma_wait3A_481] : memref<2x10000x64xf32, #tpu.memory_space<hbm>> -> memref<1x128x64xf32, #tpu.memory_space<hbm>>
        %dma_wait3A_483 = tpu.memref_squeeze %dma_wait3A_482 : memref<1x128x64xf32, #tpu.memory_space<hbm>> -> memref<128x64xf32, #tpu.memory_space<hbm>>
        tpu.wait_dma2 semaphore(%arg37 : memref<!tpu.dma_semaphore, #tpu.memory_space<semaphore_mem>>) src(%dma_wait3A_483 : memref<128x64xf32, #tpu.memory_space<hbm>>) dst(%arg13 : memref<128x64xf32, #tpu.memory_space<vmem>>)
      } else {
      }
      %add3A_314 = arith.constant 1 : i32
      %add3A_315 = arith.addi %mul3A_292, %add3A_314 : i32
      %dma_start3A_316 = arith.constant 0 : i32
      %dma_start3A_317 = tpu.memref_slice %arg3[%arg1, %add3A_315, %dma_start3A_316] : memref<16x164x128xi32, #tpu.memory_space<hbm>> -> memref<1x1x128xi32, #tpu.memory_space<hbm>>
      %dma_start3A_318 = tpu.memref_squeeze %dma_start3A_317 : memref<1x1x128xi32, #tpu.memory_space<hbm>> -> memref<128xi32, #tpu.memory_space<hbm>>
      %dma_start3A_319 = arith.constant 0 : i32
      %dma_start3A_320 = tpu.memref_slice %arg3[%arg1, %add3A_315, %dma_start3A_319] : memref<16x164x128xi32, #tpu.memory_space<hbm>> -> memref<1x1x128xi32, #tpu.memory_space<hbm>>
      %dma_start3A_321 = tpu.memref_squeeze %dma_start3A_320 : memref<1x1x128xi32, #tpu.memory_space<hbm>> -> memref<128xi32, #tpu.memory_space<hbm>>
      tpu.enqueue_dma source(%dma_start3A_321 : memref<128xi32, #tpu.memory_space<hbm>>) target(%arg17 : memref<128xi32, #tpu.memory_space<vmem>>) target_semaphore(%arg29 : memref<!tpu.dma_semaphore, #tpu.memory_space<semaphore_mem>>)
      %add3A_322 = arith.constant 1 : i32
      %add3A_323 = arith.addi %mul3A_292, %add3A_322 : i32
      %dma_start3A_324 = arith.constant 0 : i32
      %dma_start3A_325 = tpu.memref_slice %arg4[%arg1, %add3A_323, %dma_start3A_324] : memref<16x164x128xi32, #tpu.memory_space<hbm>> -> memref<1x1x128xi32, #tpu.memory_space<hbm>>
      %dma_start3A_326 = tpu.memref_squeeze %dma_start3A_325 : memref<1x1x128xi32, #tpu.memory_space<hbm>> -> memref<128xi32, #tpu.memory_space<hbm>>
      %dma_start3A_327 = arith.constant 0 : i32
      %dma_start3A_328 = tpu.memref_slice %arg4[%arg1, %add3A_323, %dma_start3A_327] : memref<16x164x128xi32, #tpu.memory_space<hbm>> -> memref<1x1x128xi32, #tpu.memory_space<hbm>>
      %dma_start3A_329 = tpu.memref_squeeze %dma_start3A_328 : memref<1x1x128xi32, #tpu.memory_space<hbm>> -> memref<128xi32, #tpu.memory_space<hbm>>
      tpu.enqueue_dma source(%dma_start3A_329 : memref<128xi32, #tpu.memory_space<hbm>>) target(%arg21 : memref<128xi32, #tpu.memory_space<vmem>>) target_semaphore(%arg29 : memref<!tpu.dma_semaphore, #tpu.memory_space<semaphore_mem>>)
      %gt3A_330 = arith.constant 0 : i32
      %gt3A_331 = arith.cmpi sgt, %while3A_291, %gt3A_330 : i32
      %convert_element_type3A_332 = arith.extui %gt3A_331 : i1 to i32
      %cond3A_333 = arith.constant 0 : i32
      %cond3A_334 = arith.cmpi ne, %convert_element_type3A_332, %cond3A_333 : i32
      scf.if %cond3A_334 {
        %dma_wait3A_476 = arith.constant 0 : i32
        %dma_wait3A_477 = arith.constant 0 : i32
        %dma_wait3A_478 = tpu.memref_slice %arg2[%while3A_236, %dma_wait3A_476, %dma_wait3A_477] : memref<2x10000x64xf32, #tpu.memory_space<hbm>> -> memref<1x128x64xf32, #tpu.memory_space<hbm>>
        %dma_wait3A_479 = tpu.memref_squeeze %dma_wait3A_478 : memref<1x128x64xf32, #tpu.memory_space<hbm>> -> memref<128x64xf32, #tpu.memory_space<hbm>>
        %dma_wait3A_480 = arith.constant 0 : i32
        %dma_wait3A_481 = arith.constant 0 : i32
        %dma_wait3A_482 = tpu.memref_slice %arg2[%while3A_236, %dma_wait3A_480, %dma_wait3A_481] : memref<2x10000x64xf32, #tpu.memory_space<hbm>> -> memref<1x128x64xf32, #tpu.memory_space<hbm>>
        %dma_wait3A_483 = tpu.memref_squeeze %dma_wait3A_482 : memref<1x128x64xf32, #tpu.memory_space<hbm>> -> memref<128x64xf32, #tpu.memory_space<hbm>>
        tpu.wait_dma2 semaphore(%arg38 : memref<!tpu.dma_semaphore, #tpu.memory_space<semaphore_mem>>) src(%dma_wait3A_483 : memref<128x64xf32, #tpu.memory_space<hbm>>) dst(%arg14 : memref<128x64xf32, #tpu.memory_space<vmem>>)
      } else {
      }
      %add3A_335 = arith.constant 2 : i32
      %add3A_336 = arith.addi %mul3A_292, %add3A_335 : i32
      %dma_start3A_337 = arith.constant 0 : i32
      %dma_start3A_338 = tpu.memref_slice %arg3[%arg1, %add3A_336, %dma_start3A_337] : memref<16x164x128xi32, #tpu.memory_space<hbm>> -> memref<1x1x128xi32, #tpu.memory_space<hbm>>
      %dma_start3A_339 = tpu.memref_squeeze %dma_start3A_338 : memref<1x1x128xi32, #tpu.memory_space<hbm>> -> memref<128xi32, #tpu.memory_space<hbm>>
      %dma_start3A_340 = arith.constant 0 : i32
      %dma_start3A_341 = tpu.memref_slice %arg3[%arg1, %add3A_336, %dma_start3A_340] : memref<16x164x128xi32, #tpu.memory_space<hbm>> -> memref<1x1x128xi32, #tpu.memory_space<hbm>>
      %dma_start3A_342 = tpu.memref_squeeze %dma_start3A_341 : memref<1x1x128xi32, #tpu.memory_space<hbm>> -> memref<128xi32, #tpu.memory_space<hbm>>
      tpu.enqueue_dma source(%dma_start3A_342 : memref<128xi32, #tpu.memory_space<hbm>>) target(%arg18 : memref<128xi32, #tpu.memory_space<vmem>>) target_semaphore(%arg30 : memref<!tpu.dma_semaphore, #tpu.memory_space<semaphore_mem>>)
      %add3A_343 = arith.constant 2 : i32
      %add3A_344 = arith.addi %mul3A_292, %add3A_343 : i32
      %dma_start3A_345 = arith.constant 0 : i32
      %dma_start3A_346 = tpu.memref_slice %arg4[%arg1, %add3A_344, %dma_start3A_345] : memref<16x164x128xi32, #tpu.memory_space<hbm>> -> memref<1x1x128xi32, #tpu.memory_space<hbm>>
      %dma_start3A_347 = tpu.memref_squeeze %dma_start3A_346 : memref<1x1x128xi32, #tpu.memory_space<hbm>> -> memref<128xi32, #tpu.memory_space<hbm>>
      %dma_start3A_348 = arith.constant 0 : i32
      %dma_start3A_349 = tpu.memref_slice %arg4[%arg1, %add3A_344, %dma_start3A_348] : memref<16x164x128xi32, #tpu.memory_space<hbm>> -> memref<1x1x128xi32, #tpu.memory_space<hbm>>
      %dma_start3A_350 = tpu.memref_squeeze %dma_start3A_349 : memref<1x1x128xi32, #tpu.memory_space<hbm>> -> memref<128xi32, #tpu.memory_space<hbm>>
      tpu.enqueue_dma source(%dma_start3A_350 : memref<128xi32, #tpu.memory_space<hbm>>) target(%arg22 : memref<128xi32, #tpu.memory_space<vmem>>) target_semaphore(%arg30 : memref<!tpu.dma_semaphore, #tpu.memory_space<semaphore_mem>>)
      %gt3A_351 = arith.constant 0 : i32
      %gt3A_352 = arith.cmpi sgt, %while3A_291, %gt3A_351 : i32
      %convert_element_type3A_353 = arith.extui %gt3A_352 : i1 to i32
      %cond3A_354 = arith.constant 0 : i32
      %cond3A_355 = arith.cmpi ne, %convert_element_type3A_353, %cond3A_354 : i32
      scf.if %cond3A_355 {
        %dma_wait3A_476 = arith.constant 0 : i32
        %dma_wait3A_477 = arith.constant 0 : i32
        %dma_wait3A_478 = tpu.memref_slice %arg2[%while3A_236, %dma_wait3A_476, %dma_wait3A_477] : memref<2x10000x64xf32, #tpu.memory_space<hbm>> -> memref<1x128x64xf32, #tpu.memory_space<hbm>>
        %dma_wait3A_479 = tpu.memref_squeeze %dma_wait3A_478 : memref<1x128x64xf32, #tpu.memory_space<hbm>> -> memref<128x64xf32, #tpu.memory_space<hbm>>
        %dma_wait3A_480 = arith.constant 0 : i32
        %dma_wait3A_481 = arith.constant 0 : i32
        %dma_wait3A_482 = tpu.memref_slice %arg2[%while3A_236, %dma_wait3A_480, %dma_wait3A_481] : memref<2x10000x64xf32, #tpu.memory_space<hbm>> -> memref<1x128x64xf32, #tpu.memory_space<hbm>>
        %dma_wait3A_483 = tpu.memref_squeeze %dma_wait3A_482 : memref<1x128x64xf32, #tpu.memory_space<hbm>> -> memref<128x64xf32, #tpu.memory_space<hbm>>
        tpu.wait_dma2 semaphore(%arg39 : memref<!tpu.dma_semaphore, #tpu.memory_space<semaphore_mem>>) src(%dma_wait3A_483 : memref<128x64xf32, #tpu.memory_space<hbm>>) dst(%arg15 : memref<128x64xf32, #tpu.memory_space<vmem>>)
      } else {
      }
      %add3A_356 = arith.constant 3 : i32
      %add3A_357 = arith.addi %mul3A_292, %add3A_356 : i32
      %dma_start3A_358 = arith.constant 0 : i32
      %dma_start3A_359 = tpu.memref_slice %arg3[%arg1, %add3A_357, %dma_start3A_358] : memref<16x164x128xi32, #tpu.memory_space<hbm>> -> memref<1x1x128xi32, #tpu.memory_space<hbm>>
      %dma_start3A_360 = tpu.memref_squeeze %dma_start3A_359 : memref<1x1x128xi32, #tpu.memory_space<hbm>> -> memref<128xi32, #tpu.memory_space<hbm>>
      %dma_start3A_361 = arith.constant 0 : i32
      %dma_start3A_362 = tpu.memref_slice %arg3[%arg1, %add3A_357, %dma_start3A_361] : memref<16x164x128xi32, #tpu.memory_space<hbm>> -> memref<1x1x128xi32, #tpu.memory_space<hbm>>
      %dma_start3A_363 = tpu.memref_squeeze %dma_start3A_362 : memref<1x1x128xi32, #tpu.memory_space<hbm>> -> memref<128xi32, #tpu.memory_space<hbm>>
      tpu.enqueue_dma source(%dma_start3A_363 : memref<128xi32, #tpu.memory_space<hbm>>) target(%arg19 : memref<128xi32, #tpu.memory_space<vmem>>) target_semaphore(%arg31 : memref<!tpu.dma_semaphore, #tpu.memory_space<semaphore_mem>>)
      %add3A_364 = arith.constant 3 : i32
      %add3A_365 = arith.addi %mul3A_292, %add3A_364 : i32
      %dma_start3A_366 = arith.constant 0 : i32
      %dma_start3A_367 = tpu.memref_slice %arg4[%arg1, %add3A_365, %dma_start3A_366] : memref<16x164x128xi32, #tpu.memory_space<hbm>> -> memref<1x1x128xi32, #tpu.memory_space<hbm>>
      %dma_start3A_368 = tpu.memref_squeeze %dma_start3A_367 : memref<1x1x128xi32, #tpu.memory_space<hbm>> -> memref<128xi32, #tpu.memory_space<hbm>>
      %dma_start3A_369 = arith.constant 0 : i32
      %dma_start3A_370 = tpu.memref_slice %arg4[%arg1, %add3A_365, %dma_start3A_369] : memref<16x164x128xi32, #tpu.memory_space<hbm>> -> memref<1x1x128xi32, #tpu.memory_space<hbm>>
      %dma_start3A_371 = tpu.memref_squeeze %dma_start3A_370 : memref<1x1x128xi32, #tpu.memory_space<hbm>> -> memref<128xi32, #tpu.memory_space<hbm>>
      tpu.enqueue_dma source(%dma_start3A_371 : memref<128xi32, #tpu.memory_space<hbm>>) target(%arg23 : memref<128xi32, #tpu.memory_space<vmem>>) target_semaphore(%arg31 : memref<!tpu.dma_semaphore, #tpu.memory_space<semaphore_mem>>)
      %dma_wait3A_372 = arith.constant 0 : i32
      %dma_wait3A_373 = tpu.memref_slice %arg3[%while3A_237, %while3A_238, %dma_wait3A_372] : memref<16x164x128xi32, #tpu.memory_space<hbm>> -> memref<1x1x128xi32, #tpu.memory_space<hbm>>
      %dma_wait3A_374 = tpu.memref_squeeze %dma_wait3A_373 : memref<1x1x128xi32, #tpu.memory_space<hbm>> -> memref<128xi32, #tpu.memory_space<hbm>>
      %dma_wait3A_375 = arith.constant 0 : i32
      %dma_wait3A_376 = tpu.memref_slice %arg3[%while3A_237, %while3A_238, %dma_wait3A_375] : memref<16x164x128xi32, #tpu.memory_space<hbm>> -> memref<1x1x128xi32, #tpu.memory_space<hbm>>
      %dma_wait3A_377 = tpu.memref_squeeze %dma_wait3A_376 : memref<1x1x128xi32, #tpu.memory_space<hbm>> -> memref<128xi32, #tpu.memory_space<hbm>>
      tpu.wait_dma2 semaphore(%arg28 : memref<!tpu.dma_semaphore, #tpu.memory_space<semaphore_mem>>) src(%dma_wait3A_377 : memref<128xi32, #tpu.memory_space<hbm>>) dst(%arg16 : memref<128xi32, #tpu.memory_space<vmem>>)
      %dma_wait3A_378 = arith.constant 0 : i32
      %dma_wait3A_379 = tpu.memref_slice %arg3[%while3A_237, %while3A_238, %dma_wait3A_378] : memref<16x164x128xi32, #tpu.memory_space<hbm>> -> memref<1x1x128xi32, #tpu.memory_space<hbm>>
      %dma_wait3A_380 = tpu.memref_squeeze %dma_wait3A_379 : memref<1x1x128xi32, #tpu.memory_space<hbm>> -> memref<128xi32, #tpu.memory_space<hbm>>
      %dma_wait3A_381 = arith.constant 0 : i32
      %dma_wait3A_382 = tpu.memref_slice %arg3[%while3A_237, %while3A_238, %dma_wait3A_381] : memref<16x164x128xi32, #tpu.memory_space<hbm>> -> memref<1x1x128xi32, #tpu.memory_space<hbm>>
      %dma_wait3A_383 = tpu.memref_squeeze %dma_wait3A_382 : memref<1x1x128xi32, #tpu.memory_space<hbm>> -> memref<128xi32, #tpu.memory_space<hbm>>
      tpu.wait_dma2 semaphore(%arg28 : memref<!tpu.dma_semaphore, #tpu.memory_space<semaphore_mem>>) src(%dma_wait3A_383 : memref<128xi32, #tpu.memory_space<hbm>>) dst(%arg20 : memref<128xi32, #tpu.memory_space<vmem>>)
      %dma_start3A_384 = arith.constant 0 : i32
      %dma_start3A_385 = arith.constant 0 : i32
      %dma_start3A_386 = tpu.memref_slice %arg8[%dma_start3A_384, %dma_start3A_385] : memref<10000x64xf32, #tpu.memory_space<vmem_shared>> -> memref<10000x64xf32, #tpu.memory_space<vmem_shared>>
      tpu.enqueue_indirect_dma source(%dma_start3A_386 : memref<10000x64xf32, #tpu.memory_space<vmem_shared>>) target(%arg12 : memref<128x64xf32, #tpu.memory_space<vmem>>) offsets(%arg16 : memref<128xi32, #tpu.memory_space<vmem>>) semaphore(%arg32 : memref<!tpu.dma_semaphore, #tpu.memory_space<semaphore_mem>>)
      %dma_wait3A_387 = arith.constant 0 : i32
      %dma_wait3A_388 = tpu.memref_slice %arg3[%while3A_237, %while3A_238, %dma_wait3A_387] : memref<16x164x128xi32, #tpu.memory_space<hbm>> -> memref<1x1x128xi32, #tpu.memory_space<hbm>>
      %dma_wait3A_389 = tpu.memref_squeeze %dma_wait3A_388 : memref<1x1x128xi32, #tpu.memory_space<hbm>> -> memref<128xi32, #tpu.memory_space<hbm>>
      %dma_wait3A_390 = arith.constant 0 : i32
      %dma_wait3A_391 = tpu.memref_slice %arg3[%while3A_237, %while3A_238, %dma_wait3A_390] : memref<16x164x128xi32, #tpu.memory_space<hbm>> -> memref<1x1x128xi32, #tpu.memory_space<hbm>>
      %dma_wait3A_392 = tpu.memref_squeeze %dma_wait3A_391 : memref<1x1x128xi32, #tpu.memory_space<hbm>> -> memref<128xi32, #tpu.memory_space<hbm>>
      tpu.wait_dma2 semaphore(%arg29 : memref<!tpu.dma_semaphore, #tpu.memory_space<semaphore_mem>>) src(%dma_wait3A_392 : memref<128xi32, #tpu.memory_space<hbm>>) dst(%arg17 : memref<128xi32, #tpu.memory_space<vmem>>)
      %dma_wait3A_393 = arith.constant 0 : i32
      %dma_wait3A_394 = tpu.memref_slice %arg3[%while3A_237, %while3A_238, %dma_wait3A_393] : memref<16x164x128xi32, #tpu.memory_space<hbm>> -> memref<1x1x128xi32, #tpu.memory_space<hbm>>
      %dma_wait3A_395 = tpu.memref_squeeze %dma_wait3A_394 : memref<1x1x128xi32, #tpu.memory_space<hbm>> -> memref<128xi32, #tpu.memory_space<hbm>>
      %dma_wait3A_396 = arith.constant 0 : i32
      %dma_wait3A_397 = tpu.memref_slice %arg3[%while3A_237, %while3A_238, %dma_wait3A_396] : memref<16x164x128xi32, #tpu.memory_space<hbm>> -> memref<1x1x128xi32, #tpu.memory_space<hbm>>
      %dma_wait3A_398 = tpu.memref_squeeze %dma_wait3A_397 : memref<1x1x128xi32, #tpu.memory_space<hbm>> -> memref<128xi32, #tpu.memory_space<hbm>>
      tpu.wait_dma2 semaphore(%arg29 : memref<!tpu.dma_semaphore, #tpu.memory_space<semaphore_mem>>) src(%dma_wait3A_398 : memref<128xi32, #tpu.memory_space<hbm>>) dst(%arg21 : memref<128xi32, #tpu.memory_space<vmem>>)
      %dma_start3A_399 = arith.constant 0 : i32
      %dma_start3A_400 = arith.constant 0 : i32
      %dma_start3A_401 = tpu.memref_slice %arg8[%dma_start3A_399, %dma_start3A_400] : memref<10000x64xf32, #tpu.memory_space<vmem_shared>> -> memref<10000x64xf32, #tpu.memory_space<vmem_shared>>
      tpu.enqueue_indirect_dma source(%dma_start3A_401 : memref<10000x64xf32, #tpu.memory_space<vmem_shared>>) target(%arg13 : memref<128x64xf32, #tpu.memory_space<vmem>>) offsets(%arg17 : memref<128xi32, #tpu.memory_space<vmem>>) semaphore(%arg33 : memref<!tpu.dma_semaphore, #tpu.memory_space<semaphore_mem>>)
      %dma_wait3A_402 = arith.constant 0 : i32
      %dma_wait3A_403 = tpu.memref_slice %arg3[%while3A_237, %while3A_238, %dma_wait3A_402] : memref<16x164x128xi32, #tpu.memory_space<hbm>> -> memref<1x1x128xi32, #tpu.memory_space<hbm>>
      %dma_wait3A_404 = tpu.memref_squeeze %dma_wait3A_403 : memref<1x1x128xi32, #tpu.memory_space<hbm>> -> memref<128xi32, #tpu.memory_space<hbm>>
      %dma_wait3A_405 = arith.constant 0 : i32
      %dma_wait3A_406 = tpu.memref_slice %arg3[%while3A_237, %while3A_238, %dma_wait3A_405] : memref<16x164x128xi32, #tpu.memory_space<hbm>> -> memref<1x1x128xi32, #tpu.memory_space<hbm>>
      %dma_wait3A_407 = tpu.memref_squeeze %dma_wait3A_406 : memref<1x1x128xi32, #tpu.memory_space<hbm>> -> memref<128xi32, #tpu.memory_space<hbm>>
      tpu.wait_dma2 semaphore(%arg30 : memref<!tpu.dma_semaphore, #tpu.memory_space<semaphore_mem>>) src(%dma_wait3A_407 : memref<128xi32, #tpu.memory_space<hbm>>) dst(%arg18 : memref<128xi32, #tpu.memory_space<vmem>>)
      %dma_wait3A_408 = arith.constant 0 : i32
      %dma_wait3A_409 = tpu.memref_slice %arg3[%while3A_237, %while3A_238, %dma_wait3A_408] : memref<16x164x128xi32, #tpu.memory_space<hbm>> -> memref<1x1x128xi32, #tpu.memory_space<hbm>>
      %dma_wait3A_410 = tpu.memref_squeeze %dma_wait3A_409 : memref<1x1x128xi32, #tpu.memory_space<hbm>> -> memref<128xi32, #tpu.memory_space<hbm>>
      %dma_wait3A_411 = arith.constant 0 : i32
      %dma_wait3A_412 = tpu.memref_slice %arg3[%while3A_237, %while3A_238, %dma_wait3A_411] : memref<16x164x128xi32, #tpu.memory_space<hbm>> -> memref<1x1x128xi32, #tpu.memory_space<hbm>>
      %dma_wait3A_413 = tpu.memref_squeeze %dma_wait3A_412 : memref<1x1x128xi32, #tpu.memory_space<hbm>> -> memref<128xi32, #tpu.memory_space<hbm>>
      tpu.wait_dma2 semaphore(%arg30 : memref<!tpu.dma_semaphore, #tpu.memory_space<semaphore_mem>>) src(%dma_wait3A_413 : memref<128xi32, #tpu.memory_space<hbm>>) dst(%arg22 : memref<128xi32, #tpu.memory_space<vmem>>)
      %dma_start3A_414 = arith.constant 0 : i32
      %dma_start3A_415 = arith.constant 0 : i32
      %dma_start3A_416 = tpu.memref_slice %arg8[%dma_start3A_414, %dma_start3A_415] : memref<10000x64xf32, #tpu.memory_space<vmem_shared>> -> memref<10000x64xf32, #tpu.memory_space<vmem_shared>>
      tpu.enqueue_indirect_dma source(%dma_start3A_416 : memref<10000x64xf32, #tpu.memory_space<vmem_shared>>) target(%arg14 : memref<128x64xf32, #tpu.memory_space<vmem>>) offsets(%arg18 : memref<128xi32, #tpu.memory_space<vmem>>) semaphore(%arg34 : memref<!tpu.dma_semaphore, #tpu.memory_space<semaphore_mem>>)
      %dma_wait3A_417 = arith.constant 0 : i32
      %dma_wait3A_418 = tpu.memref_slice %arg3[%while3A_237, %while3A_238, %dma_wait3A_417] : memref<16x164x128xi32, #tpu.memory_space<hbm>> -> memref<1x1x128xi32, #tpu.memory_space<hbm>>
      %dma_wait3A_419 = tpu.memref_squeeze %dma_wait3A_418 : memref<1x1x128xi32, #tpu.memory_space<hbm>> -> memref<128xi32, #tpu.memory_space<hbm>>
      %dma_wait3A_420 = arith.constant 0 : i32
      %dma_wait3A_421 = tpu.memref_slice %arg3[%while3A_237, %while3A_238, %dma_wait3A_420] : memref<16x164x128xi32, #tpu.memory_space<hbm>> -> memref<1x1x128xi32, #tpu.memory_space<hbm>>
      %dma_wait3A_422 = tpu.memref_squeeze %dma_wait3A_421 : memref<1x1x128xi32, #tpu.memory_space<hbm>> -> memref<128xi32, #tpu.memory_space<hbm>>
      tpu.wait_dma2 semaphore(%arg31 : memref<!tpu.dma_semaphore, #tpu.memory_space<semaphore_mem>>) src(%dma_wait3A_422 : memref<128xi32, #tpu.memory_space<hbm>>) dst(%arg19 : memref<128xi32, #tpu.memory_space<vmem>>)
      %dma_wait3A_423 = arith.constant 0 : i32
      %dma_wait3A_424 = tpu.memref_slice %arg3[%while3A_237, %while3A_238, %dma_wait3A_423] : memref<16x164x128xi32, #tpu.memory_space<hbm>> -> memref<1x1x128xi32, #tpu.memory_space<hbm>>
      %dma_wait3A_425 = tpu.memref_squeeze %dma_wait3A_424 : memref<1x1x128xi32, #tpu.memory_space<hbm>> -> memref<128xi32, #tpu.memory_space<hbm>>
      %dma_wait3A_426 = arith.constant 0 : i32
      %dma_wait3A_427 = tpu.memref_slice %arg3[%while3A_237, %while3A_238, %dma_wait3A_426] : memref<16x164x128xi32, #tpu.memory_space<hbm>> -> memref<1x1x128xi32, #tpu.memory_space<hbm>>
      %dma_wait3A_428 = tpu.memref_squeeze %dma_wait3A_427 : memref<1x1x128xi32, #tpu.memory_space<hbm>> -> memref<128xi32, #tpu.memory_space<hbm>>
      tpu.wait_dma2 semaphore(%arg31 : memref<!tpu.dma_semaphore, #tpu.memory_space<semaphore_mem>>) src(%dma_wait3A_428 : memref<128xi32, #tpu.memory_space<hbm>>) dst(%arg23 : memref<128xi32, #tpu.memory_space<vmem>>)
      %dma_start3A_429 = arith.constant 0 : i32
      %dma_start3A_430 = arith.constant 0 : i32
      %dma_start3A_431 = tpu.memref_slice %arg8[%dma_start3A_429, %dma_start3A_430] : memref<10000x64xf32, #tpu.memory_space<vmem_shared>> -> memref<10000x64xf32, #tpu.memory_space<vmem_shared>>
      tpu.enqueue_indirect_dma source(%dma_start3A_431 : memref<10000x64xf32, #tpu.memory_space<vmem_shared>>) target(%arg15 : memref<128x64xf32, #tpu.memory_space<vmem>>) offsets(%arg19 : memref<128xi32, #tpu.memory_space<vmem>>) semaphore(%arg35 : memref<!tpu.dma_semaphore, #tpu.memory_space<semaphore_mem>>)
      %dma_wait3A_432 = arith.constant 0 : i32
      %dma_wait3A_433 = arith.constant 0 : i32
      %dma_wait3A_434 = tpu.memref_slice %arg2[%while3A_236, %dma_wait3A_432, %dma_wait3A_433] : memref<2x10000x64xf32, #tpu.memory_space<hbm>> -> memref<1x128x64xf32, #tpu.memory_space<hbm>>
      %dma_wait3A_435 = tpu.memref_squeeze %dma_wait3A_434 : memref<1x128x64xf32, #tpu.memory_space<hbm>> -> memref<128x64xf32, #tpu.memory_space<hbm>>
      %dma_wait3A_436 = arith.constant 0 : i32
      %dma_wait3A_437 = arith.constant 0 : i32
      %dma_wait3A_438 = tpu.memref_slice %arg2[%while3A_236, %dma_wait3A_436, %dma_wait3A_437] : memref<2x10000x64xf32, #tpu.memory_space<hbm>> -> memref<1x128x64xf32, #tpu.memory_space<hbm>>
      %dma_wait3A_439 = tpu.memref_squeeze %dma_wait3A_438 : memref<1x128x64xf32, #tpu.memory_space<hbm>> -> memref<128x64xf32, #tpu.memory_space<hbm>>
      tpu.wait_dma2 semaphore(%arg32 : memref<!tpu.dma_semaphore, #tpu.memory_space<semaphore_mem>>) src(%dma_wait3A_439 : memref<128x64xf32, #tpu.memory_space<hbm>>) dst(%arg12 : memref<128x64xf32, #tpu.memory_space<vmem>>)
      %dma_start3A_440 = arith.constant 0 : i32
      %dma_start3A_441 = arith.constant 0 : i32
      %dma_start3A_442 = tpu.memref_slice %arg7[%dma_start3A_440, %dma_start3A_441] : memref<11536x64xf32, #tpu.memory_space<vmem_shared>> -> memref<11536x64xf32, #tpu.memory_space<vmem_shared>>
      tpu.enqueue_indirect_dma source(%arg12 : memref<128x64xf32, #tpu.memory_space<vmem>>) target(%dma_start3A_442 : memref<11536x64xf32, #tpu.memory_space<vmem_shared>>) offsets(%arg20 : memref<128xi32, #tpu.memory_space<vmem>>) semaphore(%arg36 : memref<!tpu.dma_semaphore, #tpu.memory_space<semaphore_mem>>) {add = true}
      %dma_wait3A_443 = arith.constant 0 : i32
      %dma_wait3A_444 = arith.constant 0 : i32
      %dma_wait3A_445 = tpu.memref_slice %arg2[%while3A_236, %dma_wait3A_443, %dma_wait3A_444] : memref<2x10000x64xf32, #tpu.memory_space<hbm>> -> memref<1x128x64xf32, #tpu.memory_space<hbm>>
      %dma_wait3A_446 = tpu.memref_squeeze %dma_wait3A_445 : memref<1x128x64xf32, #tpu.memory_space<hbm>> -> memref<128x64xf32, #tpu.memory_space<hbm>>
      %dma_wait3A_447 = arith.constant 0 : i32
      %dma_wait3A_448 = arith.constant 0 : i32
      %dma_wait3A_449 = tpu.memref_slice %arg2[%while3A_236, %dma_wait3A_447, %dma_wait3A_448] : memref<2x10000x64xf32, #tpu.memory_space<hbm>> -> memref<1x128x64xf32, #tpu.memory_space<hbm>>
      %dma_wait3A_450 = tpu.memref_squeeze %dma_wait3A_449 : memref<1x128x64xf32, #tpu.memory_space<hbm>> -> memref<128x64xf32, #tpu.memory_space<hbm>>
      tpu.wait_dma2 semaphore(%arg33 : memref<!tpu.dma_semaphore, #tpu.memory_space<semaphore_mem>>) src(%dma_wait3A_450 : memref<128x64xf32, #tpu.memory_space<hbm>>) dst(%arg13 : memref<128x64xf32, #tpu.memory_space<vmem>>)
      %dma_start3A_451 = arith.constant 0 : i32
      %dma_start3A_452 = arith.constant 0 : i32
      %dma_start3A_453 = tpu.memref_slice %arg7[%dma_start3A_451, %dma_start3A_452] : memref<11536x64xf32, #tpu.memory_space<vmem_shared>> -> memref<11536x64xf32, #tpu.memory_space<vmem_shared>>
      tpu.enqueue_indirect_dma source(%arg13 : memref<128x64xf32, #tpu.memory_space<vmem>>) target(%dma_start3A_453 : memref<11536x64xf32, #tpu.memory_space<vmem_shared>>) offsets(%arg21 : memref<128xi32, #tpu.memory_space<vmem>>) semaphore(%arg37 : memref<!tpu.dma_semaphore, #tpu.memory_space<semaphore_mem>>) {add = true}
      %dma_wait3A_454 = arith.constant 0 : i32
      %dma_wait3A_455 = arith.constant 0 : i32
      %dma_wait3A_456 = tpu.memref_slice %arg2[%while3A_236, %dma_wait3A_454, %dma_wait3A_455] : memref<2x10000x64xf32, #tpu.memory_space<hbm>> -> memref<1x128x64xf32, #tpu.memory_space<hbm>>
      %dma_wait3A_457 = tpu.memref_squeeze %dma_wait3A_456 : memref<1x128x64xf32, #tpu.memory_space<hbm>> -> memref<128x64xf32, #tpu.memory_space<hbm>>
      %dma_wait3A_458 = arith.constant 0 : i32
      %dma_wait3A_459 = arith.constant 0 : i32
      %dma_wait3A_460 = tpu.memref_slice %arg2[%while3A_236, %dma_wait3A_458, %dma_wait3A_459] : memref<2x10000x64xf32, #tpu.memory_space<hbm>> -> memref<1x128x64xf32, #tpu.memory_space<hbm>>
      %dma_wait3A_461 = tpu.memref_squeeze %dma_wait3A_460 : memref<1x128x64xf32, #tpu.memory_space<hbm>> -> memref<128x64xf32, #tpu.memory_space<hbm>>
      tpu.wait_dma2 semaphore(%arg34 : memref<!tpu.dma_semaphore, #tpu.memory_space<semaphore_mem>>) src(%dma_wait3A_461 : memref<128x64xf32, #tpu.memory_space<hbm>>) dst(%arg14 : memref<128x64xf32, #tpu.memory_space<vmem>>)
      %dma_start3A_462 = arith.constant 0 : i32
      %dma_start3A_463 = arith.constant 0 : i32
      %dma_start3A_464 = tpu.memref_slice %arg7[%dma_start3A_462, %dma_start3A_463] : memref<11536x64xf32, #tpu.memory_space<vmem_shared>> -> memref<11536x64xf32, #tpu.memory_space<vmem_shared>>
      tpu.enqueue_indirect_dma source(%arg14 : memref<128x64xf32, #tpu.memory_space<vmem>>) target(%dma_start3A_464 : memref<11536x64xf32, #tpu.memory_space<vmem_shared>>) offsets(%arg22 : memref<128xi32, #tpu.memory_space<vmem>>) semaphore(%arg38 : memref<!tpu.dma_semaphore, #tpu.memory_space<semaphore_mem>>) {add = true}
      %dma_wait3A_465 = arith.constant 0 : i32
      %dma_wait3A_466 = arith.constant 0 : i32
      %dma_wait3A_467 = tpu.memref_slice %arg2[%while3A_236, %dma_wait3A_465, %dma_wait3A_466] : memref<2x10000x64xf32, #tpu.memory_space<hbm>> -> memref<1x128x64xf32, #tpu.memory_space<hbm>>
      %dma_wait3A_468 = tpu.memref_squeeze %dma_wait3A_467 : memref<1x128x64xf32, #tpu.memory_space<hbm>> -> memref<128x64xf32, #tpu.memory_space<hbm>>
      %dma_wait3A_469 = arith.constant 0 : i32
      %dma_wait3A_470 = arith.constant 0 : i32
      %dma_wait3A_471 = tpu.memref_slice %arg2[%while3A_236, %dma_wait3A_469, %dma_wait3A_470] : memref<2x10000x64xf32, #tpu.memory_space<hbm>> -> memref<1x128x64xf32, #tpu.memory_space<hbm>>
      %dma_wait3A_472 = tpu.memref_squeeze %dma_wait3A_471 : memref<1x128x64xf32, #tpu.memory_space<hbm>> -> memref<128x64xf32, #tpu.memory_space<hbm>>
      tpu.wait_dma2 semaphore(%arg35 : memref<!tpu.dma_semaphore, #tpu.memory_space<semaphore_mem>>) src(%dma_wait3A_472 : memref<128x64xf32, #tpu.memory_space<hbm>>) dst(%arg15 : memref<128x64xf32, #tpu.memory_space<vmem>>)
      %dma_start3A_473 = arith.constant 0 : i32
      %dma_start3A_474 = arith.constant 0 : i32
      %dma_start3A_475 = tpu.memref_slice %arg7[%dma_start3A_473, %dma_start3A_474] : memref<11536x64xf32, #tpu.memory_space<vmem_shared>> -> memref<11536x64xf32, #tpu.memory_space<vmem_shared>>
      tpu.enqueue_indirect_dma source(%arg15 : memref<128x64xf32, #tpu.memory_space<vmem>>) target(%dma_start3A_475 : memref<11536x64xf32, #tpu.memory_space<vmem_shared>>) offsets(%arg23 : memref<128xi32, #tpu.memory_space<vmem>>) semaphore(%arg39 : memref<!tpu.dma_semaphore, #tpu.memory_space<semaphore_mem>>) {add = true}
    }
    %dma_wait3A_248 = arith.constant 0 : i32
    %dma_wait3A_249 = arith.constant 0 : i32
    %dma_wait3A_250 = arith.constant 0 : i32
    %dma_wait3A_251 = tpu.memref_slice %arg2[%dma_wait3A_248, %dma_wait3A_249, %dma_wait3A_250] : memref<2x10000x64xf32, #tpu.memory_space<hbm>> -> memref<1x128x64xf32, #tpu.memory_space<hbm>>
    %dma_wait3A_252 = tpu.memref_squeeze %dma_wait3A_251 : memref<1x128x64xf32, #tpu.memory_space<hbm>> -> memref<128x64xf32, #tpu.memory_space<hbm>>
    %dma_wait3A_253 = arith.constant 0 : i32
    %dma_wait3A_254 = arith.constant 0 : i32
    %dma_wait3A_255 = tpu.memref_slice %arg2[%dma_wait3A_248, %dma_wait3A_253, %dma_wait3A_254] : memref<2x10000x64xf32, #tpu.memory_space<hbm>> -> memref<1x128x64xf32, #tpu.memory_space<hbm>>
    %dma_wait3A_256 = tpu.memref_squeeze %dma_wait3A_255 : memref<1x128x64xf32, #tpu.memory_space<hbm>> -> memref<128x64xf32, #tpu.memory_space<hbm>>
    tpu.wait_dma2 semaphore(%arg36 : memref<!tpu.dma_semaphore, #tpu.memory_space<semaphore_mem>>) src(%dma_wait3A_256 : memref<128x64xf32, #tpu.memory_space<hbm>>) dst(%arg12 : memref<128x64xf32, #tpu.memory_space<vmem>>)
    %dma_wait3A_257 = arith.constant 0 : i32
    %dma_wait3A_258 = arith.constant 0 : i32
    %dma_wait3A_259 = arith.constant 0 : i32
    %dma_wait3A_260 = tpu.memref_slice %arg2[%dma_wait3A_257, %dma_wait3A_258, %dma_wait3A_259] : memref<2x10000x64xf32, #tpu.memory_space<hbm>> -> memref<1x128x64xf32, #tpu.memory_space<hbm>>
    %dma_wait3A_261 = tpu.memref_squeeze %dma_wait3A_260 : memref<1x128x64xf32, #tpu.memory_space<hbm>> -> memref<128x64xf32, #tpu.memory_space<hbm>>
    %dma_wait3A_262 = arith.constant 0 : i32
    %dma_wait3A_263 = arith.constant 0 : i32
    %dma_wait3A_264 = tpu.memref_slice %arg2[%dma_wait3A_257, %dma_wait3A_262, %dma_wait3A_263] : memref<2x10000x64xf32, #tpu.memory_space<hbm>> -> memref<1x128x64xf32, #tpu.memory_space<hbm>>
    %dma_wait3A_265 = tpu.memref_squeeze %dma_wait3A_264 : memref<1x128x64xf32, #tpu.memory_space<hbm>> -> memref<128x64xf32, #tpu.memory_space<hbm>>
    tpu.wait_dma2 semaphore(%arg37 : memref<!tpu.dma_semaphore, #tpu.memory_space<semaphore_mem>>) src(%dma_wait3A_265 : memref<128x64xf32, #tpu.memory_space<hbm>>) dst(%arg13 : memref<128x64xf32, #tpu.memory_space<vmem>>)
    %dma_wait3A_266 = arith.constant 0 : i32
    %dma_wait3A_267 = arith.constant 0 : i32
    %dma_wait3A_268 = arith.constant 0 : i32
    %dma_wait3A_269 = tpu.memref_slice %arg2[%dma_wait3A_266, %dma_wait3A_267, %dma_wait3A_268] : memref<2x10000x64xf32, #tpu.memory_space<hbm>> -> memref<1x128x64xf32, #tpu.memory_space<hbm>>
    %dma_wait3A_270 = tpu.memref_squeeze %dma_wait3A_269 : memref<1x128x64xf32, #tpu.memory_space<hbm>> -> memref<128x64xf32, #tpu.memory_space<hbm>>
    %dma_wait3A_271 = arith.constant 0 : i32
    %dma_wait3A_272 = arith.constant 0 : i32
    %dma_wait3A_273 = tpu.memref_slice %arg2[%dma_wait3A_266, %dma_wait3A_271, %dma_wait3A_272] : memref<2x10000x64xf32, #tpu.memory_space<hbm>> -> memref<1x128x64xf32, #tpu.memory_space<hbm>>
    %dma_wait3A_274 = tpu.memref_squeeze %dma_wait3A_273 : memref<1x128x64xf32, #tpu.memory_space<hbm>> -> memref<128x64xf32, #tpu.memory_space<hbm>>
    tpu.wait_dma2 semaphore(%arg38 : memref<!tpu.dma_semaphore, #tpu.memory_space<semaphore_mem>>) src(%dma_wait3A_274 : memref<128x64xf32, #tpu.memory_space<hbm>>) dst(%arg14 : memref<128x64xf32, #tpu.memory_space<vmem>>)
    %dma_wait3A_275 = arith.constant 0 : i32
    %dma_wait3A_276 = arith.constant 0 : i32
    %dma_wait3A_277 = arith.constant 0 : i32
    %dma_wait3A_278 = tpu.memref_slice %arg2[%dma_wait3A_275, %dma_wait3A_276, %dma_wait3A_277] : memref<2x10000x64xf32, #tpu.memory_space<hbm>> -> memref<1x128x64xf32, #tpu.memory_space<hbm>>
    %dma_wait3A_279 = tpu.memref_squeeze %dma_wait3A_278 : memref<1x128x64xf32, #tpu.memory_space<hbm>> -> memref<128x64xf32, #tpu.memory_space<hbm>>
    %dma_wait3A_280 = arith.constant 0 : i32
    %dma_wait3A_281 = arith.constant 0 : i32
    %dma_wait3A_282 = tpu.memref_slice %arg2[%dma_wait3A_275, %dma_wait3A_280, %dma_wait3A_281] : memref<2x10000x64xf32, #tpu.memory_space<hbm>> -> memref<1x128x64xf32, #tpu.memory_space<hbm>>
    %dma_wait3A_283 = tpu.memref_squeeze %dma_wait3A_282 : memref<1x128x64xf32, #tpu.memory_space<hbm>> -> memref<128x64xf32, #tpu.memory_space<hbm>>
    tpu.wait_dma2 semaphore(%arg39 : memref<!tpu.dma_semaphore, #tpu.memory_space<semaphore_mem>>) src(%dma_wait3A_283 : memref<128x64xf32, #tpu.memory_space<hbm>>) dst(%arg15 : memref<128x64xf32, #tpu.memory_space<vmem>>)
    "tpu.trace_stop"() : () -> ()
    %barrier3A_284 = arith.constant 0 : index
    tpu.barrier barrier_id(%barrier3A_284)
    "tpu.trace_start"() <{level = 10 : i32, message = "ph_out"}> : () -> ()
    %scan3A_285 = arith.constant 0 : i32
    %scan3A_286 = arith.constant 0 : i32
    %scan3A_287 = arith.constant 125 : i32
    %scan3A_288 = arith.addi %scan3A_286, %scan3A_287 : i32
    %scan3A_289 = arith.constant 1 : i32
    scf.for %scan3A_291 = %scan3A_286 to %scan3A_288 step %scan3A_289  : i32 {
      %rem3A_292 = arith.constant 16 : i32
      %rem3A_293 = arith.remsi %scan3A_291, %rem3A_292 : i32
      %eq3A_294 = arith.cmpi eq, %rem3A_293, %arg1 : i32
      %convert_element_type3A = arith.extui %eq3A_294 : i1 to i32
      %cond3A = arith.constant 0 : i32
      %cond3A_295 = arith.cmpi ne, %convert_element_type3A, %cond3A : i32
      scf.if %cond3A_295 {
        %mul3A = arith.constant 80 : i32
        %mul3A_296 = arith.muli %scan3A_291, %mul3A : i32
        "tpu.region"() ({
          %run_scoped3A = tpu.sem_alloc : memref<!tpu.dma_semaphore, #tpu.memory_space<semaphore_mem>>
          %dma_start3A = arith.constant 0 : i32
          %dma_start3A_307 = arith.constant 0 : i32
          %dma_start3A_308 = tpu.memref_slice %arg12[%dma_start3A, %dma_start3A_307] : memref<128x64xf32, #tpu.memory_space<vmem>> -> memref<80x64xf32, #tpu.memory_space<vmem>>
          %dma_start3A_309 = arith.constant 0 : i32
          %dma_start3A_310 = tpu.memref_slice %arg7[%mul3A_296, %dma_start3A_309] : memref<11536x64xf32, #tpu.memory_space<vmem_shared>> -> memref<80x64xf32, #tpu.memory_space<vmem_shared>>
          %dma_start3A_311 = arith.constant 0 : i32
          %dma_start3A_312 = arith.constant 0 : i32
          %dma_start3A_313 = tpu.memref_slice %arg12[%dma_start3A_311, %dma_start3A_312] : memref<128x64xf32, #tpu.memory_space<vmem>> -> memref<80x64xf32, #tpu.memory_space<vmem>>
          %dma_start3A_314 = arith.constant 0 : i32
          %dma_start3A_315 = tpu.memref_slice %arg7[%mul3A_296, %dma_start3A_314] : memref<11536x64xf32, #tpu.memory_space<vmem_shared>> -> memref<80x64xf32, #tpu.memory_space<vmem_shared>>
          tpu.enqueue_dma source(%dma_start3A_315 : memref<80x64xf32, #tpu.memory_space<vmem_shared>>) target(%dma_start3A_313 : memref<80x64xf32, #tpu.memory_space<vmem>>) target_semaphore(%run_scoped3A : memref<!tpu.dma_semaphore, #tpu.memory_space<semaphore_mem>>)
          %dma_wait3A_316 = arith.constant 0 : i32
          %dma_wait3A_317 = arith.constant 0 : i32
          %dma_wait3A_318 = tpu.memref_slice %arg12[%dma_wait3A_316, %dma_wait3A_317] : memref<128x64xf32, #tpu.memory_space<vmem>> -> memref<80x64xf32, #tpu.memory_space<vmem>>
          %dma_wait3A_319 = arith.constant 0 : i32
          %dma_wait3A_320 = tpu.memref_slice %arg7[%mul3A_296, %dma_wait3A_319] : memref<11536x64xf32, #tpu.memory_space<vmem_shared>> -> memref<80x64xf32, #tpu.memory_space<vmem_shared>>
          %dma_wait3A_321 = arith.constant 0 : i32
          %dma_wait3A_322 = arith.constant 0 : i32
          %dma_wait3A_323 = tpu.memref_slice %arg12[%dma_wait3A_321, %dma_wait3A_322] : memref<128x64xf32, #tpu.memory_space<vmem>> -> memref<80x64xf32, #tpu.memory_space<vmem>>
          %dma_wait3A_324 = arith.constant 0 : i32
          %dma_wait3A_325 = tpu.memref_slice %arg7[%mul3A_296, %dma_wait3A_324] : memref<11536x64xf32, #tpu.memory_space<vmem_shared>> -> memref<80x64xf32, #tpu.memory_space<vmem_shared>>
          tpu.wait_dma2 semaphore(%run_scoped3A : memref<!tpu.dma_semaphore, #tpu.memory_space<semaphore_mem>>) src(%dma_wait3A_325 : memref<80x64xf32, #tpu.memory_space<vmem_shared>>) dst(%dma_wait3A_323 : memref<80x64xf32, #tpu.memory_space<vmem>>)
          tpu.yield
        }) : () -> ()
        %mul3A_297 = arith.constant 80 : i32
        %mul3A_298 = arith.muli %scan3A_291, %mul3A_297 : i32
        "tpu.region"() ({
          %run_scoped3A = tpu.sem_alloc : memref<!tpu.dma_semaphore, #tpu.memory_space<semaphore_mem>>
          %dma_start3A = tpu.memref_slice %arg10[%mul3A_298] : memref<11536xf32, #tpu.memory_space<vmem_shared>> -> memref<80xf32, #tpu.memory_space<vmem_shared>>
          %dma_start3A_307 = tpu.memref_slice %arg10[%mul3A_298] : memref<11536xf32, #tpu.memory_space<vmem_shared>> -> memref<80xf32, #tpu.memory_space<vmem_shared>>
          tpu.enqueue_dma source(%dma_start3A_307 : memref<80xf32, #tpu.memory_space<vmem_shared>>) target(%arg26 : memref<80xf32, #tpu.memory_space<vmem>>) target_semaphore(%run_scoped3A : memref<!tpu.dma_semaphore, #tpu.memory_space<semaphore_mem>>)
          %dma_wait3A_308 = tpu.memref_slice %arg10[%mul3A_298] : memref<11536xf32, #tpu.memory_space<vmem_shared>> -> memref<80xf32, #tpu.memory_space<vmem_shared>>
          %dma_wait3A_309 = tpu.memref_slice %arg10[%mul3A_298] : memref<11536xf32, #tpu.memory_space<vmem_shared>> -> memref<80xf32, #tpu.memory_space<vmem_shared>>
          tpu.wait_dma2 semaphore(%run_scoped3A : memref<!tpu.dma_semaphore, #tpu.memory_space<semaphore_mem>>) src(%dma_wait3A_309 : memref<80xf32, #tpu.memory_space<vmem_shared>>) dst(%arg26 : memref<80xf32, #tpu.memory_space<vmem>>)
          tpu.yield
        }) : () -> ()
        %scan3A_299 = arith.constant 0 : i32
        %scan3A_300 = arith.constant 0 : i32
        %scan3A_301 = arith.constant 80 : i32
        %scan3A_302 = arith.addi %scan3A_300, %scan3A_301 : i32
        %scan3A_303 = arith.constant 1 : i32
        scf.for %scan3A_307 = %scan3A_300 to %scan3A_302 step %scan3A_303  : i32 {
          %broadcast_in_dim3A_308 = vector.broadcast %scan3A_307 : i32 to vector<16xi32>
          %gather3A = tpu.vector_load_idx %arg26[%broadcast_in_dim3A_308] : memref<80xf32, #tpu.memory_space<vmem>>[vector<16xi32>], vector<16xf32>,
          %gt3A = arith.constant 0.000000e+00 : f32
          %gt3A_309 = vector.broadcast %gt3A : f32 to vector<16xf32>
          %gt3A_310 = arith.cmpf ogt, %gather3A, %gt3A_309 : vector<16xf32>
          %div3A_311 = arith.constant 1.000000e+00 : f32
          %div3A_312 = vector.broadcast %div3A_311 : f32 to vector<16xf32>
          %div3A_313 = arith.divf %div3A_312, %gather3A : vector<16xf32>
          %jit3A_314 = arith.constant 0.000000e+00 : f32
          %broadcast_in_dim3A_315 = vector.broadcast %jit3A_314 : f32 to vector<16xf32>
          %select_n3A_316 = arith.select %gt3A_310, %div3A_313, %broadcast_in_dim3A_315 : vector<16xi1>, vector<16xf32>
          %get3A = arith.index_cast %scan3A_307 : i32 to index
          %get3A_317 = arith.constant 0 : index
          %get3A_318 = tpu.vector_load %arg12[%get3A, %get3A_317] {strides = array<i32>} : memref<128x64xf32, #tpu.memory_space<vmem>>, vector<16xf32>,
          %mul3A_319 = arith.mulf %get3A_318, %select_n3A_316 : vector<16xf32>
          %swap3A = arith.index_cast %scan3A_307 : i32 to index
          %swap3A_320 = arith.constant 0 : index
          %swap3A_321 = tpu.vector_load %arg12[%swap3A, %swap3A_320] {strides = array<i32>} : memref<128x64xf32, #tpu.memory_space<vmem>>, vector<16xf32>,
          tpu.vector_store %arg12[%swap3A, %swap3A_320], %mul3A_319 {strides = array<i32>} : memref<128x64xf32, #tpu.memory_space<vmem>>, vector<16xf32>,
          %get3A_322 = arith.index_cast %scan3A_307 : i32 to index
          %get3A_323 = arith.constant 16 : index
          %get3A_324 = tpu.vector_load %arg12[%get3A_322, %get3A_323] {strides = array<i32>} : memref<128x64xf32, #tpu.memory_space<vmem>>, vector<16xf32>,
          %mul3A_325 = arith.mulf %get3A_324, %select_n3A_316 : vector<16xf32>
          %swap3A_326 = arith.index_cast %scan3A_307 : i32 to index
          %swap3A_327 = arith.constant 16 : index
          %swap3A_328 = tpu.vector_load %arg12[%swap3A_326, %swap3A_327] {strides = array<i32>} : memref<128x64xf32, #tpu.memory_space<vmem>>, vector<16xf32>,
          tpu.vector_store %arg12[%swap3A_326, %swap3A_327], %mul3A_325 {strides = array<i32>} : memref<128x64xf32, #tpu.memory_space<vmem>>, vector<16xf32>,
          %get3A_329 = arith.index_cast %scan3A_307 : i32 to index
          %get3A_330 = arith.constant 32 : index
          %get3A_331 = tpu.vector_load %arg12[%get3A_329, %get3A_330] {strides = array<i32>} : memref<128x64xf32, #tpu.memory_space<vmem>>, vector<16xf32>,
          %mul3A_332 = arith.mulf %get3A_331, %select_n3A_316 : vector<16xf32>
          %swap3A_333 = arith.index_cast %scan3A_307 : i32 to index
          %swap3A_334 = arith.constant 32 : index
          %swap3A_335 = tpu.vector_load %arg12[%swap3A_333, %swap3A_334] {strides = array<i32>} : memref<128x64xf32, #tpu.memory_space<vmem>>, vector<16xf32>,
          tpu.vector_store %arg12[%swap3A_333, %swap3A_334], %mul3A_332 {strides = array<i32>} : memref<128x64xf32, #tpu.memory_space<vmem>>, vector<16xf32>,
          %get3A_336 = arith.index_cast %scan3A_307 : i32 to index
          %get3A_337 = arith.constant 48 : index
          %get3A_338 = tpu.vector_load %arg12[%get3A_336, %get3A_337] {strides = array<i32>} : memref<128x64xf32, #tpu.memory_space<vmem>>, vector<16xf32>,
          %mul3A_339 = arith.mulf %get3A_338, %select_n3A_316 : vector<16xf32>
          %swap3A_340 = arith.index_cast %scan3A_307 : i32 to index
          %swap3A_341 = arith.constant 48 : index
          %swap3A_342 = tpu.vector_load %arg12[%swap3A_340, %swap3A_341] {strides = array<i32>} : memref<128x64xf32, #tpu.memory_space<vmem>>, vector<16xf32>,
          tpu.vector_store %arg12[%swap3A_340, %swap3A_341], %mul3A_339 {strides = array<i32>} : memref<128x64xf32, #tpu.memory_space<vmem>>, vector<16xf32>,
        }
        %scan3A_304 = arith.constant 80 : i32
        %mul3A_305 = arith.constant 80 : i32
        %mul3A_306 = arith.muli %scan3A_291, %mul3A_305 : i32
        "tpu.region"() ({
          %run_scoped3A = tpu.sem_alloc : memref<!tpu.dma_semaphore, #tpu.memory_space<semaphore_mem>>
          %dma_start3A = arith.constant 0 : i32
          %dma_start3A_307 = arith.constant 0 : i32
          %dma_start3A_308 = tpu.memref_slice %arg12[%dma_start3A, %dma_start3A_307] : memref<128x64xf32, #tpu.memory_space<vmem>> -> memref<80x64xf32, #tpu.memory_space<vmem>>
          %dma_start3A_309 = arith.constant 0 : i32
          %dma_start3A_310 = tpu.memref_slice %arg6[%arg0, %mul3A_306, %dma_start3A_309] : memref<2x10000x64xf32, #tpu.memory_space<hbm>> -> memref<1x80x64xf32, #tpu.memory_space<hbm>>
          %dma_start3A_311 = tpu.memref_squeeze %dma_start3A_310 : memref<1x80x64xf32, #tpu.memory_space<hbm>> -> memref<80x64xf32, #tpu.memory_space<hbm>>
          %dma_start3A_312 = arith.constant 0 : i32
          %dma_start3A_313 = tpu.memref_slice %arg6[%arg0, %mul3A_306, %dma_start3A_312] : memref<2x10000x64xf32, #tpu.memory_space<hbm>> -> memref<1x80x64xf32, #tpu.memory_space<hbm>>
          %dma_start3A_314 = tpu.memref_squeeze %dma_start3A_313 : memref<1x80x64xf32, #tpu.memory_space<hbm>> -> memref<80x64xf32, #tpu.memory_space<hbm>>
          %dma_start3A_315 = arith.constant 0 : i32
          %dma_start3A_316 = arith.constant 0 : i32
          %dma_start3A_317 = tpu.memref_slice %arg12[%dma_start3A_315, %dma_start3A_316] : memref<128x64xf32, #tpu.memory_space<vmem>> -> memref<80x64xf32, #tpu.memory_space<vmem>>
          tpu.enqueue_dma source(%dma_start3A_317 : memref<80x64xf32, #tpu.memory_space<vmem>>) target(%dma_start3A_314 : memref<80x64xf32, #tpu.memory_space<hbm>>) target_semaphore(%run_scoped3A : memref<!tpu.dma_semaphore, #tpu.memory_space<semaphore_mem>>)
          %dma_wait3A_318 = arith.constant 0 : i32
          %dma_wait3A_319 = arith.constant 0 : i32
          %dma_wait3A_320 = tpu.memref_slice %arg12[%dma_wait3A_318, %dma_wait3A_319] : memref<128x64xf32, #tpu.memory_space<vmem>> -> memref<80x64xf32, #tpu.memory_space<vmem>>
          %dma_wait3A_321 = arith.constant 0 : i32
          %dma_wait3A_322 = tpu.memref_slice %arg6[%arg0, %mul3A_306, %dma_wait3A_321] : memref<2x10000x64xf32, #tpu.memory_space<hbm>> -> memref<1x80x64xf32, #tpu.memory_space<hbm>>
          %dma_wait3A_323 = tpu.memref_squeeze %dma_wait3A_322 : memref<1x80x64xf32, #tpu.memory_space<hbm>> -> memref<80x64xf32, #tpu.memory_space<hbm>>
          %dma_wait3A_324 = arith.constant 0 : i32
          %dma_wait3A_325 = tpu.memref_slice %arg6[%arg0, %mul3A_306, %dma_wait3A_324] : memref<2x10000x64xf32, #tpu.memory_space<hbm>> -> memref<1x80x64xf32, #tpu.memory_space<hbm>>
          %dma_wait3A_326 = tpu.memref_squeeze %dma_wait3A_325 : memref<1x80x64xf32, #tpu.memory_space<hbm>> -> memref<80x64xf32, #tpu.memory_space<hbm>>
          %dma_wait3A_327 = arith.constant 0 : i32
          %dma_wait3A_328 = arith.constant 0 : i32
          %dma_wait3A_329 = tpu.memref_slice %arg12[%dma_wait3A_327, %dma_wait3A_328] : memref<128x64xf32, #tpu.memory_space<vmem>> -> memref<80x64xf32, #tpu.memory_space<vmem>>
          tpu.wait_dma2 semaphore(%run_scoped3A : memref<!tpu.dma_semaphore, #tpu.memory_space<semaphore_mem>>) src(%dma_wait3A_329 : memref<80x64xf32, #tpu.memory_space<vmem>>) dst(%dma_wait3A_326 : memref<80x64xf32, #tpu.memory_space<hbm>>)
          tpu.yield
        }) : () -> ()
      } else {
      }
    }
    %scan3A_290 = arith.constant 125 : i32
    "tpu.trace_stop"() : () -> ()
    return
  }
}

</mosaic_0001>

<sc_bundles>
// kernel: kernel.3.cloned.1.call-start
scs
__scs_entry_jumppad:
0x0: {  	(pc) =	sbr.rel $0x88, $3  }
0x1: {  	(tag) =	ssettag $0x0;
	lr =	simm.s32 $0x1  }
0x2: {  	[smem:$0x3F9F] =	sst lr;
	_ =	strace $0xD0000000  }
0x3: {  	_ = 	snop  }
0x4: {  	_ = 	snop  }
0x5: {  	_ = 	snop  }
0x6: {  	_ = 	snop  }
0x7: {  	_ = 	snop  }
__scs_overlays_trampoline_lowered:
0x8: {  	[smem:$0x3FAE] =	sst s0  }
0x9: {  	[smem:$0x3FAF] =	sst s1  }
0xa: {  	[smem:$0x3FB0] =	sst s2  }
0xb: {  	[smem:$0x3FB1] =	sst s3  }
0xc: {  	[smem:$0x3FB2] =	sst s4  }
0xd: {  	[smem:$0x3FB3] =	sst s5  }
0xe: {  	[smem:$0x3FB4] =	sst s6  }
0xf: {  	[smem:$0x3FB5] =	sst s7  }
0x10: {  	[smem:$0x3FB6] =	sst s8  }
0x11: {  	[smem:$0x3FB7] =	sst s9;
	s0 =	simm.s32 @!p0 $0x0  }
0x12: {  	s1 =	sld [smem:$0x3F9D];
	s0 =	simm.s32 @p0 $0x1  }
0x13: {  	[smem:$0x3FB8] =	sst s0;
	s0 =	simm.s32 @!p1 $0x0  }
0x14: {  	s2 =	sld [smem:$0x3F9C];
	s0 =	simm.s32 @p1 $0x1  }
0x15: {  	[smem:$0x3FB9] =	sst s0;
	s0 =	simm.s32 @!p2 $0x0  }
0x16: {  	s3 =	sld [smem:$0x3FDB];
	s0 =	simm.s32 @p2 $0x1  }
0x17: {  	s4 =	simm.s32 $0x1BF5;
	[smem:$0x3FBB] =	sst s0  }
0x18: {  	s0 =	sld [smem:$0x3F9E];
	_ =	swait.ge [sflag:s4], $0x0  }
0x19: {  	s7 =	sld [smem:$0x3F9F]  }
0x1a: {  	s8 =	sadd.s32 $0xFFFFE003, lr  }
0x1b: {  	s9 =	sadd.s32 $0xFFFFFEF7, lr;
	s5 =	simm.s32 $0xFFFFFFFF;
	p2 =	slt.u32 s8, $0xFFFFF086  }
0x1c: {  	p1 =	slt.u32 s9, $0xF7A;
	s5 =	simm.s32 @!p2 $0x0  }
0x1d: {  	s5 =	simm.s32 @p1 $0x1;
	p0 =	seq.s32 s7, s2  }
0x1e: {  	s7 =	smul.u32 @!p0 $0xF7A, s2;
	p2 =	seq.s32 @!p0 s5, $0x0  }
0x1f: {  	s9 =	smul.u32 $0xF7A, s1;
	s8 =	simm.s32 @!p0 $0x1BF5;
	p2 =	por !p2, p0  }
0x20: {  	[sflag:s8] =	ssyncset.s32 @!p0 $0xFFFFF086;
	s6 =	sadd.s32 @!p0 s3, s7;
	s7 =	simm.s32 @!p0 $0x108  }
0x21: {  	s3 =	sadd.s32 s3, s9;
	s6 =	sadd.s32 @!p0 $0x88, s6;
	s7 =	simm.s32 @p2 $0x1082  }
0x22: {  	[simem:s7], [sflag:s8] =	dma.local @!p0 [hbm:s6], $0xF7A  }
0x23: {  	s9 =	sor.u32 $0xD0000000, s2;
	s6 =	simm.s32 $0x108;
	_ =	swait.ge @!p0 [sflag:s8], $0x0  }
0x24: {  	s3 =	sadd.s32 $0x88, s3;
	s6 =	simm.s32 @!p1 $0x1082;
	[sflag:s4] =	ssyncset.s32 $0xFFFFF086  }
0x25: {  	[simem:s6], [sflag:s4] =	dma.local [hbm:s3], $0xF7A  }
0x26: {  	[smem:$0x3F9F] =	sst s1;
	(tag) =	ssettag s2;
	_ =	strace s9  }
0x27: {  	s1 =	sld [smem:$0x3FAF]  }
0x28: {  	s2 =	sld [smem:$0x3FB0]  }
0x29: {  	s4 =	sld [smem:$0x3FB2]  }
0x2a: {  	p0 =	seq.s32 s5, $0x0;
	s5 =	sld [smem:$0x3FB3]  }
0x2b: {  	s6 =	sld [smem:$0x3FB4]  }
0x2c: {  	s7 =	sld [smem:$0x3FB5]  }
0x2d: {  	s3 =	simm.s32 $0x108;
	s8 =	sld [smem:$0x3FB6]  }
0x2e: {  	s3 =	simm.s32 @!p0 $0x1082;
	s9 =	sld [smem:$0x3FB7]  }
0x2f: {  	lr =	sadd.s32 s0, s3;
	s0 =	sld [smem:$0x3FAE]  }
0x30: {  	s3 =	sld [smem:$0x3FB1]  }
0x31: {  	[smem:$0x3FBA] =	sst s10  }
0x32: {  	s10 =	sld [smem:$0x3FB8];
	_ =	sdelay $0x3  }
0x33: {  	p0 =	seq.s32 s10, $0x1;
	s10 =	sld [smem:$0x3FBA];
	_ =	sdelay $0x3  }
0x34: {  	[smem:$0x3FBA] =	sst s10  }
0x35: {  	s10 =	sld [smem:$0x3FB9];
	_ =	sdelay $0x3  }
0x36: {  	p1 =	seq.s32 s10, $0x1;
	s10 =	sld [smem:$0x3FBA];
	_ =	sdelay $0x3  }
0x37: {  	[smem:$0x3FBA] =	sst s10  }
0x38: {  	s10 =	sld [smem:$0x3FBB]  }
0x39: {  	_ = 	snop;
	(pc) =	sbr.ind lr, $3  }
0x3a: {  	_ = 	snop  }
0x3b: {  	_ = 	snop  }
0x3c: {  	p2 =	seq.s32 s10, $0x1;
	s10 =	sld [smem:$0x3FBA]  }
0x3d: {  	_ =	shalt  }
0x3e: {  	_ =	shalt  }
0x3f: {  	_ =	shalt  }
0x40: {  	_ =	shalt  }
0x41: {  	_ =	shalt  }
0x42: {  	_ =	shalt  }
0x43: {  	_ =	shalt  }
0x44: {  	_ =	shalt  }
0x45: {  	_ =	shalt  }
0x46: {  	_ =	shalt  }
0x47: {  	_ =	shalt  }
0x48: {  	_ =	shalt  }
0x49: {  	_ =	shalt  }
0x4a: {  	_ =	shalt  }
0x4b: {  	_ =	shalt  }
0x4c: {  	_ =	shalt  }
0x4d: {  	_ =	shalt  }
0x4e: {  	_ =	shalt  }
0x4f: {  	_ =	shalt  }
0x50: {  	_ =	shalt  }
0x51: {  	_ =	shalt  }
0x52: {  	_ =	shalt  }
0x53: {  	_ =	shalt  }
0x54: {  	_ =	shalt  }
0x55: {  	_ =	shalt  }
0x56: {  	_ =	shalt  }
0x57: {  	_ =	shalt  }
0x58: {  	_ =	shalt  }
0x59: {  	_ =	shalt  }
0x5a: {  	_ =	shalt  }
0x5b: {  	_ =	shalt  }
0x5c: {  	_ =	shalt  }
0x5d: {  	_ =	shalt  }
0x5e: {  	_ =	shalt  }
0x5f: {  	_ =	shalt  }
0x60: {  	_ =	shalt  }
0x61: {  	_ =	shalt  }
0x62: {  	_ =	shalt  }
0x63: {  	_ =	shalt  }
0x64: {  	_ =	shalt  }
0x65: {  	_ =	shalt  }
0x66: {  	_ =	shalt  }
0x67: {  	_ =	shalt  }
0x68: {  	_ =	shalt  }
0x69: {  	_ =	shalt  }
0x6a: {  	_ =	shalt  }
0x6b: {  	_ =	shalt  }
0x6c: {  	_ =	shalt  }
0x6d: {  	_ =	shalt  }
0x6e: {  	_ =	shalt  }
0x6f: {  	_ =	shalt  }
0x70: {  	_ =	shalt  }
0x71: {  	_ =	shalt  }
0x72: {  	_ =	shalt  }
0x73: {  	_ =	shalt  }
0x74: {  	_ =	shalt  }
0x75: {  	_ =	shalt  }
0x76: {  	_ =	shalt  }
0x77: {  	_ =	shalt  }
0x78: {  	_ =	shalt  }
0x79: {  	_ =	shalt  }
0x7a: {  	_ =	shalt  }
0x7b: {  	_ =	shalt  }
0x7c: {  	_ =	shalt  }
0x7d: {  	_ =	shalt  }
0x7e: {  	_ =	shalt  }
0x7f: {  	_ =	shalt  }
0x80: {  	_ =	shalt  }
0x81: {  	_ =	shalt  }
0x82: {  	_ =	shalt  }
0x83: {  	_ =	shalt  }
0x84: {  	_ =	shalt  }
0x85: {  	_ =	shalt  }
0x86: {  	_ =	shalt  }
0x87: {  	_ =	shalt  }
.Lfunc_end0:
.L_simem_size_0:
called_computation_lowered:
.L_overlay_start_0:
0x88: {  	s2 =	sld [smem:$0x3FD9]  }
0x89: {  	s3 =	sld [smem:$0x3FFE];
	_ =	sdelay $0x1  }
0x8a: {  	s1 =	srdreg.scid  }
0x8b: {  	s0 =	sand.u32 $0x1, s1  }
0x8c: {  	s17 =	sshll.u32 s0, $0xA;
	s2 =	sadd.s32 s3, s2  }
0x8d: {  	s2 =	sadd.s32 s2, s17  }
0x8e: {  	[smem:$0x3FC6] =	sst s2  }
0x8f: {  	_ = 	snop  }
0x90: {  	s2 =	sld [smem:$0x3FD0];
	(tm) =	ssettm $0x1  }
0x91: {  	s18 =	sld [smem:$0x3FFB];
	_ =	sdelay $0x3  }
0x92: {  	_ =	strace s18  }
0x93: {  	s3 =	sld [smem:$0x3FFC];
	_ =	sdelay $0x3  }
0x94: {  	_ =	strace s3  }
0x95: {  	s3 =	sld [smem:$0x3FFD];
	_ =	sdelay $0x3  }
0x96: {  	_ =	strace s3  }
0x97: {  	_ =	strace $0x8FFFFFFF  }
0x98: {  	s19 =	sld [smem:$0x3FDB];
	_ =	sdelay $0x1  }
0x99: {  	s4 =	simm.s32 $_scs_section_size  }
0x9a: {  	s5 =	simm.s32 $_size__tile_overlayer_lowered;
	s6 =	simm.s32 $_tile_overlayer_lowered  }
0x9b: {  	s22 =	simm.s32 $0x1BFF;
	s21 =	sshll.u32 s6, $0x1;
	s3 =	sadd.s32 s4, s19  }
0x9c: {  	s7 =	simm.s32 $0x0;
	s20 =	sshll.u32 s5, $0x1;
	s5 =	sadd.s32 s21, s3  }
0x9d: {  	[timem:s7], [sflag:s22] =	dma.local [hbm:s5], s20  }
0x9e: {  	_ =	swait.ge [sflag:s22], s20  }
0x9f: {  	s4 =	ssub.s32 $0x0, s20;
	[sflag:s22] =	ssyncset.done $0x0  }
0xa0: {  	[sflag:s22] =	ssyncadd.s32 s4;
	_ =	sdelay $0x1  }
0xa1: {  	s23 =	simm.s32 $0x1B8B  }
0xa2: {  	_ =	swait.ge [sflag:s23], $0x1  }
0xa3: {  	[sflag:s23] =	ssyncset.done $0x0  }
0xa4: {  	s25 =	simm.s32 $0x1B8E;
	s24 =	sld [smem:$0x3FFE];
	[sflag:s23] =	ssyncadd.s32 $0xFFFFFFFF  }
0xa5: {  	s26 =	simm.s32 $execute0_lowered;
	[smem:$0x3FD2] =	sst s25  }
0xa6: {  	s5 =	sshll.u32 s26, $0x1;
	_ =	strace $0x80000046;
	[dreg:$0x1] =	wrdreg $0xFFFFFFFF  }
0xa7: {  	s28 =	simm.s32 $_size_execute0_lowered;
	s3 =	sadd.s32 s3, s5;
	[dreg:$0x0] =	wrdreg $0x0  }
0xa8: {  	s5 =	sshll.u32 s28, $0x1;
	[dreg:$0x2] =	wrdreg s3  }
0xa9: {  	[dreg:$0x3] =	wrdreg s5  }
0xaa: {  	[dreg:$0x4] =	wrdreg $0xC0  }
0xab: {  	_ =	task [dreg:s7], $0x5FFFF  }
0xac: {  	[dreg:$0x1] =	wrdreg $0xFFFFFFFF  }
0xad: {  	[dreg:$0x0] =	wrdreg $0x60  }
0xae: {  	[dreg:$0x2] =	wrdreg s2  }
0xaf: {  	[dreg:$0x3] =	wrdreg s24  }
0xb0: {  	[dreg:$0x4] =	wrdreg $0x0  }
0xb1: {  	[dreg:$0x5] =	wrdreg $0x150800  }
0xb2: {  	[dreg:$0x6] =	wrdreg $0x153580  }
0xb3: {  	[dreg:$0x7] =	wrdreg $0x156300  }
0xb4: {  	[dreg:$0x8] =	wrdreg $0xB4400  }
0xb5: {  	[dreg:$0x9] =	wrdreg $0x9  }
0xb6: {  	_ =	task.clear_ibuf [dreg:s7], $0xAFFFF;
	_ =	strace $0x90000046  }
0xb7: {  	s29 =	simm.s32 $0x9;
	_ =	strace $0x80000050  }
0xb8: {  	_ =	swait.ge [sflag:s29], $0x1  }
0xb9: {  	[sflag:s29] =	ssyncadd.s32 $0xFFFFFFFF  }
0xba: {  	_ =	strace $0x90000050  }
0xbb: {  	_ =	sfence  }
0xbc: {  	s30 =	sld [smem:$0x0];
	_ =	sdelay $0x2  }
0xbd: {  	s31 =	sshll.u32 s1, $0xD;
	s1 =	sshrl.u32 s1, $0x2  }
0xbe: {  	s3 =	sand.u32 $0x4000, s31;
	s1 =	sadd.s32 s1, s30  }
0xbf: {  	s0 =	sor.u32 s3, s0;
	s1 =	sshll.u32 s1, $0x11  }
0xc0: {  	s0 =	sor.u32 s1, s0  }
0xc1: {  	s0 =	sadd.s32 $0x8F2B, s0  }
0xc2: {  	[sflag:s0] =	ssyncadd.remote.s32 $0x1  }
0xc3: {  	_ =	sfence.sel $0xFFFF  }
0xc4: {  	[dreg:$0x0] =	wrdreg $0xFFFFFFFF;
	(pc) =	sbr.abs _section_cstart, $3  }
0xc5: {  	[dreg:$0x1] =	wrdreg $0xFFFFFFFF  }
0xc6: {  	_ =	task.clear_ibuf [dreg:s7], $0x2FFFF;
	_ =	strace $0x9FFFFFFF  }
0xc7: {  	(tm) =	ssettm $0x7FFFFFFF  }
tec
execute0_lowered:
.L_overlay_start_1:
0x0: {  	(tag) =	ssettag $0x1  }
0x1: {  	s2 =	rddreg [dreg:$0x1]  }
0x2: {  	s3 =	rddreg [dreg:$0x2]  }
0x3: {  	s14 =	rddreg [dreg:$0x3]  }
0x4: {  	s21 =	rddreg [dreg:$0x4]  }
0x5: {  	s7 =	rddreg [dreg:$0x6];
	s8 =	simm.s32 $0x0;
	s0 =	srdreg.scid  }
0x6: {  	s16 =	stileid.u32;
	s1 =	simm.s32 $0x7C;
	s4 =	simm.s32 $0xFFFFFFB8  }
0x7: {  	s28 =	simm.s32 $0x80;
	s29 =	simm.s32 $0x1DD08;
	s30 =	simm.s32 $0x2  }
0x8: {  	s11 =	simm.s32 $0x1DE08;
	[smem:$0x7FF] =	sst s8;
	s10 =	sadd.s32 $0xA400, s2  }
0x9: {  	s0 =	sand.u32 $0x1, s0;
	p0 =	seq.s32 s16, $0xE;
	s5 =	sadd.s32 $0x14800, s2  }
0xa: {  	s13 =	smul.u32 $0x5200, s16;
	s23 =	sadd.s32 $0x14A00, s2;
	_ =	strace $0x80000047  }
0xb: {  	s1 =	simm.s32 @!p0 $0xA4;
	p0 =	seq.s32 s16, $0xF;
	[dreg:$0x9] =	wrdreg s5  }
0xc: {  	s12 =	ssub.s32 $0x2, s0;
	s0 =	smul.u32 $0x9C400, s0;
	[dreg:$0xa] =	wrdreg s23  }
0xd: {  	s4 =	simm.s32 @!p0 $0x0;
	s6 =	sshrl.u32 s12, $0x1;
	s9 =	sor.u32 $0x80, s13  }
0xe: {  	s19 =	sshrl.u32 s13, $0x3;
	s31 =	sor.u32 $0x180, s13;
	s1 =	sadd.s32 s1, s4  }
0xf: {  	s5 =	ssub.s32 s12, s6;
	[dreg:$0xb] =	wrdreg s0;
	s20 =	sshrl.u32 s9, $0x3  }
0x10: {  	s22 =	sadd.s32 s10, s19;
	[dreg:$0x12] =	wrdreg s31;
	s4 =	simm.s32 $0x0  }
0x11: {  	s15 =	sshrl.u32 s1, $0x1;
	s18 =	smax.u32 s5, $0x1;
	[dreg:$0xd] =	wrdreg s22  }
0x12: {  	s17 =	sshrl.u32 s1, $0x2;
	s24 =	sadd.s32 s10, s20;
	[dreg:$0xc] =	wrdreg s18  }
0x13: {  	s1 =	sadd.s32 s2, s19;
	s25 =	sadd.s32 s2, s20;
	[dreg:$0xe] =	wrdreg s24  }
.Ltmp0:
0x14: {  	s22 =	simm.s32 $0x1DE58;
	[dreg:$0xf] =	wrdreg s1;
	(pc) =	sbr.rel .LBB2_1-.Ltmp0, $4  }
0x15: {  	s19 =	simm.s32 $0x5;
	[dreg:$0x10] =	wrdreg s25;
	s26 =	sadd.s32 $0xFFFFFFFF, s15  }
0x16: {  	s0 =	ssub.s32 $0x0, s17;
	s24 =	simm.s32 $0x1DB08;
	s25 =	simm.s32 $0x1DB88  }
0x17: {  	s18 =	simm.s32 $0x1D908;
	s15 =	simm.s32 $0x1D988;
	[dreg:$0x11] =	wrdreg s26  }
0x18: {  	v0 =	vimm.f32 $0.0e+00;
	v1 =	vimm.f32 $1.000000000e+00;
	[dreg:$0x8] =	wrdreg s0;
	s26 =	simm.s32 $0x1;
	s0 =	simm.s32 $0x6  }
.LBB2_43:
0x19: {  	s4 =	rddreg [dreg:$0x13]  }
0x1a: {  	s1 =	rddreg [dreg:$0xc];
	s4 =	sadd.s32 $0x1, s4  }
0x1b: {  	p0 =	sne.s32 s4, s1  }
.Ltmp1:
0x1c: {  	_ = 	snop;
	(pc) =	sbr.rel @!p0 .LBB2_44-.Ltmp1, $2  }
0x1d: {  	_ =	sdelay $0x2  }
0x1e: {  	_ =	strace $0x9000004F  }
.LBB2_1:
0x1f: {  	[dreg:$0x13] =	wrdreg s4  }
0x20: {  	s1 =	rddreg [dreg:$0x9];
	s31 =	simm.s32 $0xD  }
0x21: {  	[tilespmem:s22], [sflag:$0xD] =	stream.linear.gather [hbm4b:s1+s8], $0x800, $0x38;
	[tilespmem:$0x1E658] =	vst v63  }
0x22: {  	_ =	swait.ge [sflag:s31], $0x800  }
0x23: {  	[sflag:s31] =	ssyncset.done $0x0  }
0x24: {  	s12 =	simm.s32 $0x100;
	s4 =	simm.s32 $0x0;
	[sflag:s31] =	ssyncadd.s32 $0xFFFFF800  }
.LBB2_2:
0x25: {  	p0 =	sne.s32 s12, $0x4F00;
	[tilespmem:s4+$0x15938] =	vst v0;
	s13 =	smov.u32 s12;
	s12 =	sadd.s32 $0x100, s12  }
.Ltmp2:
0x26: {  	[tilespmem:s4+$0x15928] =	vst v0;
	(pc) =	sbr.rel @p0 .LBB2_2-.Ltmp2, $3  }
0x27: {  	[tilespmem:s4+$0x15908] =	vst v0  }
0x28: {  	[tilespmem:s4+$0x15918] =	vst v0;
	_ =	sdelay $0x1  }
0x29: {  	s4 =	sshra.s32 s13, $0x2  }
0x2a: {  	[tilespmem:s4+$0x15938] =	vst v0  }
0x2b: {  	[tilespmem:s4+$0x15928] =	vst v0  }
0x2c: {  	[tilespmem:s4+$0x15908] =	vst v0  }
0x2d: {  	[tilespmem:s4+$0x15918] =	vst v0  }
0x2e: {  	[tilespmem:$0x1DE08] =	vst v0  }
0x2f: {  	[tilespmem:$0x1DE18] =	vst v0  }
0x30: {  	[tilespmem:$0x1DE28] =	vst v0  }
0x31: {  	[tilespmem:$0x1DE38] =	vst v0  }
0x32: {  	[tilespmem:$0x1DE48] =	vst v0  }
0x33: {  	[tilespmem:$0x1DD08] =	vst v1  }
0x34: {  	[tilespmem:$0x1DD18] =	vst v1  }
0x35: {  	[tilespmem:$0x1DD28] =	vst v1  }
0x36: {  	[tilespmem:$0x1DD38] =	vst v1  }
0x37: {  	[tilespmem:$0x1DD48] =	vst v1  }
0x38: {  	s31 =	simm.s32 $0x0;
	[tilespmem:$0x1DD58] =	vst v1  }
0x39: {  	[tilespmem:$0x1DD68] =	vst v1;
	s4 =	sand.u32 $0xF, s31  }
0x3a: {  	[tilespmem:$0x1DD78] =	vst v1;
	p0 =	sne.s32 s4, s16  }
0x3b: {  	_ =	strace $0x80000048;
	s4 =	simm.s32 @!p0 $0x15908;
	s12 =	simm.s32 @!p0 $0xE  }
0x3c: {  	[spmem:s3] =	stream.linear.scatter @!p0 [tilespmem:s4], [sflag:$0xE], $0x1400, $0x200038;
	[tilespmem:$0x1E658] =	vst v63  }
0x3d: {  	_ =	swait.ge @!p0 [sflag:s12], $0x1400  }
0x3e: {  	[sflag:s12] =	ssyncset.done @!p0 $0x0  }
0x3f: {  	s13 =	simm.s32 @!p0 $0x1DE08;
	[sflag:s12] =	ssyncadd.s32 @!p0 $0xFFFFEC00;
	p0 =	por p0, p0  }
0x40: {  	[spmem:s14] =	stream.linear.scatter @!p0 [tilespmem:s13], [sflag:$0xE], $0x50, $0x200038;
	[tilespmem:$0x1E658] =	vst v63  }
0x41: {  	s1 =	stileid.u32;
	_ =	swait.ge @!p0 [sflag:s12], $0x50  }
0x42: {  	s23 =	simm.s32 $0x1;
	s20 =	simm.s32 $0x2;
	[sflag:s12] =	ssyncset.done @!p0 $0x0  }
0x43: {  	s23 =	sand.u32 $0xF, s23;
	s4 =	simm.s32 @!p0 $0xD;
	[sflag:s12] =	ssyncadd.s32 @!p0 $0xFFFFFFB0  }
0x44: {  	[spmem:s21] =	stream.linear.scatter @!p0 [tilespmem:s13], [sflag:$0xD], $0x50, $0x200038;
	[tilespmem:$0x1E658] =	vst v63  }
0x45: {  	p1 =	sne.s32 s23, s1;
	s23 =	sadd.s32 $0x1400, s3;
	_ =	swait.ge @!p0 [sflag:s4], $0x50  }
0x46: {  	s12 =	sadd.s32 $0x50, s21;
	s13 =	sadd.s32 $0x50, s14;
	[sflag:s4] =	ssyncset.done @!p0 $0x0  }
.LBB2_4:
0x47: {  	s5 =	simm.s32 @!p1 $0x15908;
	s14 =	simm.s32 @!p1 $0xE;
	[sflag:s4] =	ssyncadd.s32 @!p0 $0xFFFFFFB0  }
0x48: {  	[spmem:s23] =	stream.linear.scatter @!p1 [tilespmem:s5], [sflag:$0xE], $0x1400, $0x200038;
	[tilespmem:$0x1E658] =	vst v63  }
0x49: {  	s5 =	smov.u32 s20;
	s20 =	sadd.s32 $0x1, s20;
	_ =	swait.ge @!p1 [sflag:s14], $0x1400  }
0x4a: {  	s17 =	smov.u32 s12;
	p2 =	sne.s32 s20, $0x7D;
	[sflag:s14] =	ssyncset.done @!p1 $0x0  }
0x4b: {  	s31 =	simm.s32 @!p1 $0x1DE08;
	p0 =	por p1, p1;
	[sflag:s14] =	ssyncadd.s32 @!p1 $0xFFFFEC00  }
0x4c: {  	[spmem:s13] =	stream.linear.scatter @!p0 [tilespmem:s31], [sflag:$0xE], $0x50, $0x200038;
	[tilespmem:$0x1E658] =	vst v63  }
0x4d: {  	_ =	swait.ge @!p0 [sflag:s14], $0x50  }
.Ltmp3:
0x4e: {  	[sflag:s14] =	ssyncset.done @!p0 $0x0;
	(pc) =	sbr.rel @p2 .LBB2_4-.Ltmp3, $4  }
0x4f: {  	s12 =	sadd.s32 $0x50, s12;
	s4 =	simm.s32 @!p0 $0xD;
	[sflag:s14] =	ssyncadd.s32 @!p0 $0xFFFFFFB0  }
0x50: {  	[spmem:s17] =	stream.linear.scatter @!p0 [tilespmem:s31], [sflag:$0xD], $0x50, $0x200038;
	[tilespmem:$0x1E658] =	vst v63  }
0x51: {  	s5 =	sand.u32 $0xF, s5;
	s13 =	sadd.s32 $0x50, s13;
	_ =	swait.ge @!p0 [sflag:s4], $0x50  }
0x52: {  	s23 =	sadd.s32 $0x1400, s23;
	p1 =	sne.s32 s5, s1;
	[sflag:s4] =	ssyncset.done @!p0 $0x0  }
0x53: {  	s5 =	simm.s32 @!p1 $0x15908;
	s14 =	simm.s32 @!p1 $0xE;
	[sflag:s4] =	ssyncadd.s32 @!p0 $0xFFFFFFB0  }
0x54: {  	[spmem:s23] =	stream.linear.scatter @!p1 [tilespmem:s5], [sflag:$0xE], $0x1400, $0x200038;
	[tilespmem:$0x1E658] =	vst v63  }
0x55: {  	_ =	swait.ge @!p1 [sflag:s14], $0x1400  }
0x56: {  	[sflag:s14] =	ssyncset.done @!p1 $0x0  }
0x57: {  	s4 =	simm.s32 @!p1 $0x1DE08;
	p0 =	por p1, p1;
	[sflag:s14] =	ssyncadd.s32 @!p1 $0xFFFFEC00  }
0x58: {  	[spmem:s13] =	stream.linear.scatter @!p0 [tilespmem:s4], [sflag:$0xE], $0x50, $0x200038;
	[tilespmem:$0x1E658] =	vst v63  }
0x59: {  	_ =	swait.ge @!p0 [sflag:s14], $0x50  }
0x5a: {  	[sflag:s14] =	ssyncset.done @!p0 $0x0  }
0x5b: {  	s5 =	simm.s32 @!p0 $0xD;
	[sflag:s14] =	ssyncadd.s32 @!p0 $0xFFFFFFB0  }
0x5c: {  	[spmem:s12] =	stream.linear.scatter @!p0 [tilespmem:s4], [sflag:$0xD], $0x50, $0x200038;
	[tilespmem:$0x1E658] =	vst v63  }
0x5d: {  	_ =	swait.ge @!p0 [sflag:s5], $0x50  }
0x5e: {  	[sflag:s5] =	ssyncset.done @!p0 $0x0  }
0x5f: {  	[sflag:s5] =	ssyncadd.s32 @!p0 $0xFFFFFFB0  }
0x60: {  	_ =	strace $0x90000048  }
0x61: {  	[bflag:$0x0] =	sbarrier.arrive $0xFFFF  }
0x62: {  	_ =	strace $0x80000049  }
0x63: {  	s1 =	rddreg [dreg:$0xd]  }
0x64: {  	[tilespmem:s24], [sflag:$0x1] =	stream.linear.gather [hbm4b:s1+s8], $0x80, $0x200038;
	[tilespmem:$0x1E658] =	vst v63  }
0x65: {  	s13 =	rddreg [dreg:$0xe]  }
0x66: {  	[tilespmem:s25], [sflag:$0x2] =	stream.linear.gather [hbm4b:s13+s8], $0x80, $0x200038;
	[tilespmem:$0x1E658] =	vst v63  }
0x67: {  	_ =	swait.ge [sflag:s26], $0x80  }
0x68: {  	[sflag:s26] =	ssyncset.done $0x0  }
0x69: {  	[sflag:s26] =	ssyncadd.s32 $0xFFFFFF80  }
0x6a: {  	s17 =	rddreg [dreg:$0x3]  }
0x6b: {  	[spmem:s17] =	stream.indirect.scatter.add.f32 [tilespmem:s29], [sflag:$0x9], $0x1, s24, s28, $0x2000b8;
	[tilespmem:$0x1E658] =	vst v63  }
0x6c: {  	_ =	swait.ge [sflag:s30], $0x80  }
0x6d: {  	[sflag:s30] =	ssyncset.done $0x0  }
0x6e: {  	s14 =	simm.s32 $0x9;
	[sflag:s30] =	ssyncadd.s32 $0xFFFFFF80  }
0x6f: {  	[spmem:s17] =	stream.indirect.scatter.add.f32 [tilespmem:s29], [sflag:$0xA], $0x1, s25, s28, $0x2000b8;
	[tilespmem:$0x1E658] =	vst v63  }
0x70: {  	_ =	swait.ge [sflag:s14], $0x80  }
0x71: {  	s16 =	rddreg [dreg:$0x12]  }
0x72: {  	s21 =	sadd.s32 $0xFFFFFF80, s16  }
0x73: {  	s20 =	simm.s32 $0xA;
	[sflag:s14] =	ssyncset.done $0x0;
	s4 =	sshrl.u32 s21, $0x3  }
0x74: {  	[sflag:s14] =	ssyncadd.s32 $0xFFFFFF80;
	[dreg:$0x19] =	wrdreg s4;
	s6 =	sadd.s32 s10, s4  }
0x75: {  	[tilespmem:s24], [sflag:$0x1] =	stream.linear.gather [hbm4b:s6+s8], $0x80, $0x200038;
	[tilespmem:$0x1E658] =	vst v63  }
0x76: {  	_ =	swait.ge [sflag:s20], $0x80  }
0x77: {  	s23 =	sshrl.u32 s16, $0x3;
	[sflag:s20] =	ssyncset.done $0x0  }
0x78: {  	s9 =	sadd.s32 s10, s23;
	[dreg:$0x18] =	wrdreg s23;
	[sflag:s20] =	ssyncadd.s32 $0xFFFFFF80  }
0x79: {  	[tilespmem:s25], [sflag:$0x2] =	stream.linear.gather [hbm4b:s9+s8], $0x80, $0x200038;
	[tilespmem:$0x1E658] =	vst v63  }
0x7a: {  	_ =	swait.ge [sflag:s26], $0x80  }
0x7b: {  	[sflag:s26] =	ssyncset.done $0x0  }
0x7c: {  	[sflag:s26] =	ssyncadd.s32 $0xFFFFFF80  }
0x7d: {  	[spmem:s17] =	stream.indirect.scatter.add.f32 [tilespmem:s29], [sflag:$0x9], $0x1, s24, s28, $0x2000b8;
	[tilespmem:$0x1E658] =	vst v63  }
0x7e: {  	_ =	swait.ge [sflag:s30], $0x80  }
0x7f: {  	s31 =	rddreg [dreg:$0x11]  }
0x80: {  	p0 =	sne.s32 s31, $0x1  }
.Ltmp4:
0x81: {  	_ = 	snop;
	(pc) =	sbr.rel @!p0 .LBB2_7-.Ltmp4, $3  }
0x82: {  	_ =	sdelay $0x1  }
0x83: {  	s1 =	simm.s32 $0x9;
	[sflag:s30] =	ssyncset.done $0x0  }
0x84: {  	s13 =	sadd.s32 $0x100, s16;
	s12 =	sadd.s32 $0xFFFFFFFF, s31;
	[sflag:s30] =	ssyncadd.s32 $0xFFFFFF80  }
.LBB2_6:
0x85: {  	[spmem:s17] =	stream.indirect.scatter.add.f32 [tilespmem:s29], [sflag:$0xA], $0x1, s25, s28, $0x2000b8;
	[tilespmem:$0x1E658] =	vst v63  }
0x86: {  	s4 =	sadd.s32 $0xFFFFFF80, s13;
	p1 =	sne.s32 s12, $0x1;
	_ =	swait.ge [sflag:s1], $0x80  }
0x87: {  	s12 =	sadd.s32 $0xFFFFFFFF, s12;
	s4 =	sshrl.u32 s4, $0x3;
	[sflag:s1] =	ssyncset.done $0x0  }
0x88: {  	s4 =	sadd.s32 s10, s4;
	[sflag:s1] =	ssyncadd.s32 $0xFFFFFF80  }
0x89: {  	[tilespmem:s24], [sflag:$0x1] =	stream.linear.gather [hbm4b:s4+s8], $0x80, $0x200038;
	[tilespmem:$0x1E658] =	vst v63  }
0x8a: {  	_ =	swait.ge [sflag:s20], $0x80  }
0x8b: {  	s4 =	sshrl.u32 s13, $0x3;
	[sflag:s20] =	ssyncset.done $0x0  }
0x8c: {  	s4 =	sadd.s32 s10, s4;
	[sflag:s20] =	ssyncadd.s32 $0xFFFFFF80  }
0x8d: {  	[tilespmem:s25], [sflag:$0x2] =	stream.linear.gather [hbm4b:s4+s8], $0x80, $0x200038;
	[tilespmem:$0x1E658] =	vst v63  }
0x8e: {  	_ =	swait.ge [sflag:s26], $0x80  }
0x8f: {  	[sflag:s26] =	ssyncset.done $0x0  }
.Ltmp5:
0x90: {  	[sflag:s26] =	ssyncadd.s32 $0xFFFFFF80;
	(pc) =	sbr.rel @p1 .LBB2_6-.Ltmp5, $4  }
0x91: {  	[spmem:s17] =	stream.indirect.scatter.add.f32 [tilespmem:s29], [sflag:$0x9], $0x1, s24, s28, $0x2000b8;
	[tilespmem:$0x1E658] =	vst v63  }
0x92: {  	_ =	swait.ge [sflag:s30], $0x80  }
0x93: {  	[sflag:s30] =	ssyncset.done $0x0  }
0x94: {  	s13 =	sadd.s32 $0x100, s13;
	[sflag:s30] =	ssyncadd.s32 $0xFFFFFF80  }
.LBB2_7:
0x95: {  	[spmem:s17] =	stream.indirect.scatter.add.f32 [tilespmem:s29], [sflag:$0xA], $0x1, s25, s28, $0x2000b8;
	[tilespmem:$0x1E658] =	vst v63  }
0x96: {  	_ =	swait.ge [sflag:s1], $0x80  }
0x97: {  	[sflag:s1] =	ssyncset.done $0x0  }
0x98: {  	[sflag:s1] =	ssyncadd.s32 $0xFFFFFF80  }
0x99: {  	_ =	swait.ge [sflag:s20], $0x80  }
0x9a: {  	[sflag:s20] =	ssyncset.done $0x0  }
0x9b: {  	[sflag:s20] =	ssyncadd.s32 $0xFFFFFF80  }
0x9c: {  	_ =	strace $0x90000049  }
.Ltmp6:
0x9d: {  	[bflag:$0x0] =	sbarrier.arrive $0xFFFF;
	(pc) =	sbr.rel .LBB2_8-.Ltmp6, $4  }
0x9e: {  	_ =	strace $0x8000004A  }
0x9f: {  	s14 =	rddreg [dreg:$0x0]  }
0xa0: {  	s13 =	simm.s32 $0x0;
	s5 =	stileid.u32;
	s31 =	rddreg [dreg:$0x5]  }
0xa1: {  	s23 =	simm.s32 $0x1DD88;
	s1 =	simm.s32 $0xD;
	s21 =	rddreg [dreg:$0xb]  }
.LBB2_14:
0xa2: {  	s13 =	sadd.s32 $0x1, s13  }
0xa3: {  	p1 =	sne.s32 s13, $0x7D  }
.Ltmp7:
0xa4: {  	_ = 	snop;
	(pc) =	sbr.rel @!p1 .LBB2_15-.Ltmp7, $1  }
0xa5: {  	_ =	sdelay $0x3  }
.LBB2_8:
0xa6: {  	s4 =	sand.u32 $0xF, s13  }
0xa7: {  	p1 =	sne.s32 s4, s5  }
.Ltmp8:
0xa8: {  	_ = 	snop;
	(pc) =	sbr.rel @p1 .LBB2_14-.Ltmp8, $1  }
0xa9: {  	_ =	sdelay $0x3  }
0xaa: {  	s5 =	smul.u32 $0x50, s13;
	_ =	sdelay $0x1  }
0xab: {  	s20 =	simm.s32 $0xE;
	s4 =	sadd.s32 s5, s17  }
0xac: {  	[tilespmem:s11], [sflag:$0xE] =	stream.linear.gather [spmem:s4], $0x50, $0x200038;
	[tilespmem:$0x1E658] =	vst v63  }
0xad: {  	_ =	swait.ge [sflag:s20], $0x50  }
0xae: {  	s23 =	simm.s32 $0x15908;
	[sflag:s20] =	ssyncset.done $0x0  }
0xaf: {  	s12 =	simm.s32 $0x40;
	[sflag:s20] =	ssyncadd.s32 $0xFFFFFFB0;
	s20 =	simm.s32 $0x0  }
.LBB2_10:
0xb0: {  	p1 =	sne.s32 s12, $0x100;
	v2 =	vld [tilespmem:s20+$0x1DE08];
	_ =	sdelay $0x4  }
0xb1: {  	v3 =	vtrunc.f32 v2  }
0xb2: {  	v3 =	vcvt.f32.s32 v3;
	_ =	sdelay $0x1  }
0xb3: {  	vm0 =	vlt.s32 v3, $0x7FF  }
0xb4: {  	v3 =	vnsel vm0, $0x7FF, v3;
	_ =	sdelay $0x4  }
0xb5: {  	v3 =	vld.idx.msk [tilespmem:v3+s22+$0x0], $0xffff;
	_ =	sdelay $0x5  }
0xb6: {  	v3 =	vmul.f32 v3, v2;
	_ =	sdelay $0x1  }
0xb7: {  	(erf) = vrcp.f32 v3;
	_ =	sdelay $0x8  }
0xb8: {  	v4 =	vpop (erf)  }
0xb9: {  	v4 =	vmul.f32 v4, v2;
	_ =	sdelay $0x1  }
0xba: {  	v3 =	vadd.f32 v4, v3;
	_ =	sdelay $0x1  }
0xbb: {  	v3 =	vmul.f32 $5.000000000e-01, v3;
	_ =	sdelay $0x1  }
0xbc: {  	(erf) = vrcp.f32 v3;
	_ =	sdelay $0x8  }
0xbd: {  	v4 =	vpop (erf)  }
0xbe: {  	v4 =	vmul.f32 v4, v2;
	_ =	sdelay $0x1  }
0xbf: {  	v3 =	vadd.f32 v4, v3;
	_ =	sdelay $0x1  }
0xc0: {  	v3 =	vmul.f32 $5.000000000e-01, v3;
	_ =	sdelay $0x1  }
0xc1: {  	(erf) = vrcp.f32 v3;
	_ =	sdelay $0x8  }
0xc2: {  	v4 =	vpop (erf)  }
0xc3: {  	v4 =	vmul.f32 v4, v2;
	_ =	sdelay $0x1  }
0xc4: {  	v3 =	vadd.f32 v4, v3;
	_ =	sdelay $0x1  }
0xc5: {  	v3 =	vmul.f32 $5.000000000e-01, v3;
	_ =	sdelay $0x1  }
0xc6: {  	(erf) = vrcp.f32 v3;
	_ =	sdelay $0x8  }
0xc7: {  	v4 =	vpop (erf)  }
0xc8: {  	v4 =	vmul.f32 v4, v2;
	_ =	sdelay $0x1  }
0xc9: {  	v3 =	vadd.f32 v4, v3;
	_ =	sdelay $0x1  }
0xca: {  	v3 =	vmul.f32 $5.000000000e-01, v3;
	_ =	sdelay $0x1  }
0xcb: {  	(erf) = vrcp.f32 v3;
	_ =	sdelay $0x8  }
0xcc: {  	v4 =	vpop (erf)  }
0xcd: {  	v4 =	vmul.f32 v4, v2;
	_ =	sdelay $0x1  }
0xce: {  	v3 =	vadd.f32 v4, v3;
	_ =	sdelay $0x1  }
0xcf: {  	v3 =	vmul.f32 $5.000000000e-01, v3;
	_ =	sdelay $0x1  }
0xd0: {  	(erf) = vrcp.f32 v3;
	_ =	sdelay $0x8  }
0xd1: {  	v4 =	vpop (erf)  }
0xd2: {  	v4 =	vmul.f32 v4, v2;
	_ =	sdelay $0x1  }
0xd3: {  	v3 =	vadd.f32 v4, v3;
	_ =	sdelay $0x1  }
0xd4: {  	v3 =	vmul.f32 $5.000000000e-01, v3;
	_ =	sdelay $0x1  }
0xd5: {  	(erf) = vrcp.f32 v3;
	_ =	sdelay $0x8  }
0xd6: {  	v4 =	vpop (erf)  }
0xd7: {  	v4 =	vmul.f32 v4, v2;
	_ =	sdelay $0x1  }
0xd8: {  	v3 =	vadd.f32 v4, v3;
	_ =	sdelay $0x1  }
0xd9: {  	v3 =	vmul.f32 $5.000000000e-01, v3;
	_ =	sdelay $0x1  }
0xda: {  	(erf) = vrcp.f32 v3;
	_ =	sdelay $0x5  }
0xdb: {  	(erf) = vrcp.f32 v2;
	_ =	sdelay $0x2  }
0xdc: {  	v4 =	vpop (erf)  }
0xdd: {  	v2 =	vmul.f32 v4, v2;
	_ =	sdelay $0x1  }
0xde: {  	v2 =	vadd.f32 v2, v3;
	_ =	sdelay $0x1  }
.Ltmp9:
0xdf: {  	v2 =	vmul.f32 $5.000000000e-01, v2;
	(pc) =	sbr.rel @p1 .LBB2_10-.Ltmp9, $3  }
0xe0: {  	v3 =	vpop (erf)  }
0xe1: {  	v2 =	vmul.f32 v2, v3;
	_ =	sdelay $0x1  }
0xe2: {  	[tilespmem:s20+$0x1DE08] =	vst v2;
	s20 =	sshra.s32 s12, $0x2;
	s12 =	sadd.s32 $0x40, s12  }
0xe3: {  	v2 =	vld [tilespmem:s20+$0x1DE08];
	_ =	sdelay $0x4  }
0xe4: {  	v3 =	vtrunc.f32 v2  }
0xe5: {  	v3 =	vcvt.f32.s32 v3;
	_ =	sdelay $0x1  }
0xe6: {  	vm0 =	vlt.s32 v3, $0x7FF  }
0xe7: {  	v3 =	vnsel vm0, $0x7FF, v3;
	_ =	sdelay $0x4  }
0xe8: {  	v3 =	vld.idx.msk [tilespmem:v3+s22+$0x0], $0xffff;
	_ =	sdelay $0x4  }
0xe9: {  	v3 =	vmul.f32 v3, v2;
	_ =	sdelay $0x1  }
0xea: {  	(erf) = vrcp.f32 v3;
	_ =	sdelay $0x8  }
0xeb: {  	v4 =	vpop (erf)  }
0xec: {  	v4 =	vmul.f32 v4, v2;
	_ =	sdelay $0x1  }
0xed: {  	v3 =	vadd.f32 v4, v3;
	_ =	sdelay $0x1  }
0xee: {  	v3 =	vmul.f32 $5.000000000e-01, v3;
	_ =	sdelay $0x1  }
0xef: {  	(erf) = vrcp.f32 v3;
	_ =	sdelay $0x8  }
0xf0: {  	v4 =	vpop (erf)  }
0xf1: {  	v4 =	vmul.f32 v4, v2;
	_ =	sdelay $0x1  }
0xf2: {  	v3 =	vadd.f32 v4, v3;
	_ =	sdelay $0x1  }
0xf3: {  	v3 =	vmul.f32 $5.000000000e-01, v3;
	_ =	sdelay $0x1  }
0xf4: {  	(erf) = vrcp.f32 v3;
	_ =	sdelay $0x8  }
0xf5: {  	v4 =	vpop (erf)  }
0xf6: {  	v4 =	vmul.f32 v4, v2;
	_ =	sdelay $0x1  }
0xf7: {  	v3 =	vadd.f32 v4, v3;
	_ =	sdelay $0x1  }
0xf8: {  	v3 =	vmul.f32 $5.000000000e-01, v3;
	_ =	sdelay $0x1  }
0xf9: {  	(erf) = vrcp.f32 v3;
	_ =	sdelay $0x8  }
0xfa: {  	v4 =	vpop (erf)  }
0xfb: {  	v4 =	vmul.f32 v4, v2;
	_ =	sdelay $0x1  }
0xfc: {  	v3 =	vadd.f32 v4, v3;
	_ =	sdelay $0x1  }
0xfd: {  	v3 =	vmul.f32 $5.000000000e-01, v3;
	_ =	sdelay $0x1  }
0xfe: {  	(erf) = vrcp.f32 v3;
	_ =	sdelay $0x8  }
0xff: {  	v4 =	vpop (erf)  }
0x100: {  	v4 =	vmul.f32 v4, v2;
	_ =	sdelay $0x1  }
0x101: {  	v3 =	vadd.f32 v4, v3;
	_ =	sdelay $0x1  }
0x102: {  	v3 =	vmul.f32 $5.000000000e-01, v3;
	_ =	sdelay $0x1  }
0x103: {  	(erf) = vrcp.f32 v3;
	_ =	sdelay $0x8  }
0x104: {  	v4 =	vpop (erf)  }
0x105: {  	v4 =	vmul.f32 v4, v2;
	_ =	sdelay $0x1  }
0x106: {  	v3 =	vadd.f32 v4, v3;
	_ =	sdelay $0x1  }
0x107: {  	v3 =	vmul.f32 $5.000000000e-01, v3;
	_ =	sdelay $0x1  }
0x108: {  	(erf) = vrcp.f32 v3;
	_ =	sdelay $0x8  }
0x109: {  	v4 =	vpop (erf)  }
0x10a: {  	v4 =	vmul.f32 v4, v2;
	_ =	sdelay $0x1  }
0x10b: {  	v3 =	vadd.f32 v4, v3;
	_ =	sdelay $0x1  }
0x10c: {  	v3 =	vmul.f32 $5.000000000e-01, v3;
	_ =	sdelay $0x1  }
0x10d: {  	(erf) = vrcp.f32 v3;
	_ =	sdelay $0x5  }
0x10e: {  	(erf) = vrcp.f32 v2;
	_ =	sdelay $0x2  }
0x10f: {  	v4 =	vpop (erf)  }
0x110: {  	v2 =	vmul.f32 v4, v2;
	_ =	sdelay $0x1  }
0x111: {  	v2 =	vadd.f32 v2, v3;
	_ =	sdelay $0x1  }
0x112: {  	v2 =	vmul.f32 $5.000000000e-01, v2  }
0x113: {  	v3 =	vpop (erf)  }
0x114: {  	v2 =	vmul.f32 v2, v3  }
0x115: {  	s4 =	sadd.s32 s5, s31  }
0x116: {  	s16 =	smov.u32 s13;
	s12 =	smul.u32 $0x1400, s13;
	s13 =	simm.s32 $0xE;
	[tilespmem:s20+$0x1DE08] =	vst v2  }
0x117: {  	[spmem:s4] =	stream.linear.scatter [tilespmem:s11], [sflag:$0xE], $0x50, $0x200038;
	[tilespmem:$0x1E658] =	vst v63  }
0x118: {  	s5 =	sadd.s32 s21, s12;
	_ =	swait.ge [sflag:s13], $0x50  }
0x119: {  	s4 =	sshrl.u32 s5, $0x3;
	[sflag:s13] =	ssyncset.done $0x0  }
0x11a: {  	s20 =	simm.s32 $0x0;
	s4 =	sadd.s32 s14, s4;
	[sflag:s13] =	ssyncadd.s32 $0xFFFFFFB0  }
0x11b: {  	[tilespmem:s23], [sflag:$0xE] =	stream.linear.gather [hbm4b:s4+s20], $0x1400, $0x200038;
	[tilespmem:$0x1E658] =	vst v63  }
0x11c: {  	v2 =	vmov s20;
	_ =	swait.ge [sflag:s13], $0x1400  }
0x11d: {  	[sflag:s13] =	ssyncset.done $0x0  }
0x11e: {  	[sflag:s13] =	ssyncadd.s32 $0xFFFFEC00;
	s13 =	simm.s32 $0x15928  }
0x11f: {  	v4 =	vld [tilespmem:s13+$0xFFFFFFF0]  }
0x120: {  	v5 =	vld [tilespmem:s13+$0x10]  }
0x121: {  	v7 =	vld.idx.msk [tilespmem:v2+s11+$0x0], $0xffff  }
0x122: {  	v2 =	vld [tilespmem:s13+$0xFFFFFFE0]  }
0x123: {  	v8 =	vld [tilespmem:s13+$0x0];
	_ =	sdelay $0x3  }
0x124: {  	s23 =	simm.s32 $0x1;
	v3 =	vmul.f32 v2, v7;
	v6 =	vmul.f32 v5, v7  }
0x125: {  	s20 =	simm.s32 $0x2;
	v2 =	vmov s23;
	v5 =	vmul.f32 v4, v7;
	v4 =	vmul.f32 v8, v7;
	s23 =	simm.s32 $0x15928  }
.LBB2_12:
0x126: {  	p1 =	sne.s32 s20, $0x4F  }
0x127: {  	[tilespmem:s13+$0x10] =	vst v6;
	s23 =	sadd.s32 $0x40, s23;
	s4 =	smov.u32 s20;
	s20 =	sadd.s32 $0x1, s20  }
0x128: {  	[tilespmem:s13+$0xFFFFFFE0] =	vst v3  }
0x129: {  	v7 =	vld [tilespmem:s23+$0xFFFFFFF0];
	[tilespmem:s13+$0xFFFFFFF0] =	vst v5  }
0x12a: {  	v5 =	vld [tilespmem:s23+$0x10];
	[tilespmem:s13+$0x0] =	vst v4;
	s13 =	smov.u32 s23  }
0x12b: {  	v4 =	vld.idx.msk [tilespmem:v2+s11+$0x0], $0xffff  }
0x12c: {  	v2 =	vld [tilespmem:s23+$0xFFFFFFE0]  }
0x12d: {  	v8 =	vld [tilespmem:s23+$0x0]  }
.Ltmp10:
0x12e: {  	(pc) =	sbr.rel @p1 .LBB2_12-.Ltmp10, $3  }
0x12f: {  	_ =	sdelay $0x1  }
0x130: {  	v6 =	vmul.f32 v5, v4;
	v3 =	vmul.f32 v2, v4  }
0x131: {  	v5 =	vmul.f32 v7, v4;
	v2 =	vmov s4;
	v4 =	vmul.f32 v8, v4  }
0x132: {  	[tilespmem:s13+$0x10] =	vst v6  }
0x133: {  	s4 =	sadd.s32 $0x40, s23;
	[tilespmem:s13+$0xFFFFFFE0] =	vst v3  }
0x134: {  	v3 =	vld [tilespmem:s4+$0xFFFFFFF0];
	[tilespmem:s13+$0xFFFFFFF0] =	vst v5  }
0x135: {  	v5 =	vld [tilespmem:s4+$0x10];
	[tilespmem:s13+$0x0] =	vst v4  }
0x136: {  	v2 =	vld.idx.msk [tilespmem:v2+s11+$0x0], $0xffff  }
0x137: {  	v4 =	vld [tilespmem:s4+$0xFFFFFFE0];
	_ =	sdelay $0x1  }
0x138: {  	v6 =	vld [tilespmem:s4+$0x0];
	_ =	sdelay $0x1  }
0x139: {  	v5 =	vmul.f32 v5, v2  }
0x13a: {  	v4 =	vmul.f32 v4, v2  }
0x13b: {  	v3 =	vmul.f32 v3, v2;
	[tilespmem:s4+$0x10] =	vst v5  }
0x13c: {  	v2 =	vmul.f32 v6, v2;
	[tilespmem:s4+$0xFFFFFFE0] =	vst v4  }
0x13d: {  	[tilespmem:s4+$0xFFFFFFF0] =	vst v3  }
.Ltmp11:
0x13e: {  	s23 =	sadd.s32 s12, s7;
	s5 =	simm.s32 $0x15908;
	[tilespmem:s4+$0x0] =	vst v2;
	(pc) =	sbr.rel .LBB2_14-.Ltmp11, $4  }
0x13f: {  	[spmem:s23] =	stream.linear.scatter [tilespmem:s5], [sflag:$0xD], $0x1400, $0x200038;
	[tilespmem:$0x1E658] =	vst v63  }
0x140: {  	_ =	swait.ge [sflag:s1], $0x1400  }
0x141: {  	s20 =	simm.s32 $0xA;
	s13 =	smov.u32 s16;
	[sflag:s1] =	ssyncset.done $0x0  }
0x142: {  	s5 =	stileid.u32;
	s23 =	simm.s32 $0x1DD88;
	[sflag:s1] =	ssyncadd.s32 $0xFFFFEC00  }
.LBB2_15:
0x143: {  	_ =	strace $0x9000004A  }
0x144: {  	[bflag:$0x0] =	sbarrier.arrive $0xFFFF  }
0x145: {  	_ =	strace $0x8000004B  }
0x146: {  	s4 =	rddreg [dreg:$0xf]  }
0x147: {  	[tilespmem:s18], [sflag:$0x1] =	stream.linear.gather [hbm4b:s4+s8], $0x80, $0x200038;
	[tilespmem:$0x1E658] =	vst v63  }
0x148: {  	s21 =	rddreg [dreg:$0xd]  }
0x149: {  	[tilespmem:s24], [sflag:$0x1] =	stream.linear.gather [hbm4b:s21+s8], $0x80, $0x200038;
	[tilespmem:$0x1E658] =	vst v63  }
0x14a: {  	s1 =	rddreg [dreg:$0x10]  }
0x14b: {  	[tilespmem:s15], [sflag:$0x2] =	stream.linear.gather [hbm4b:s1+s8], $0x80, $0x200038;
	[tilespmem:$0x1E658] =	vst v63  }
0x14c: {  	s5 =	rddreg [dreg:$0xe]  }
0x14d: {  	[tilespmem:s25], [sflag:$0x2] =	stream.linear.gather [hbm4b:s5+s8], $0x80, $0x200038;
	[tilespmem:$0x1E658] =	vst v63  }
0x14e: {  	_ =	swait.ge [sflag:s26], $0x80  }
0x14f: {  	[sflag:s26] =	ssyncset.done $0x0  }
0x150: {  	[sflag:s26] =	ssyncadd.s32 $0xFFFFFF80  }
0x151: {  	_ =	swait.ge [sflag:s26], $0x80  }
0x152: {  	[sflag:s26] =	ssyncset.done $0x0  }
0x153: {  	[sflag:s26] =	ssyncadd.s32 $0xFFFFFF80  }
0x154: {  	[tilespmem:s29], [sflag:$0x5] =	stream.indirect.gather [spmem:s31], $0x1, s18, s28, $0x2000b8;
	[tilespmem:$0x1E658] =	vst v63  }
0x155: {  	_ =	swait.ge [sflag:s30], $0x80  }
0x156: {  	[sflag:s30] =	ssyncset.done $0x0  }
0x157: {  	[sflag:s30] =	ssyncadd.s32 $0xFFFFFF80  }
0x158: {  	_ =	swait.ge [sflag:s30], $0x80  }
0x159: {  	[sflag:s30] =	ssyncset.done $0x0  }
0x15a: {  	[sflag:s30] =	ssyncadd.s32 $0xFFFFFF80  }
0x15b: {  	[tilespmem:s23], [sflag:$0x6] =	stream.indirect.gather [spmem:s31], $0x1, s15, s28, $0x2000b8;
	[tilespmem:$0x1E658] =	vst v63  }
0x15c: {  	_ =	swait.ge [sflag:s19], $0x80  }
0x15d: {  	[sflag:s19] =	ssyncset.done $0x0  }
0x15e: {  	[sflag:s19] =	ssyncadd.s32 $0xFFFFFF80  }
0x15f: {  	s14 =	rddreg [dreg:$0x4]  }
0x160: {  	[spmem:s14] =	stream.indirect.scatter.add.f32 [tilespmem:s29], [sflag:$0x9], $0x1, s24, s28, $0x2000b8;
	[tilespmem:$0x1E658] =	vst v63  }
0x161: {  	_ =	swait.ge [sflag:s0], $0x80  }
0x162: {  	[sflag:s0] =	ssyncset.done $0x0  }
0x163: {  	s1 =	simm.s32 $0x9;
	[sflag:s0] =	ssyncadd.s32 $0xFFFFFF80  }
0x164: {  	[spmem:s14] =	stream.indirect.scatter.add.f32 [tilespmem:s23], [sflag:$0xA], $0x1, s25, s28, $0x2000b8;
	[tilespmem:$0x1E658] =	vst v63  }
0x165: {  	_ =	swait.ge [sflag:s1], $0x80  }
0x166: {  	[sflag:s1] =	ssyncset.done $0x0;
	s12 =	rddreg [dreg:$0x19]  }
0x167: {  	[sflag:s1] =	ssyncadd.s32 $0xFFFFFF80;
	s16 =	sadd.s32 s2, s12  }
0x168: {  	[tilespmem:s18], [sflag:$0x1] =	stream.linear.gather [hbm4b:s16+s8], $0x80, $0x200038;
	[tilespmem:$0x1E658] =	vst v63  }
0x169: {  	_ = 	snop  }
0x16a: {  	[tilespmem:s24], [sflag:$0x1] =	stream.linear.gather [hbm4b:s6+s8], $0x80, $0x200038;
	[tilespmem:$0x1E658] =	vst v63  }
0x16b: {  	_ =	swait.ge [sflag:s20], $0x80  }
0x16c: {  	[sflag:s20] =	ssyncset.done $0x0;
	s13 =	rddreg [dreg:$0x18]  }
0x16d: {  	[sflag:s20] =	ssyncadd.s32 $0xFFFFFF80;
	s4 =	sadd.s32 s2, s13  }
0x16e: {  	[tilespmem:s15], [sflag:$0x2] =	stream.linear.gather [hbm4b:s4+s8], $0x80, $0x200038;
	[tilespmem:$0x1E658] =	vst v63  }
0x16f: {  	[dreg:$0x17] =	wrdreg s4  }
0x170: {  	[tilespmem:s25], [sflag:$0x2] =	stream.linear.gather [hbm4b:s9+s8], $0x80, $0x200038;
	[tilespmem:$0x1E658] =	vst v63  }
0x171: {  	_ =	swait.ge [sflag:s26], $0x80  }
0x172: {  	[sflag:s26] =	ssyncset.done $0x0  }
0x173: {  	[sflag:s26] =	ssyncadd.s32 $0xFFFFFF80  }
0x174: {  	_ =	swait.ge [sflag:s26], $0x80  }
0x175: {  	[sflag:s26] =	ssyncset.done $0x0  }
0x176: {  	[sflag:s26] =	ssyncadd.s32 $0xFFFFFF80  }
0x177: {  	[tilespmem:s29], [sflag:$0x5] =	stream.indirect.gather [spmem:s31], $0x1, s18, s28, $0x2000b8;
	[tilespmem:$0x1E658] =	vst v63  }
0x178: {  	_ =	swait.ge [sflag:s30], $0x80  }
0x179: {  	[sflag:s30] =	ssyncset.done $0x0  }
0x17a: {  	[sflag:s30] =	ssyncadd.s32 $0xFFFFFF80  }
0x17b: {  	_ =	swait.ge [sflag:s30], $0x80  }
0x17c: {  	[sflag:s30] =	ssyncset.done $0x0  }
0x17d: {  	[sflag:s30] =	ssyncadd.s32 $0xFFFFFF80  }
0x17e: {  	[tilespmem:s23], [sflag:$0x6] =	stream.indirect.gather [spmem:s31], $0x1, s15, s28, $0x2000b8;
	[tilespmem:$0x1E658] =	vst v63  }
0x17f: {  	_ =	swait.ge [sflag:s19], $0x80  }
0x180: {  	[sflag:s19] =	ssyncset.done $0x0  }
0x181: {  	[sflag:s19] =	ssyncadd.s32 $0xFFFFFF80  }
0x182: {  	[spmem:s14] =	stream.indirect.scatter.add.f32 [tilespmem:s29], [sflag:$0x9], $0x1, s24, s28, $0x2000b8;
	[tilespmem:$0x1E658] =	vst v63  }
.Ltmp12:
0x183: {  	_ = 	snop;
	(pc) =	sbr.rel @!p0 .LBB2_17-.Ltmp12, $4  }
0x184: {  	_ =	swait.ge [sflag:s0], $0x80  }
0x185: {  	s17 =	rddreg [dreg:$0x11]  }
0x186: {  	[sflag:s0] =	ssyncset.done $0x0;
	s21 =	rddreg [dreg:$0x12]  }
0x187: {  	s12 =	sadd.s32 $0xFFFFFFFF, s17;
	[sflag:s0] =	ssyncadd.s32 $0xFFFFFF80;
	s13 =	sadd.s32 $0x100, s21  }
.LBB2_16:
0x188: {  	[spmem:s14] =	stream.indirect.scatter.add.f32 [tilespmem:s23], [sflag:$0xA], $0x1, s25, s28, $0x2000b8;
	[tilespmem:$0x1E658] =	vst v63  }
0x189: {  	s4 =	sadd.s32 $0xFFFFFF80, s13;
	p0 =	sne.s32 s12, $0x1;
	_ =	swait.ge [sflag:s1], $0x80  }
0x18a: {  	s12 =	sadd.s32 $0xFFFFFFFF, s12;
	s4 =	sshrl.u32 s4, $0x3;
	[sflag:s1] =	ssyncset.done $0x0  }
0x18b: {  	s5 =	sadd.s32 s2, s4;
	[sflag:s1] =	ssyncadd.s32 $0xFFFFFF80  }
0x18c: {  	[tilespmem:s18], [sflag:$0x1] =	stream.linear.gather [hbm4b:s5+s8], $0x80, $0x200038;
	[tilespmem:$0x1E658] =	vst v63  }
0x18d: {  	s4 =	sadd.s32 s10, s4  }
0x18e: {  	[tilespmem:s24], [sflag:$0x1] =	stream.linear.gather [hbm4b:s4+s8], $0x80, $0x200038;
	[tilespmem:$0x1E658] =	vst v63  }
0x18f: {  	_ =	swait.ge [sflag:s20], $0x80  }
0x190: {  	s4 =	sshrl.u32 s13, $0x3;
	[sflag:s20] =	ssyncset.done $0x0  }
0x191: {  	s5 =	sadd.s32 s2, s4;
	[sflag:s20] =	ssyncadd.s32 $0xFFFFFF80  }
0x192: {  	[tilespmem:s15], [sflag:$0x2] =	stream.linear.gather [hbm4b:s5+s8], $0x80, $0x200038;
	[tilespmem:$0x1E658] =	vst v63  }
0x193: {  	s4 =	sadd.s32 s10, s4  }
0x194: {  	[tilespmem:s25], [sflag:$0x2] =	stream.linear.gather [hbm4b:s4+s8], $0x80, $0x200038;
	[tilespmem:$0x1E658] =	vst v63  }
0x195: {  	_ =	swait.ge [sflag:s26], $0x80  }
0x196: {  	[sflag:s26] =	ssyncset.done $0x0  }
0x197: {  	[sflag:s26] =	ssyncadd.s32 $0xFFFFFF80  }
0x198: {  	_ =	swait.ge [sflag:s26], $0x80  }
0x199: {  	[sflag:s26] =	ssyncset.done $0x0  }
0x19a: {  	[sflag:s26] =	ssyncadd.s32 $0xFFFFFF80  }
0x19b: {  	[tilespmem:s29], [sflag:$0x5] =	stream.indirect.gather [spmem:s31], $0x1, s18, s28, $0x2000b8;
	[tilespmem:$0x1E658] =	vst v63  }
0x19c: {  	_ =	swait.ge [sflag:s30], $0x80  }
0x19d: {  	[sflag:s30] =	ssyncset.done $0x0  }
0x19e: {  	[sflag:s30] =	ssyncadd.s32 $0xFFFFFF80  }
0x19f: {  	_ =	swait.ge [sflag:s30], $0x80  }
0x1a0: {  	[sflag:s30] =	ssyncset.done $0x0  }
0x1a1: {  	[sflag:s30] =	ssyncadd.s32 $0xFFFFFF80  }
0x1a2: {  	[tilespmem:s23], [sflag:$0x6] =	stream.indirect.gather [spmem:s31], $0x1, s15, s28, $0x2000b8;
	[tilespmem:$0x1E658] =	vst v63  }
0x1a3: {  	_ =	swait.ge [sflag:s19], $0x80  }
0x1a4: {  	[sflag:s19] =	ssyncset.done $0x0  }
.Ltmp13:
0x1a5: {  	[sflag:s19] =	ssyncadd.s32 $0xFFFFFF80;
	(pc) =	sbr.rel @p0 .LBB2_16-.Ltmp13, $4  }
0x1a6: {  	[spmem:s14] =	stream.indirect.scatter.add.f32 [tilespmem:s29], [sflag:$0x9], $0x1, s24, s28, $0x2000b8;
	[tilespmem:$0x1E658] =	vst v63  }
0x1a7: {  	_ =	swait.ge [sflag:s0], $0x80  }
0x1a8: {  	[sflag:s0] =	ssyncset.done $0x0  }
0x1a9: {  	s13 =	sadd.s32 $0x100, s13;
	[sflag:s0] =	ssyncadd.s32 $0xFFFFFF80  }
.LBB2_17:
0x1aa: {  	[dreg:$0x15] =	wrdreg s9  }
0x1ab: {  	[spmem:s14] =	stream.indirect.scatter.add.f32 [tilespmem:s23], [sflag:$0xA], $0x1, s25, s28, $0x2000b8;
	[tilespmem:$0x1E658] =	vst v63  }
0x1ac: {  	_ =	swait.ge [sflag:s1], $0x80  }
0x1ad: {  	[sflag:s1] =	ssyncset.done $0x0  }
0x1ae: {  	[sflag:s1] =	ssyncadd.s32 $0xFFFFFF80  }
0x1af: {  	_ =	swait.ge [sflag:s20], $0x80  }
0x1b0: {  	[sflag:s20] =	ssyncset.done $0x0  }
0x1b1: {  	[sflag:s20] =	ssyncadd.s32 $0xFFFFFF80  }
0x1b2: {  	_ =	strace $0x9000004B  }
0x1b3: {  	s31 =	rddreg [dreg:$0x8]  }
0x1b4: {  	p1 =	sne.s32 s31, $0xFFFFFFFF  }
.Ltmp14:
0x1b5: {  	_ = 	snop;
	(pc) =	sbr.rel @!p1 .LBB2_18-.Ltmp14, $3  }
0x1b6: {  	_ =	sdelay $0x1  }
0x1b7: {  	_ =	strace $0x8000004C;
	[dreg:$0x14] =	wrdreg s6  }
0x1b8: {  	p2 =	por $0x1, $0x1;
	p0 =	por $0x0, $0x0;
	[dreg:$0x16] =	wrdreg s16  }
0x1b9: {  	s4 =	simm.s32 @!p2 $0x9  }
0x1ba: {  	_ =	swait.ge @!p2 [sflag:s4], $0x2000  }
0x1bb: {  	s12 =	rddreg [dreg:$0x12]  }
0x1bc: {  	s5 =	sadd.s32 $0xFFFFFE80, s12  }
0x1bd: {  	[sflag:s4] =	ssyncset.done @!p2 $0x0;
	s5 =	sshrl.u32 s5, $0x3  }
0x1be: {  	[sflag:s4] =	ssyncadd.s32 @!p2 $0xFFFFE000;
	s1 =	sadd.s32 s2, s5  }
0x1bf: {  	[tilespmem:s18], [sflag:$0x1] =	stream.linear.gather [hbm4b:s1+s8], $0x80, $0x200038;
	[tilespmem:$0x1E658] =	vst v63  }
0x1c0: {  	s9 =	sadd.s32 s10, s5;
	s5 =	simm.s32 @!p2 $0xA  }
0x1c1: {  	[tilespmem:s24], [sflag:$0x1] =	stream.linear.gather [hbm4b:s9+s8], $0x80, $0x200038;
	[tilespmem:$0x1E658] =	vst v63  }
0x1c2: {  	s13 =	sadd.s32 $0xFFFFFF00, s12;
	_ =	swait.ge @!p2 [sflag:s5], $0x2000  }
0x1c3: {  	s4 =	sshrl.u32 s13, $0x3;
	[sflag:s5] =	ssyncset.done @!p2 $0x0  }
0x1c4: {  	s14 =	sadd.s32 s2, s4;
	[sflag:s5] =	ssyncadd.s32 @!p2 $0xFFFFE000  }
0x1c5: {  	[tilespmem:s15], [sflag:$0x2] =	stream.linear.gather [hbm4b:s14+s8], $0x80, $0x200038;
	[tilespmem:$0x1E658] =	vst v63  }
0x1c6: {  	s4 =	sadd.s32 s10, s4;
	s5 =	simm.s32 @!p2 $0xB  }
0x1c7: {  	[tilespmem:s25], [sflag:$0x2] =	stream.linear.gather [hbm4b:s4+s8], $0x80, $0x200038;
	[tilespmem:$0x1E658] =	vst v63  }
0x1c8: {  	_ =	swait.ge @!p2 [sflag:s5], $0x2000  }
0x1c9: {  	[sflag:s5] =	ssyncset.done @!p2 $0x0  }
0x1ca: {  	s15 =	simm.s32 $0x1DA08;
	[sflag:s5] =	ssyncadd.s32 @!p2 $0xFFFFE000  }
0x1cb: {  	[tilespmem:s15], [sflag:$0x3] =	stream.linear.gather [hbm4b:s16+s8], $0x80, $0x200038;
	[tilespmem:$0x1E658] =	vst v63  }
0x1cc: {  	s13 =	simm.s32 $0x1DC08;
	s4 =	simm.s32 @!p2 $0xC  }
0x1cd: {  	[tilespmem:s13], [sflag:$0x3] =	stream.linear.gather [hbm4b:s6+s8], $0x80, $0x200038;
	[tilespmem:$0x1E658] =	vst v63  }
0x1ce: {  	_ =	swait.ge @!p2 [sflag:s4], $0x2000  }
0x1cf: {  	[sflag:s4] =	ssyncset.done @!p2 $0x0  }
0x1d0: {  	s14 =	simm.s32 $0x1DA88;
	s0 =	rddreg [dreg:$0x17];
	[sflag:s4] =	ssyncadd.s32 @!p2 $0xFFFFE000  }
0x1d1: {  	[tilespmem:s14], [sflag:$0x4] =	stream.linear.gather [hbm4b:s0+s8], $0x80, $0x200038;
	[tilespmem:$0x1E658] =	vst v63  }
0x1d2: {  	s20 =	simm.s32 $0x1DC88;
	s24 =	rddreg [dreg:$0x15]  }
0x1d3: {  	[tilespmem:s20], [sflag:$0x4] =	stream.linear.gather [hbm4b:s24+s8], $0x80, $0x200038;
	[tilespmem:$0x1E658] =	vst v63  }
0x1d4: {  	_ =	swait.ge [sflag:s26], $0x80  }
0x1d5: {  	[sflag:s26] =	ssyncset.done $0x0  }
0x1d6: {  	[sflag:s26] =	ssyncadd.s32 $0xFFFFFF80  }
0x1d7: {  	_ =	swait.ge [sflag:s26], $0x80  }
0x1d8: {  	[sflag:s26] =	ssyncset.done $0x0  }
0x1d9: {  	s23 =	simm.s32 $0x1D908;
	s25 =	simm.s32 $0x15908;
	[sflag:s26] =	ssyncadd.s32 $0xFFFFFF80  }
0x1da: {  	[tilespmem:s25], [sflag:$0x5] =	stream.indirect.gather [spmem:s7], $0x40, s23, s28, $0x2000b8;
	[tilespmem:$0x1E658] =	vst v63  }
0x1db: {  	_ =	swait.ge [sflag:s30], $0x80  }
0x1dc: {  	[sflag:s30] =	ssyncset.done $0x0  }
0x1dd: {  	[sflag:s30] =	ssyncadd.s32 $0xFFFFFF80  }
0x1de: {  	_ =	swait.ge [sflag:s30], $0x80  }
0x1df: {  	s31 =	simm.s32 $0x17908;
	[sflag:s30] =	ssyncset.done $0x0  }
0x1e0: {  	s17 =	simm.s32 $0x1D988;
	s6 =	simm.s32 $0x3;
	[sflag:s30] =	ssyncadd.s32 $0xFFFFFF80  }
0x1e1: {  	[tilespmem:s31], [sflag:$0x6] =	stream.indirect.gather [spmem:s7], $0x40, s17, s28, $0x2000b8;
	[tilespmem:$0x1E658] =	vst v63  }
0x1e2: {  	_ =	swait.ge [sflag:s6], $0x80  }
0x1e3: {  	[sflag:s6] =	ssyncset.done $0x0  }
0x1e4: {  	[sflag:s6] =	ssyncadd.s32 $0xFFFFFF80  }
0x1e5: {  	_ =	swait.ge [sflag:s6], $0x80  }
0x1e6: {  	[sflag:s6] =	ssyncset.done $0x0  }
0x1e7: {  	s1 =	simm.s32 $0x4;
	s18 =	simm.s32 $0x19908;
	[sflag:s6] =	ssyncadd.s32 $0xFFFFFF80  }
0x1e8: {  	[tilespmem:s18], [sflag:$0x7] =	stream.indirect.gather [spmem:s7], $0x40, s15, s28, $0x2000b8;
	[tilespmem:$0x1E658] =	vst v63  }
0x1e9: {  	_ =	swait.ge [sflag:s1], $0x80  }
0x1ea: {  	[sflag:s1] =	ssyncset.done $0x0  }
0x1eb: {  	[sflag:s1] =	ssyncadd.s32 $0xFFFFFF80  }
0x1ec: {  	_ =	swait.ge [sflag:s1], $0x80  }
0x1ed: {  	[sflag:s1] =	ssyncset.done $0x0  }
0x1ee: {  	s0 =	simm.s32 $0x5;
	s17 =	simm.s32 $0x1B908;
	[sflag:s1] =	ssyncadd.s32 $0xFFFFFF80  }
0x1ef: {  	[tilespmem:s17], [sflag:$0x8] =	stream.indirect.gather [spmem:s7], $0x40, s14, s28, $0x2000b8;
	[tilespmem:$0x1E658] =	vst v63  }
0x1f0: {  	_ =	swait.ge [sflag:s0], $0x2000  }
0x1f1: {  	[sflag:s0] =	ssyncset.done $0x0  }
0x1f2: {  	s19 =	simm.s32 $0x1DB08;
	s9 =	simm.s32 $0x6;
	[sflag:s0] =	ssyncadd.s32 $0xFFFFE000  }
0x1f3: {  	[spmem:s3] =	stream.indirect.scatter.add.f32 [tilespmem:s25], [sflag:$0x9], $0x40, s19, s28, $0x2000b8;
	[tilespmem:$0x1E658] =	vst v63  }
0x1f4: {  	_ =	swait.ge [sflag:s9], $0x2000  }
0x1f5: {  	[sflag:s9] =	ssyncset.done $0x0  }
0x1f6: {  	s21 =	simm.s32 $0x1DB88;
	s14 =	simm.s32 $0x7;
	[sflag:s9] =	ssyncadd.s32 $0xFFFFE000  }
0x1f7: {  	[spmem:s3] =	stream.indirect.scatter.add.f32 [tilespmem:s31], [sflag:$0xA], $0x40, s21, s28, $0x2000b8;
	[tilespmem:$0x1E658] =	vst v63  }
0x1f8: {  	_ =	swait.ge [sflag:s14], $0x2000  }
0x1f9: {  	s31 =	rddreg [dreg:$0x8]  }
0x1fa: {  	p1 =	sne.s32 s31, $0xFFFFFFFE  }
.Ltmp15:
0x1fb: {  	[sflag:s14] =	ssyncset.done $0x0;
	(pc) =	sbr.rel @!p1 .LBB2_20-.Ltmp15, $4  }
0x1fc: {  	s5 =	simm.s32 $0x8;
	[sflag:s14] =	ssyncadd.s32 $0xFFFFE000  }
0x1fd: {  	[spmem:s3] =	stream.indirect.scatter.add.f32 [tilespmem:s18], [sflag:$0xB], $0x40, s13, s28, $0x2000b8;
	[tilespmem:$0x1E658] =	vst v63  }
0x1fe: {  	p0 =	por $0x1, $0x1;
	s12 =	sadd.s32 $0x200, s12;
	_ =	swait.ge [sflag:s5], $0x2000  }
0x1ff: {  	p2 =	por $0x0, $0x0;
	s20 =	simm.s32 $0xFFFFFFFE;
	[sflag:s5] =	ssyncset.done $0x0  }
.LBB2_21:
0x200: {  	s4 =	simm.s32 @!p2 $0x9;
	[sflag:s5] =	ssyncadd.s32 $0xFFFFE000;
	s25 =	simm.s32 $0x1DC88  }
0x201: {  	[spmem:s3] =	stream.indirect.scatter.add.f32 [tilespmem:s17], [sflag:$0xC], $0x40, s25, s28, $0x2000b8;
	[tilespmem:$0x1E658] =	vst v63  }
0x202: {  	s18 =	rddreg [dreg:$0x8];
	s19 =	sadd.s32 $0xFFFFFE80, s12;
	_ =	swait.ge @!p2 [sflag:s4], $0x2000  }
0x203: {  	s5 =	sshrl.u32 s19, $0x3;
	[sflag:s4] =	ssyncset.done @!p2 $0x0  }
0x204: {  	s16 =	simm.s32 $0x1D908;
	s21 =	sadd.s32 s2, s5;
	[sflag:s4] =	ssyncadd.s32 @!p2 $0xFFFFE000  }
0x205: {  	[tilespmem:s16], [sflag:$0x1] =	stream.linear.gather [hbm4b:s21+s8], $0x80, $0x200038;
	[tilespmem:$0x1E658] =	vst v63  }
0x206: {  	s19 =	simm.s32 $0x1DB08;
	s23 =	sadd.s32 s10, s5;
	s5 =	simm.s32 @!p2 $0xA  }
0x207: {  	[tilespmem:s19], [sflag:$0x1] =	stream.linear.gather [hbm4b:s23+s8], $0x80, $0x200038;
	[tilespmem:$0x1E658] =	vst v63  }
0x208: {  	s13 =	smov.u32 s20;
	s24 =	sadd.s32 $0xFFFFFF00, s12;
	_ =	swait.ge @!p2 [sflag:s5], $0x2000  }
0x209: {  	s20 =	sadd.s32 $0xFFFFFFFF, s20;
	s4 =	sshrl.u32 s24, $0x3;
	[sflag:s5] =	ssyncset.done @!p2 $0x0  }
0x20a: {  	s24 =	simm.s32 $0x1D988;
	s15 =	sadd.s32 s2, s4;
	[sflag:s5] =	ssyncadd.s32 @!p2 $0xFFFFE000  }
0x20b: {  	[tilespmem:s24], [sflag:$0x2] =	stream.linear.gather [hbm4b:s15+s8], $0x80, $0x200038;
	[tilespmem:$0x1E658] =	vst v63  }
0x20c: {  	s4 =	sadd.s32 s10, s4;
	s23 =	simm.s32 $0x1DB88;
	s5 =	simm.s32 @!p2 $0xB  }
0x20d: {  	[tilespmem:s23], [sflag:$0x2] =	stream.linear.gather [hbm4b:s4+s8], $0x80, $0x200038;
	[tilespmem:$0x1E658] =	vst v63  }
0x20e: {  	p1 =	sne.s32 s18, s20;
	s18 =	sadd.s32 $0xFFFFFF80, s12;
	_ =	swait.ge @!p2 [sflag:s5], $0x2000  }
0x20f: {  	s4 =	sshrl.u32 s18, $0x3;
	[sflag:s5] =	ssyncset.done @!p2 $0x0  }
0x210: {  	s15 =	simm.s32 $0x1DA08;
	s21 =	sadd.s32 s2, s4;
	[sflag:s5] =	ssyncadd.s32 @!p2 $0xFFFFE000  }
0x211: {  	[tilespmem:s15], [sflag:$0x3] =	stream.linear.gather [hbm4b:s21+s8], $0x80, $0x200038;
	[tilespmem:$0x1E658] =	vst v63  }
0x212: {  	s18 =	simm.s32 $0x1DC08;
	s4 =	sadd.s32 s10, s4;
	s5 =	simm.s32 @!p2 $0xC  }
0x213: {  	[tilespmem:s18], [sflag:$0x3] =	stream.linear.gather [hbm4b:s4+s8], $0x80, $0x200038;
	[tilespmem:$0x1E658] =	vst v63  }
0x214: {  	_ =	swait.ge @!p2 [sflag:s5], $0x2000  }
0x215: {  	s4 =	sshrl.u32 s12, $0x3;
	[sflag:s5] =	ssyncset.done @!p2 $0x0  }
0x216: {  	s21 =	simm.s32 $0x1DA88;
	[sflag:s5] =	ssyncadd.s32 @!p2 $0xFFFFE000;
	s5 =	sadd.s32 s2, s4  }
0x217: {  	[tilespmem:s21], [sflag:$0x4] =	stream.linear.gather [hbm4b:s5+s8], $0x80, $0x200038;
	[tilespmem:$0x1E658] =	vst v63  }
0x218: {  	s4 =	sadd.s32 s10, s4  }
0x219: {  	[tilespmem:s25], [sflag:$0x4] =	stream.linear.gather [hbm4b:s4+s8], $0x80, $0x200038;
	[tilespmem:$0x1E658] =	vst v63  }
0x21a: {  	_ =	swait.ge [sflag:s26], $0x80  }
0x21b: {  	[sflag:s26] =	ssyncset.done $0x0  }
0x21c: {  	[sflag:s26] =	ssyncadd.s32 $0xFFFFFF80  }
0x21d: {  	_ =	swait.ge [sflag:s26], $0x80  }
0x21e: {  	[sflag:s26] =	ssyncset.done $0x0  }
0x21f: {  	s5 =	simm.s32 $0x15908;
	[sflag:s26] =	ssyncadd.s32 $0xFFFFFF80  }
0x220: {  	[tilespmem:s5], [sflag:$0x5] =	stream.indirect.gather [spmem:s7], $0x40, s16, s28, $0x2000b8;
	[tilespmem:$0x1E658] =	vst v63  }
0x221: {  	_ =	swait.ge [sflag:s30], $0x80  }
0x222: {  	[sflag:s30] =	ssyncset.done $0x0  }
0x223: {  	[sflag:s30] =	ssyncadd.s32 $0xFFFFFF80  }
0x224: {  	_ =	swait.ge [sflag:s30], $0x80  }
0x225: {  	[sflag:s30] =	ssyncset.done $0x0  }
0x226: {  	s16 =	simm.s32 $0x17908;
	[sflag:s30] =	ssyncadd.s32 $0xFFFFFF80  }
0x227: {  	[tilespmem:s16], [sflag:$0x6] =	stream.indirect.gather [spmem:s7], $0x40, s24, s28, $0x2000b8;
	[tilespmem:$0x1E658] =	vst v63  }
0x228: {  	_ =	swait.ge [sflag:s6], $0x80  }
0x229: {  	[sflag:s6] =	ssyncset.done $0x0  }
0x22a: {  	[sflag:s6] =	ssyncadd.s32 $0xFFFFFF80  }
0x22b: {  	_ =	swait.ge [sflag:s6], $0x80  }
0x22c: {  	[sflag:s6] =	ssyncset.done $0x0  }
0x22d: {  	s24 =	simm.s32 $0x19908;
	[sflag:s6] =	ssyncadd.s32 $0xFFFFFF80  }
0x22e: {  	[tilespmem:s24], [sflag:$0x7] =	stream.indirect.gather [spmem:s7], $0x40, s15, s28, $0x2000b8;
	[tilespmem:$0x1E658] =	vst v63  }
0x22f: {  	_ =	swait.ge [sflag:s1], $0x80  }
0x230: {  	[sflag:s1] =	ssyncset.done $0x0  }
0x231: {  	[sflag:s1] =	ssyncadd.s32 $0xFFFFFF80  }
0x232: {  	_ =	swait.ge [sflag:s1], $0x80  }
0x233: {  	[sflag:s1] =	ssyncset.done $0x0  }
0x234: {  	[sflag:s1] =	ssyncadd.s32 $0xFFFFFF80  }
0x235: {  	[tilespmem:s17], [sflag:$0x8] =	stream.indirect.gather [spmem:s7], $0x40, s21, s28, $0x2000b8;
	[tilespmem:$0x1E658] =	vst v63  }
0x236: {  	_ =	swait.ge [sflag:s0], $0x2000  }
0x237: {  	[sflag:s0] =	ssyncset.done $0x0  }
0x238: {  	[sflag:s0] =	ssyncadd.s32 $0xFFFFE000  }
0x239: {  	[spmem:s3] =	stream.indirect.scatter.add.f32 [tilespmem:s5], [sflag:$0x9], $0x40, s19, s28, $0x2000b8;
	[tilespmem:$0x1E658] =	vst v63  }
0x23a: {  	_ =	swait.ge [sflag:s9], $0x2000  }
0x23b: {  	[sflag:s9] =	ssyncset.done $0x0  }
0x23c: {  	[sflag:s9] =	ssyncadd.s32 $0xFFFFE000  }
0x23d: {  	[spmem:s3] =	stream.indirect.scatter.add.f32 [tilespmem:s16], [sflag:$0xA], $0x40, s23, s28, $0x2000b8;
	[tilespmem:$0x1E658] =	vst v63  }
0x23e: {  	_ =	swait.ge [sflag:s14], $0x2000  }
.Ltmp16:
0x23f: {  	[sflag:s14] =	ssyncset.done $0x0;
	(pc) =	sbr.rel @p1 .LBB2_21-.Ltmp16, $4  }
0x240: {  	s31 =	simm.s32 $0x8;
	[sflag:s14] =	ssyncadd.s32 $0xFFFFE000  }
0x241: {  	[spmem:s3] =	stream.indirect.scatter.add.f32 [tilespmem:s24], [sflag:$0xB], $0x40, s18, s28, $0x2000b8;
	[tilespmem:$0x1E658] =	vst v63  }
0x242: {  	s5 =	simm.s32 $0x8;
	_ =	swait.ge [sflag:s31], $0x2000  }
0x243: {  	s12 =	sadd.s32 $0x200, s12;
	p2 =	seq.s32 s13, $0x0;
	[sflag:s5] =	ssyncset.done $0x0  }
0x244: {  	s20 =	simm.s32 $0xA  }
0x245: {  	s13 =	simm.s32 $0x15908;
	s14 =	simm.s32 $0x1DA08;
	s18 =	simm.s32 $0x1D908  }
0x246: {  	s15 =	simm.s32 $0x1D988;
	s17 =	simm.s32 $0x17908;
	s6 =	simm.s32 $0x19908  }
0x247: {  	s24 =	simm.s32 $0x1DB08;
	s25 =	simm.s32 $0x1DB88;
	s19 =	simm.s32 $0x5  }
0x248: {  	s0 =	simm.s32 $0x6;
	s16 =	simm.s32 $0x3;
	s9 =	simm.s32 $0x4  }
.LBB2_23:
0x249: {  	s4 =	simm.s32 @!p2 $0x9;
	s21 =	simm.s32 $0x8  }
0x24a: {  	s31 =	simm.s32 $0x1DC88;
	s1 =	simm.s32 $0x1B908;
	[sflag:s21] =	ssyncadd.s32 @p0 $0xFFFFE000  }
0x24b: {  	[spmem:s3] =	stream.indirect.scatter.add.f32 @p0 [tilespmem:s1], [sflag:$0xC], $0x40, s31, s28, $0x2000b8;
	[tilespmem:$0x1E658] =	vst v63  }
0x24c: {  	s5 =	sadd.s32 $0xFFFFFE80, s12;
	_ =	swait.ge @!p2 [sflag:s4], $0x2000  }
0x24d: {  	s5 =	sshrl.u32 s5, $0x3;
	[sflag:s4] =	ssyncset.done @!p2 $0x0  }
0x24e: {  	s23 =	sadd.s32 s2, s5;
	[sflag:s4] =	ssyncadd.s32 @!p2 $0xFFFFE000  }
0x24f: {  	[tilespmem:s18], [sflag:$0x1] =	stream.linear.gather [hbm4b:s23+s8], $0x80, $0x200038;
	[tilespmem:$0x1E658] =	vst v63  }
0x250: {  	s23 =	sadd.s32 s10, s5;
	s5 =	simm.s32 @!p2 $0xA  }
0x251: {  	[tilespmem:s24], [sflag:$0x1] =	stream.linear.gather [hbm4b:s23+s8], $0x80, $0x200038;
	[tilespmem:$0x1E658] =	vst v63  }
0x252: {  	s23 =	sadd.s32 $0xFFFFFF00, s12;
	_ =	swait.ge @!p2 [sflag:s5], $0x2000  }
0x253: {  	s4 =	sshrl.u32 s23, $0x3;
	[sflag:s5] =	ssyncset.done @!p2 $0x0  }
0x254: {  	s23 =	sadd.s32 s2, s4;
	[sflag:s5] =	ssyncadd.s32 @!p2 $0xFFFFE000  }
0x255: {  	[tilespmem:s15], [sflag:$0x2] =	stream.linear.gather [hbm4b:s23+s8], $0x80, $0x200038;
	[tilespmem:$0x1E658] =	vst v63  }
0x256: {  	s4 =	sadd.s32 s10, s4;
	s5 =	simm.s32 @!p2 $0xB  }
0x257: {  	[tilespmem:s25], [sflag:$0x2] =	stream.linear.gather [hbm4b:s4+s8], $0x80, $0x200038;
	[tilespmem:$0x1E658] =	vst v63  }
0x258: {  	s23 =	sadd.s32 $0xFFFFFF80, s12;
	_ =	swait.ge @!p2 [sflag:s5], $0x2000  }
0x259: {  	s4 =	sshrl.u32 s23, $0x3;
	[sflag:s5] =	ssyncset.done @!p2 $0x0  }
0x25a: {  	s23 =	sadd.s32 s2, s4;
	[sflag:s5] =	ssyncadd.s32 @!p2 $0xFFFFE000  }
0x25b: {  	[tilespmem:s14], [sflag:$0x3] =	stream.linear.gather [hbm4b:s23+s8], $0x80, $0x200038;
	[tilespmem:$0x1E658] =	vst v63  }
0x25c: {  	s4 =	sadd.s32 s10, s4;
	s23 =	simm.s32 $0x1DC08  }
0x25d: {  	[tilespmem:s23], [sflag:$0x3] =	stream.linear.gather [hbm4b:s4+s8], $0x80, $0x200038;
	[tilespmem:$0x1E658] =	vst v63  }
0x25e: {  	s4 =	simm.s32 @!p2 $0xC  }
0x25f: {  	_ =	swait.ge @!p2 [sflag:s4], $0x2000  }
0x260: {  	s5 =	sshrl.u32 s12, $0x3;
	[sflag:s4] =	ssyncset.done @!p2 $0x0  }
0x261: {  	s14 =	simm.s32 $0x1DA88;
	[sflag:s4] =	ssyncadd.s32 @!p2 $0xFFFFE000;
	s4 =	sadd.s32 s2, s5  }
0x262: {  	[tilespmem:s14], [sflag:$0x4] =	stream.linear.gather [hbm4b:s4+s8], $0x80, $0x200038;
	[tilespmem:$0x1E658] =	vst v63  }
0x263: {  	s5 =	sadd.s32 s10, s5  }
0x264: {  	[tilespmem:s31], [sflag:$0x4] =	stream.linear.gather [hbm4b:s5+s8], $0x80, $0x200038;
	[tilespmem:$0x1E658] =	vst v63  }
0x265: {  	_ =	swait.ge [sflag:s26], $0x80  }
0x266: {  	[sflag:s26] =	ssyncset.done $0x0  }
0x267: {  	[sflag:s26] =	ssyncadd.s32 $0xFFFFFF80  }
0x268: {  	_ =	swait.ge [sflag:s26], $0x80  }
0x269: {  	[sflag:s26] =	ssyncset.done $0x0  }
0x26a: {  	[sflag:s26] =	ssyncadd.s32 $0xFFFFFF80  }
0x26b: {  	[tilespmem:s13], [sflag:$0x5] =	stream.indirect.gather [spmem:s7], $0x40, s18, s28, $0x2000b8;
	[tilespmem:$0x1E658] =	vst v63  }
0x26c: {  	_ =	swait.ge [sflag:s30], $0x80  }
0x26d: {  	[sflag:s30] =	ssyncset.done $0x0  }
0x26e: {  	[sflag:s30] =	ssyncadd.s32 $0xFFFFFF80  }
0x26f: {  	_ =	swait.ge [sflag:s30], $0x80  }
0x270: {  	[sflag:s30] =	ssyncset.done $0x0  }
0x271: {  	[sflag:s30] =	ssyncadd.s32 $0xFFFFFF80  }
0x272: {  	[tilespmem:s17], [sflag:$0x6] =	stream.indirect.gather [spmem:s7], $0x40, s15, s28, $0x2000b8;
	[tilespmem:$0x1E658] =	vst v63  }
0x273: {  	_ =	swait.ge [sflag:s16], $0x80  }
0x274: {  	[sflag:s16] =	ssyncset.done $0x0  }
0x275: {  	[sflag:s16] =	ssyncadd.s32 $0xFFFFFF80  }
0x276: {  	_ =	swait.ge [sflag:s16], $0x80  }
0x277: {  	[sflag:s16] =	ssyncset.done $0x0  }
0x278: {  	s12 =	simm.s32 $0x1DA08;
	[sflag:s16] =	ssyncadd.s32 $0xFFFFFF80  }
0x279: {  	[tilespmem:s6], [sflag:$0x7] =	stream.indirect.gather [spmem:s7], $0x40, s12, s28, $0x2000b8;
	[tilespmem:$0x1E658] =	vst v63  }
0x27a: {  	_ =	swait.ge [sflag:s9], $0x80  }
0x27b: {  	[sflag:s9] =	ssyncset.done $0x0  }
0x27c: {  	[sflag:s9] =	ssyncadd.s32 $0xFFFFFF80  }
0x27d: {  	_ =	swait.ge [sflag:s9], $0x80  }
0x27e: {  	[sflag:s9] =	ssyncset.done $0x0  }
0x27f: {  	[sflag:s9] =	ssyncadd.s32 $0xFFFFFF80  }
0x280: {  	[tilespmem:s1], [sflag:$0x8] =	stream.indirect.gather [spmem:s7], $0x40, s14, s28, $0x2000b8;
	[tilespmem:$0x1E658] =	vst v63  }
0x281: {  	_ =	swait.ge [sflag:s19], $0x2000  }
0x282: {  	[sflag:s19] =	ssyncset.done $0x0  }
0x283: {  	[sflag:s19] =	ssyncadd.s32 $0xFFFFE000  }
0x284: {  	[spmem:s3] =	stream.indirect.scatter.add.f32 [tilespmem:s13], [sflag:$0x9], $0x40, s24, s28, $0x2000b8;
	[tilespmem:$0x1E658] =	vst v63  }
0x285: {  	_ =	swait.ge [sflag:s0], $0x2000  }
0x286: {  	[sflag:s0] =	ssyncset.done $0x0  }
0x287: {  	s16 =	simm.s32 $0x7;
	[sflag:s0] =	ssyncadd.s32 $0xFFFFE000  }
0x288: {  	[spmem:s3] =	stream.indirect.scatter.add.f32 [tilespmem:s17], [sflag:$0xA], $0x40, s25, s28, $0x2000b8;
	[tilespmem:$0x1E658] =	vst v63  }
0x289: {  	_ =	swait.ge [sflag:s16], $0x2000  }
0x28a: {  	[sflag:s16] =	ssyncset.done $0x0  }
0x28b: {  	[sflag:s16] =	ssyncadd.s32 $0xFFFFE000  }
0x28c: {  	[spmem:s3] =	stream.indirect.scatter.add.f32 [tilespmem:s6], [sflag:$0xB], $0x40, s23, s28, $0x2000b8;
	[tilespmem:$0x1E658] =	vst v63  }
0x28d: {  	_ =	swait.ge [sflag:s21], $0x2000  }
0x28e: {  	[sflag:s21] =	ssyncset.done $0x0  }
0x28f: {  	s17 =	simm.s32 $0x9;
	[sflag:s21] =	ssyncadd.s32 $0xFFFFE000  }
0x290: {  	[spmem:s3] =	stream.indirect.scatter.add.f32 [tilespmem:s1], [sflag:$0xC], $0x40, s31, s28, $0x2000b8;
	[tilespmem:$0x1E658] =	vst v63  }
0x291: {  	_ =	swait.ge [sflag:s17], $0x2000  }
0x292: {  	[sflag:s17] =	ssyncset.done $0x0  }
0x293: {  	[sflag:s17] =	ssyncadd.s32 $0xFFFFE000  }
0x294: {  	_ =	swait.ge [sflag:s20], $0x2000  }
0x295: {  	[sflag:s20] =	ssyncset.done $0x0  }
0x296: {  	s21 =	simm.s32 $0xB;
	[sflag:s20] =	ssyncadd.s32 $0xFFFFE000  }
0x297: {  	_ =	swait.ge [sflag:s21], $0x2000  }
0x298: {  	[sflag:s21] =	ssyncset.done $0x0  }
0x299: {  	s23 =	simm.s32 $0xC;
	[sflag:s21] =	ssyncadd.s32 $0xFFFFE000  }
0x29a: {  	_ =	swait.ge [sflag:s23], $0x2000  }
0x29b: {  	[sflag:s23] =	ssyncset.done $0x0  }
0x29c: {  	[sflag:s23] =	ssyncadd.s32 $0xFFFFE000  }
0x29d: {  	s4 =	simm.s32 $0x0;
	s12 =	simm.s32 $0x100;
	_ =	strace $0x9000004C  }
0x29e: {  	s9 =	simm.s32 $0x17908;
	s1 =	simm.s32 $0xD;
	[bflag:$0x0] =	sbarrier.arrive $0xFFFF  }
.LBB2_24:
0x29f: {  	p0 =	sne.s32 s12, $0x4F00;
	[tilespmem:s4+$0x17938] =	vst v0;
	s5 =	smov.u32 s12;
	s12 =	sadd.s32 $0x100, s12  }
.Ltmp17:
0x2a0: {  	[tilespmem:s4+$0x17928] =	vst v0;
	(pc) =	sbr.rel @p0 .LBB2_24-.Ltmp17, $3  }
0x2a1: {  	[tilespmem:s4+$0x17908] =	vst v0  }
0x2a2: {  	[tilespmem:s4+$0x17918] =	vst v0;
	_ =	sdelay $0x1  }
0x2a3: {  	s4 =	sshra.s32 s5, $0x2  }
.Ltmp18:
0x2a4: {  	[tilespmem:s4+$0x17938] =	vst v0;
	(pc) =	sbr.rel .LBB2_26-.Ltmp18, $4  }
0x2a5: {  	[tilespmem:s4+$0x17928] =	vst v0  }
0x2a6: {  	[tilespmem:s4+$0x17908] =	vst v0  }
0x2a7: {  	[tilespmem:s4+$0x17918] =	vst v0;
	s12 =	simm.s32 $0x0  }
0x2a8: {  	s6 =	simm.s32 $0x3;
	s16 =	stileid.u32;
	_ =	strace $0x8000004D  }
.LBB2_30:
0x2a9: {  	s12 =	sadd.s32 $0x1, s12  }
0x2aa: {  	p0 =	sne.s32 s12, $0x7D  }
.Ltmp19:
0x2ab: {  	_ = 	snop;
	(pc) =	sbr.rel @!p0 .LBB2_31-.Ltmp19, $1  }
0x2ac: {  	_ =	sdelay $0x3  }
.LBB2_26:
0x2ad: {  	s4 =	sand.u32 $0xF, s12  }
0x2ae: {  	p0 =	sne.s32 s4, s16  }
.Ltmp20:
0x2af: {  	_ = 	snop;
	(pc) =	sbr.rel @p0 .LBB2_30-.Ltmp20, $1  }
0x2b0: {  	_ =	sdelay $0x3  }
0x2b1: {  	s4 =	smul.u32 $0x1400, s12;
	_ =	sdelay $0x1  }
0x2b2: {  	s23 =	sadd.s32 s4, s3  }
0x2b3: {  	[tilespmem:s13], [sflag:$0xE] =	stream.linear.gather [spmem:s23], $0x1400, $0x200038;
	[tilespmem:$0x1E658] =	vst v63  }
0x2b4: {  	s13 =	simm.s32 $0xE  }
0x2b5: {  	_ =	swait.ge [sflag:s13], $0x1400  }
0x2b6: {  	[sflag:s13] =	ssyncset.done $0x0  }
0x2b7: {  	s21 =	smov.u32 s4;
	s4 =	smul.u32 $0x50, s12;
	[sflag:s13] =	ssyncadd.s32 $0xFFFFEC00  }
0x2b8: {  	s5 =	rddreg [dreg:$0x4]  }
0x2b9: {  	s5 =	sadd.s32 s4, s5  }
0x2ba: {  	[tilespmem:s11], [sflag:$0xE] =	stream.linear.gather [spmem:s5], $0x50, $0x200038;
	[tilespmem:$0x1E658] =	vst v63  }
0x2bb: {  	_ =	swait.ge [sflag:s13], $0x50  }
0x2bc: {  	[sflag:s13] =	ssyncset.done $0x0  }
0x2bd: {  	[sflag:s13] =	ssyncadd.s32 $0xFFFFFFB0  }
0x2be: {  	s20 =	simm.s32 $0x0;
	s17 =	rddreg [dreg:$0x5]  }
0x2bf: {  	v2 =	vmov s20;
	s4 =	sadd.s32 s4, s17  }
0x2c0: {  	[tilespmem:s29], [sflag:$0xE] =	stream.linear.gather [spmem:s4], $0x50, $0x200038;
	[tilespmem:$0x1E658] =	vst v63  }
0x2c1: {  	_ =	swait.ge [sflag:s13], $0x50  }
0x2c2: {  	[sflag:s13] =	ssyncset.done $0x0  }
0x2c3: {  	[sflag:s13] =	ssyncadd.s32 $0xFFFFFFB0  }
0x2c4: {  	v3 =	vld.idx.msk [tilespmem:v2+s11+$0x0], $0xffff;
	_ =	sdelay $0x4  }
0x2c5: {  	(erf) = vrcp.f32 v3;
	_ =	sdelay $0x4  }
0x2c6: {  	s13 =	simm.s32 $0x15928;
	v2 =	vld.idx.msk [tilespmem:v2+s29+$0x0], $0xffff  }
0x2c7: {  	v6 =	vld [tilespmem:s13+$0xFFFFFFF0]  }
0x2c8: {  	v4 =	vld [tilespmem:s13+$0x10]  }
0x2c9: {  	v5 =	vld [tilespmem:s13+$0x0]  }
0x2ca: {  	v7 =	vld [tilespmem:s13+$0xFFFFFFE0];
	v8 =	vpop (erf)  }
0x2cb: {  	v2 =	vmul.f32 v8, v2  }
0x2cc: {  	vm0 =	vgt.f32 v3, $0.0e+00  }
0x2cd: {  	v8 =	vnsel vm0, $0x0, v2  }
0x2ce: {  	s20 =	simm.s32 $0x1;
	v3 =	vmul.f32 v5, v8;
	v5 =	vmul.f32 v4, v8  }
0x2cf: {  	v2 =	vmov s20;
	s20 =	simm.s32 $0x2;
	v4 =	vmul.f32 v8, v7;
	v6 =	vmul.f32 v8, v6  }
.LBB2_28:
0x2d0: {  	p0 =	sne.s32 s20, $0x4F;
	[tilespmem:s13+$0x10] =	vst v5  }
0x2d1: {  	[tilespmem:s13+$0x0] =	vst v3  }
0x2d2: {  	[tilespmem:s13+$0xFFFFFFF0] =	vst v6  }
0x2d3: {  	[tilespmem:s13+$0xFFFFFFE0] =	vst v4  }
0x2d4: {  	v3 =	vld.idx.msk [tilespmem:v2+s11+$0x0], $0xffff  }
0x2d5: {  	v2 =	vld.idx.msk [tilespmem:v2+s29+$0x0], $0xffff;
	_ =	sdelay $0x4  }
0x2d6: {  	(erf) = vrcp.f32 v3;
	_ =	sdelay $0x4  }
0x2d7: {  	s13 =	sadd.s32 $0x40, s13  }
0x2d8: {  	v6 =	vld [tilespmem:s13+$0xFFFFFFF0]  }
0x2d9: {  	v4 =	vld [tilespmem:s13+$0x10]  }
0x2da: {  	v5 =	vld [tilespmem:s13+$0x0]  }
0x2db: {  	v7 =	vld [tilespmem:s13+$0xFFFFFFE0];
	v8 =	vpop (erf)  }
.Ltmp21:
0x2dc: {  	v2 =	vmul.f32 v8, v2;
	(pc) =	sbr.rel @p0 .LBB2_28-.Ltmp21, $4  }
0x2dd: {  	vm0 =	vgt.f32 v3, $0.0e+00  }
0x2de: {  	v8 =	vnsel vm0, $0x0, v2  }
0x2df: {  	v3 =	vmul.f32 v5, v8;
	v5 =	vmul.f32 v4, v8  }
0x2e0: {  	v2 =	vmov s20;
	s20 =	sadd.s32 $0x1, s20;
	v6 =	vmul.f32 v8, v6;
	v4 =	vmul.f32 v8, v7  }
0x2e1: {  	[tilespmem:s13+$0x10] =	vst v5  }
0x2e2: {  	[tilespmem:s13+$0x0] =	vst v3  }
0x2e3: {  	[tilespmem:s13+$0xFFFFFFF0] =	vst v6  }
0x2e4: {  	[tilespmem:s13+$0xFFFFFFE0] =	vst v4  }
0x2e5: {  	v3 =	vld.idx.msk [tilespmem:v2+s11+$0x0], $0xffff;
	_ =	sdelay $0x4  }
0x2e6: {  	(erf) = vrcp.f32 v3;
	_ =	sdelay $0x4  }
0x2e7: {  	v2 =	vld.idx.msk [tilespmem:v2+s29+$0x0], $0xffff;
	_ =	sdelay $0x1  }
0x2e8: {  	s4 =	sadd.s32 $0x40, s13  }
0x2e9: {  	v4 =	vld [tilespmem:s4+$0x10]  }
0x2ea: {  	v5 =	vld [tilespmem:s4+$0x0];
	v60 =	vpop (erf)  }
0x2eb: {  	v7 =	vld [tilespmem:s4+$0xFFFFFFF0];
	v2 =	vmul.f32 v60, v2  }
0x2ec: {  	v61 =	vld [tilespmem:s4+$0xFFFFFFE0];
	vm0 =	vgt.f32 v3, $0.0e+00  }
0x2ed: {  	v2 =	vnsel vm0, $0x0, v2  }
0x2ee: {  	v3 =	vmul.f32 v4, v2  }
0x2ef: {  	v62 =	vmul.f32 v5, v2  }
0x2f0: {  	v63 =	vmul.f32 v2, v7;
	[tilespmem:s4+$0x10] =	vst v3  }
0x2f1: {  	v2 =	vmul.f32 v2, v61;
	[tilespmem:s4+$0x0] =	vst v62  }
0x2f2: {  	[tilespmem:s4+$0xFFFFFFF0] =	vst v63  }
0x2f3: {  	s20 =	sadd.s32 s21, s7;
	s21 =	simm.s32 $0xE;
	s13 =	simm.s32 $0x15908;
	[tilespmem:s4+$0xFFFFFFE0] =	vst v2  }
0x2f4: {  	[spmem:s20] =	stream.linear.scatter [tilespmem:s13], [sflag:$0xE], $0x1400, $0x200038;
	[tilespmem:$0x1E658] =	vst v63  }
0x2f5: {  	_ =	swait.ge [sflag:s21], $0x1400  }
0x2f6: {  	[sflag:s21] =	ssyncset.done $0x0  }
.Ltmp22:
0x2f7: {  	[sflag:s21] =	ssyncadd.s32 $0xFFFFEC00;
	(pc) =	sbr.rel .LBB2_30-.Ltmp22, $4  }
0x2f8: {  	[spmem:s23] =	stream.linear.scatter [tilespmem:s9], [sflag:$0xD], $0x1400, $0x200038;
	[tilespmem:$0x1E658] =	vst v63  }
0x2f9: {  	_ =	swait.ge [sflag:s1], $0x1400  }
0x2fa: {  	[sflag:s1] =	ssyncset.done $0x0  }
0x2fb: {  	s20 =	simm.s32 $0xA;
	[sflag:s1] =	ssyncadd.s32 $0xFFFFEC00  }
.LBB2_31:
0x2fc: {  	_ =	strace $0x9000004D  }
0x2fd: {  	[bflag:$0x0] =	sbarrier.arrive $0xFFFF  }
0x2fe: {  	_ =	strace $0x8000004E  }
0x2ff: {  	s1 =	rddreg [dreg:$0x8]  }
0x300: {  	p1 =	sne.s32 s1, $0xFFFFFFFF  }
.Ltmp23:
0x301: {  	_ = 	snop;
	(pc) =	sbr.rel @!p1 .LBB2_32-.Ltmp23, $2  }
0x302: {  	_ =	sdelay $0x2  }
0x303: {  	p2 =	por $0x1, $0x1;
	p0 =	por $0x0, $0x0  }
0x304: {  	s4 =	simm.s32 @!p2 $0x9  }
0x305: {  	_ =	swait.ge @!p2 [sflag:s4], $0x2000  }
0x306: {  	s12 =	rddreg [dreg:$0x12]  }
0x307: {  	s5 =	sadd.s32 $0xFFFFFE80, s12  }
0x308: {  	[sflag:s4] =	ssyncset.done @!p2 $0x0;
	s5 =	sshrl.u32 s5, $0x3  }
0x309: {  	[sflag:s4] =	ssyncadd.s32 @!p2 $0xFFFFE000;
	s16 =	sadd.s32 s2, s5  }
0x30a: {  	[tilespmem:s18], [sflag:$0x1] =	stream.linear.gather [hbm4b:s16+s8], $0x80, $0x200038;
	[tilespmem:$0x1E658] =	vst v63  }
0x30b: {  	s17 =	sadd.s32 s10, s5;
	s5 =	simm.s32 @!p2 $0xA  }
0x30c: {  	[tilespmem:s24], [sflag:$0x1] =	stream.linear.gather [hbm4b:s17+s8], $0x80, $0x200038;
	[tilespmem:$0x1E658] =	vst v63  }
0x30d: {  	s20 =	sadd.s32 $0xFFFFFF00, s12;
	_ =	swait.ge @!p2 [sflag:s5], $0x2000  }
0x30e: {  	s4 =	sshrl.u32 s20, $0x3;
	[sflag:s5] =	ssyncset.done @!p2 $0x0  }
0x30f: {  	s21 =	sadd.s32 s2, s4;
	[sflag:s5] =	ssyncadd.s32 @!p2 $0xFFFFE000  }
0x310: {  	[tilespmem:s15], [sflag:$0x2] =	stream.linear.gather [hbm4b:s21+s8], $0x80, $0x200038;
	[tilespmem:$0x1E658] =	vst v63  }
0x311: {  	s4 =	sadd.s32 s10, s4  }
0x312: {  	[tilespmem:s25], [sflag:$0x2] =	stream.linear.gather [hbm4b:s4+s8], $0x80, $0x200038;
	[tilespmem:$0x1E658] =	vst v63  }
0x313: {  	s4 =	simm.s32 @!p2 $0xB  }
0x314: {  	_ =	swait.ge @!p2 [sflag:s4], $0x2000  }
0x315: {  	[sflag:s4] =	ssyncset.done @!p2 $0x0  }
0x316: {  	s23 =	simm.s32 $0x1DA08;
	s22 =	rddreg [dreg:$0x16];
	[sflag:s4] =	ssyncadd.s32 @!p2 $0xFFFFE000  }
0x317: {  	[tilespmem:s23], [sflag:$0x3] =	stream.linear.gather [hbm4b:s22+s8], $0x80, $0x200038;
	[tilespmem:$0x1E658] =	vst v63  }
0x318: {  	s16 =	simm.s32 $0x1DC08;
	s17 =	rddreg [dreg:$0x14];
	s4 =	simm.s32 @!p2 $0xC  }
0x319: {  	[tilespmem:s16], [sflag:$0x3] =	stream.linear.gather [hbm4b:s17+s8], $0x80, $0x200038;
	[tilespmem:$0x1E658] =	vst v63  }
0x31a: {  	_ =	swait.ge @!p2 [sflag:s4], $0x2000  }
0x31b: {  	[sflag:s4] =	ssyncset.done @!p2 $0x0  }
0x31c: {  	s20 =	rddreg [dreg:$0x17];
	[sflag:s4] =	ssyncadd.s32 @!p2 $0xFFFFE000  }
0x31d: {  	[tilespmem:s14], [sflag:$0x4] =	stream.linear.gather [hbm4b:s20+s8], $0x80, $0x200038;
	[tilespmem:$0x1E658] =	vst v63  }
0x31e: {  	s21 =	rddreg [dreg:$0x15]  }
0x31f: {  	[tilespmem:s31], [sflag:$0x4] =	stream.linear.gather [hbm4b:s21+s8], $0x80, $0x200038;
	[tilespmem:$0x1E658] =	vst v63  }
0x320: {  	_ =	swait.ge [sflag:s26], $0x80  }
0x321: {  	[sflag:s26] =	ssyncset.done $0x0  }
0x322: {  	[sflag:s26] =	ssyncadd.s32 $0xFFFFFF80  }
0x323: {  	_ =	swait.ge [sflag:s26], $0x80  }
0x324: {  	[sflag:s26] =	ssyncset.done $0x0  }
0x325: {  	[sflag:s26] =	ssyncadd.s32 $0xFFFFFF80  }
0x326: {  	[tilespmem:s13], [sflag:$0x5] =	stream.indirect.gather [spmem:s7], $0x40, s18, s28, $0x2000b8;
	[tilespmem:$0x1E658] =	vst v63  }
0x327: {  	_ =	swait.ge [sflag:s30], $0x80  }
0x328: {  	[sflag:s30] =	ssyncset.done $0x0  }
0x329: {  	[sflag:s30] =	ssyncadd.s32 $0xFFFFFF80  }
0x32a: {  	_ =	swait.ge [sflag:s30], $0x80  }
0x32b: {  	[sflag:s30] =	ssyncset.done $0x0  }
0x32c: {  	[sflag:s30] =	ssyncadd.s32 $0xFFFFFF80  }
0x32d: {  	[tilespmem:s9], [sflag:$0x6] =	stream.indirect.gather [spmem:s7], $0x40, s15, s28, $0x2000b8;
	[tilespmem:$0x1E658] =	vst v63  }
0x32e: {  	_ =	swait.ge [sflag:s6], $0x80  }
0x32f: {  	[sflag:s6] =	ssyncset.done $0x0  }
0x330: {  	[sflag:s6] =	ssyncadd.s32 $0xFFFFFF80  }
0x331: {  	_ =	swait.ge [sflag:s6], $0x80  }
0x332: {  	[sflag:s6] =	ssyncset.done $0x0  }
0x333: {  	s22 =	simm.s32 $0x19908;
	[sflag:s6] =	ssyncadd.s32 $0xFFFFFF80  }
0x334: {  	[tilespmem:s22], [sflag:$0x7] =	stream.indirect.gather [spmem:s7], $0x40, s23, s28, $0x2000b8;
	[tilespmem:$0x1E658] =	vst v63  }
0x335: {  	s23 =	simm.s32 $0x4  }
0x336: {  	_ =	swait.ge [sflag:s23], $0x80  }
0x337: {  	[sflag:s23] =	ssyncset.done $0x0  }
0x338: {  	[sflag:s23] =	ssyncadd.s32 $0xFFFFFF80  }
0x339: {  	_ =	swait.ge [sflag:s23], $0x80  }
0x33a: {  	[sflag:s23] =	ssyncset.done $0x0  }
0x33b: {  	s31 =	simm.s32 $0x1B908;
	[sflag:s23] =	ssyncadd.s32 $0xFFFFFF80  }
0x33c: {  	[tilespmem:s31], [sflag:$0x8] =	stream.indirect.gather [spmem:s7], $0x40, s14, s28, $0x2000b8;
	[tilespmem:$0x1E658] =	vst v63  }
0x33d: {  	_ =	swait.ge [sflag:s19], $0x2000  }
0x33e: {  	[sflag:s19] =	ssyncset.done $0x0  }
0x33f: {  	p1 =	sne.s32 s1, $0xFFFFFFFE;
	p0 =	por $0x1, $0x1;
	[sflag:s19] =	ssyncadd.s32 $0xFFFFE000  }
0x340: {  	[spmem:s3] =	stream.indirect.scatter.add.f32 [tilespmem:s13], [sflag:$0x9], $0x40, s24, s28, $0x2000b8;
	[tilespmem:$0x1E658] =	vst v63  }
0x341: {  	s12 =	sadd.s32 $0x200, s12;
	s5 =	simm.s32 $0x8;
	_ =	swait.ge [sflag:s0], $0x2000  }
0x342: {  	p2 =	por $0x0, $0x0;
	s20 =	simm.s32 $0xFFFFFFFE;
	[sflag:s0] =	ssyncset.done $0x0  }
0x343: {  	s6 =	simm.s32 $0x3;
	s23 =	simm.s32 $0x7;
	[sflag:s0] =	ssyncadd.s32 $0xFFFFE000  }
0x344: {  	[spmem:s3] =	stream.indirect.scatter.add.f32 [tilespmem:s9], [sflag:$0xA], $0x40, s25, s28, $0x2000b8;
	[tilespmem:$0x1E658] =	vst v63  }
0x345: {  	s19 =	simm.s32 $0x1DB88;
	s24 =	smov.u32 s7;
	_ =	swait.ge [sflag:s23], $0x2000  }
.Ltmp24:
0x346: {  	s7 =	smov.u32 s3;
	[sflag:s23] =	ssyncset.done $0x0;
	(pc) =	sbr.rel @!p1 .LBB2_34-.Ltmp24, $4  }
0x347: {  	s0 =	simm.s32 $0x5;
	s9 =	smov.u32 s2;
	[sflag:s23] =	ssyncadd.s32 $0xFFFFE000  }
0x348: {  	[spmem:s3] =	stream.indirect.scatter.add.f32 [tilespmem:s22], [sflag:$0xB], $0x40, s16, s28, $0x2000b8;
	[tilespmem:$0x1E658] =	vst v63  }
0x349: {  	s2 =	simm.s32 $0x6;
	s25 =	simm.s32 $0x1DB08;
	_ =	swait.ge [sflag:s5], $0x2000  }
0x34a: {  	s22 =	simm.s32 $0x4;
	s3 =	simm.s32 $0x19908;
	[sflag:s5] =	ssyncset.done $0x0  }
.LBB2_35:
0x34b: {  	s4 =	simm.s32 @!p2 $0x9  }
0x34c: {  	[sflag:s5] =	ssyncadd.s32 $0xFFFFE000;
	s14 =	simm.s32 $0x1B908;
	s15 =	simm.s32 $0x1DC88  }
0x34d: {  	[spmem:s7] =	stream.indirect.scatter.add.f32 [tilespmem:s14], [sflag:$0xC], $0x40, s15, s28, $0x2000b8;
	[tilespmem:$0x1E658] =	vst v63  }
0x34e: {  	s1 =	rddreg [dreg:$0x8];
	s16 =	sadd.s32 $0xFFFFFE80, s12;
	_ =	swait.ge @!p2 [sflag:s4], $0x2000  }
0x34f: {  	s5 =	sshrl.u32 s16, $0x3;
	[sflag:s4] =	ssyncset.done @!p2 $0x0  }
0x350: {  	s16 =	simm.s32 $0x1D908;
	s18 =	sadd.s32 s9, s5;
	[sflag:s4] =	ssyncadd.s32 @!p2 $0xFFFFE000  }
0x351: {  	[tilespmem:s16], [sflag:$0x1] =	stream.linear.gather [hbm4b:s18+s8], $0x80, $0x200038;
	[tilespmem:$0x1E658] =	vst v63  }
0x352: {  	s13 =	smov.u32 s20;
	s21 =	sadd.s32 s10, s5;
	s5 =	simm.s32 @!p2 $0xA  }
0x353: {  	[tilespmem:s25], [sflag:$0x1] =	stream.linear.gather [hbm4b:s21+s8], $0x80, $0x200038;
	[tilespmem:$0x1E658] =	vst v63  }
0x354: {  	s20 =	sadd.s32 $0xFFFFFFFF, s20;
	s31 =	sadd.s32 $0xFFFFFF00, s12;
	_ =	swait.ge @!p2 [sflag:s5], $0x2000  }
0x355: {  	p1 =	sne.s32 s1, s20;
	s4 =	sshrl.u32 s31, $0x3;
	[sflag:s5] =	ssyncset.done @!p2 $0x0  }
0x356: {  	s1 =	sadd.s32 s9, s4;
	s21 =	simm.s32 $0x1D988;
	[sflag:s5] =	ssyncadd.s32 @!p2 $0xFFFFE000  }
0x357: {  	[tilespmem:s21], [sflag:$0x2] =	stream.linear.gather [hbm4b:s1+s8], $0x80, $0x200038;
	[tilespmem:$0x1E658] =	vst v63  }
0x358: {  	s4 =	sadd.s32 s10, s4;
	s5 =	simm.s32 @!p2 $0xB  }
0x359: {  	[tilespmem:s19], [sflag:$0x2] =	stream.linear.gather [hbm4b:s4+s8], $0x80, $0x200038;
	[tilespmem:$0x1E658] =	vst v63  }
0x35a: {  	s18 =	sadd.s32 $0xFFFFFF80, s12;
	_ =	swait.ge @!p2 [sflag:s5], $0x2000  }
0x35b: {  	s4 =	sshrl.u32 s18, $0x3;
	[sflag:s5] =	ssyncset.done @!p2 $0x0  }
0x35c: {  	s1 =	simm.s32 $0x1DA08;
	s31 =	sadd.s32 s9, s4;
	[sflag:s5] =	ssyncadd.s32 @!p2 $0xFFFFE000  }
0x35d: {  	[tilespmem:s1], [sflag:$0x3] =	stream.linear.gather [hbm4b:s31+s8], $0x80, $0x200038;
	[tilespmem:$0x1E658] =	vst v63  }
0x35e: {  	s4 =	sadd.s32 s10, s4;
	s5 =	simm.s32 @!p2 $0xC;
	s31 =	simm.s32 $0x1DC08  }
0x35f: {  	[tilespmem:s31], [sflag:$0x3] =	stream.linear.gather [hbm4b:s4+s8], $0x80, $0x200038;
	[tilespmem:$0x1E658] =	vst v63  }
0x360: {  	_ =	swait.ge @!p2 [sflag:s5], $0x2000  }
0x361: {  	s4 =	sshrl.u32 s12, $0x3;
	[sflag:s5] =	ssyncset.done @!p2 $0x0  }
0x362: {  	s18 =	simm.s32 $0x1DA88;
	[sflag:s5] =	ssyncadd.s32 @!p2 $0xFFFFE000;
	s5 =	sadd.s32 s9, s4  }
0x363: {  	[tilespmem:s18], [sflag:$0x4] =	stream.linear.gather [hbm4b:s5+s8], $0x80, $0x200038;
	[tilespmem:$0x1E658] =	vst v63  }
0x364: {  	s4 =	sadd.s32 s10, s4  }
0x365: {  	[tilespmem:s15], [sflag:$0x4] =	stream.linear.gather [hbm4b:s4+s8], $0x80, $0x200038;
	[tilespmem:$0x1E658] =	vst v63  }
0x366: {  	_ =	swait.ge [sflag:s26], $0x80  }
0x367: {  	[sflag:s26] =	ssyncset.done $0x0  }
0x368: {  	[sflag:s26] =	ssyncadd.s32 $0xFFFFFF80  }
0x369: {  	_ =	swait.ge [sflag:s26], $0x80  }
0x36a: {  	[sflag:s26] =	ssyncset.done $0x0  }
0x36b: {  	s15 =	simm.s32 $0x15908;
	[sflag:s26] =	ssyncadd.s32 $0xFFFFFF80  }
0x36c: {  	[tilespmem:s15], [sflag:$0x5] =	stream.indirect.gather [spmem:s24], $0x40, s16, s28, $0x2000b8;
	[tilespmem:$0x1E658] =	vst v63  }
0x36d: {  	_ =	swait.ge [sflag:s30], $0x80  }
0x36e: {  	[sflag:s30] =	ssyncset.done $0x0  }
0x36f: {  	[sflag:s30] =	ssyncadd.s32 $0xFFFFFF80  }
0x370: {  	_ =	swait.ge [sflag:s30], $0x80  }
0x371: {  	[sflag:s30] =	ssyncset.done $0x0  }
0x372: {  	s16 =	simm.s32 $0x17908;
	[sflag:s30] =	ssyncadd.s32 $0xFFFFFF80  }
0x373: {  	[tilespmem:s16], [sflag:$0x6] =	stream.indirect.gather [spmem:s24], $0x40, s21, s28, $0x2000b8;
	[tilespmem:$0x1E658] =	vst v63  }
0x374: {  	_ =	swait.ge [sflag:s6], $0x80  }
0x375: {  	[sflag:s6] =	ssyncset.done $0x0  }
0x376: {  	[sflag:s6] =	ssyncadd.s32 $0xFFFFFF80  }
0x377: {  	_ =	swait.ge [sflag:s6], $0x80  }
0x378: {  	[sflag:s6] =	ssyncset.done $0x0  }
0x379: {  	[sflag:s6] =	ssyncadd.s32 $0xFFFFFF80  }
0x37a: {  	[tilespmem:s3], [sflag:$0x7] =	stream.indirect.gather [spmem:s24], $0x40, s1, s28, $0x2000b8;
	[tilespmem:$0x1E658] =	vst v63  }
0x37b: {  	_ =	swait.ge [sflag:s22], $0x80  }
0x37c: {  	[sflag:s22] =	ssyncset.done $0x0  }
0x37d: {  	[sflag:s22] =	ssyncadd.s32 $0xFFFFFF80  }
0x37e: {  	_ =	swait.ge [sflag:s22], $0x80  }
0x37f: {  	[sflag:s22] =	ssyncset.done $0x0  }
0x380: {  	[sflag:s22] =	ssyncadd.s32 $0xFFFFFF80  }
0x381: {  	[tilespmem:s14], [sflag:$0x8] =	stream.indirect.gather [spmem:s24], $0x40, s18, s28, $0x2000b8;
	[tilespmem:$0x1E658] =	vst v63  }
0x382: {  	_ =	swait.ge [sflag:s0], $0x2000  }
0x383: {  	[sflag:s0] =	ssyncset.done $0x0  }
0x384: {  	[sflag:s0] =	ssyncadd.s32 $0xFFFFE000  }
0x385: {  	[spmem:s7] =	stream.indirect.scatter.add.f32 [tilespmem:s15], [sflag:$0x9], $0x40, s25, s28, $0x2000b8;
	[tilespmem:$0x1E658] =	vst v63  }
0x386: {  	_ =	swait.ge [sflag:s2], $0x2000  }
0x387: {  	[sflag:s2] =	ssyncset.done $0x0  }
0x388: {  	[sflag:s2] =	ssyncadd.s32 $0xFFFFE000  }
0x389: {  	[spmem:s7] =	stream.indirect.scatter.add.f32 [tilespmem:s16], [sflag:$0xA], $0x40, s19, s28, $0x2000b8;
	[tilespmem:$0x1E658] =	vst v63  }
0x38a: {  	_ =	swait.ge [sflag:s23], $0x2000  }
.Ltmp25:
0x38b: {  	[sflag:s23] =	ssyncset.done $0x0;
	(pc) =	sbr.rel @p1 .LBB2_35-.Ltmp25, $4  }
0x38c: {  	s17 =	simm.s32 $0x8;
	[sflag:s23] =	ssyncadd.s32 $0xFFFFE000  }
0x38d: {  	[spmem:s7] =	stream.indirect.scatter.add.f32 [tilespmem:s3], [sflag:$0xB], $0x40, s31, s28, $0x2000b8;
	[tilespmem:$0x1E658] =	vst v63  }
0x38e: {  	s5 =	simm.s32 $0x8;
	_ =	swait.ge [sflag:s17], $0x2000  }
0x38f: {  	s12 =	sadd.s32 $0x200, s12;
	p2 =	seq.s32 s13, $0x0;
	[sflag:s5] =	ssyncset.done $0x0  }
0x390: {  	s20 =	simm.s32 $0xA;
	s13 =	simm.s32 $0x15908  }
0x391: {  	s14 =	simm.s32 $0x1DA08;
	s23 =	simm.s32 $0x1DC08;
	s31 =	simm.s32 $0x1DA88  }
0x392: {  	s21 =	simm.s32 $0x1DC88;
	s18 =	simm.s32 $0x1D908;
	s15 =	simm.s32 $0x1D988  }
0x393: {  	s17 =	simm.s32 $0x17908;
	s6 =	simm.s32 $0x19908;
	s3 =	smov.u32 s7  }
0x394: {  	s7 =	smov.u32 s24;
	s24 =	simm.s32 $0x1DB08;
	s25 =	simm.s32 $0x1DB88  }
0x395: {  	s19 =	simm.s32 $0x5;
	s0 =	simm.s32 $0x6;
	s2 =	smov.u32 s9  }
0x396: {  	s16 =	simm.s32 $0x3;
	s9 =	simm.s32 $0x4;
	s22 =	simm.s32 $0x1DE58  }
.LBB2_37:
0x397: {  	s1 =	simm.s32 $0x8  }
0x398: {  	s4 =	simm.s32 @!p2 $0x9;
	[sflag:s1] =	ssyncadd.s32 @p0 $0xFFFFE000;
	s1 =	simm.s32 $0x1B908  }
0x399: {  	[spmem:s3] =	stream.indirect.scatter.add.f32 @p0 [tilespmem:s1], [sflag:$0xC], $0x40, s21, s28, $0x2000b8;
	[tilespmem:$0x1E658] =	vst v63  }
0x39a: {  	s5 =	sadd.s32 $0xFFFFFE80, s12;
	_ =	swait.ge @!p2 [sflag:s4], $0x2000  }
0x39b: {  	s5 =	sshrl.u32 s5, $0x3;
	[sflag:s4] =	ssyncset.done @!p2 $0x0  }
0x39c: {  	s1 =	sadd.s32 s2, s5;
	[sflag:s4] =	ssyncadd.s32 @!p2 $0xFFFFE000  }
0x39d: {  	[tilespmem:s18], [sflag:$0x1] =	stream.linear.gather [hbm4b:s1+s8], $0x80, $0x200038;
	[tilespmem:$0x1E658] =	vst v63  }
0x39e: {  	s1 =	sadd.s32 s10, s5;
	s5 =	simm.s32 @!p2 $0xA  }
0x39f: {  	[tilespmem:s24], [sflag:$0x1] =	stream.linear.gather [hbm4b:s1+s8], $0x80, $0x200038;
	[tilespmem:$0x1E658] =	vst v63  }
0x3a0: {  	s1 =	sadd.s32 $0xFFFFFF00, s12;
	_ =	swait.ge @!p2 [sflag:s5], $0x2000  }
0x3a1: {  	s4 =	sshrl.u32 s1, $0x3;
	[sflag:s5] =	ssyncset.done @!p2 $0x0  }
0x3a2: {  	s1 =	sadd.s32 s2, s4;
	[sflag:s5] =	ssyncadd.s32 @!p2 $0xFFFFE000  }
0x3a3: {  	[tilespmem:s15], [sflag:$0x2] =	stream.linear.gather [hbm4b:s1+s8], $0x80, $0x200038;
	[tilespmem:$0x1E658] =	vst v63  }
0x3a4: {  	s4 =	sadd.s32 s10, s4;
	s5 =	simm.s32 @!p2 $0xB  }
0x3a5: {  	[tilespmem:s25], [sflag:$0x2] =	stream.linear.gather [hbm4b:s4+s8], $0x80, $0x200038;
	[tilespmem:$0x1E658] =	vst v63  }
0x3a6: {  	s1 =	sadd.s32 $0xFFFFFF80, s12;
	_ =	swait.ge @!p2 [sflag:s5], $0x2000  }
0x3a7: {  	s4 =	sshrl.u32 s1, $0x3;
	[sflag:s5] =	ssyncset.done @!p2 $0x0  }
0x3a8: {  	s1 =	sadd.s32 s2, s4;
	[sflag:s5] =	ssyncadd.s32 @!p2 $0xFFFFE000  }
0x3a9: {  	[tilespmem:s14], [sflag:$0x3] =	stream.linear.gather [hbm4b:s1+s8], $0x80, $0x200038;
	[tilespmem:$0x1E658] =	vst v63  }
0x3aa: {  	s4 =	sadd.s32 s10, s4  }
0x3ab: {  	[tilespmem:s23], [sflag:$0x3] =	stream.linear.gather [hbm4b:s4+s8], $0x80, $0x200038;
	[tilespmem:$0x1E658] =	vst v63  }
0x3ac: {  	s4 =	simm.s32 @!p2 $0xC  }
0x3ad: {  	_ =	swait.ge @!p2 [sflag:s4], $0x2000  }
0x3ae: {  	s12 =	sshrl.u32 s12, $0x3;
	[sflag:s4] =	ssyncset.done @!p2 $0x0  }
0x3af: {  	s1 =	sadd.s32 s2, s12;
	[sflag:s4] =	ssyncadd.s32 @!p2 $0xFFFFE000  }
0x3b0: {  	[tilespmem:s31], [sflag:$0x4] =	stream.linear.gather [hbm4b:s1+s8], $0x80, $0x200038;
	[tilespmem:$0x1E658] =	vst v63  }
0x3b1: {  	s12 =	sadd.s32 s10, s12  }
0x3b2: {  	[tilespmem:s21], [sflag:$0x4] =	stream.linear.gather [hbm4b:s12+s8], $0x80, $0x200038;
	[tilespmem:$0x1E658] =	vst v63  }
0x3b3: {  	_ =	swait.ge [sflag:s26], $0x80  }
0x3b4: {  	[sflag:s26] =	ssyncset.done $0x0  }
0x3b5: {  	[sflag:s26] =	ssyncadd.s32 $0xFFFFFF80  }
0x3b6: {  	_ =	swait.ge [sflag:s26], $0x80  }
0x3b7: {  	[sflag:s26] =	ssyncset.done $0x0  }
0x3b8: {  	[sflag:s26] =	ssyncadd.s32 $0xFFFFFF80  }
0x3b9: {  	[tilespmem:s13], [sflag:$0x5] =	stream.indirect.gather [spmem:s7], $0x40, s18, s28, $0x2000b8;
	[tilespmem:$0x1E658] =	vst v63  }
0x3ba: {  	_ =	swait.ge [sflag:s30], $0x80  }
0x3bb: {  	[sflag:s30] =	ssyncset.done $0x0  }
0x3bc: {  	[sflag:s30] =	ssyncadd.s32 $0xFFFFFF80  }
0x3bd: {  	_ =	swait.ge [sflag:s30], $0x80  }
0x3be: {  	[sflag:s30] =	ssyncset.done $0x0  }
0x3bf: {  	[sflag:s30] =	ssyncadd.s32 $0xFFFFFF80  }
0x3c0: {  	[tilespmem:s17], [sflag:$0x6] =	stream.indirect.gather [spmem:s7], $0x40, s15, s28, $0x2000b8;
	[tilespmem:$0x1E658] =	vst v63  }
0x3c1: {  	_ =	swait.ge [sflag:s16], $0x80  }
0x3c2: {  	[sflag:s16] =	ssyncset.done $0x0  }
0x3c3: {  	[sflag:s16] =	ssyncadd.s32 $0xFFFFFF80  }
0x3c4: {  	_ =	swait.ge [sflag:s16], $0x80  }
0x3c5: {  	[sflag:s16] =	ssyncset.done $0x0  }
0x3c6: {  	[sflag:s16] =	ssyncadd.s32 $0xFFFFFF80  }
0x3c7: {  	[tilespmem:s6], [sflag:$0x7] =	stream.indirect.gather [spmem:s7], $0x40, s14, s28, $0x2000b8;
	[tilespmem:$0x1E658] =	vst v63  }
0x3c8: {  	_ =	swait.ge [sflag:s9], $0x80  }
0x3c9: {  	[sflag:s9] =	ssyncset.done $0x0  }
0x3ca: {  	[sflag:s9] =	ssyncadd.s32 $0xFFFFFF80  }
0x3cb: {  	_ =	swait.ge [sflag:s9], $0x80  }
0x3cc: {  	[sflag:s9] =	ssyncset.done $0x0  }
0x3cd: {  	s14 =	simm.s32 $0x1B908;
	[sflag:s9] =	ssyncadd.s32 $0xFFFFFF80  }
0x3ce: {  	[tilespmem:s14], [sflag:$0x8] =	stream.indirect.gather [spmem:s7], $0x40, s31, s28, $0x2000b8;
	[tilespmem:$0x1E658] =	vst v63  }
0x3cf: {  	_ =	swait.ge [sflag:s19], $0x2000  }
0x3d0: {  	[sflag:s19] =	ssyncset.done $0x0  }
0x3d1: {  	[sflag:s19] =	ssyncadd.s32 $0xFFFFE000  }
0x3d2: {  	[spmem:s3] =	stream.indirect.scatter.add.f32 [tilespmem:s13], [sflag:$0x9], $0x40, s24, s28, $0x2000b8;
	[tilespmem:$0x1E658] =	vst v63  }
0x3d3: {  	_ =	swait.ge [sflag:s0], $0x2000  }
0x3d4: {  	[sflag:s0] =	ssyncset.done $0x0  }
0x3d5: {  	s16 =	simm.s32 $0x7;
	[sflag:s0] =	ssyncadd.s32 $0xFFFFE000  }
0x3d6: {  	[spmem:s3] =	stream.indirect.scatter.add.f32 [tilespmem:s17], [sflag:$0xA], $0x40, s25, s28, $0x2000b8;
	[tilespmem:$0x1E658] =	vst v63  }
0x3d7: {  	_ =	swait.ge [sflag:s16], $0x2000  }
0x3d8: {  	[sflag:s16] =	ssyncset.done $0x0  }
0x3d9: {  	s17 =	simm.s32 $0x8;
	[sflag:s16] =	ssyncadd.s32 $0xFFFFE000  }
0x3da: {  	[spmem:s3] =	stream.indirect.scatter.add.f32 [tilespmem:s6], [sflag:$0xB], $0x40, s23, s28, $0x2000b8;
	[tilespmem:$0x1E658] =	vst v63  }
0x3db: {  	_ =	swait.ge [sflag:s17], $0x2000  }
0x3dc: {  	[sflag:s17] =	ssyncset.done $0x0  }
0x3dd: {  	[sflag:s17] =	ssyncadd.s32 $0xFFFFE000  }
0x3de: {  	[spmem:s3] =	stream.indirect.scatter.add.f32 [tilespmem:s14], [sflag:$0xC], $0x40, s21, s28, $0x2000b8;
	[tilespmem:$0x1E658] =	vst v63  }
0x3df: {  	s21 =	simm.s32 $0x9  }
0x3e0: {  	_ =	swait.ge [sflag:s21], $0x2000  }
0x3e1: {  	[sflag:s21] =	ssyncset.done $0x0  }
0x3e2: {  	[sflag:s21] =	ssyncadd.s32 $0xFFFFE000  }
0x3e3: {  	_ =	swait.ge [sflag:s20], $0x2000  }
0x3e4: {  	[sflag:s20] =	ssyncset.done $0x0  }
0x3e5: {  	s23 =	simm.s32 $0xB;
	[sflag:s20] =	ssyncadd.s32 $0xFFFFE000  }
0x3e6: {  	_ =	swait.ge [sflag:s23], $0x2000  }
0x3e7: {  	[sflag:s23] =	ssyncset.done $0x0  }
0x3e8: {  	s31 =	simm.s32 $0xC;
	[sflag:s23] =	ssyncadd.s32 $0xFFFFE000  }
0x3e9: {  	_ =	swait.ge [sflag:s31], $0x2000  }
0x3ea: {  	[sflag:s31] =	ssyncset.done $0x0  }
0x3eb: {  	[sflag:s31] =	ssyncadd.s32 $0xFFFFE000  }
0x3ec: {  	_ =	strace $0x9000004E  }
0x3ed: {  	[bflag:$0x0] =	sbarrier.arrive $0xFFFF  }
.Ltmp26:
0x3ee: {  	_ =	strace $0x8000004F;
	(pc) =	sbr.rel .LBB2_38-.Ltmp26, $4  }
0x3ef: {  	s14 =	rddreg [dreg:$0x3]  }
0x3f0: {  	s17 =	rddreg [dreg:$0xb]  }
0x3f1: {  	s1 =	simm.s32 $0xD;
	s21 =	rddreg [dreg:$0x4]  }
0x3f2: {  	s16 =	stileid.u32;
	s6 =	simm.s32 $0x0;
	s23 =	rddreg [dreg:$0xa]  }
.LBB2_42:
0x3f3: {  	s6 =	sadd.s32 $0x1, s6  }
0x3f4: {  	p0 =	sne.s32 s6, $0x7D  }
.Ltmp27:
0x3f5: {  	_ = 	snop;
	(pc) =	sbr.rel @!p0 .LBB2_43-.Ltmp27, $1  }
0x3f6: {  	_ =	sdelay $0x3  }
.LBB2_38:
0x3f7: {  	s4 =	sand.u32 $0xF, s6  }
0x3f8: {  	p0 =	sne.s32 s4, s16  }
.Ltmp28:
0x3f9: {  	_ = 	snop;
	(pc) =	sbr.rel @p0 .LBB2_42-.Ltmp28, $1  }
0x3fa: {  	_ =	sdelay $0x3  }
0x3fb: {  	s12 =	smul.u32 $0x1400, s6;
	_ =	sdelay $0x1  }
0x3fc: {  	s4 =	sadd.s32 s12, s3  }
0x3fd: {  	[tilespmem:s13], [sflag:$0xE] =	stream.linear.gather [spmem:s4], $0x1400, $0x200038;
	[tilespmem:$0x1E658] =	vst v63  }
0x3fe: {  	s20 =	simm.s32 $0xE;
	s13 =	smul.u32 $0x140, s6  }
0x3ff: {  	_ =	swait.ge [sflag:s20], $0x1400  }
0x400: {  	s5 =	simm.s32 $0x0;
	[sflag:s20] =	ssyncset.done $0x0;
	s4 =	sshra.s32 s13, $0x2  }
0x401: {  	v2 =	vmov s5;
	[sflag:s20] =	ssyncadd.s32 $0xFFFFEC00;
	s4 =	sadd.s32 s4, s21  }
0x402: {  	[tilespmem:s11], [sflag:$0xE] =	stream.linear.gather [spmem:s4], $0x50, $0x200038;
	[tilespmem:$0x1E658] =	vst v63  }
0x403: {  	_ =	swait.ge [sflag:s20], $0x50  }
0x404: {  	[sflag:s20] =	ssyncset.done $0x0  }
0x405: {  	[sflag:s20] =	ssyncadd.s32 $0xFFFFFFB0  }
0x406: {  	v2 =	vld.idx.msk [tilespmem:v2+s11+$0x0], $0xffff;
	_ =	sdelay $0x4  }
0x407: {  	(erf) = vrcp.f32 v2;
	_ =	sdelay $0x2  }
0x408: {  	s13 =	simm.s32 $0x15928  }
0x409: {  	v3 =	vld [tilespmem:s13+$0xFFFFFFF0]  }
0x40a: {  	v5 =	vld [tilespmem:s13+$0x10]  }
0x40b: {  	v4 =	vld [tilespmem:s13+$0xFFFFFFE0]  }
0x40c: {  	v6 =	vld [tilespmem:s13+$0x0];
	_ =	sdelay $0x1  }
0x40d: {  	vm0 =	vgt.f32 v2, $0.0e+00;
	v2 =	vpop (erf)  }
0x40e: {  	v7 =	vnsel vm0, $0x0, v2  }
0x40f: {  	s31 =	simm.s32 $0x1;
	v4 =	vmul.f32 v7, v4;
	v3 =	vmul.f32 v3, v7  }
0x410: {  	s20 =	simm.s32 $0x2;
	v2 =	vmov s31;
	v6 =	vmul.f32 v6, v7;
	v5 =	vmul.f32 v5, v7  }
.LBB2_40:
0x411: {  	p0 =	sne.s32 s20, $0x4F;
	[tilespmem:s13+$0xFFFFFFE0] =	vst v4  }
0x412: {  	[tilespmem:s13+$0xFFFFFFF0] =	vst v3  }
0x413: {  	[tilespmem:s13+$0x0] =	vst v6  }
0x414: {  	[tilespmem:s13+$0x10] =	vst v5  }
0x415: {  	v2 =	vld.idx.msk [tilespmem:v2+s11+$0x0], $0xffff;
	_ =	sdelay $0x5  }
0x416: {  	(erf) = vrcp.f32 v2;
	_ =	sdelay $0x2  }
0x417: {  	s13 =	sadd.s32 $0x40, s13  }
0x418: {  	v3 =	vld [tilespmem:s13+$0xFFFFFFF0]  }
0x419: {  	v5 =	vld [tilespmem:s13+$0x10]  }
0x41a: {  	v4 =	vld [tilespmem:s13+$0xFFFFFFE0]  }
0x41b: {  	v6 =	vld [tilespmem:s13+$0x0]  }
.Ltmp29:
0x41c: {  	(pc) =	sbr.rel @p0 .LBB2_40-.Ltmp29, $4  }
0x41d: {  	vm0 =	vgt.f32 v2, $0.0e+00;
	v2 =	vpop (erf)  }
0x41e: {  	v7 =	vnsel vm0, $0x0, v2  }
0x41f: {  	v4 =	vmul.f32 v7, v4;
	v3 =	vmul.f32 v3, v7  }
0x420: {  	v2 =	vmov s20;
	s20 =	sadd.s32 $0x1, s20;
	v5 =	vmul.f32 v5, v7;
	v6 =	vmul.f32 v6, v7  }
0x421: {  	[tilespmem:s13+$0xFFFFFFE0] =	vst v4  }
0x422: {  	[tilespmem:s13+$0xFFFFFFF0] =	vst v3  }
0x423: {  	[tilespmem:s13+$0x0] =	vst v6  }
0x424: {  	[tilespmem:s13+$0x10] =	vst v5  }
0x425: {  	v2 =	vld.idx.msk [tilespmem:v2+s11+$0x0], $0xffff;
	_ =	sdelay $0x4  }
0x426: {  	(erf) = vrcp.f32 v2;
	_ =	sdelay $0x4  }
0x427: {  	s4 =	sadd.s32 $0x40, s13  }
0x428: {  	v3 =	vld [tilespmem:s4+$0xFFFFFFE0]  }
0x429: {  	v4 =	vld [tilespmem:s4+$0xFFFFFFF0]  }
0x42a: {  	v5 =	vld [tilespmem:s4+$0x0]  }
0x42b: {  	v6 =	vld [tilespmem:s4+$0x10];
	vm0 =	vgt.f32 v2, $0.0e+00;
	v2 =	vpop (erf)  }
0x42c: {  	v2 =	vnsel vm0, $0x0, v2  }
0x42d: {  	v3 =	vmul.f32 v2, v3  }
0x42e: {  	v4 =	vmul.f32 v4, v2  }
0x42f: {  	v5 =	vmul.f32 v5, v2;
	[tilespmem:s4+$0xFFFFFFE0] =	vst v3  }
0x430: {  	s5 =	sadd.s32 s17, s12;
	v2 =	vmul.f32 v6, v2;
	[tilespmem:s4+$0xFFFFFFF0] =	vst v4  }
0x431: {  	s5 =	sshrl.u32 s5, $0x3;
	[tilespmem:s4+$0x0] =	vst v5  }
.Ltmp30:
0x432: {  	s13 =	simm.s32 $0x15908;
	s31 =	sadd.s32 s23, s5;
	[tilespmem:s4+$0x10] =	vst v2;
	(pc) =	sbr.rel .LBB2_42-.Ltmp30, $4  }
0x433: {  	[hbm4b:s31+s8] =	stream.linear.scatter [tilespmem:s13], [sflag:$0xD], $0x1400, $0x200038;
	[tilespmem:$0x1E658] =	vst v63  }
0x434: {  	_ =	swait.ge [sflag:s1], $0x1400  }
0x435: {  	[sflag:s1] =	ssyncset.done $0x0  }
0x436: {  	[sflag:s1] =	ssyncadd.s32 $0xFFFFEC00  }
.LBB2_18:
.Ltmp31:
0x437: {  	(pc) =	sbr.rel .LBB2_23-.Ltmp31, $4  }
0x438: {  	_ = 	snop  }
0x439: {  	s12 =	rddreg [dreg:$0x12]  }
0x43a: {  	s13 =	simm.s32 $0x15908;
	s14 =	simm.s32 $0x1DA08;
	s16 =	simm.s32 $0x3  }
0x43b: {  	s6 =	simm.s32 $0x19908;
	s17 =	simm.s32 $0x17908;
	s9 =	simm.s32 $0x4  }
.LBB2_32:
.Ltmp32:
0x43c: {  	(pc) =	sbr.rel .LBB2_37-.Ltmp32, $4  }
0x43d: {  	_ = 	snop  }
0x43e: {  	s12 =	rddreg [dreg:$0x12];
	s16 =	simm.s32 $0x3;
	s6 =	simm.s32 $0x19908  }
0x43f: {  	s17 =	simm.s32 $0x17908;
	s9 =	simm.s32 $0x4;
	s23 =	simm.s32 $0x1DC08  }
0x440: {  	s21 =	simm.s32 $0x1DC88;
	s31 =	simm.s32 $0x1DA88;
	s14 =	simm.s32 $0x1DA08  }
.LBB2_20:
.Ltmp33:
0x441: {  	s20 =	simm.s32 $0xA;
	(pc) =	sbr.rel .LBB2_23-.Ltmp33, $4  }
0x442: {  	s13 =	simm.s32 $0x15908;
	s14 =	simm.s32 $0x1DA08;
	s18 =	simm.s32 $0x1D908  }
0x443: {  	s15 =	simm.s32 $0x1D988;
	s17 =	simm.s32 $0x17908;
	s6 =	simm.s32 $0x19908  }
0x444: {  	s24 =	simm.s32 $0x1DB08;
	s25 =	simm.s32 $0x1DB88;
	s19 =	simm.s32 $0x5  }
0x445: {  	s0 =	simm.s32 $0x6;
	s16 =	simm.s32 $0x3;
	s9 =	simm.s32 $0x4  }
.LBB2_34:
0x446: {  	s20 =	simm.s32 $0xA;
	s13 =	simm.s32 $0x15908;
	s14 =	simm.s32 $0x1DA08  }
0x447: {  	s23 =	simm.s32 $0x1DC08;
	s31 =	simm.s32 $0x1DA88;
	s21 =	simm.s32 $0x1DC88  }
.Ltmp34:
0x448: {  	s18 =	simm.s32 $0x1D908;
	s15 =	simm.s32 $0x1D988;
	(pc) =	sbr.rel .LBB2_37-.Ltmp34, $4  }
0x449: {  	s17 =	simm.s32 $0x17908;
	s6 =	simm.s32 $0x19908;
	s3 =	smov.u32 s7  }
0x44a: {  	s7 =	smov.u32 s24;
	s24 =	simm.s32 $0x1DB08;
	s25 =	simm.s32 $0x1DB88  }
0x44b: {  	s19 =	simm.s32 $0x5;
	s0 =	simm.s32 $0x6;
	s2 =	smov.u32 s9  }
0x44c: {  	s16 =	simm.s32 $0x3;
	s9 =	simm.s32 $0x4;
	s22 =	simm.s32 $0x1DE58  }
.LBB2_44:
0x44d: {  	_ =	sfence.sel $0x180000  }
0x44e: {  	[bflag:$0x0] =	sbarrier.arrive $0xFFFF  }
0x44f: {  	_ =	strace $0x90000047  }
0x450: {  	[bflag:$0x2] =	sbarrier.arrive $0xFFFF  }
0x451: {  	p0 =	sne.s32 s16, $0x0;
	s0 =	rddreg [dreg:$0x7]  }
0x452: {  	s0 =	sadd.s32 @!p0 $0x100000, s0  }
0x453: {  	[sflag:s0] =	ssyncadd.tile.s32 @!p0 $0x1;
	_ =	shalt  }
.Lfunc_end2:
_tile_overlayer_lowered:
.L_overlay_start_2:
0x454: {  	(tag) =	ssettag $0x2  }
0x455: {  	s0 =	rddreg [dreg:$0x0];
	s2 =	stileid.u32  }
0x456: {  	s1 =	rddreg [dreg:$0x1];
	p0 =	sne.s32 s2, $0x0  }
0x457: {  	s3 =	rddreg [dreg:$0x2];
	[bflag:$0x3] =	sbarrier.arrive $0xFFFF;
	s2 =	simm.s32 @!p0 $0x1C0D  }
0x458: {  	[timem:s3], [sflag:s2] =	dma.local @!p0 [hbm:s0], s1  }
0x459: {  	s0 =	simm.s32 @!p0 $0xD  }
0x45a: {  	_ =	swait.ge @!p0 [sflag:s0], s1  }
0x45b: {  	s1 =	ssub.s32 @!p0 $0x0, s1;
	[sflag:s0] =	ssyncset.done @!p0 $0x0  }
0x45c: {  	[sflag:s0] =	ssyncadd.s32 @!p0 s1  }
0x45d: {  	[bflag:$0x3] =	sbarrier.arrive $0xFFFF  }
0x45e: {  	_ =	shalt  }

</sc_bundles>
